<compile_context>
chip_gen: v7x
topology: tpu7x:2x2x1
jax: 0.10.2.dev20260603
libtpu: 0.0.44.dev20260713+nightly
codegen_flags: <defaults>
</compile_context>

<pallas_src>
import functools

import jax
import jax.numpy as jnp
import numpy as np
from jax import lax
from jax.experimental import pallas as pl
from jax.experimental.pallas import tpu as pltpu
from jax.experimental.pallas import tpu_sc as plsc

N = 4194304
NUM_WORKERS = 32
E = N // NUM_WORKERS
C = 16384
NCHUNK = E // C
L = 16

_SP_COEFS = (
    0.6941558235176857,
    -0.5132922673730964,
    0.1533370553980946,
    -0.021547083070722707,
    0.0011016617784038003,
    3.7491792496266836e-05,
    -4.23574229620054e-06,
)



def _sc_body(z_hbm, t_hbm, m_hbm, out_hbm,
             z_v0, z_v1, t_v0, t_v1, m_v0, m_v1, o_v0, o_v1,
             sem_in, sem_out):
    wid = lax.axis_index("s") * 2 + lax.axis_index("c")
    base = wid * E
    z_v = (z_v0, z_v1)
    t_v = (t_v0, t_v1)
    m_v = (m_v0, m_v1)
    o_v = (o_v0, o_v1)

    def start_in(k, b):
        off = pl.multiple_of(base + k * C, C)
        moff = pl.multiple_of((base + k * C) // 4, C // 4)
        pltpu.async_copy(z_hbm.at[pl.ds(off, C)], z_v[b], sem_in.at[b])
        pltpu.async_copy(t_hbm.at[pl.ds(off, C)], t_v[b], sem_in.at[b])
        pltpu.async_copy(m_hbm.at[pl.ds(moff, C // 4)], m_v[b],
                         sem_in.at[b])

    def wait_in(k, b):
        off = pl.multiple_of(base + k * C, C)
        moff = pl.multiple_of((base + k * C) // 4, C // 4)
        pltpu.make_async_copy(z_hbm.at[pl.ds(off, C)], z_v[b],
                              sem_in.at[b]).wait()
        pltpu.make_async_copy(t_hbm.at[pl.ds(off, C)], t_v[b],
                              sem_in.at[b]).wait()
        pltpu.make_async_copy(m_hbm.at[pl.ds(moff, C // 4)], m_v[b],
                              sem_in.at[b]).wait()

    def start_out(k, b):
        off = pl.multiple_of(base + k * C, C)
        pltpu.async_copy(o_v[b], out_hbm.at[pl.ds(off, C)], sem_out.at[b])

    def wait_out(k, b):
        off = pl.multiple_of(base + k * C, C)
        pltpu.make_async_copy(o_v[b], out_hbm.at[pl.ds(off, C)],
                              sem_out.at[b]).wait()

    def compute(b):
        zb, tb, mb, ob = z_v[b], t_v[b], m_v[b], o_v[b]
        lane = lax.iota(jnp.int32, L)
        word_idx = lax.shift_right_logical(lane, 2)
        shifts = lax.shift_left(lane & 3, 3)

        def block(s, _):
            m32 = mb[pl.ds(s * L, L)]
            for c in range(4):
                sl = pl.ds(s * 64 + c * L, L)
                z = zb[sl]
                t = tb[sl]
                a = jnp.minimum(jnp.abs(z), 8.0)
                p = jnp.float32(_SP_COEFS[-1])
                for co in _SP_COEFS[-2::-1]:
                    p = p * a + jnp.float32(co)
                loss = jnp.maximum(z, 0.0) - z * t + p
                mbyte = lax.gather(
                    m32, (word_idx + (4 * c))[:, None],
                    lax.GatherDimensionNumbers(
                        offset_dims=(), collapsed_slice_dims=(0,),
                        start_index_map=(0,)),
                    slice_sizes=(1,),
                    mode=lax.GatherScatterMode.PROMISE_IN_BOUNDS)
                m01 = (lax.shift_right_logical(mbyte, shifts) & 1)
                ob[sl] = loss * m01.astype(jnp.float32)
            return 0

        lax.fori_loop(0, C // 64, block, 0)

    start_in(0, 0)
    for k in range(NCHUNK):
        b = k % 2
        if k + 1 < NCHUNK:
            start_in(k + 1, 1 - b)
        wait_in(k, b)
        if k >= 2:
            wait_out(k - 2, b)
        compute(b)
        start_out(k, b)
    wait_out(NCHUNK - 2, NCHUNK % 2)
    wait_out(NCHUNK - 1, (NCHUNK - 1) % 2)


@jax.jit
def _run(z, t, m):
    mesh = plsc.VectorSubcoreMesh(core_axis_name="c", subcore_axis_name="s")
    f = functools.partial(
        pl.kernel,
        mesh=mesh,
        out_type=jax.ShapeDtypeStruct((N,), jnp.float32),
        scratch_types=[
            pltpu.VMEM((C,), jnp.float32),
            pltpu.VMEM((C,), jnp.float32),
            pltpu.VMEM((C,), jnp.float32),
            pltpu.VMEM((C,), jnp.float32),
            pltpu.VMEM((C // 4,), jnp.int32),
            pltpu.VMEM((C // 4,), jnp.int32),
            pltpu.VMEM((C,), jnp.float32),
            pltpu.VMEM((C,), jnp.float32),
        pltpu.SemaphoreType.DMA((2,)),
            pltpu.SemaphoreType.DMA((2,)),
        ],
    )(_sc_body)
    return f(z, t, m)


def kernel(outputs, targets, precondition):
    m8 = precondition.astype(jnp.int8).reshape(-1, 4)
    m32 = lax.bitcast_convert_type(m8, jnp.int32)
    return _run(outputs, targets, m32)

# --- scband reference (transcript-rebuilt; emitter-appended) ---
"""Pipeline reference for scband-task-loss-decorator-61529701483251 (READ-ONLY COPY).

The authoritative reference and input builder live on the scoring server;
editing this copy changes nothing except your own understanding.
"""

import jax, jax.numpy as jnp
import numpy as np

N = 4194304

def setup_inputs(seed: int = 0) -> dict:
    key = jax.random.key(seed)
    k1, k2, k3 = jax.random.split(key, 3)
    outputs = jax.random.normal(k1, (N,), dtype=jnp.float32)
    targets = jax.random.uniform(k2, (N,), dtype=jnp.float32)
    precondition = jax.random.randint(k3, (N,), 0, 2).astype(jnp.bool_)
    return {"outputs": outputs, "targets": targets, "precondition": precondition}

def reference(outputs, targets, precondition):
    # BCEWithLogitsLoss(reduction='none'), numerically stable form:
    #   max(z, 0) - z*t + log(1 + exp(-|z|))
    z = outputs
    t = targets
    loss = jnp.maximum(z, 0.0) - z * t + jnp.log1p(jnp.exp(-jnp.abs(z)))
    # Faithful to: loss_items = zeros(n); loss_items[precondition] = loss(outputs[precondition], targets[precondition])
    # Since the loss is elementwise with reduction='none', masked scatter == where().
    # (The precondition.sum()==0 early-return branch yields the same all-zeros result.)
    loss_items = jnp.where(precondition, loss, jnp.zeros_like(loss))
    return loss_items

if __name__ == "__main__":
    import jax
    _d = setup_inputs()
    print(jax.jit(kernel)(*tuple(_d.values())))

</pallas_src>

<mosaic_0001>
#map = affine_map<(d0, d1) -> (0)>
module attributes {stable_mosaic.version = 14 : i64} {
  func.func @_sc_body(%arg0: i32, %arg1: i32, %arg2: memref<4194304xf32, #tpu.memory_space<hbm>>, %arg3: memref<4194304xf32, #tpu.memory_space<hbm>>, %arg4: memref<1048576xi32, #tpu.memory_space<hbm>>, %arg5: memref<4194304xf32, #tpu.memory_space<hbm>>, %arg6: memref<16384xf32, #tpu.memory_space<vmem>>, %arg7: memref<16384xf32, #tpu.memory_space<vmem>>, %arg8: memref<16384xf32, #tpu.memory_space<vmem>>, %arg9: memref<16384xf32, #tpu.memory_space<vmem>>, %arg10: memref<4096xi32, #tpu.memory_space<vmem>>, %arg11: memref<4096xi32, #tpu.memory_space<vmem>>, %arg12: memref<16384xf32, #tpu.memory_space<vmem>>, %arg13: memref<16384xf32, #tpu.memory_space<vmem>>, %arg14: memref<2x!tpu.dma_semaphore, #tpu.memory_space<semaphore_mem>>, %arg15: memref<2x!tpu.dma_semaphore, #tpu.memory_space<semaphore_mem>>) attributes {dimension_semantics = [#tpu.dimension_semantics<core_parallel>, #tpu.dimension_semantics<subcore_parallel>], iteration_bounds = array<i64: 2, 16>, scalar_prefetch = 0 : i64, scratch_operands = 10 : i64, tpu.core_type = #tpu.core_type<sc_vector_subcore>, window_params = [{transform_indices = #map}, {transform_indices = #map}, {transform_indices = #map}, {transform_indices = #map}]} {
    %mul3A = arith.constant 2 : i32
    %mul3A_0 = arith.muli %arg1, %mul3A : i32
    %add3A = arith.addi %mul3A_0, %arg0 : i32
    %mul3A_1 = arith.constant 131072 : i32
    %mul3A_2 = arith.muli %add3A, %mul3A_1 : i32
    %add3A_3 = arith.constant 0 : i32
    %add3A_4 = arith.addi %mul3A_2, %add3A_3 : i32
    %multiple_of3A = tpu.assume_multiple %add3A_4, 16384 : i32
    %add3A_5 = arith.constant 0 : i32
    %add3A_6 = arith.addi %mul3A_2, %add3A_5 : i32
    %jit3A = arith.constant 4 : i32
    %div3A = arith.divsi %add3A_6, %jit3A : i32
    %sign3A = arith.constant 0 : i32
    %sign3A_7 = arith.cmpi sgt, %add3A_6, %sign3A : i32
    %sign3A_8 = arith.extui %sign3A_7 : i1 to i32
    %sign3A_9 = arith.constant 0 : i32
    %sign3A_10 = arith.cmpi slt, %add3A_6, %sign3A_9 : i32
    %sign3A_11 = arith.extui %sign3A_10 : i1 to i32
    %sign3A_12 = arith.subi %sign3A_8, %sign3A_11 : i32
    %sign3A_13 = arith.constant 0 : i32
    %sign3A_14 = arith.cmpi sgt, %jit3A, %sign3A_13 : i32
    %sign3A_15 = arith.extui %sign3A_14 : i1 to i32
    %sign3A_16 = arith.constant 0 : i32
    %sign3A_17 = arith.cmpi slt, %jit3A, %sign3A_16 : i32
    %sign3A_18 = arith.extui %sign3A_17 : i1 to i32
    %sign3A_19 = arith.subi %sign3A_15, %sign3A_18 : i32
    %ne3A = arith.cmpi ne, %sign3A_12, %sign3A_19 : i32
    %rem3A = arith.remsi %add3A_6, %jit3A : i32
    %ne3A_20 = arith.constant 0 : i32
    %ne3A_21 = arith.cmpi ne, %rem3A, %ne3A_20 : i32
    %and3A = arith.andi %ne3A, %ne3A_21 : i1
    %sub3A = arith.constant 1 : i32
    %sub3A_22 = arith.subi %div3A, %sub3A : i32
    %select_n3A = arith.select %and3A, %sub3A_22, %div3A : i32
    %multiple_of3A_23 = tpu.assume_multiple %select_n3A, 4096 : i32
    %dma_start3A = arith.constant 0 : i32
    %dma_start3A_24 = tpu.memref_slice %arg2[%multiple_of3A] : memref<4194304xf32, #tpu.memory_space<hbm>> -> memref<16384xf32, #tpu.memory_space<hbm>>
    %dma_start3A_25 = tpu.memref_slice %arg14[%dma_start3A] : memref<2x!tpu.dma_semaphore, #tpu.memory_space<semaphore_mem>> -> memref<1x!tpu.dma_semaphore, #tpu.memory_space<semaphore_mem>>
    %dma_start3A_26 = tpu.memref_squeeze %dma_start3A_25 : memref<1x!tpu.dma_semaphore, #tpu.memory_space<semaphore_mem>> -> memref<!tpu.dma_semaphore, #tpu.memory_space<semaphore_mem>>
    %dma_start3A_27 = tpu.memref_slice %arg2[%multiple_of3A] : memref<4194304xf32, #tpu.memory_space<hbm>> -> memref<16384xf32, #tpu.memory_space<hbm>>
    tpu.enqueue_dma source(%dma_start3A_27 : memref<16384xf32, #tpu.memory_space<hbm>>) target(%arg6 : memref<16384xf32, #tpu.memory_space<vmem>>) target_semaphore(%dma_start3A_26 : memref<!tpu.dma_semaphore, #tpu.memory_space<semaphore_mem>>)
    %dma_start3A_28 = arith.constant 0 : i32
    %dma_start3A_29 = tpu.memref_slice %arg3[%multiple_of3A] : memref<4194304xf32, #tpu.memory_space<hbm>> -> memref<16384xf32, #tpu.memory_space<hbm>>
    %dma_start3A_30 = tpu.memref_slice %arg14[%dma_start3A_28] : memref<2x!tpu.dma_semaphore, #tpu.memory_space<semaphore_mem>> -> memref<1x!tpu.dma_semaphore, #tpu.memory_space<semaphore_mem>>
    %dma_start3A_31 = tpu.memref_squeeze %dma_start3A_30 : memref<1x!tpu.dma_semaphore, #tpu.memory_space<semaphore_mem>> -> memref<!tpu.dma_semaphore, #tpu.memory_space<semaphore_mem>>
    %dma_start3A_32 = tpu.memref_slice %arg3[%multiple_of3A] : memref<4194304xf32, #tpu.memory_space<hbm>> -> memref<16384xf32, #tpu.memory_space<hbm>>
    tpu.enqueue_dma source(%dma_start3A_32 : memref<16384xf32, #tpu.memory_space<hbm>>) target(%arg8 : memref<16384xf32, #tpu.memory_space<vmem>>) target_semaphore(%dma_start3A_31 : memref<!tpu.dma_semaphore, #tpu.memory_space<semaphore_mem>>)
    %dma_start3A_33 = arith.constant 0 : i32
    %dma_start3A_34 = tpu.memref_slice %arg4[%multiple_of3A_23] : memref<1048576xi32, #tpu.memory_space<hbm>> -> memref<4096xi32, #tpu.memory_space<hbm>>
    %dma_start3A_35 = tpu.memref_slice %arg14[%dma_start3A_33] : memref<2x!tpu.dma_semaphore, #tpu.memory_space<semaphore_mem>> -> memref<1x!tpu.dma_semaphore, #tpu.memory_space<semaphore_mem>>
    %dma_start3A_36 = tpu.memref_squeeze %dma_start3A_35 : memref<1x!tpu.dma_semaphore, #tpu.memory_space<semaphore_mem>> -> memref<!tpu.dma_semaphore, #tpu.memory_space<semaphore_mem>>
    %dma_start3A_37 = tpu.memref_slice %arg4[%multiple_of3A_23] : memref<1048576xi32, #tpu.memory_space<hbm>> -> memref<4096xi32, #tpu.memory_space<hbm>>
    tpu.enqueue_dma source(%dma_start3A_37 : memref<4096xi32, #tpu.memory_space<hbm>>) target(%arg10 : memref<4096xi32, #tpu.memory_space<vmem>>) target_semaphore(%dma_start3A_36 : memref<!tpu.dma_semaphore, #tpu.memory_space<semaphore_mem>>)
    %add3A_38 = arith.constant 16384 : i32
    %add3A_39 = arith.addi %mul3A_2, %add3A_38 : i32
    %multiple_of3A_40 = tpu.assume_multiple %add3A_39, 16384 : i32
    %add3A_41 = arith.constant 16384 : i32
    %add3A_42 = arith.addi %mul3A_2, %add3A_41 : i32
    %jit3A_43 = arith.constant 4 : i32
    %div3A_44 = arith.divsi %add3A_42, %jit3A_43 : i32
    %sign3A_45 = arith.constant 0 : i32
    %sign3A_46 = arith.cmpi sgt, %add3A_42, %sign3A_45 : i32
    %sign3A_47 = arith.extui %sign3A_46 : i1 to i32
    %sign3A_48 = arith.constant 0 : i32
    %sign3A_49 = arith.cmpi slt, %add3A_42, %sign3A_48 : i32
    %sign3A_50 = arith.extui %sign3A_49 : i1 to i32
    %sign3A_51 = arith.subi %sign3A_47, %sign3A_50 : i32
    %sign3A_52 = arith.constant 0 : i32
    %sign3A_53 = arith.cmpi sgt, %jit3A_43, %sign3A_52 : i32
    %sign3A_54 = arith.extui %sign3A_53 : i1 to i32
    %sign3A_55 = arith.constant 0 : i32
    %sign3A_56 = arith.cmpi slt, %jit3A_43, %sign3A_55 : i32
    %sign3A_57 = arith.extui %sign3A_56 : i1 to i32
    %sign3A_58 = arith.subi %sign3A_54, %sign3A_57 : i32
    %ne3A_59 = arith.cmpi ne, %sign3A_51, %sign3A_58 : i32
    %rem3A_60 = arith.remsi %add3A_42, %jit3A_43 : i32
    %ne3A_61 = arith.constant 0 : i32
    %ne3A_62 = arith.cmpi ne, %rem3A_60, %ne3A_61 : i32
    %and3A_63 = arith.andi %ne3A_59, %ne3A_62 : i1
    %sub3A_64 = arith.constant 1 : i32
    %sub3A_65 = arith.subi %div3A_44, %sub3A_64 : i32
    %select_n3A_66 = arith.select %and3A_63, %sub3A_65, %div3A_44 : i32
    %multiple_of3A_67 = tpu.assume_multiple %select_n3A_66, 4096 : i32
    %dma_start3A_68 = arith.constant 1 : i32
    %dma_start3A_69 = tpu.memref_slice %arg2[%multiple_of3A_40] : memref<4194304xf32, #tpu.memory_space<hbm>> -> memref<16384xf32, #tpu.memory_space<hbm>>
    %dma_start3A_70 = tpu.memref_slice %arg14[%dma_start3A_68] : memref<2x!tpu.dma_semaphore, #tpu.memory_space<semaphore_mem>> -> memref<1x!tpu.dma_semaphore, #tpu.memory_space<semaphore_mem>>
    %dma_start3A_71 = tpu.memref_squeeze %dma_start3A_70 : memref<1x!tpu.dma_semaphore, #tpu.memory_space<semaphore_mem>> -> memref<!tpu.dma_semaphore, #tpu.memory_space<semaphore_mem>>
    %dma_start3A_72 = tpu.memref_slice %arg2[%multiple_of3A_40] : memref<4194304xf32, #tpu.memory_space<hbm>> -> memref<16384xf32, #tpu.memory_space<hbm>>
    tpu.enqueue_dma source(%dma_start3A_72 : memref<16384xf32, #tpu.memory_space<hbm>>) target(%arg7 : memref<16384xf32, #tpu.memory_space<vmem>>) target_semaphore(%dma_start3A_71 : memref<!tpu.dma_semaphore, #tpu.memory_space<semaphore_mem>>)
    %dma_start3A_73 = arith.constant 1 : i32
    %dma_start3A_74 = tpu.memref_slice %arg3[%multiple_of3A_40] : memref<4194304xf32, #tpu.memory_space<hbm>> -> memref<16384xf32, #tpu.memory_space<hbm>>
    %dma_start3A_75 = tpu.memref_slice %arg14[%dma_start3A_73] : memref<2x!tpu.dma_semaphore, #tpu.memory_space<semaphore_mem>> -> memref<1x!tpu.dma_semaphore, #tpu.memory_space<semaphore_mem>>
    %dma_start3A_76 = tpu.memref_squeeze %dma_start3A_75 : memref<1x!tpu.dma_semaphore, #tpu.memory_space<semaphore_mem>> -> memref<!tpu.dma_semaphore, #tpu.memory_space<semaphore_mem>>
    %dma_start3A_77 = tpu.memref_slice %arg3[%multiple_of3A_40] : memref<4194304xf32, #tpu.memory_space<hbm>> -> memref<16384xf32, #tpu.memory_space<hbm>>
    tpu.enqueue_dma source(%dma_start3A_77 : memref<16384xf32, #tpu.memory_space<hbm>>) target(%arg9 : memref<16384xf32, #tpu.memory_space<vmem>>) target_semaphore(%dma_start3A_76 : memref<!tpu.dma_semaphore, #tpu.memory_space<semaphore_mem>>)
    %dma_start3A_78 = arith.constant 1 : i32
    %dma_start3A_79 = tpu.memref_slice %arg4[%multiple_of3A_67] : memref<1048576xi32, #tpu.memory_space<hbm>> -> memref<4096xi32, #tpu.memory_space<hbm>>
    %dma_start3A_80 = tpu.memref_slice %arg14[%dma_start3A_78] : memref<2x!tpu.dma_semaphore, #tpu.memory_space<semaphore_mem>> -> memref<1x!tpu.dma_semaphore, #tpu.memory_space<semaphore_mem>>
    %dma_start3A_81 = tpu.memref_squeeze %dma_start3A_80 : memref<1x!tpu.dma_semaphore, #tpu.memory_space<semaphore_mem>> -> memref<!tpu.dma_semaphore, #tpu.memory_space<semaphore_mem>>
    %dma_start3A_82 = tpu.memref_slice %arg4[%multiple_of3A_67] : memref<1048576xi32, #tpu.memory_space<hbm>> -> memref<4096xi32, #tpu.memory_space<hbm>>
    tpu.enqueue_dma source(%dma_start3A_82 : memref<4096xi32, #tpu.memory_space<hbm>>) target(%arg11 : memref<4096xi32, #tpu.memory_space<vmem>>) target_semaphore(%dma_start3A_81 : memref<!tpu.dma_semaphore, #tpu.memory_space<semaphore_mem>>)
    %add3A_83 = arith.constant 0 : i32
    %add3A_84 = arith.addi %mul3A_2, %add3A_83 : i32
    %multiple_of3A_85 = tpu.assume_multiple %add3A_84, 16384 : i32
    %add3A_86 = arith.constant 0 : i32
    %add3A_87 = arith.addi %mul3A_2, %add3A_86 : i32
    %jit3A_88 = arith.constant 4 : i32
    %div3A_89 = arith.divsi %add3A_87, %jit3A_88 : i32
    %sign3A_90 = arith.constant 0 : i32
    %sign3A_91 = arith.cmpi sgt, %add3A_87, %sign3A_90 : i32
    %sign3A_92 = arith.extui %sign3A_91 : i1 to i32
    %sign3A_93 = arith.constant 0 : i32
    %sign3A_94 = arith.cmpi slt, %add3A_87, %sign3A_93 : i32
    %sign3A_95 = arith.extui %sign3A_94 : i1 to i32
    %sign3A_96 = arith.subi %sign3A_92, %sign3A_95 : i32
    %sign3A_97 = arith.constant 0 : i32
    %sign3A_98 = arith.cmpi sgt, %jit3A_88, %sign3A_97 : i32
    %sign3A_99 = arith.extui %sign3A_98 : i1 to i32
    %sign3A_100 = arith.constant 0 : i32
    %sign3A_101 = arith.cmpi slt, %jit3A_88, %sign3A_100 : i32
    %sign3A_102 = arith.extui %sign3A_101 : i1 to i32
    %sign3A_103 = arith.subi %sign3A_99, %sign3A_102 : i32
    %ne3A_104 = arith.cmpi ne, %sign3A_96, %sign3A_103 : i32
    %rem3A_105 = arith.remsi %add3A_87, %jit3A_88 : i32
    %ne3A_106 = arith.constant 0 : i32
    %ne3A_107 = arith.cmpi ne, %rem3A_105, %ne3A_106 : i32
    %and3A_108 = arith.andi %ne3A_104, %ne3A_107 : i1
    %sub3A_109 = arith.constant 1 : i32
    %sub3A_110 = arith.subi %div3A_89, %sub3A_109 : i32
    %select_n3A_111 = arith.select %and3A_108, %sub3A_110, %div3A_89 : i32
    %multiple_of3A_112 = tpu.assume_multiple %select_n3A_111, 4096 : i32
    %dma_wait3A = arith.constant 0 : i32
    %dma_wait3A_113 = tpu.memref_slice %arg2[%multiple_of3A_85] : memref<4194304xf32, #tpu.memory_space<hbm>> -> memref<16384xf32, #tpu.memory_space<hbm>>
    %dma_wait3A_114 = tpu.memref_slice %arg14[%dma_wait3A] : memref<2x!tpu.dma_semaphore, #tpu.memory_space<semaphore_mem>> -> memref<1x!tpu.dma_semaphore, #tpu.memory_space<semaphore_mem>>
    %dma_wait3A_115 = tpu.memref_squeeze %dma_wait3A_114 : memref<1x!tpu.dma_semaphore, #tpu.memory_space<semaphore_mem>> -> memref<!tpu.dma_semaphore, #tpu.memory_space<semaphore_mem>>
    %dma_wait3A_116 = tpu.memref_slice %arg2[%multiple_of3A_85] : memref<4194304xf32, #tpu.memory_space<hbm>> -> memref<16384xf32, #tpu.memory_space<hbm>>
    tpu.wait_dma2 semaphore(%dma_wait3A_115 : memref<!tpu.dma_semaphore, #tpu.memory_space<semaphore_mem>>) src(%dma_wait3A_116 : memref<16384xf32, #tpu.memory_space<hbm>>) dst(%arg6 : memref<16384xf32, #tpu.memory_space<vmem>>)
    %dma_wait3A_117 = arith.constant 0 : i32
    %dma_wait3A_118 = tpu.memref_slice %arg3[%multiple_of3A_85] : memref<4194304xf32, #tpu.memory_space<hbm>> -> memref<16384xf32, #tpu.memory_space<hbm>>
    %dma_wait3A_119 = tpu.memref_slice %arg14[%dma_wait3A_117] : memref<2x!tpu.dma_semaphore, #tpu.memory_space<semaphore_mem>> -> memref<1x!tpu.dma_semaphore, #tpu.memory_space<semaphore_mem>>
    %dma_wait3A_120 = tpu.memref_squeeze %dma_wait3A_119 : memref<1x!tpu.dma_semaphore, #tpu.memory_space<semaphore_mem>> -> memref<!tpu.dma_semaphore, #tpu.memory_space<semaphore_mem>>
    %dma_wait3A_121 = tpu.memref_slice %arg3[%multiple_of3A_85] : memref<4194304xf32, #tpu.memory_space<hbm>> -> memref<16384xf32, #tpu.memory_space<hbm>>
    tpu.wait_dma2 semaphore(%dma_wait3A_120 : memref<!tpu.dma_semaphore, #tpu.memory_space<semaphore_mem>>) src(%dma_wait3A_121 : memref<16384xf32, #tpu.memory_space<hbm>>) dst(%arg8 : memref<16384xf32, #tpu.memory_space<vmem>>)
    %dma_wait3A_122 = arith.constant 0 : i32
    %dma_wait3A_123 = tpu.memref_slice %arg4[%multiple_of3A_112] : memref<1048576xi32, #tpu.memory_space<hbm>> -> memref<4096xi32, #tpu.memory_space<hbm>>
    %dma_wait3A_124 = tpu.memref_slice %arg14[%dma_wait3A_122] : memref<2x!tpu.dma_semaphore, #tpu.memory_space<semaphore_mem>> -> memref<1x!tpu.dma_semaphore, #tpu.memory_space<semaphore_mem>>
    %dma_wait3A_125 = tpu.memref_squeeze %dma_wait3A_124 : memref<1x!tpu.dma_semaphore, #tpu.memory_space<semaphore_mem>> -> memref<!tpu.dma_semaphore, #tpu.memory_space<semaphore_mem>>
    %dma_wait3A_126 = tpu.memref_slice %arg4[%multiple_of3A_112] : memref<1048576xi32, #tpu.memory_space<hbm>> -> memref<4096xi32, #tpu.memory_space<hbm>>
    tpu.wait_dma2 semaphore(%dma_wait3A_125 : memref<!tpu.dma_semaphore, #tpu.memory_space<semaphore_mem>>) src(%dma_wait3A_126 : memref<4096xi32, #tpu.memory_space<hbm>>) dst(%arg10 : memref<4096xi32, #tpu.memory_space<vmem>>)
    %iota3A = tpu.iota {dimensions = array<i32: 0>} : vector<16xi32>
    %shift_right_logical3A = arith.constant 2 : i32
    %shift_right_logical3A_127 = vector.broadcast %shift_right_logical3A : i32 to vector<16xi32>
    %shift_right_logical3A_128 = arith.shrui %iota3A, %shift_right_logical3A_127 : vector<16xi32>
    %and3A_129 = arith.constant 3 : i32
    %and3A_130 = vector.broadcast %and3A_129 : i32 to vector<16xi32>
    %and3A_131 = arith.andi %iota3A, %and3A_130 : vector<16xi32>
    %shift_left3A = arith.constant 3 : i32
    %shift_left3A_132 = vector.broadcast %shift_left3A : i32 to vector<16xi32>
    %shift_left3A_133 = arith.shli %and3A_131, %shift_left3A_132 : vector<16xi32>
    %scan3A = arith.constant 0 : i32
    %scan3A_134 = arith.constant 0 : i32
    %scan3A_135 = arith.constant 256 : i32
    %scan3A_136 = arith.addi %scan3A_134, %scan3A_135 : i32
    %scan3A_137 = arith.constant 1 : i32
    %scan3A_138 = scf.for %scan3A_972 = %scan3A_134 to %scan3A_136 step %scan3A_137 iter_args(%scan3A_973 = %scan3A) -> (i32)  : i32 {
      %mul3A_974 = arith.constant 16 : i32
      %mul3A_975 = arith.muli %scan3A_972, %mul3A_974 : i32
      %get3A = arith.index_cast %mul3A_975 : i32 to index
      %get3A_976 = tpu.vector_load %arg10[%get3A] {strides = array<i32>} : memref<4096xi32, #tpu.memory_space<vmem>>, vector<16xi32>,
      %get3A_977 = vector.shape_cast %get3A_976 : vector<16xi32> to vector<16xi32>
      %mul3A_978 = arith.constant 64 : i32
      %mul3A_979 = arith.muli %scan3A_972, %mul3A_978 : i32
      %add3A_980 = arith.constant 0 : i32
      %add3A_981 = arith.addi %mul3A_979, %add3A_980 : i32
      %get3A_982 = arith.index_cast %add3A_981 : i32 to index
      %get3A_983 = tpu.vector_load %arg6[%get3A_982] {strides = array<i32>} : memref<16384xf32, #tpu.memory_space<vmem>>, vector<16xf32>,
      %get3A_984 = vector.shape_cast %get3A_983 : vector<16xf32> to vector<16xf32>
      %get3A_985 = arith.index_cast %add3A_981 : i32 to index
      %get3A_986 = tpu.vector_load %arg8[%get3A_985] {strides = array<i32>} : memref<16384xf32, #tpu.memory_space<vmem>>, vector<16xf32>,
      %get3A_987 = vector.shape_cast %get3A_986 : vector<16xf32> to vector<16xf32>
      %abs3A = math.absf %get3A_984 : vector<16xf32>
      %min3A = arith.constant 8.000000e+00 : f32
      %min3A_988 = vector.broadcast %min3A : f32 to vector<16xf32>
      %min3A_989 = arith.minimumf %abs3A, %min3A_988 : vector<16xf32>
      %mul3A_990 = arith.constant -4.23574238E-6 : f32
      %mul3A_991 = vector.broadcast %mul3A_990 : f32 to vector<16xf32>
      %mul3A_992 = arith.mulf %mul3A_991, %min3A_989 : vector<16xf32>
      %add3A_993 = arith.constant 3.74917909E-5 : f32
      %add3A_994 = vector.broadcast %add3A_993 : f32 to vector<16xf32>
      %add3A_995 = arith.addf %mul3A_992, %add3A_994 : vector<16xf32>
      %mul3A_996 = arith.mulf %add3A_995, %min3A_989 : vector<16xf32>
      %add3A_997 = arith.constant 0.00110166182 : f32
      %add3A_998 = vector.broadcast %add3A_997 : f32 to vector<16xf32>
      %add3A_999 = arith.addf %mul3A_996, %add3A_998 : vector<16xf32>
      %mul3A_1000 = arith.mulf %add3A_999, %min3A_989 : vector<16xf32>
      %add3A_1001 = arith.constant -0.0215470828 : f32
      %add3A_1002 = vector.broadcast %add3A_1001 : f32 to vector<16xf32>
      %add3A_1003 = arith.addf %mul3A_1000, %add3A_1002 : vector<16xf32>
      %mul3A_1004 = arith.mulf %add3A_1003, %min3A_989 : vector<16xf32>
      %add3A_1005 = arith.constant 0.153337061 : f32
      %add3A_1006 = vector.broadcast %add3A_1005 : f32 to vector<16xf32>
      %add3A_1007 = arith.addf %mul3A_1004, %add3A_1006 : vector<16xf32>
      %mul3A_1008 = arith.mulf %add3A_1007, %min3A_989 : vector<16xf32>
      %add3A_1009 = arith.constant -0.513292253 : f32
      %add3A_1010 = vector.broadcast %add3A_1009 : f32 to vector<16xf32>
      %add3A_1011 = arith.addf %mul3A_1008, %add3A_1010 : vector<16xf32>
      %mul3A_1012 = arith.mulf %add3A_1011, %min3A_989 : vector<16xf32>
      %add3A_1013 = arith.constant 0.694155812 : f32
      %add3A_1014 = vector.broadcast %add3A_1013 : f32 to vector<16xf32>
      %add3A_1015 = arith.addf %mul3A_1012, %add3A_1014 : vector<16xf32>
      %max3A = arith.constant 0.000000e+00 : f32
      %max3A_1016 = vector.broadcast %max3A : f32 to vector<16xf32>
      %max3A_1017 = arith.maximumf %get3A_984, %max3A_1016 : vector<16xf32>
      %mul3A_1018 = arith.mulf %get3A_984, %get3A_987 : vector<16xf32>
      %sub3A_1019 = arith.subf %max3A_1017, %mul3A_1018 : vector<16xf32>
      %add3A_1020 = arith.addf %sub3A_1019, %add3A_1015 : vector<16xf32>
      %add3A_1021 = arith.constant 0 : i32
      %add3A_1022 = vector.broadcast %add3A_1021 : i32 to vector<16xi32>
      %add3A_1023 = arith.addi %shift_right_logical3A_128, %add3A_1022 : vector<16xi32>
      %broadcast_in_dim3A = vector.shape_cast %add3A_1023 : vector<16xi32> to vector<16x1xi32>
      %gather3A = vector.shape_cast %broadcast_in_dim3A : vector<16x1xi32> to vector<16xi32>
      %gather3A_1024 = tpu.dynamic_gather %get3A_977[%gather3A] in [0] : vector<16xi32>, vector<16xi32> -> vector<16xi32>
      %shift_right_logical3A_1025 = arith.shrui %gather3A_1024, %shift_left3A_133 : vector<16xi32>
      %and3A_1026 = arith.constant 1 : i32
      %and3A_1027 = vector.broadcast %and3A_1026 : i32 to vector<16xi32>
      %and3A_1028 = arith.andi %shift_right_logical3A_1025, %and3A_1027 : vector<16xi32>
      %convert_element_type3A = arith.sitofp %and3A_1028 : vector<16xi32> to vector<16xf32>
      %mul3A_1029 = arith.mulf %add3A_1020, %convert_element_type3A : vector<16xf32>
      %swap3A = arith.index_cast %add3A_981 : i32 to index
      %swap3A_1030 = tpu.vector_load %arg12[%swap3A] {strides = array<i32>} : memref<16384xf32, #tpu.memory_space<vmem>>, vector<16xf32>,
      %swap3A_1031 = vector.shape_cast %swap3A_1030 : vector<16xf32> to vector<16xf32>
      %swap3A_1032 = vector.shape_cast %mul3A_1029 : vector<16xf32> to vector<16xf32>
      tpu.vector_store %arg12[%swap3A], %swap3A_1032 {strides = array<i32>} : memref<16384xf32, #tpu.memory_space<vmem>>, vector<16xf32>,
      %mul3A_1033 = arith.constant 64 : i32
      %mul3A_1034 = arith.muli %scan3A_972, %mul3A_1033 : i32
      %add3A_1035 = arith.constant 16 : i32
      %add3A_1036 = arith.addi %mul3A_1034, %add3A_1035 : i32
      %get3A_1037 = arith.index_cast %add3A_1036 : i32 to index
      %get3A_1038 = tpu.vector_load %arg6[%get3A_1037] {strides = array<i32>} : memref<16384xf32, #tpu.memory_space<vmem>>, vector<16xf32>,
      %get3A_1039 = vector.shape_cast %get3A_1038 : vector<16xf32> to vector<16xf32>
      %get3A_1040 = arith.index_cast %add3A_1036 : i32 to index
      %get3A_1041 = tpu.vector_load %arg8[%get3A_1040] {strides = array<i32>} : memref<16384xf32, #tpu.memory_space<vmem>>, vector<16xf32>,
      %get3A_1042 = vector.shape_cast %get3A_1041 : vector<16xf32> to vector<16xf32>
      %abs3A_1043 = math.absf %get3A_1039 : vector<16xf32>
      %min3A_1044 = arith.constant 8.000000e+00 : f32
      %min3A_1045 = vector.broadcast %min3A_1044 : f32 to vector<16xf32>
      %min3A_1046 = arith.minimumf %abs3A_1043, %min3A_1045 : vector<16xf32>
      %mul3A_1047 = arith.constant -4.23574238E-6 : f32
      %mul3A_1048 = vector.broadcast %mul3A_1047 : f32 to vector<16xf32>
      %mul3A_1049 = arith.mulf %mul3A_1048, %min3A_1046 : vector<16xf32>
      %add3A_1050 = arith.constant 3.74917909E-5 : f32
      %add3A_1051 = vector.broadcast %add3A_1050 : f32 to vector<16xf32>
      %add3A_1052 = arith.addf %mul3A_1049, %add3A_1051 : vector<16xf32>
      %mul3A_1053 = arith.mulf %add3A_1052, %min3A_1046 : vector<16xf32>
      %add3A_1054 = arith.constant 0.00110166182 : f32
      %add3A_1055 = vector.broadcast %add3A_1054 : f32 to vector<16xf32>
      %add3A_1056 = arith.addf %mul3A_1053, %add3A_1055 : vector<16xf32>
      %mul3A_1057 = arith.mulf %add3A_1056, %min3A_1046 : vector<16xf32>
      %add3A_1058 = arith.constant -0.0215470828 : f32
      %add3A_1059 = vector.broadcast %add3A_1058 : f32 to vector<16xf32>
      %add3A_1060 = arith.addf %mul3A_1057, %add3A_1059 : vector<16xf32>
      %mul3A_1061 = arith.mulf %add3A_1060, %min3A_1046 : vector<16xf32>
      %add3A_1062 = arith.constant 0.153337061 : f32
      %add3A_1063 = vector.broadcast %add3A_1062 : f32 to vector<16xf32>
      %add3A_1064 = arith.addf %mul3A_1061, %add3A_1063 : vector<16xf32>
      %mul3A_1065 = arith.mulf %add3A_1064, %min3A_1046 : vector<16xf32>
      %add3A_1066 = arith.constant -0.513292253 : f32
      %add3A_1067 = vector.broadcast %add3A_1066 : f32 to vector<16xf32>
      %add3A_1068 = arith.addf %mul3A_1065, %add3A_1067 : vector<16xf32>
      %mul3A_1069 = arith.mulf %add3A_1068, %min3A_1046 : vector<16xf32>
      %add3A_1070 = arith.constant 0.694155812 : f32
      %add3A_1071 = vector.broadcast %add3A_1070 : f32 to vector<16xf32>
      %add3A_1072 = arith.addf %mul3A_1069, %add3A_1071 : vector<16xf32>
      %max3A_1073 = arith.constant 0.000000e+00 : f32
      %max3A_1074 = vector.broadcast %max3A_1073 : f32 to vector<16xf32>
      %max3A_1075 = arith.maximumf %get3A_1039, %max3A_1074 : vector<16xf32>
      %mul3A_1076 = arith.mulf %get3A_1039, %get3A_1042 : vector<16xf32>
      %sub3A_1077 = arith.subf %max3A_1075, %mul3A_1076 : vector<16xf32>
      %add3A_1078 = arith.addf %sub3A_1077, %add3A_1072 : vector<16xf32>
      %add3A_1079 = arith.constant 4 : i32
      %add3A_1080 = vector.broadcast %add3A_1079 : i32 to vector<16xi32>
      %add3A_1081 = arith.addi %shift_right_logical3A_128, %add3A_1080 : vector<16xi32>
      %broadcast_in_dim3A_1082 = vector.shape_cast %add3A_1081 : vector<16xi32> to vector<16x1xi32>
      %gather3A_1083 = vector.shape_cast %broadcast_in_dim3A_1082 : vector<16x1xi32> to vector<16xi32>
      %gather3A_1084 = tpu.dynamic_gather %get3A_977[%gather3A_1083] in [0] : vector<16xi32>, vector<16xi32> -> vector<16xi32>
      %shift_right_logical3A_1085 = arith.shrui %gather3A_1084, %shift_left3A_133 : vector<16xi32>
      %and3A_1086 = arith.constant 1 : i32
      %and3A_1087 = vector.broadcast %and3A_1086 : i32 to vector<16xi32>
      %and3A_1088 = arith.andi %shift_right_logical3A_1085, %and3A_1087 : vector<16xi32>
      %convert_element_type3A_1089 = arith.sitofp %and3A_1088 : vector<16xi32> to vector<16xf32>
      %mul3A_1090 = arith.mulf %add3A_1078, %convert_element_type3A_1089 : vector<16xf32>
      %swap3A_1091 = arith.index_cast %add3A_1036 : i32 to index
      %swap3A_1092 = tpu.vector_load %arg12[%swap3A_1091] {strides = array<i32>} : memref<16384xf32, #tpu.memory_space<vmem>>, vector<16xf32>,
      %swap3A_1093 = vector.shape_cast %swap3A_1092 : vector<16xf32> to vector<16xf32>
      %swap3A_1094 = vector.shape_cast %mul3A_1090 : vector<16xf32> to vector<16xf32>
      tpu.vector_store %arg12[%swap3A_1091], %swap3A_1094 {strides = array<i32>} : memref<16384xf32, #tpu.memory_space<vmem>>, vector<16xf32>,
      %mul3A_1095 = arith.constant 64 : i32
      %mul3A_1096 = arith.muli %scan3A_972, %mul3A_1095 : i32
      %add3A_1097 = arith.constant 32 : i32
      %add3A_1098 = arith.addi %mul3A_1096, %add3A_1097 : i32
      %get3A_1099 = arith.index_cast %add3A_1098 : i32 to index
      %get3A_1100 = tpu.vector_load %arg6[%get3A_1099] {strides = array<i32>} : memref<16384xf32, #tpu.memory_space<vmem>>, vector<16xf32>,
      %get3A_1101 = vector.shape_cast %get3A_1100 : vector<16xf32> to vector<16xf32>
      %get3A_1102 = arith.index_cast %add3A_1098 : i32 to index
      %get3A_1103 = tpu.vector_load %arg8[%get3A_1102] {strides = array<i32>} : memref<16384xf32, #tpu.memory_space<vmem>>, vector<16xf32>,
      %get3A_1104 = vector.shape_cast %get3A_1103 : vector<16xf32> to vector<16xf32>
      %abs3A_1105 = math.absf %get3A_1101 : vector<16xf32>
      %min3A_1106 = arith.constant 8.000000e+00 : f32
      %min3A_1107 = vector.broadcast %min3A_1106 : f32 to vector<16xf32>
      %min3A_1108 = arith.minimumf %abs3A_1105, %min3A_1107 : vector<16xf32>
      %mul3A_1109 = arith.constant -4.23574238E-6 : f32
      %mul3A_1110 = vector.broadcast %mul3A_1109 : f32 to vector<16xf32>
      %mul3A_1111 = arith.mulf %mul3A_1110, %min3A_1108 : vector<16xf32>
      %add3A_1112 = arith.constant 3.74917909E-5 : f32
      %add3A_1113 = vector.broadcast %add3A_1112 : f32 to vector<16xf32>
      %add3A_1114 = arith.addf %mul3A_1111, %add3A_1113 : vector<16xf32>
      %mul3A_1115 = arith.mulf %add3A_1114, %min3A_1108 : vector<16xf32>
      %add3A_1116 = arith.constant 0.00110166182 : f32
      %add3A_1117 = vector.broadcast %add3A_1116 : f32 to vector<16xf32>
      %add3A_1118 = arith.addf %mul3A_1115, %add3A_1117 : vector<16xf32>
      %mul3A_1119 = arith.mulf %add3A_1118, %min3A_1108 : vector<16xf32>
      %add3A_1120 = arith.constant -0.0215470828 : f32
      %add3A_1121 = vector.broadcast %add3A_1120 : f32 to vector<16xf32>
      %add3A_1122 = arith.addf %mul3A_1119, %add3A_1121 : vector<16xf32>
      %mul3A_1123 = arith.mulf %add3A_1122, %min3A_1108 : vector<16xf32>
      %add3A_1124 = arith.constant 0.153337061 : f32
      %add3A_1125 = vector.broadcast %add3A_1124 : f32 to vector<16xf32>
      %add3A_1126 = arith.addf %mul3A_1123, %add3A_1125 : vector<16xf32>
      %mul3A_1127 = arith.mulf %add3A_1126, %min3A_1108 : vector<16xf32>
      %add3A_1128 = arith.constant -0.513292253 : f32
      %add3A_1129 = vector.broadcast %add3A_1128 : f32 to vector<16xf32>
      %add3A_1130 = arith.addf %mul3A_1127, %add3A_1129 : vector<16xf32>
      %mul3A_1131 = arith.mulf %add3A_1130, %min3A_1108 : vector<16xf32>
      %add3A_1132 = arith.constant 0.694155812 : f32
      %add3A_1133 = vector.broadcast %add3A_1132 : f32 to vector<16xf32>
      %add3A_1134 = arith.addf %mul3A_1131, %add3A_1133 : vector<16xf32>
      %max3A_1135 = arith.constant 0.000000e+00 : f32
      %max3A_1136 = vector.broadcast %max3A_1135 : f32 to vector<16xf32>
      %max3A_1137 = arith.maximumf %get3A_1101, %max3A_1136 : vector<16xf32>
      %mul3A_1138 = arith.mulf %get3A_1101, %get3A_1104 : vector<16xf32>
      %sub3A_1139 = arith.subf %max3A_1137, %mul3A_1138 : vector<16xf32>
      %add3A_1140 = arith.addf %sub3A_1139, %add3A_1134 : vector<16xf32>
      %add3A_1141 = arith.constant 8 : i32
      %add3A_1142 = vector.broadcast %add3A_1141 : i32 to vector<16xi32>
      %add3A_1143 = arith.addi %shift_right_logical3A_128, %add3A_1142 : vector<16xi32>
      %broadcast_in_dim3A_1144 = vector.shape_cast %add3A_1143 : vector<16xi32> to vector<16x1xi32>
      %gather3A_1145 = vector.shape_cast %broadcast_in_dim3A_1144 : vector<16x1xi32> to vector<16xi32>
      %gather3A_1146 = tpu.dynamic_gather %get3A_977[%gather3A_1145] in [0] : vector<16xi32>, vector<16xi32> -> vector<16xi32>
      %shift_right_logical3A_1147 = arith.shrui %gather3A_1146, %shift_left3A_133 : vector<16xi32>
      %and3A_1148 = arith.constant 1 : i32
      %and3A_1149 = vector.broadcast %and3A_1148 : i32 to vector<16xi32>
      %and3A_1150 = arith.andi %shift_right_logical3A_1147, %and3A_1149 : vector<16xi32>
      %convert_element_type3A_1151 = arith.sitofp %and3A_1150 : vector<16xi32> to vector<16xf32>
      %mul3A_1152 = arith.mulf %add3A_1140, %convert_element_type3A_1151 : vector<16xf32>
      %swap3A_1153 = arith.index_cast %add3A_1098 : i32 to index
      %swap3A_1154 = tpu.vector_load %arg12[%swap3A_1153] {strides = array<i32>} : memref<16384xf32, #tpu.memory_space<vmem>>, vector<16xf32>,
      %swap3A_1155 = vector.shape_cast %swap3A_1154 : vector<16xf32> to vector<16xf32>
      %swap3A_1156 = vector.shape_cast %mul3A_1152 : vector<16xf32> to vector<16xf32>
      tpu.vector_store %arg12[%swap3A_1153], %swap3A_1156 {strides = array<i32>} : memref<16384xf32, #tpu.memory_space<vmem>>, vector<16xf32>,
      %mul3A_1157 = arith.constant 64 : i32
      %mul3A_1158 = arith.muli %scan3A_972, %mul3A_1157 : i32
      %add3A_1159 = arith.constant 48 : i32
      %add3A_1160 = arith.addi %mul3A_1158, %add3A_1159 : i32
      %get3A_1161 = arith.index_cast %add3A_1160 : i32 to index
      %get3A_1162 = tpu.vector_load %arg6[%get3A_1161] {strides = array<i32>} : memref<16384xf32, #tpu.memory_space<vmem>>, vector<16xf32>,
      %get3A_1163 = vector.shape_cast %get3A_1162 : vector<16xf32> to vector<16xf32>
      %get3A_1164 = arith.index_cast %add3A_1160 : i32 to index
      %get3A_1165 = tpu.vector_load %arg8[%get3A_1164] {strides = array<i32>} : memref<16384xf32, #tpu.memory_space<vmem>>, vector<16xf32>,
      %get3A_1166 = vector.shape_cast %get3A_1165 : vector<16xf32> to vector<16xf32>
      %abs3A_1167 = math.absf %get3A_1163 : vector<16xf32>
      %min3A_1168 = arith.constant 8.000000e+00 : f32
      %min3A_1169 = vector.broadcast %min3A_1168 : f32 to vector<16xf32>
      %min3A_1170 = arith.minimumf %abs3A_1167, %min3A_1169 : vector<16xf32>
      %mul3A_1171 = arith.constant -4.23574238E-6 : f32
      %mul3A_1172 = vector.broadcast %mul3A_1171 : f32 to vector<16xf32>
      %mul3A_1173 = arith.mulf %mul3A_1172, %min3A_1170 : vector<16xf32>
      %add3A_1174 = arith.constant 3.74917909E-5 : f32
      %add3A_1175 = vector.broadcast %add3A_1174 : f32 to vector<16xf32>
      %add3A_1176 = arith.addf %mul3A_1173, %add3A_1175 : vector<16xf32>
      %mul3A_1177 = arith.mulf %add3A_1176, %min3A_1170 : vector<16xf32>
      %add3A_1178 = arith.constant 0.00110166182 : f32
      %add3A_1179 = vector.broadcast %add3A_1178 : f32 to vector<16xf32>
      %add3A_1180 = arith.addf %mul3A_1177, %add3A_1179 : vector<16xf32>
      %mul3A_1181 = arith.mulf %add3A_1180, %min3A_1170 : vector<16xf32>
      %add3A_1182 = arith.constant -0.0215470828 : f32
      %add3A_1183 = vector.broadcast %add3A_1182 : f32 to vector<16xf32>
      %add3A_1184 = arith.addf %mul3A_1181, %add3A_1183 : vector<16xf32>
      %mul3A_1185 = arith.mulf %add3A_1184, %min3A_1170 : vector<16xf32>
      %add3A_1186 = arith.constant 0.153337061 : f32
      %add3A_1187 = vector.broadcast %add3A_1186 : f32 to vector<16xf32>
      %add3A_1188 = arith.addf %mul3A_1185, %add3A_1187 : vector<16xf32>
      %mul3A_1189 = arith.mulf %add3A_1188, %min3A_1170 : vector<16xf32>
      %add3A_1190 = arith.constant -0.513292253 : f32
      %add3A_1191 = vector.broadcast %add3A_1190 : f32 to vector<16xf32>
      %add3A_1192 = arith.addf %mul3A_1189, %add3A_1191 : vector<16xf32>
      %mul3A_1193 = arith.mulf %add3A_1192, %min3A_1170 : vector<16xf32>
      %add3A_1194 = arith.constant 0.694155812 : f32
      %add3A_1195 = vector.broadcast %add3A_1194 : f32 to vector<16xf32>
      %add3A_1196 = arith.addf %mul3A_1193, %add3A_1195 : vector<16xf32>
      %max3A_1197 = arith.constant 0.000000e+00 : f32
      %max3A_1198 = vector.broadcast %max3A_1197 : f32 to vector<16xf32>
      %max3A_1199 = arith.maximumf %get3A_1163, %max3A_1198 : vector<16xf32>
      %mul3A_1200 = arith.mulf %get3A_1163, %get3A_1166 : vector<16xf32>
      %sub3A_1201 = arith.subf %max3A_1199, %mul3A_1200 : vector<16xf32>
      %add3A_1202 = arith.addf %sub3A_1201, %add3A_1196 : vector<16xf32>
      %add3A_1203 = arith.constant 12 : i32
      %add3A_1204 = vector.broadcast %add3A_1203 : i32 to vector<16xi32>
      %add3A_1205 = arith.addi %shift_right_logical3A_128, %add3A_1204 : vector<16xi32>
      %broadcast_in_dim3A_1206 = vector.shape_cast %add3A_1205 : vector<16xi32> to vector<16x1xi32>
      %gather3A_1207 = vector.shape_cast %broadcast_in_dim3A_1206 : vector<16x1xi32> to vector<16xi32>
      %gather3A_1208 = tpu.dynamic_gather %get3A_977[%gather3A_1207] in [0] : vector<16xi32>, vector<16xi32> -> vector<16xi32>
      %shift_right_logical3A_1209 = arith.shrui %gather3A_1208, %shift_left3A_133 : vector<16xi32>
      %and3A_1210 = arith.constant 1 : i32
      %and3A_1211 = vector.broadcast %and3A_1210 : i32 to vector<16xi32>
      %and3A_1212 = arith.andi %shift_right_logical3A_1209, %and3A_1211 : vector<16xi32>
      %convert_element_type3A_1213 = arith.sitofp %and3A_1212 : vector<16xi32> to vector<16xf32>
      %mul3A_1214 = arith.mulf %add3A_1202, %convert_element_type3A_1213 : vector<16xf32>
      %swap3A_1215 = arith.index_cast %add3A_1160 : i32 to index
      %swap3A_1216 = tpu.vector_load %arg12[%swap3A_1215] {strides = array<i32>} : memref<16384xf32, #tpu.memory_space<vmem>>, vector<16xf32>,
      %swap3A_1217 = vector.shape_cast %swap3A_1216 : vector<16xf32> to vector<16xf32>
      %swap3A_1218 = vector.shape_cast %mul3A_1214 : vector<16xf32> to vector<16xf32>
      tpu.vector_store %arg12[%swap3A_1215], %swap3A_1218 {strides = array<i32>} : memref<16384xf32, #tpu.memory_space<vmem>>, vector<16xf32>,
      %scan3A_1219 = arith.constant 0 : i32
      scf.yield %scan3A_1219 : i32
    }
    %scan3A_139 = arith.constant 256 : i32
    %add3A_140 = arith.constant 0 : i32
    %add3A_141 = arith.addi %mul3A_2, %add3A_140 : i32
    %multiple_of3A_142 = tpu.assume_multiple %add3A_141, 16384 : i32
    %dma_start3A_143 = arith.constant 0 : i32
    %dma_start3A_144 = tpu.memref_slice %arg5[%multiple_of3A_142] : memref<4194304xf32, #tpu.memory_space<hbm>> -> memref<16384xf32, #tpu.memory_space<hbm>>
    %dma_start3A_145 = tpu.memref_slice %arg15[%dma_start3A_143] : memref<2x!tpu.dma_semaphore, #tpu.memory_space<semaphore_mem>> -> memref<1x!tpu.dma_semaphore, #tpu.memory_space<semaphore_mem>>
    %dma_start3A_146 = tpu.memref_squeeze %dma_start3A_145 : memref<1x!tpu.dma_semaphore, #tpu.memory_space<semaphore_mem>> -> memref<!tpu.dma_semaphore, #tpu.memory_space<semaphore_mem>>
    %dma_start3A_147 = tpu.memref_slice %arg5[%multiple_of3A_142] : memref<4194304xf32, #tpu.memory_space<hbm>> -> memref<16384xf32, #tpu.memory_space<hbm>>
    tpu.enqueue_dma source(%arg12 : memref<16384xf32, #tpu.memory_space<vmem>>) target(%dma_start3A_147 : memref<16384xf32, #tpu.memory_space<hbm>>) target_semaphore(%dma_start3A_146 : memref<!tpu.dma_semaphore, #tpu.memory_space<semaphore_mem>>)
    %add3A_148 = arith.constant 32768 : i32
    %add3A_149 = arith.addi %mul3A_2, %add3A_148 : i32
    %multiple_of3A_150 = tpu.assume_multiple %add3A_149, 16384 : i32
    %add3A_151 = arith.constant 32768 : i32
    %add3A_152 = arith.addi %mul3A_2, %add3A_151 : i32
    %jit3A_153 = arith.constant 4 : i32
    %div3A_154 = arith.divsi %add3A_152, %jit3A_153 : i32
    %sign3A_155 = arith.constant 0 : i32
    %sign3A_156 = arith.cmpi sgt, %add3A_152, %sign3A_155 : i32
    %sign3A_157 = arith.extui %sign3A_156 : i1 to i32
    %sign3A_158 = arith.constant 0 : i32
    %sign3A_159 = arith.cmpi slt, %add3A_152, %sign3A_158 : i32
    %sign3A_160 = arith.extui %sign3A_159 : i1 to i32
    %sign3A_161 = arith.subi %sign3A_157, %sign3A_160 : i32
    %sign3A_162 = arith.constant 0 : i32
    %sign3A_163 = arith.cmpi sgt, %jit3A_153, %sign3A_162 : i32
    %sign3A_164 = arith.extui %sign3A_163 : i1 to i32
    %sign3A_165 = arith.constant 0 : i32
    %sign3A_166 = arith.cmpi slt, %jit3A_153, %sign3A_165 : i32
    %sign3A_167 = arith.extui %sign3A_166 : i1 to i32
    %sign3A_168 = arith.subi %sign3A_164, %sign3A_167 : i32
    %ne3A_169 = arith.cmpi ne, %sign3A_161, %sign3A_168 : i32
    %rem3A_170 = arith.remsi %add3A_152, %jit3A_153 : i32
    %ne3A_171 = arith.constant 0 : i32
    %ne3A_172 = arith.cmpi ne, %rem3A_170, %ne3A_171 : i32
    %and3A_173 = arith.andi %ne3A_169, %ne3A_172 : i1
    %sub3A_174 = arith.constant 1 : i32
    %sub3A_175 = arith.subi %div3A_154, %sub3A_174 : i32
    %select_n3A_176 = arith.select %and3A_173, %sub3A_175, %div3A_154 : i32
    %multiple_of3A_177 = tpu.assume_multiple %select_n3A_176, 4096 : i32
    %dma_start3A_178 = arith.constant 0 : i32
    %dma_start3A_179 = tpu.memref_slice %arg2[%multiple_of3A_150] : memref<4194304xf32, #tpu.memory_space<hbm>> -> memref<16384xf32, #tpu.memory_space<hbm>>
    %dma_start3A_180 = tpu.memref_slice %arg14[%dma_start3A_178] : memref<2x!tpu.dma_semaphore, #tpu.memory_space<semaphore_mem>> -> memref<1x!tpu.dma_semaphore, #tpu.memory_space<semaphore_mem>>
    %dma_start3A_181 = tpu.memref_squeeze %dma_start3A_180 : memref<1x!tpu.dma_semaphore, #tpu.memory_space<semaphore_mem>> -> memref<!tpu.dma_semaphore, #tpu.memory_space<semaphore_mem>>
    %dma_start3A_182 = tpu.memref_slice %arg2[%multiple_of3A_150] : memref<4194304xf32, #tpu.memory_space<hbm>> -> memref<16384xf32, #tpu.memory_space<hbm>>
    tpu.enqueue_dma source(%dma_start3A_182 : memref<16384xf32, #tpu.memory_space<hbm>>) target(%arg6 : memref<16384xf32, #tpu.memory_space<vmem>>) target_semaphore(%dma_start3A_181 : memref<!tpu.dma_semaphore, #tpu.memory_space<semaphore_mem>>)
    %dma_start3A_183 = arith.constant 0 : i32
    %dma_start3A_184 = tpu.memref_slice %arg3[%multiple_of3A_150] : memref<4194304xf32, #tpu.memory_space<hbm>> -> memref<16384xf32, #tpu.memory_space<hbm>>
    %dma_start3A_185 = tpu.memref_slice %arg14[%dma_start3A_183] : memref<2x!tpu.dma_semaphore, #tpu.memory_space<semaphore_mem>> -> memref<1x!tpu.dma_semaphore, #tpu.memory_space<semaphore_mem>>
    %dma_start3A_186 = tpu.memref_squeeze %dma_start3A_185 : memref<1x!tpu.dma_semaphore, #tpu.memory_space<semaphore_mem>> -> memref<!tpu.dma_semaphore, #tpu.memory_space<semaphore_mem>>
    %dma_start3A_187 = tpu.memref_slice %arg3[%multiple_of3A_150] : memref<4194304xf32, #tpu.memory_space<hbm>> -> memref<16384xf32, #tpu.memory_space<hbm>>
    tpu.enqueue_dma source(%dma_start3A_187 : memref<16384xf32, #tpu.memory_space<hbm>>) target(%arg8 : memref<16384xf32, #tpu.memory_space<vmem>>) target_semaphore(%dma_start3A_186 : memref<!tpu.dma_semaphore, #tpu.memory_space<semaphore_mem>>)
    %dma_start3A_188 = arith.constant 0 : i32
    %dma_start3A_189 = tpu.memref_slice %arg4[%multiple_of3A_177] : memref<1048576xi32, #tpu.memory_space<hbm>> -> memref<4096xi32, #tpu.memory_space<hbm>>
    %dma_start3A_190 = tpu.memref_slice %arg14[%dma_start3A_188] : memref<2x!tpu.dma_semaphore, #tpu.memory_space<semaphore_mem>> -> memref<1x!tpu.dma_semaphore, #tpu.memory_space<semaphore_mem>>
    %dma_start3A_191 = tpu.memref_squeeze %dma_start3A_190 : memref<1x!tpu.dma_semaphore, #tpu.memory_space<semaphore_mem>> -> memref<!tpu.dma_semaphore, #tpu.memory_space<semaphore_mem>>
    %dma_start3A_192 = tpu.memref_slice %arg4[%multiple_of3A_177] : memref<1048576xi32, #tpu.memory_space<hbm>> -> memref<4096xi32, #tpu.memory_space<hbm>>
    tpu.enqueue_dma source(%dma_start3A_192 : memref<4096xi32, #tpu.memory_space<hbm>>) target(%arg10 : memref<4096xi32, #tpu.memory_space<vmem>>) target_semaphore(%dma_start3A_191 : memref<!tpu.dma_semaphore, #tpu.memory_space<semaphore_mem>>)
    %add3A_193 = arith.constant 16384 : i32
    %add3A_194 = arith.addi %mul3A_2, %add3A_193 : i32
    %multiple_of3A_195 = tpu.assume_multiple %add3A_194, 16384 : i32
    %add3A_196 = arith.constant 16384 : i32
    %add3A_197 = arith.addi %mul3A_2, %add3A_196 : i32
    %jit3A_198 = arith.constant 4 : i32
    %div3A_199 = arith.divsi %add3A_197, %jit3A_198 : i32
    %sign3A_200 = arith.constant 0 : i32
    %sign3A_201 = arith.cmpi sgt, %add3A_197, %sign3A_200 : i32
    %sign3A_202 = arith.extui %sign3A_201 : i1 to i32
    %sign3A_203 = arith.constant 0 : i32
    %sign3A_204 = arith.cmpi slt, %add3A_197, %sign3A_203 : i32
    %sign3A_205 = arith.extui %sign3A_204 : i1 to i32
    %sign3A_206 = arith.subi %sign3A_202, %sign3A_205 : i32
    %sign3A_207 = arith.constant 0 : i32
    %sign3A_208 = arith.cmpi sgt, %jit3A_198, %sign3A_207 : i32
    %sign3A_209 = arith.extui %sign3A_208 : i1 to i32
    %sign3A_210 = arith.constant 0 : i32
    %sign3A_211 = arith.cmpi slt, %jit3A_198, %sign3A_210 : i32
    %sign3A_212 = arith.extui %sign3A_211 : i1 to i32
    %sign3A_213 = arith.subi %sign3A_209, %sign3A_212 : i32
    %ne3A_214 = arith.cmpi ne, %sign3A_206, %sign3A_213 : i32
    %rem3A_215 = arith.remsi %add3A_197, %jit3A_198 : i32
    %ne3A_216 = arith.constant 0 : i32
    %ne3A_217 = arith.cmpi ne, %rem3A_215, %ne3A_216 : i32
    %and3A_218 = arith.andi %ne3A_214, %ne3A_217 : i1
    %sub3A_219 = arith.constant 1 : i32
    %sub3A_220 = arith.subi %div3A_199, %sub3A_219 : i32
    %select_n3A_221 = arith.select %and3A_218, %sub3A_220, %div3A_199 : i32
    %multiple_of3A_222 = tpu.assume_multiple %select_n3A_221, 4096 : i32
    %dma_wait3A_223 = arith.constant 1 : i32
    %dma_wait3A_224 = tpu.memref_slice %arg2[%multiple_of3A_195] : memref<4194304xf32, #tpu.memory_space<hbm>> -> memref<16384xf32, #tpu.memory_space<hbm>>
    %dma_wait3A_225 = tpu.memref_slice %arg14[%dma_wait3A_223] : memref<2x!tpu.dma_semaphore, #tpu.memory_space<semaphore_mem>> -> memref<1x!tpu.dma_semaphore, #tpu.memory_space<semaphore_mem>>
    %dma_wait3A_226 = tpu.memref_squeeze %dma_wait3A_225 : memref<1x!tpu.dma_semaphore, #tpu.memory_space<semaphore_mem>> -> memref<!tpu.dma_semaphore, #tpu.memory_space<semaphore_mem>>
    %dma_wait3A_227 = tpu.memref_slice %arg2[%multiple_of3A_195] : memref<4194304xf32, #tpu.memory_space<hbm>> -> memref<16384xf32, #tpu.memory_space<hbm>>
    tpu.wait_dma2 semaphore(%dma_wait3A_226 : memref<!tpu.dma_semaphore, #tpu.memory_space<semaphore_mem>>) src(%dma_wait3A_227 : memref<16384xf32, #tpu.memory_space<hbm>>) dst(%arg7 : memref<16384xf32, #tpu.memory_space<vmem>>)
    %dma_wait3A_228 = arith.constant 1 : i32
    %dma_wait3A_229 = tpu.memref_slice %arg3[%multiple_of3A_195] : memref<4194304xf32, #tpu.memory_space<hbm>> -> memref<16384xf32, #tpu.memory_space<hbm>>
    %dma_wait3A_230 = tpu.memref_slice %arg14[%dma_wait3A_228] : memref<2x!tpu.dma_semaphore, #tpu.memory_space<semaphore_mem>> -> memref<1x!tpu.dma_semaphore, #tpu.memory_space<semaphore_mem>>
    %dma_wait3A_231 = tpu.memref_squeeze %dma_wait3A_230 : memref<1x!tpu.dma_semaphore, #tpu.memory_space<semaphore_mem>> -> memref<!tpu.dma_semaphore, #tpu.memory_space<semaphore_mem>>
    %dma_wait3A_232 = tpu.memref_slice %arg3[%multiple_of3A_195] : memref<4194304xf32, #tpu.memory_space<hbm>> -> memref<16384xf32, #tpu.memory_space<hbm>>
    tpu.wait_dma2 semaphore(%dma_wait3A_231 : memref<!tpu.dma_semaphore, #tpu.memory_space<semaphore_mem>>) src(%dma_wait3A_232 : memref<16384xf32, #tpu.memory_space<hbm>>) dst(%arg9 : memref<16384xf32, #tpu.memory_space<vmem>>)
    %dma_wait3A_233 = arith.constant 1 : i32
    %dma_wait3A_234 = tpu.memref_slice %arg4[%multiple_of3A_222] : memref<1048576xi32, #tpu.memory_space<hbm>> -> memref<4096xi32, #tpu.memory_space<hbm>>
    %dma_wait3A_235 = tpu.memref_slice %arg14[%dma_wait3A_233] : memref<2x!tpu.dma_semaphore, #tpu.memory_space<semaphore_mem>> -> memref<1x!tpu.dma_semaphore, #tpu.memory_space<semaphore_mem>>
    %dma_wait3A_236 = tpu.memref_squeeze %dma_wait3A_235 : memref<1x!tpu.dma_semaphore, #tpu.memory_space<semaphore_mem>> -> memref<!tpu.dma_semaphore, #tpu.memory_space<semaphore_mem>>
    %dma_wait3A_237 = tpu.memref_slice %arg4[%multiple_of3A_222] : memref<1048576xi32, #tpu.memory_space<hbm>> -> memref<4096xi32, #tpu.memory_space<hbm>>
    tpu.wait_dma2 semaphore(%dma_wait3A_236 : memref<!tpu.dma_semaphore, #tpu.memory_space<semaphore_mem>>) src(%dma_wait3A_237 : memref<4096xi32, #tpu.memory_space<hbm>>) dst(%arg11 : memref<4096xi32, #tpu.memory_space<vmem>>)
    %iota3A_238 = tpu.iota {dimensions = array<i32: 0>} : vector<16xi32>
    %shift_right_logical3A_239 = arith.constant 2 : i32
    %shift_right_logical3A_240 = vector.broadcast %shift_right_logical3A_239 : i32 to vector<16xi32>
    %shift_right_logical3A_241 = arith.shrui %iota3A_238, %shift_right_logical3A_240 : vector<16xi32>
    %and3A_242 = arith.constant 3 : i32
    %and3A_243 = vector.broadcast %and3A_242 : i32 to vector<16xi32>
    %and3A_244 = arith.andi %iota3A_238, %and3A_243 : vector<16xi32>
    %shift_left3A_245 = arith.constant 3 : i32
    %shift_left3A_246 = vector.broadcast %shift_left3A_245 : i32 to vector<16xi32>
    %shift_left3A_247 = arith.shli %and3A_244, %shift_left3A_246 : vector<16xi32>
    %scan3A_248 = arith.constant 0 : i32
    %scan3A_249 = arith.constant 0 : i32
    %scan3A_250 = arith.constant 256 : i32
    %scan3A_251 = arith.addi %scan3A_249, %scan3A_250 : i32
    %scan3A_252 = arith.constant 1 : i32
    %scan3A_253 = scf.for %scan3A_972 = %scan3A_249 to %scan3A_251 step %scan3A_252 iter_args(%scan3A_973 = %scan3A_248) -> (i32)  : i32 {
      %mul3A_974 = arith.constant 16 : i32
      %mul3A_975 = arith.muli %scan3A_972, %mul3A_974 : i32
      %get3A = arith.index_cast %mul3A_975 : i32 to index
      %get3A_976 = tpu.vector_load %arg11[%get3A] {strides = array<i32>} : memref<4096xi32, #tpu.memory_space<vmem>>, vector<16xi32>,
      %get3A_977 = vector.shape_cast %get3A_976 : vector<16xi32> to vector<16xi32>
      %mul3A_978 = arith.constant 64 : i32
      %mul3A_979 = arith.muli %scan3A_972, %mul3A_978 : i32
      %add3A_980 = arith.constant 0 : i32
      %add3A_981 = arith.addi %mul3A_979, %add3A_980 : i32
      %get3A_982 = arith.index_cast %add3A_981 : i32 to index
      %get3A_983 = tpu.vector_load %arg7[%get3A_982] {strides = array<i32>} : memref<16384xf32, #tpu.memory_space<vmem>>, vector<16xf32>,
      %get3A_984 = vector.shape_cast %get3A_983 : vector<16xf32> to vector<16xf32>
      %get3A_985 = arith.index_cast %add3A_981 : i32 to index
      %get3A_986 = tpu.vector_load %arg9[%get3A_985] {strides = array<i32>} : memref<16384xf32, #tpu.memory_space<vmem>>, vector<16xf32>,
      %get3A_987 = vector.shape_cast %get3A_986 : vector<16xf32> to vector<16xf32>
      %abs3A = math.absf %get3A_984 : vector<16xf32>
      %min3A = arith.constant 8.000000e+00 : f32
      %min3A_988 = vector.broadcast %min3A : f32 to vector<16xf32>
      %min3A_989 = arith.minimumf %abs3A, %min3A_988 : vector<16xf32>
      %mul3A_990 = arith.constant -4.23574238E-6 : f32
      %mul3A_991 = vector.broadcast %mul3A_990 : f32 to vector<16xf32>
      %mul3A_992 = arith.mulf %mul3A_991, %min3A_989 : vector<16xf32>
      %add3A_993 = arith.constant 3.74917909E-5 : f32
      %add3A_994 = vector.broadcast %add3A_993 : f32 to vector<16xf32>
      %add3A_995 = arith.addf %mul3A_992, %add3A_994 : vector<16xf32>
      %mul3A_996 = arith.mulf %add3A_995, %min3A_989 : vector<16xf32>
      %add3A_997 = arith.constant 0.00110166182 : f32
      %add3A_998 = vector.broadcast %add3A_997 : f32 to vector<16xf32>
      %add3A_999 = arith.addf %mul3A_996, %add3A_998 : vector<16xf32>
      %mul3A_1000 = arith.mulf %add3A_999, %min3A_989 : vector<16xf32>
      %add3A_1001 = arith.constant -0.0215470828 : f32
      %add3A_1002 = vector.broadcast %add3A_1001 : f32 to vector<16xf32>
      %add3A_1003 = arith.addf %mul3A_1000, %add3A_1002 : vector<16xf32>
      %mul3A_1004 = arith.mulf %add3A_1003, %min3A_989 : vector<16xf32>
      %add3A_1005 = arith.constant 0.153337061 : f32
      %add3A_1006 = vector.broadcast %add3A_1005 : f32 to vector<16xf32>
      %add3A_1007 = arith.addf %mul3A_1004, %add3A_1006 : vector<16xf32>
      %mul3A_1008 = arith.mulf %add3A_1007, %min3A_989 : vector<16xf32>
      %add3A_1009 = arith.constant -0.513292253 : f32
      %add3A_1010 = vector.broadcast %add3A_1009 : f32 to vector<16xf32>
      %add3A_1011 = arith.addf %mul3A_1008, %add3A_1010 : vector<16xf32>
      %mul3A_1012 = arith.mulf %add3A_1011, %min3A_989 : vector<16xf32>
      %add3A_1013 = arith.constant 0.694155812 : f32
      %add3A_1014 = vector.broadcast %add3A_1013 : f32 to vector<16xf32>
      %add3A_1015 = arith.addf %mul3A_1012, %add3A_1014 : vector<16xf32>
      %max3A = arith.constant 0.000000e+00 : f32
      %max3A_1016 = vector.broadcast %max3A : f32 to vector<16xf32>
      %max3A_1017 = arith.maximumf %get3A_984, %max3A_1016 : vector<16xf32>
      %mul3A_1018 = arith.mulf %get3A_984, %get3A_987 : vector<16xf32>
      %sub3A_1019 = arith.subf %max3A_1017, %mul3A_1018 : vector<16xf32>
      %add3A_1020 = arith.addf %sub3A_1019, %add3A_1015 : vector<16xf32>
      %add3A_1021 = arith.constant 0 : i32
      %add3A_1022 = vector.broadcast %add3A_1021 : i32 to vector<16xi32>
      %add3A_1023 = arith.addi %shift_right_logical3A_241, %add3A_1022 : vector<16xi32>
      %broadcast_in_dim3A = vector.shape_cast %add3A_1023 : vector<16xi32> to vector<16x1xi32>
      %gather3A = vector.shape_cast %broadcast_in_dim3A : vector<16x1xi32> to vector<16xi32>
      %gather3A_1024 = tpu.dynamic_gather %get3A_977[%gather3A] in [0] : vector<16xi32>, vector<16xi32> -> vector<16xi32>
      %shift_right_logical3A_1025 = arith.shrui %gather3A_1024, %shift_left3A_247 : vector<16xi32>
      %and3A_1026 = arith.constant 1 : i32
      %and3A_1027 = vector.broadcast %and3A_1026 : i32 to vector<16xi32>
      %and3A_1028 = arith.andi %shift_right_logical3A_1025, %and3A_1027 : vector<16xi32>
      %convert_element_type3A = arith.sitofp %and3A_1028 : vector<16xi32> to vector<16xf32>
      %mul3A_1029 = arith.mulf %add3A_1020, %convert_element_type3A : vector<16xf32>
      %swap3A = arith.index_cast %add3A_981 : i32 to index
      %swap3A_1030 = tpu.vector_load %arg13[%swap3A] {strides = array<i32>} : memref<16384xf32, #tpu.memory_space<vmem>>, vector<16xf32>,
      %swap3A_1031 = vector.shape_cast %swap3A_1030 : vector<16xf32> to vector<16xf32>
      %swap3A_1032 = vector.shape_cast %mul3A_1029 : vector<16xf32> to vector<16xf32>
      tpu.vector_store %arg13[%swap3A], %swap3A_1032 {strides = array<i32>} : memref<16384xf32, #tpu.memory_space<vmem>>, vector<16xf32>,
      %mul3A_1033 = arith.constant 64 : i32
      %mul3A_1034 = arith.muli %scan3A_972, %mul3A_1033 : i32
      %add3A_1035 = arith.constant 16 : i32
      %add3A_1036 = arith.addi %mul3A_1034, %add3A_1035 : i32
      %get3A_1037 = arith.index_cast %add3A_1036 : i32 to index
      %get3A_1038 = tpu.vector_load %arg7[%get3A_1037] {strides = array<i32>} : memref<16384xf32, #tpu.memory_space<vmem>>, vector<16xf32>,
      %get3A_1039 = vector.shape_cast %get3A_1038 : vector<16xf32> to vector<16xf32>
      %get3A_1040 = arith.index_cast %add3A_1036 : i32 to index
      %get3A_1041 = tpu.vector_load %arg9[%get3A_1040] {strides = array<i32>} : memref<16384xf32, #tpu.memory_space<vmem>>, vector<16xf32>,
      %get3A_1042 = vector.shape_cast %get3A_1041 : vector<16xf32> to vector<16xf32>
      %abs3A_1043 = math.absf %get3A_1039 : vector<16xf32>
      %min3A_1044 = arith.constant 8.000000e+00 : f32
      %min3A_1045 = vector.broadcast %min3A_1044 : f32 to vector<16xf32>
      %min3A_1046 = arith.minimumf %abs3A_1043, %min3A_1045 : vector<16xf32>
      %mul3A_1047 = arith.constant -4.23574238E-6 : f32
      %mul3A_1048 = vector.broadcast %mul3A_1047 : f32 to vector<16xf32>
      %mul3A_1049 = arith.mulf %mul3A_1048, %min3A_1046 : vector<16xf32>
      %add3A_1050 = arith.constant 3.74917909E-5 : f32
      %add3A_1051 = vector.broadcast %add3A_1050 : f32 to vector<16xf32>
      %add3A_1052 = arith.addf %mul3A_1049, %add3A_1051 : vector<16xf32>
      %mul3A_1053 = arith.mulf %add3A_1052, %min3A_1046 : vector<16xf32>
      %add3A_1054 = arith.constant 0.00110166182 : f32
      %add3A_1055 = vector.broadcast %add3A_1054 : f32 to vector<16xf32>
      %add3A_1056 = arith.addf %mul3A_1053, %add3A_1055 : vector<16xf32>
      %mul3A_1057 = arith.mulf %add3A_1056, %min3A_1046 : vector<16xf32>
      %add3A_1058 = arith.constant -0.0215470828 : f32
      %add3A_1059 = vector.broadcast %add3A_1058 : f32 to vector<16xf32>
      %add3A_1060 = arith.addf %mul3A_1057, %add3A_1059 : vector<16xf32>
      %mul3A_1061 = arith.mulf %add3A_1060, %min3A_1046 : vector<16xf32>
      %add3A_1062 = arith.constant 0.153337061 : f32
      %add3A_1063 = vector.broadcast %add3A_1062 : f32 to vector<16xf32>
      %add3A_1064 = arith.addf %mul3A_1061, %add3A_1063 : vector<16xf32>
      %mul3A_1065 = arith.mulf %add3A_1064, %min3A_1046 : vector<16xf32>
      %add3A_1066 = arith.constant -0.513292253 : f32
      %add3A_1067 = vector.broadcast %add3A_1066 : f32 to vector<16xf32>
      %add3A_1068 = arith.addf %mul3A_1065, %add3A_1067 : vector<16xf32>
      %mul3A_1069 = arith.mulf %add3A_1068, %min3A_1046 : vector<16xf32>
      %add3A_1070 = arith.constant 0.694155812 : f32
      %add3A_1071 = vector.broadcast %add3A_1070 : f32 to vector<16xf32>
      %add3A_1072 = arith.addf %mul3A_1069, %add3A_1071 : vector<16xf32>
      %max3A_1073 = arith.constant 0.000000e+00 : f32
      %max3A_1074 = vector.broadcast %max3A_1073 : f32 to vector<16xf32>
      %max3A_1075 = arith.maximumf %get3A_1039, %max3A_1074 : vector<16xf32>
      %mul3A_1076 = arith.mulf %get3A_1039, %get3A_1042 : vector<16xf32>
      %sub3A_1077 = arith.subf %max3A_1075, %mul3A_1076 : vector<16xf32>
      %add3A_1078 = arith.addf %sub3A_1077, %add3A_1072 : vector<16xf32>
      %add3A_1079 = arith.constant 4 : i32
      %add3A_1080 = vector.broadcast %add3A_1079 : i32 to vector<16xi32>
      %add3A_1081 = arith.addi %shift_right_logical3A_241, %add3A_1080 : vector<16xi32>
      %broadcast_in_dim3A_1082 = vector.shape_cast %add3A_1081 : vector<16xi32> to vector<16x1xi32>
      %gather3A_1083 = vector.shape_cast %broadcast_in_dim3A_1082 : vector<16x1xi32> to vector<16xi32>
      %gather3A_1084 = tpu.dynamic_gather %get3A_977[%gather3A_1083] in [0] : vector<16xi32>, vector<16xi32> -> vector<16xi32>
      %shift_right_logical3A_1085 = arith.shrui %gather3A_1084, %shift_left3A_247 : vector<16xi32>
      %and3A_1086 = arith.constant 1 : i32
      %and3A_1087 = vector.broadcast %and3A_1086 : i32 to vector<16xi32>
      %and3A_1088 = arith.andi %shift_right_logical3A_1085, %and3A_1087 : vector<16xi32>
      %convert_element_type3A_1089 = arith.sitofp %and3A_1088 : vector<16xi32> to vector<16xf32>
      %mul3A_1090 = arith.mulf %add3A_1078, %convert_element_type3A_1089 : vector<16xf32>
      %swap3A_1091 = arith.index_cast %add3A_1036 : i32 to index
      %swap3A_1092 = tpu.vector_load %arg13[%swap3A_1091] {strides = array<i32>} : memref<16384xf32, #tpu.memory_space<vmem>>, vector<16xf32>,
      %swap3A_1093 = vector.shape_cast %swap3A_1092 : vector<16xf32> to vector<16xf32>
      %swap3A_1094 = vector.shape_cast %mul3A_1090 : vector<16xf32> to vector<16xf32>
      tpu.vector_store %arg13[%swap3A_1091], %swap3A_1094 {strides = array<i32>} : memref<16384xf32, #tpu.memory_space<vmem>>, vector<16xf32>,
      %mul3A_1095 = arith.constant 64 : i32
      %mul3A_1096 = arith.muli %scan3A_972, %mul3A_1095 : i32
      %add3A_1097 = arith.constant 32 : i32
      %add3A_1098 = arith.addi %mul3A_1096, %add3A_1097 : i32
      %get3A_1099 = arith.index_cast %add3A_1098 : i32 to index
      %get3A_1100 = tpu.vector_load %arg7[%get3A_1099] {strides = array<i32>} : memref<16384xf32, #tpu.memory_space<vmem>>, vector<16xf32>,
      %get3A_1101 = vector.shape_cast %get3A_1100 : vector<16xf32> to vector<16xf32>
      %get3A_1102 = arith.index_cast %add3A_1098 : i32 to index
      %get3A_1103 = tpu.vector_load %arg9[%get3A_1102] {strides = array<i32>} : memref<16384xf32, #tpu.memory_space<vmem>>, vector<16xf32>,
      %get3A_1104 = vector.shape_cast %get3A_1103 : vector<16xf32> to vector<16xf32>
      %abs3A_1105 = math.absf %get3A_1101 : vector<16xf32>
      %min3A_1106 = arith.constant 8.000000e+00 : f32
      %min3A_1107 = vector.broadcast %min3A_1106 : f32 to vector<16xf32>
      %min3A_1108 = arith.minimumf %abs3A_1105, %min3A_1107 : vector<16xf32>
      %mul3A_1109 = arith.constant -4.23574238E-6 : f32
      %mul3A_1110 = vector.broadcast %mul3A_1109 : f32 to vector<16xf32>
      %mul3A_1111 = arith.mulf %mul3A_1110, %min3A_1108 : vector<16xf32>
      %add3A_1112 = arith.constant 3.74917909E-5 : f32
      %add3A_1113 = vector.broadcast %add3A_1112 : f32 to vector<16xf32>
      %add3A_1114 = arith.addf %mul3A_1111, %add3A_1113 : vector<16xf32>
      %mul3A_1115 = arith.mulf %add3A_1114, %min3A_1108 : vector<16xf32>
      %add3A_1116 = arith.constant 0.00110166182 : f32
      %add3A_1117 = vector.broadcast %add3A_1116 : f32 to vector<16xf32>
      %add3A_1118 = arith.addf %mul3A_1115, %add3A_1117 : vector<16xf32>
      %mul3A_1119 = arith.mulf %add3A_1118, %min3A_1108 : vector<16xf32>
      %add3A_1120 = arith.constant -0.0215470828 : f32
      %add3A_1121 = vector.broadcast %add3A_1120 : f32 to vector<16xf32>
      %add3A_1122 = arith.addf %mul3A_1119, %add3A_1121 : vector<16xf32>
      %mul3A_1123 = arith.mulf %add3A_1122, %min3A_1108 : vector<16xf32>
      %add3A_1124 = arith.constant 0.153337061 : f32
      %add3A_1125 = vector.broadcast %add3A_1124 : f32 to vector<16xf32>
      %add3A_1126 = arith.addf %mul3A_1123, %add3A_1125 : vector<16xf32>
      %mul3A_1127 = arith.mulf %add3A_1126, %min3A_1108 : vector<16xf32>
      %add3A_1128 = arith.constant -0.513292253 : f32
      %add3A_1129 = vector.broadcast %add3A_1128 : f32 to vector<16xf32>
      %add3A_1130 = arith.addf %mul3A_1127, %add3A_1129 : vector<16xf32>
      %mul3A_1131 = arith.mulf %add3A_1130, %min3A_1108 : vector<16xf32>
      %add3A_1132 = arith.constant 0.694155812 : f32
      %add3A_1133 = vector.broadcast %add3A_1132 : f32 to vector<16xf32>
      %add3A_1134 = arith.addf %mul3A_1131, %add3A_1133 : vector<16xf32>
      %max3A_1135 = arith.constant 0.000000e+00 : f32
      %max3A_1136 = vector.broadcast %max3A_1135 : f32 to vector<16xf32>
      %max3A_1137 = arith.maximumf %get3A_1101, %max3A_1136 : vector<16xf32>
      %mul3A_1138 = arith.mulf %get3A_1101, %get3A_1104 : vector<16xf32>
      %sub3A_1139 = arith.subf %max3A_1137, %mul3A_1138 : vector<16xf32>
      %add3A_1140 = arith.addf %sub3A_1139, %add3A_1134 : vector<16xf32>
      %add3A_1141 = arith.constant 8 : i32
      %add3A_1142 = vector.broadcast %add3A_1141 : i32 to vector<16xi32>
      %add3A_1143 = arith.addi %shift_right_logical3A_241, %add3A_1142 : vector<16xi32>
      %broadcast_in_dim3A_1144 = vector.shape_cast %add3A_1143 : vector<16xi32> to vector<16x1xi32>
      %gather3A_1145 = vector.shape_cast %broadcast_in_dim3A_1144 : vector<16x1xi32> to vector<16xi32>
      %gather3A_1146 = tpu.dynamic_gather %get3A_977[%gather3A_1145] in [0] : vector<16xi32>, vector<16xi32> -> vector<16xi32>
      %shift_right_logical3A_1147 = arith.shrui %gather3A_1146, %shift_left3A_247 : vector<16xi32>
      %and3A_1148 = arith.constant 1 : i32
      %and3A_1149 = vector.broadcast %and3A_1148 : i32 to vector<16xi32>
      %and3A_1150 = arith.andi %shift_right_logical3A_1147, %and3A_1149 : vector<16xi32>
      %convert_element_type3A_1151 = arith.sitofp %and3A_1150 : vector<16xi32> to vector<16xf32>
      %mul3A_1152 = arith.mulf %add3A_1140, %convert_element_type3A_1151 : vector<16xf32>
      %swap3A_1153 = arith.index_cast %add3A_1098 : i32 to index
      %swap3A_1154 = tpu.vector_load %arg13[%swap3A_1153] {strides = array<i32>} : memref<16384xf32, #tpu.memory_space<vmem>>, vector<16xf32>,
      %swap3A_1155 = vector.shape_cast %swap3A_1154 : vector<16xf32> to vector<16xf32>
      %swap3A_1156 = vector.shape_cast %mul3A_1152 : vector<16xf32> to vector<16xf32>
      tpu.vector_store %arg13[%swap3A_1153], %swap3A_1156 {strides = array<i32>} : memref<16384xf32, #tpu.memory_space<vmem>>, vector<16xf32>,
      %mul3A_1157 = arith.constant 64 : i32
      %mul3A_1158 = arith.muli %scan3A_972, %mul3A_1157 : i32
      %add3A_1159 = arith.constant 48 : i32
      %add3A_1160 = arith.addi %mul3A_1158, %add3A_1159 : i32
      %get3A_1161 = arith.index_cast %add3A_1160 : i32 to index
      %get3A_1162 = tpu.vector_load %arg7[%get3A_1161] {strides = array<i32>} : memref<16384xf32, #tpu.memory_space<vmem>>, vector<16xf32>,
      %get3A_1163 = vector.shape_cast %get3A_1162 : vector<16xf32> to vector<16xf32>
      %get3A_1164 = arith.index_cast %add3A_1160 : i32 to index
      %get3A_1165 = tpu.vector_load %arg9[%get3A_1164] {strides = array<i32>} : memref<16384xf32, #tpu.memory_space<vmem>>, vector<16xf32>,
      %get3A_1166 = vector.shape_cast %get3A_1165 : vector<16xf32> to vector<16xf32>
      %abs3A_1167 = math.absf %get3A_1163 : vector<16xf32>
      %min3A_1168 = arith.constant 8.000000e+00 : f32
      %min3A_1169 = vector.broadcast %min3A_1168 : f32 to vector<16xf32>
      %min3A_1170 = arith.minimumf %abs3A_1167, %min3A_1169 : vector<16xf32>
      %mul3A_1171 = arith.constant -4.23574238E-6 : f32
      %mul3A_1172 = vector.broadcast %mul3A_1171 : f32 to vector<16xf32>
      %mul3A_1173 = arith.mulf %mul3A_1172, %min3A_1170 : vector<16xf32>
      %add3A_1174 = arith.constant 3.74917909E-5 : f32
      %add3A_1175 = vector.broadcast %add3A_1174 : f32 to vector<16xf32>
      %add3A_1176 = arith.addf %mul3A_1173, %add3A_1175 : vector<16xf32>
      %mul3A_1177 = arith.mulf %add3A_1176, %min3A_1170 : vector<16xf32>
      %add3A_1178 = arith.constant 0.00110166182 : f32
      %add3A_1179 = vector.broadcast %add3A_1178 : f32 to vector<16xf32>
      %add3A_1180 = arith.addf %mul3A_1177, %add3A_1179 : vector<16xf32>
      %mul3A_1181 = arith.mulf %add3A_1180, %min3A_1170 : vector<16xf32>
      %add3A_1182 = arith.constant -0.0215470828 : f32
      %add3A_1183 = vector.broadcast %add3A_1182 : f32 to vector<16xf32>
      %add3A_1184 = arith.addf %mul3A_1181, %add3A_1183 : vector<16xf32>
      %mul3A_1185 = arith.mulf %add3A_1184, %min3A_1170 : vector<16xf32>
      %add3A_1186 = arith.constant 0.153337061 : f32
      %add3A_1187 = vector.broadcast %add3A_1186 : f32 to vector<16xf32>
      %add3A_1188 = arith.addf %mul3A_1185, %add3A_1187 : vector<16xf32>
      %mul3A_1189 = arith.mulf %add3A_1188, %min3A_1170 : vector<16xf32>
      %add3A_1190 = arith.constant -0.513292253 : f32
      %add3A_1191 = vector.broadcast %add3A_1190 : f32 to vector<16xf32>
      %add3A_1192 = arith.addf %mul3A_1189, %add3A_1191 : vector<16xf32>
      %mul3A_1193 = arith.mulf %add3A_1192, %min3A_1170 : vector<16xf32>
      %add3A_1194 = arith.constant 0.694155812 : f32
      %add3A_1195 = vector.broadcast %add3A_1194 : f32 to vector<16xf32>
      %add3A_1196 = arith.addf %mul3A_1193, %add3A_1195 : vector<16xf32>
      %max3A_1197 = arith.constant 0.000000e+00 : f32
      %max3A_1198 = vector.broadcast %max3A_1197 : f32 to vector<16xf32>
      %max3A_1199 = arith.maximumf %get3A_1163, %max3A_1198 : vector<16xf32>
      %mul3A_1200 = arith.mulf %get3A_1163, %get3A_1166 : vector<16xf32>
      %sub3A_1201 = arith.subf %max3A_1199, %mul3A_1200 : vector<16xf32>
      %add3A_1202 = arith.addf %sub3A_1201, %add3A_1196 : vector<16xf32>
      %add3A_1203 = arith.constant 12 : i32
      %add3A_1204 = vector.broadcast %add3A_1203 : i32 to vector<16xi32>
      %add3A_1205 = arith.addi %shift_right_logical3A_241, %add3A_1204 : vector<16xi32>
      %broadcast_in_dim3A_1206 = vector.shape_cast %add3A_1205 : vector<16xi32> to vector<16x1xi32>
      %gather3A_1207 = vector.shape_cast %broadcast_in_dim3A_1206 : vector<16x1xi32> to vector<16xi32>
      %gather3A_1208 = tpu.dynamic_gather %get3A_977[%gather3A_1207] in [0] : vector<16xi32>, vector<16xi32> -> vector<16xi32>
      %shift_right_logical3A_1209 = arith.shrui %gather3A_1208, %shift_left3A_247 : vector<16xi32>
      %and3A_1210 = arith.constant 1 : i32
      %and3A_1211 = vector.broadcast %and3A_1210 : i32 to vector<16xi32>
      %and3A_1212 = arith.andi %shift_right_logical3A_1209, %and3A_1211 : vector<16xi32>
      %convert_element_type3A_1213 = arith.sitofp %and3A_1212 : vector<16xi32> to vector<16xf32>
      %mul3A_1214 = arith.mulf %add3A_1202, %convert_element_type3A_1213 : vector<16xf32>
      %swap3A_1215 = arith.index_cast %add3A_1160 : i32 to index
      %swap3A_1216 = tpu.vector_load %arg13[%swap3A_1215] {strides = array<i32>} : memref<16384xf32, #tpu.memory_space<vmem>>, vector<16xf32>,
      %swap3A_1217 = vector.shape_cast %swap3A_1216 : vector<16xf32> to vector<16xf32>
      %swap3A_1218 = vector.shape_cast %mul3A_1214 : vector<16xf32> to vector<16xf32>
      tpu.vector_store %arg13[%swap3A_1215], %swap3A_1218 {strides = array<i32>} : memref<16384xf32, #tpu.memory_space<vmem>>, vector<16xf32>,
      %scan3A_1219 = arith.constant 0 : i32
      scf.yield %scan3A_1219 : i32
    }
    %scan3A_254 = arith.constant 256 : i32
    %add3A_255 = arith.constant 16384 : i32
    %add3A_256 = arith.addi %mul3A_2, %add3A_255 : i32
    %multiple_of3A_257 = tpu.assume_multiple %add3A_256, 16384 : i32
    %dma_start3A_258 = arith.constant 1 : i32
    %dma_start3A_259 = tpu.memref_slice %arg5[%multiple_of3A_257] : memref<4194304xf32, #tpu.memory_space<hbm>> -> memref<16384xf32, #tpu.memory_space<hbm>>
    %dma_start3A_260 = tpu.memref_slice %arg15[%dma_start3A_258] : memref<2x!tpu.dma_semaphore, #tpu.memory_space<semaphore_mem>> -> memref<1x!tpu.dma_semaphore, #tpu.memory_space<semaphore_mem>>
    %dma_start3A_261 = tpu.memref_squeeze %dma_start3A_260 : memref<1x!tpu.dma_semaphore, #tpu.memory_space<semaphore_mem>> -> memref<!tpu.dma_semaphore, #tpu.memory_space<semaphore_mem>>
    %dma_start3A_262 = tpu.memref_slice %arg5[%multiple_of3A_257] : memref<4194304xf32, #tpu.memory_space<hbm>> -> memref<16384xf32, #tpu.memory_space<hbm>>
    tpu.enqueue_dma source(%arg13 : memref<16384xf32, #tpu.memory_space<vmem>>) target(%dma_start3A_262 : memref<16384xf32, #tpu.memory_space<hbm>>) target_semaphore(%dma_start3A_261 : memref<!tpu.dma_semaphore, #tpu.memory_space<semaphore_mem>>)
    %add3A_263 = arith.constant 49152 : i32
    %add3A_264 = arith.addi %mul3A_2, %add3A_263 : i32
    %multiple_of3A_265 = tpu.assume_multiple %add3A_264, 16384 : i32
    %add3A_266 = arith.constant 49152 : i32
    %add3A_267 = arith.addi %mul3A_2, %add3A_266 : i32
    %jit3A_268 = arith.constant 4 : i32
    %div3A_269 = arith.divsi %add3A_267, %jit3A_268 : i32
    %sign3A_270 = arith.constant 0 : i32
    %sign3A_271 = arith.cmpi sgt, %add3A_267, %sign3A_270 : i32
    %sign3A_272 = arith.extui %sign3A_271 : i1 to i32
    %sign3A_273 = arith.constant 0 : i32
    %sign3A_274 = arith.cmpi slt, %add3A_267, %sign3A_273 : i32
    %sign3A_275 = arith.extui %sign3A_274 : i1 to i32
    %sign3A_276 = arith.subi %sign3A_272, %sign3A_275 : i32
    %sign3A_277 = arith.constant 0 : i32
    %sign3A_278 = arith.cmpi sgt, %jit3A_268, %sign3A_277 : i32
    %sign3A_279 = arith.extui %sign3A_278 : i1 to i32
    %sign3A_280 = arith.constant 0 : i32
    %sign3A_281 = arith.cmpi slt, %jit3A_268, %sign3A_280 : i32
    %sign3A_282 = arith.extui %sign3A_281 : i1 to i32
    %sign3A_283 = arith.subi %sign3A_279, %sign3A_282 : i32
    %ne3A_284 = arith.cmpi ne, %sign3A_276, %sign3A_283 : i32
    %rem3A_285 = arith.remsi %add3A_267, %jit3A_268 : i32
    %ne3A_286 = arith.constant 0 : i32
    %ne3A_287 = arith.cmpi ne, %rem3A_285, %ne3A_286 : i32
    %and3A_288 = arith.andi %ne3A_284, %ne3A_287 : i1
    %sub3A_289 = arith.constant 1 : i32
    %sub3A_290 = arith.subi %div3A_269, %sub3A_289 : i32
    %select_n3A_291 = arith.select %and3A_288, %sub3A_290, %div3A_269 : i32
    %multiple_of3A_292 = tpu.assume_multiple %select_n3A_291, 4096 : i32
    %dma_start3A_293 = arith.constant 1 : i32
    %dma_start3A_294 = tpu.memref_slice %arg2[%multiple_of3A_265] : memref<4194304xf32, #tpu.memory_space<hbm>> -> memref<16384xf32, #tpu.memory_space<hbm>>
    %dma_start3A_295 = tpu.memref_slice %arg14[%dma_start3A_293] : memref<2x!tpu.dma_semaphore, #tpu.memory_space<semaphore_mem>> -> memref<1x!tpu.dma_semaphore, #tpu.memory_space<semaphore_mem>>
    %dma_start3A_296 = tpu.memref_squeeze %dma_start3A_295 : memref<1x!tpu.dma_semaphore, #tpu.memory_space<semaphore_mem>> -> memref<!tpu.dma_semaphore, #tpu.memory_space<semaphore_mem>>
    %dma_start3A_297 = tpu.memref_slice %arg2[%multiple_of3A_265] : memref<4194304xf32, #tpu.memory_space<hbm>> -> memref<16384xf32, #tpu.memory_space<hbm>>
    tpu.enqueue_dma source(%dma_start3A_297 : memref<16384xf32, #tpu.memory_space<hbm>>) target(%arg7 : memref<16384xf32, #tpu.memory_space<vmem>>) target_semaphore(%dma_start3A_296 : memref<!tpu.dma_semaphore, #tpu.memory_space<semaphore_mem>>)
    %dma_start3A_298 = arith.constant 1 : i32
    %dma_start3A_299 = tpu.memref_slice %arg3[%multiple_of3A_265] : memref<4194304xf32, #tpu.memory_space<hbm>> -> memref<16384xf32, #tpu.memory_space<hbm>>
    %dma_start3A_300 = tpu.memref_slice %arg14[%dma_start3A_298] : memref<2x!tpu.dma_semaphore, #tpu.memory_space<semaphore_mem>> -> memref<1x!tpu.dma_semaphore, #tpu.memory_space<semaphore_mem>>
    %dma_start3A_301 = tpu.memref_squeeze %dma_start3A_300 : memref<1x!tpu.dma_semaphore, #tpu.memory_space<semaphore_mem>> -> memref<!tpu.dma_semaphore, #tpu.memory_space<semaphore_mem>>
    %dma_start3A_302 = tpu.memref_slice %arg3[%multiple_of3A_265] : memref<4194304xf32, #tpu.memory_space<hbm>> -> memref<16384xf32, #tpu.memory_space<hbm>>
    tpu.enqueue_dma source(%dma_start3A_302 : memref<16384xf32, #tpu.memory_space<hbm>>) target(%arg9 : memref<16384xf32, #tpu.memory_space<vmem>>) target_semaphore(%dma_start3A_301 : memref<!tpu.dma_semaphore, #tpu.memory_space<semaphore_mem>>)
    %dma_start3A_303 = arith.constant 1 : i32
    %dma_start3A_304 = tpu.memref_slice %arg4[%multiple_of3A_292] : memref<1048576xi32, #tpu.memory_space<hbm>> -> memref<4096xi32, #tpu.memory_space<hbm>>
    %dma_start3A_305 = tpu.memref_slice %arg14[%dma_start3A_303] : memref<2x!tpu.dma_semaphore, #tpu.memory_space<semaphore_mem>> -> memref<1x!tpu.dma_semaphore, #tpu.memory_space<semaphore_mem>>
    %dma_start3A_306 = tpu.memref_squeeze %dma_start3A_305 : memref<1x!tpu.dma_semaphore, #tpu.memory_space<semaphore_mem>> -> memref<!tpu.dma_semaphore, #tpu.memory_space<semaphore_mem>>
    %dma_start3A_307 = tpu.memref_slice %arg4[%multiple_of3A_292] : memref<1048576xi32, #tpu.memory_space<hbm>> -> memref<4096xi32, #tpu.memory_space<hbm>>
    tpu.enqueue_dma source(%dma_start3A_307 : memref<4096xi32, #tpu.memory_space<hbm>>) target(%arg11 : memref<4096xi32, #tpu.memory_space<vmem>>) target_semaphore(%dma_start3A_306 : memref<!tpu.dma_semaphore, #tpu.memory_space<semaphore_mem>>)
    %add3A_308 = arith.constant 32768 : i32
    %add3A_309 = arith.addi %mul3A_2, %add3A_308 : i32
    %multiple_of3A_310 = tpu.assume_multiple %add3A_309, 16384 : i32
    %add3A_311 = arith.constant 32768 : i32
    %add3A_312 = arith.addi %mul3A_2, %add3A_311 : i32
    %jit3A_313 = arith.constant 4 : i32
    %div3A_314 = arith.divsi %add3A_312, %jit3A_313 : i32
    %sign3A_315 = arith.constant 0 : i32
    %sign3A_316 = arith.cmpi sgt, %add3A_312, %sign3A_315 : i32
    %sign3A_317 = arith.extui %sign3A_316 : i1 to i32
    %sign3A_318 = arith.constant 0 : i32
    %sign3A_319 = arith.cmpi slt, %add3A_312, %sign3A_318 : i32
    %sign3A_320 = arith.extui %sign3A_319 : i1 to i32
    %sign3A_321 = arith.subi %sign3A_317, %sign3A_320 : i32
    %sign3A_322 = arith.constant 0 : i32
    %sign3A_323 = arith.cmpi sgt, %jit3A_313, %sign3A_322 : i32
    %sign3A_324 = arith.extui %sign3A_323 : i1 to i32
    %sign3A_325 = arith.constant 0 : i32
    %sign3A_326 = arith.cmpi slt, %jit3A_313, %sign3A_325 : i32
    %sign3A_327 = arith.extui %sign3A_326 : i1 to i32
    %sign3A_328 = arith.subi %sign3A_324, %sign3A_327 : i32
    %ne3A_329 = arith.cmpi ne, %sign3A_321, %sign3A_328 : i32
    %rem3A_330 = arith.remsi %add3A_312, %jit3A_313 : i32
    %ne3A_331 = arith.constant 0 : i32
    %ne3A_332 = arith.cmpi ne, %rem3A_330, %ne3A_331 : i32
    %and3A_333 = arith.andi %ne3A_329, %ne3A_332 : i1
    %sub3A_334 = arith.constant 1 : i32
    %sub3A_335 = arith.subi %div3A_314, %sub3A_334 : i32
    %select_n3A_336 = arith.select %and3A_333, %sub3A_335, %div3A_314 : i32
    %multiple_of3A_337 = tpu.assume_multiple %select_n3A_336, 4096 : i32
    %dma_wait3A_338 = arith.constant 0 : i32
    %dma_wait3A_339 = tpu.memref_slice %arg2[%multiple_of3A_310] : memref<4194304xf32, #tpu.memory_space<hbm>> -> memref<16384xf32, #tpu.memory_space<hbm>>
    %dma_wait3A_340 = tpu.memref_slice %arg14[%dma_wait3A_338] : memref<2x!tpu.dma_semaphore, #tpu.memory_space<semaphore_mem>> -> memref<1x!tpu.dma_semaphore, #tpu.memory_space<semaphore_mem>>
    %dma_wait3A_341 = tpu.memref_squeeze %dma_wait3A_340 : memref<1x!tpu.dma_semaphore, #tpu.memory_space<semaphore_mem>> -> memref<!tpu.dma_semaphore, #tpu.memory_space<semaphore_mem>>
    %dma_wait3A_342 = tpu.memref_slice %arg2[%multiple_of3A_310] : memref<4194304xf32, #tpu.memory_space<hbm>> -> memref<16384xf32, #tpu.memory_space<hbm>>
    tpu.wait_dma2 semaphore(%dma_wait3A_341 : memref<!tpu.dma_semaphore, #tpu.memory_space<semaphore_mem>>) src(%dma_wait3A_342 : memref<16384xf32, #tpu.memory_space<hbm>>) dst(%arg6 : memref<16384xf32, #tpu.memory_space<vmem>>)
    %dma_wait3A_343 = arith.constant 0 : i32
    %dma_wait3A_344 = tpu.memref_slice %arg3[%multiple_of3A_310] : memref<4194304xf32, #tpu.memory_space<hbm>> -> memref<16384xf32, #tpu.memory_space<hbm>>
    %dma_wait3A_345 = tpu.memref_slice %arg14[%dma_wait3A_343] : memref<2x!tpu.dma_semaphore, #tpu.memory_space<semaphore_mem>> -> memref<1x!tpu.dma_semaphore, #tpu.memory_space<semaphore_mem>>
    %dma_wait3A_346 = tpu.memref_squeeze %dma_wait3A_345 : memref<1x!tpu.dma_semaphore, #tpu.memory_space<semaphore_mem>> -> memref<!tpu.dma_semaphore, #tpu.memory_space<semaphore_mem>>
    %dma_wait3A_347 = tpu.memref_slice %arg3[%multiple_of3A_310] : memref<4194304xf32, #tpu.memory_space<hbm>> -> memref<16384xf32, #tpu.memory_space<hbm>>
    tpu.wait_dma2 semaphore(%dma_wait3A_346 : memref<!tpu.dma_semaphore, #tpu.memory_space<semaphore_mem>>) src(%dma_wait3A_347 : memref<16384xf32, #tpu.memory_space<hbm>>) dst(%arg8 : memref<16384xf32, #tpu.memory_space<vmem>>)
    %dma_wait3A_348 = arith.constant 0 : i32
    %dma_wait3A_349 = tpu.memref_slice %arg4[%multiple_of3A_337] : memref<1048576xi32, #tpu.memory_space<hbm>> -> memref<4096xi32, #tpu.memory_space<hbm>>
    %dma_wait3A_350 = tpu.memref_slice %arg14[%dma_wait3A_348] : memref<2x!tpu.dma_semaphore, #tpu.memory_space<semaphore_mem>> -> memref<1x!tpu.dma_semaphore, #tpu.memory_space<semaphore_mem>>
    %dma_wait3A_351 = tpu.memref_squeeze %dma_wait3A_350 : memref<1x!tpu.dma_semaphore, #tpu.memory_space<semaphore_mem>> -> memref<!tpu.dma_semaphore, #tpu.memory_space<semaphore_mem>>
    %dma_wait3A_352 = tpu.memref_slice %arg4[%multiple_of3A_337] : memref<1048576xi32, #tpu.memory_space<hbm>> -> memref<4096xi32, #tpu.memory_space<hbm>>
    tpu.wait_dma2 semaphore(%dma_wait3A_351 : memref<!tpu.dma_semaphore, #tpu.memory_space<semaphore_mem>>) src(%dma_wait3A_352 : memref<4096xi32, #tpu.memory_space<hbm>>) dst(%arg10 : memref<4096xi32, #tpu.memory_space<vmem>>)
    %add3A_353 = arith.constant 0 : i32
    %add3A_354 = arith.addi %mul3A_2, %add3A_353 : i32
    %multiple_of3A_355 = tpu.assume_multiple %add3A_354, 16384 : i32
    %dma_wait3A_356 = arith.constant 0 : i32
    %dma_wait3A_357 = tpu.memref_slice %arg5[%multiple_of3A_355] : memref<4194304xf32, #tpu.memory_space<hbm>> -> memref<16384xf32, #tpu.memory_space<hbm>>
    %dma_wait3A_358 = tpu.memref_slice %arg15[%dma_wait3A_356] : memref<2x!tpu.dma_semaphore, #tpu.memory_space<semaphore_mem>> -> memref<1x!tpu.dma_semaphore, #tpu.memory_space<semaphore_mem>>
    %dma_wait3A_359 = tpu.memref_squeeze %dma_wait3A_358 : memref<1x!tpu.dma_semaphore, #tpu.memory_space<semaphore_mem>> -> memref<!tpu.dma_semaphore, #tpu.memory_space<semaphore_mem>>
    %dma_wait3A_360 = tpu.memref_slice %arg5[%multiple_of3A_355] : memref<4194304xf32, #tpu.memory_space<hbm>> -> memref<16384xf32, #tpu.memory_space<hbm>>
    tpu.wait_dma2 semaphore(%dma_wait3A_359 : memref<!tpu.dma_semaphore, #tpu.memory_space<semaphore_mem>>) src(%arg12 : memref<16384xf32, #tpu.memory_space<vmem>>) dst(%dma_wait3A_360 : memref<16384xf32, #tpu.memory_space<hbm>>)
    %iota3A_361 = tpu.iota {dimensions = array<i32: 0>} : vector<16xi32>
    %shift_right_logical3A_362 = arith.constant 2 : i32
    %shift_right_logical3A_363 = vector.broadcast %shift_right_logical3A_362 : i32 to vector<16xi32>
    %shift_right_logical3A_364 = arith.shrui %iota3A_361, %shift_right_logical3A_363 : vector<16xi32>
    %and3A_365 = arith.constant 3 : i32
    %and3A_366 = vector.broadcast %and3A_365 : i32 to vector<16xi32>
    %and3A_367 = arith.andi %iota3A_361, %and3A_366 : vector<16xi32>
    %shift_left3A_368 = arith.constant 3 : i32
    %shift_left3A_369 = vector.broadcast %shift_left3A_368 : i32 to vector<16xi32>
    %shift_left3A_370 = arith.shli %and3A_367, %shift_left3A_369 : vector<16xi32>
    %scan3A_371 = arith.constant 0 : i32
    %scan3A_372 = arith.constant 0 : i32
    %scan3A_373 = arith.constant 256 : i32
    %scan3A_374 = arith.addi %scan3A_372, %scan3A_373 : i32
    %scan3A_375 = arith.constant 1 : i32
    %scan3A_376 = scf.for %scan3A_972 = %scan3A_372 to %scan3A_374 step %scan3A_375 iter_args(%scan3A_973 = %scan3A_371) -> (i32)  : i32 {
      %mul3A_974 = arith.constant 16 : i32
      %mul3A_975 = arith.muli %scan3A_972, %mul3A_974 : i32
      %get3A = arith.index_cast %mul3A_975 : i32 to index
      %get3A_976 = tpu.vector_load %arg10[%get3A] {strides = array<i32>} : memref<4096xi32, #tpu.memory_space<vmem>>, vector<16xi32>,
      %get3A_977 = vector.shape_cast %get3A_976 : vector<16xi32> to vector<16xi32>
      %mul3A_978 = arith.constant 64 : i32
      %mul3A_979 = arith.muli %scan3A_972, %mul3A_978 : i32
      %add3A_980 = arith.constant 0 : i32
      %add3A_981 = arith.addi %mul3A_979, %add3A_980 : i32
      %get3A_982 = arith.index_cast %add3A_981 : i32 to index
      %get3A_983 = tpu.vector_load %arg6[%get3A_982] {strides = array<i32>} : memref<16384xf32, #tpu.memory_space<vmem>>, vector<16xf32>,
      %get3A_984 = vector.shape_cast %get3A_983 : vector<16xf32> to vector<16xf32>
      %get3A_985 = arith.index_cast %add3A_981 : i32 to index
      %get3A_986 = tpu.vector_load %arg8[%get3A_985] {strides = array<i32>} : memref<16384xf32, #tpu.memory_space<vmem>>, vector<16xf32>,
      %get3A_987 = vector.shape_cast %get3A_986 : vector<16xf32> to vector<16xf32>
      %abs3A = math.absf %get3A_984 : vector<16xf32>
      %min3A = arith.constant 8.000000e+00 : f32
      %min3A_988 = vector.broadcast %min3A : f32 to vector<16xf32>
      %min3A_989 = arith.minimumf %abs3A, %min3A_988 : vector<16xf32>
      %mul3A_990 = arith.constant -4.23574238E-6 : f32
      %mul3A_991 = vector.broadcast %mul3A_990 : f32 to vector<16xf32>
      %mul3A_992 = arith.mulf %mul3A_991, %min3A_989 : vector<16xf32>
      %add3A_993 = arith.constant 3.74917909E-5 : f32
      %add3A_994 = vector.broadcast %add3A_993 : f32 to vector<16xf32>
      %add3A_995 = arith.addf %mul3A_992, %add3A_994 : vector<16xf32>
      %mul3A_996 = arith.mulf %add3A_995, %min3A_989 : vector<16xf32>
      %add3A_997 = arith.constant 0.00110166182 : f32
      %add3A_998 = vector.broadcast %add3A_997 : f32 to vector<16xf32>
      %add3A_999 = arith.addf %mul3A_996, %add3A_998 : vector<16xf32>
      %mul3A_1000 = arith.mulf %add3A_999, %min3A_989 : vector<16xf32>
      %add3A_1001 = arith.constant -0.0215470828 : f32
      %add3A_1002 = vector.broadcast %add3A_1001 : f32 to vector<16xf32>
      %add3A_1003 = arith.addf %mul3A_1000, %add3A_1002 : vector<16xf32>
      %mul3A_1004 = arith.mulf %add3A_1003, %min3A_989 : vector<16xf32>
      %add3A_1005 = arith.constant 0.153337061 : f32
      %add3A_1006 = vector.broadcast %add3A_1005 : f32 to vector<16xf32>
      %add3A_1007 = arith.addf %mul3A_1004, %add3A_1006 : vector<16xf32>
      %mul3A_1008 = arith.mulf %add3A_1007, %min3A_989 : vector<16xf32>
      %add3A_1009 = arith.constant -0.513292253 : f32
      %add3A_1010 = vector.broadcast %add3A_1009 : f32 to vector<16xf32>
      %add3A_1011 = arith.addf %mul3A_1008, %add3A_1010 : vector<16xf32>
      %mul3A_1012 = arith.mulf %add3A_1011, %min3A_989 : vector<16xf32>
      %add3A_1013 = arith.constant 0.694155812 : f32
      %add3A_1014 = vector.broadcast %add3A_1013 : f32 to vector<16xf32>
      %add3A_1015 = arith.addf %mul3A_1012, %add3A_1014 : vector<16xf32>
      %max3A = arith.constant 0.000000e+00 : f32
      %max3A_1016 = vector.broadcast %max3A : f32 to vector<16xf32>
      %max3A_1017 = arith.maximumf %get3A_984, %max3A_1016 : vector<16xf32>
      %mul3A_1018 = arith.mulf %get3A_984, %get3A_987 : vector<16xf32>
      %sub3A_1019 = arith.subf %max3A_1017, %mul3A_1018 : vector<16xf32>
      %add3A_1020 = arith.addf %sub3A_1019, %add3A_1015 : vector<16xf32>
      %add3A_1021 = arith.constant 0 : i32
      %add3A_1022 = vector.broadcast %add3A_1021 : i32 to vector<16xi32>
      %add3A_1023 = arith.addi %shift_right_logical3A_364, %add3A_1022 : vector<16xi32>
      %broadcast_in_dim3A = vector.shape_cast %add3A_1023 : vector<16xi32> to vector<16x1xi32>
      %gather3A = vector.shape_cast %broadcast_in_dim3A : vector<16x1xi32> to vector<16xi32>
      %gather3A_1024 = tpu.dynamic_gather %get3A_977[%gather3A] in [0] : vector<16xi32>, vector<16xi32> -> vector<16xi32>
      %shift_right_logical3A_1025 = arith.shrui %gather3A_1024, %shift_left3A_370 : vector<16xi32>
      %and3A_1026 = arith.constant 1 : i32
      %and3A_1027 = vector.broadcast %and3A_1026 : i32 to vector<16xi32>
      %and3A_1028 = arith.andi %shift_right_logical3A_1025, %and3A_1027 : vector<16xi32>
      %convert_element_type3A = arith.sitofp %and3A_1028 : vector<16xi32> to vector<16xf32>
      %mul3A_1029 = arith.mulf %add3A_1020, %convert_element_type3A : vector<16xf32>
      %swap3A = arith.index_cast %add3A_981 : i32 to index
      %swap3A_1030 = tpu.vector_load %arg12[%swap3A] {strides = array<i32>} : memref<16384xf32, #tpu.memory_space<vmem>>, vector<16xf32>,
      %swap3A_1031 = vector.shape_cast %swap3A_1030 : vector<16xf32> to vector<16xf32>
      %swap3A_1032 = vector.shape_cast %mul3A_1029 : vector<16xf32> to vector<16xf32>
      tpu.vector_store %arg12[%swap3A], %swap3A_1032 {strides = array<i32>} : memref<16384xf32, #tpu.memory_space<vmem>>, vector<16xf32>,
      %mul3A_1033 = arith.constant 64 : i32
      %mul3A_1034 = arith.muli %scan3A_972, %mul3A_1033 : i32
      %add3A_1035 = arith.constant 16 : i32
      %add3A_1036 = arith.addi %mul3A_1034, %add3A_1035 : i32
      %get3A_1037 = arith.index_cast %add3A_1036 : i32 to index
      %get3A_1038 = tpu.vector_load %arg6[%get3A_1037] {strides = array<i32>} : memref<16384xf32, #tpu.memory_space<vmem>>, vector<16xf32>,
      %get3A_1039 = vector.shape_cast %get3A_1038 : vector<16xf32> to vector<16xf32>
      %get3A_1040 = arith.index_cast %add3A_1036 : i32 to index
      %get3A_1041 = tpu.vector_load %arg8[%get3A_1040] {strides = array<i32>} : memref<16384xf32, #tpu.memory_space<vmem>>, vector<16xf32>,
      %get3A_1042 = vector.shape_cast %get3A_1041 : vector<16xf32> to vector<16xf32>
      %abs3A_1043 = math.absf %get3A_1039 : vector<16xf32>
      %min3A_1044 = arith.constant 8.000000e+00 : f32
      %min3A_1045 = vector.broadcast %min3A_1044 : f32 to vector<16xf32>
      %min3A_1046 = arith.minimumf %abs3A_1043, %min3A_1045 : vector<16xf32>
      %mul3A_1047 = arith.constant -4.23574238E-6 : f32
      %mul3A_1048 = vector.broadcast %mul3A_1047 : f32 to vector<16xf32>
      %mul3A_1049 = arith.mulf %mul3A_1048, %min3A_1046 : vector<16xf32>
      %add3A_1050 = arith.constant 3.74917909E-5 : f32
      %add3A_1051 = vector.broadcast %add3A_1050 : f32 to vector<16xf32>
      %add3A_1052 = arith.addf %mul3A_1049, %add3A_1051 : vector<16xf32>
      %mul3A_1053 = arith.mulf %add3A_1052, %min3A_1046 : vector<16xf32>
      %add3A_1054 = arith.constant 0.00110166182 : f32
      %add3A_1055 = vector.broadcast %add3A_1054 : f32 to vector<16xf32>
      %add3A_1056 = arith.addf %mul3A_1053, %add3A_1055 : vector<16xf32>
      %mul3A_1057 = arith.mulf %add3A_1056, %min3A_1046 : vector<16xf32>
      %add3A_1058 = arith.constant -0.0215470828 : f32
      %add3A_1059 = vector.broadcast %add3A_1058 : f32 to vector<16xf32>
      %add3A_1060 = arith.addf %mul3A_1057, %add3A_1059 : vector<16xf32>
      %mul3A_1061 = arith.mulf %add3A_1060, %min3A_1046 : vector<16xf32>
      %add3A_1062 = arith.constant 0.153337061 : f32
      %add3A_1063 = vector.broadcast %add3A_1062 : f32 to vector<16xf32>
      %add3A_1064 = arith.addf %mul3A_1061, %add3A_1063 : vector<16xf32>
      %mul3A_1065 = arith.mulf %add3A_1064, %min3A_1046 : vector<16xf32>
      %add3A_1066 = arith.constant -0.513292253 : f32
      %add3A_1067 = vector.broadcast %add3A_1066 : f32 to vector<16xf32>
      %add3A_1068 = arith.addf %mul3A_1065, %add3A_1067 : vector<16xf32>
      %mul3A_1069 = arith.mulf %add3A_1068, %min3A_1046 : vector<16xf32>
      %add3A_1070 = arith.constant 0.694155812 : f32
      %add3A_1071 = vector.broadcast %add3A_1070 : f32 to vector<16xf32>
      %add3A_1072 = arith.addf %mul3A_1069, %add3A_1071 : vector<16xf32>
      %max3A_1073 = arith.constant 0.000000e+00 : f32
      %max3A_1074 = vector.broadcast %max3A_1073 : f32 to vector<16xf32>
      %max3A_1075 = arith.maximumf %get3A_1039, %max3A_1074 : vector<16xf32>
      %mul3A_1076 = arith.mulf %get3A_1039, %get3A_1042 : vector<16xf32>
      %sub3A_1077 = arith.subf %max3A_1075, %mul3A_1076 : vector<16xf32>
      %add3A_1078 = arith.addf %sub3A_1077, %add3A_1072 : vector<16xf32>
      %add3A_1079 = arith.constant 4 : i32
      %add3A_1080 = vector.broadcast %add3A_1079 : i32 to vector<16xi32>
      %add3A_1081 = arith.addi %shift_right_logical3A_364, %add3A_1080 : vector<16xi32>
      %broadcast_in_dim3A_1082 = vector.shape_cast %add3A_1081 : vector<16xi32> to vector<16x1xi32>
      %gather3A_1083 = vector.shape_cast %broadcast_in_dim3A_1082 : vector<16x1xi32> to vector<16xi32>
      %gather3A_1084 = tpu.dynamic_gather %get3A_977[%gather3A_1083] in [0] : vector<16xi32>, vector<16xi32> -> vector<16xi32>
      %shift_right_logical3A_1085 = arith.shrui %gather3A_1084, %shift_left3A_370 : vector<16xi32>
      %and3A_1086 = arith.constant 1 : i32
      %and3A_1087 = vector.broadcast %and3A_1086 : i32 to vector<16xi32>
      %and3A_1088 = arith.andi %shift_right_logical3A_1085, %and3A_1087 : vector<16xi32>
      %convert_element_type3A_1089 = arith.sitofp %and3A_1088 : vector<16xi32> to vector<16xf32>
      %mul3A_1090 = arith.mulf %add3A_1078, %convert_element_type3A_1089 : vector<16xf32>
      %swap3A_1091 = arith.index_cast %add3A_1036 : i32 to index
      %swap3A_1092 = tpu.vector_load %arg12[%swap3A_1091] {strides = array<i32>} : memref<16384xf32, #tpu.memory_space<vmem>>, vector<16xf32>,
      %swap3A_1093 = vector.shape_cast %swap3A_1092 : vector<16xf32> to vector<16xf32>
      %swap3A_1094 = vector.shape_cast %mul3A_1090 : vector<16xf32> to vector<16xf32>
      tpu.vector_store %arg12[%swap3A_1091], %swap3A_1094 {strides = array<i32>} : memref<16384xf32, #tpu.memory_space<vmem>>, vector<16xf32>,
      %mul3A_1095 = arith.constant 64 : i32
      %mul3A_1096 = arith.muli %scan3A_972, %mul3A_1095 : i32
      %add3A_1097 = arith.constant 32 : i32
      %add3A_1098 = arith.addi %mul3A_1096, %add3A_1097 : i32
      %get3A_1099 = arith.index_cast %add3A_1098 : i32 to index
      %get3A_1100 = tpu.vector_load %arg6[%get3A_1099] {strides = array<i32>} : memref<16384xf32, #tpu.memory_space<vmem>>, vector<16xf32>,
      %get3A_1101 = vector.shape_cast %get3A_1100 : vector<16xf32> to vector<16xf32>
      %get3A_1102 = arith.index_cast %add3A_1098 : i32 to index
      %get3A_1103 = tpu.vector_load %arg8[%get3A_1102] {strides = array<i32>} : memref<16384xf32, #tpu.memory_space<vmem>>, vector<16xf32>,
      %get3A_1104 = vector.shape_cast %get3A_1103 : vector<16xf32> to vector<16xf32>
      %abs3A_1105 = math.absf %get3A_1101 : vector<16xf32>
      %min3A_1106 = arith.constant 8.000000e+00 : f32
      %min3A_1107 = vector.broadcast %min3A_1106 : f32 to vector<16xf32>
      %min3A_1108 = arith.minimumf %abs3A_1105, %min3A_1107 : vector<16xf32>
      %mul3A_1109 = arith.constant -4.23574238E-6 : f32
      %mul3A_1110 = vector.broadcast %mul3A_1109 : f32 to vector<16xf32>
      %mul3A_1111 = arith.mulf %mul3A_1110, %min3A_1108 : vector<16xf32>
      %add3A_1112 = arith.constant 3.74917909E-5 : f32
      %add3A_1113 = vector.broadcast %add3A_1112 : f32 to vector<16xf32>
      %add3A_1114 = arith.addf %mul3A_1111, %add3A_1113 : vector<16xf32>
      %mul3A_1115 = arith.mulf %add3A_1114, %min3A_1108 : vector<16xf32>
      %add3A_1116 = arith.constant 0.00110166182 : f32
      %add3A_1117 = vector.broadcast %add3A_1116 : f32 to vector<16xf32>
      %add3A_1118 = arith.addf %mul3A_1115, %add3A_1117 : vector<16xf32>
      %mul3A_1119 = arith.mulf %add3A_1118, %min3A_1108 : vector<16xf32>
      %add3A_1120 = arith.constant -0.0215470828 : f32
      %add3A_1121 = vector.broadcast %add3A_1120 : f32 to vector<16xf32>
      %add3A_1122 = arith.addf %mul3A_1119, %add3A_1121 : vector<16xf32>
      %mul3A_1123 = arith.mulf %add3A_1122, %min3A_1108 : vector<16xf32>
      %add3A_1124 = arith.constant 0.153337061 : f32
      %add3A_1125 = vector.broadcast %add3A_1124 : f32 to vector<16xf32>
      %add3A_1126 = arith.addf %mul3A_1123, %add3A_1125 : vector<16xf32>
      %mul3A_1127 = arith.mulf %add3A_1126, %min3A_1108 : vector<16xf32>
      %add3A_1128 = arith.constant -0.513292253 : f32
      %add3A_1129 = vector.broadcast %add3A_1128 : f32 to vector<16xf32>
      %add3A_1130 = arith.addf %mul3A_1127, %add3A_1129 : vector<16xf32>
      %mul3A_1131 = arith.mulf %add3A_1130, %min3A_1108 : vector<16xf32>
      %add3A_1132 = arith.constant 0.694155812 : f32
      %add3A_1133 = vector.broadcast %add3A_1132 : f32 to vector<16xf32>
      %add3A_1134 = arith.addf %mul3A_1131, %add3A_1133 : vector<16xf32>
      %max3A_1135 = arith.constant 0.000000e+00 : f32
      %max3A_1136 = vector.broadcast %max3A_1135 : f32 to vector<16xf32>
      %max3A_1137 = arith.maximumf %get3A_1101, %max3A_1136 : vector<16xf32>
      %mul3A_1138 = arith.mulf %get3A_1101, %get3A_1104 : vector<16xf32>
      %sub3A_1139 = arith.subf %max3A_1137, %mul3A_1138 : vector<16xf32>
      %add3A_1140 = arith.addf %sub3A_1139, %add3A_1134 : vector<16xf32>
      %add3A_1141 = arith.constant 8 : i32
      %add3A_1142 = vector.broadcast %add3A_1141 : i32 to vector<16xi32>
      %add3A_1143 = arith.addi %shift_right_logical3A_364, %add3A_1142 : vector<16xi32>
      %broadcast_in_dim3A_1144 = vector.shape_cast %add3A_1143 : vector<16xi32> to vector<16x1xi32>
      %gather3A_1145 = vector.shape_cast %broadcast_in_dim3A_1144 : vector<16x1xi32> to vector<16xi32>
      %gather3A_1146 = tpu.dynamic_gather %get3A_977[%gather3A_1145] in [0] : vector<16xi32>, vector<16xi32> -> vector<16xi32>
      %shift_right_logical3A_1147 = arith.shrui %gather3A_1146, %shift_left3A_370 : vector<16xi32>
      %and3A_1148 = arith.constant 1 : i32
      %and3A_1149 = vector.broadcast %and3A_1148 : i32 to vector<16xi32>
      %and3A_1150 = arith.andi %shift_right_logical3A_1147, %and3A_1149 : vector<16xi32>
      %convert_element_type3A_1151 = arith.sitofp %and3A_1150 : vector<16xi32> to vector<16xf32>
      %mul3A_1152 = arith.mulf %add3A_1140, %convert_element_type3A_1151 : vector<16xf32>
      %swap3A_1153 = arith.index_cast %add3A_1098 : i32 to index
      %swap3A_1154 = tpu.vector_load %arg12[%swap3A_1153] {strides = array<i32>} : memref<16384xf32, #tpu.memory_space<vmem>>, vector<16xf32>,
      %swap3A_1155 = vector.shape_cast %swap3A_1154 : vector<16xf32> to vector<16xf32>
      %swap3A_1156 = vector.shape_cast %mul3A_1152 : vector<16xf32> to vector<16xf32>
      tpu.vector_store %arg12[%swap3A_1153], %swap3A_1156 {strides = array<i32>} : memref<16384xf32, #tpu.memory_space<vmem>>, vector<16xf32>,
      %mul3A_1157 = arith.constant 64 : i32
      %mul3A_1158 = arith.muli %scan3A_972, %mul3A_1157 : i32
      %add3A_1159 = arith.constant 48 : i32
      %add3A_1160 = arith.addi %mul3A_1158, %add3A_1159 : i32
      %get3A_1161 = arith.index_cast %add3A_1160 : i32 to index
      %get3A_1162 = tpu.vector_load %arg6[%get3A_1161] {strides = array<i32>} : memref<16384xf32, #tpu.memory_space<vmem>>, vector<16xf32>,
      %get3A_1163 = vector.shape_cast %get3A_1162 : vector<16xf32> to vector<16xf32>
      %get3A_1164 = arith.index_cast %add3A_1160 : i32 to index
      %get3A_1165 = tpu.vector_load %arg8[%get3A_1164] {strides = array<i32>} : memref<16384xf32, #tpu.memory_space<vmem>>, vector<16xf32>,
      %get3A_1166 = vector.shape_cast %get3A_1165 : vector<16xf32> to vector<16xf32>
      %abs3A_1167 = math.absf %get3A_1163 : vector<16xf32>
      %min3A_1168 = arith.constant 8.000000e+00 : f32
      %min3A_1169 = vector.broadcast %min3A_1168 : f32 to vector<16xf32>
      %min3A_1170 = arith.minimumf %abs3A_1167, %min3A_1169 : vector<16xf32>
      %mul3A_1171 = arith.constant -4.23574238E-6 : f32
      %mul3A_1172 = vector.broadcast %mul3A_1171 : f32 to vector<16xf32>
      %mul3A_1173 = arith.mulf %mul3A_1172, %min3A_1170 : vector<16xf32>
      %add3A_1174 = arith.constant 3.74917909E-5 : f32
      %add3A_1175 = vector.broadcast %add3A_1174 : f32 to vector<16xf32>
      %add3A_1176 = arith.addf %mul3A_1173, %add3A_1175 : vector<16xf32>
      %mul3A_1177 = arith.mulf %add3A_1176, %min3A_1170 : vector<16xf32>
      %add3A_1178 = arith.constant 0.00110166182 : f32
      %add3A_1179 = vector.broadcast %add3A_1178 : f32 to vector<16xf32>
      %add3A_1180 = arith.addf %mul3A_1177, %add3A_1179 : vector<16xf32>
      %mul3A_1181 = arith.mulf %add3A_1180, %min3A_1170 : vector<16xf32>
      %add3A_1182 = arith.constant -0.0215470828 : f32
      %add3A_1183 = vector.broadcast %add3A_1182 : f32 to vector<16xf32>
      %add3A_1184 = arith.addf %mul3A_1181, %add3A_1183 : vector<16xf32>
      %mul3A_1185 = arith.mulf %add3A_1184, %min3A_1170 : vector<16xf32>
      %add3A_1186 = arith.constant 0.153337061 : f32
      %add3A_1187 = vector.broadcast %add3A_1186 : f32 to vector<16xf32>
      %add3A_1188 = arith.addf %mul3A_1185, %add3A_1187 : vector<16xf32>
      %mul3A_1189 = arith.mulf %add3A_1188, %min3A_1170 : vector<16xf32>
      %add3A_1190 = arith.constant -0.513292253 : f32
      %add3A_1191 = vector.broadcast %add3A_1190 : f32 to vector<16xf32>
      %add3A_1192 = arith.addf %mul3A_1189, %add3A_1191 : vector<16xf32>
      %mul3A_1193 = arith.mulf %add3A_1192, %min3A_1170 : vector<16xf32>
      %add3A_1194 = arith.constant 0.694155812 : f32
      %add3A_1195 = vector.broadcast %add3A_1194 : f32 to vector<16xf32>
      %add3A_1196 = arith.addf %mul3A_1193, %add3A_1195 : vector<16xf32>
      %max3A_1197 = arith.constant 0.000000e+00 : f32
      %max3A_1198 = vector.broadcast %max3A_1197 : f32 to vector<16xf32>
      %max3A_1199 = arith.maximumf %get3A_1163, %max3A_1198 : vector<16xf32>
      %mul3A_1200 = arith.mulf %get3A_1163, %get3A_1166 : vector<16xf32>
      %sub3A_1201 = arith.subf %max3A_1199, %mul3A_1200 : vector<16xf32>
      %add3A_1202 = arith.addf %sub3A_1201, %add3A_1196 : vector<16xf32>
      %add3A_1203 = arith.constant 12 : i32
      %add3A_1204 = vector.broadcast %add3A_1203 : i32 to vector<16xi32>
      %add3A_1205 = arith.addi %shift_right_logical3A_364, %add3A_1204 : vector<16xi32>
      %broadcast_in_dim3A_1206 = vector.shape_cast %add3A_1205 : vector<16xi32> to vector<16x1xi32>
      %gather3A_1207 = vector.shape_cast %broadcast_in_dim3A_1206 : vector<16x1xi32> to vector<16xi32>
      %gather3A_1208 = tpu.dynamic_gather %get3A_977[%gather3A_1207] in [0] : vector<16xi32>, vector<16xi32> -> vector<16xi32>
      %shift_right_logical3A_1209 = arith.shrui %gather3A_1208, %shift_left3A_370 : vector<16xi32>
      %and3A_1210 = arith.constant 1 : i32
      %and3A_1211 = vector.broadcast %and3A_1210 : i32 to vector<16xi32>
      %and3A_1212 = arith.andi %shift_right_logical3A_1209, %and3A_1211 : vector<16xi32>
      %convert_element_type3A_1213 = arith.sitofp %and3A_1212 : vector<16xi32> to vector<16xf32>
      %mul3A_1214 = arith.mulf %add3A_1202, %convert_element_type3A_1213 : vector<16xf32>
      %swap3A_1215 = arith.index_cast %add3A_1160 : i32 to index
      %swap3A_1216 = tpu.vector_load %arg12[%swap3A_1215] {strides = array<i32>} : memref<16384xf32, #tpu.memory_space<vmem>>, vector<16xf32>,
      %swap3A_1217 = vector.shape_cast %swap3A_1216 : vector<16xf32> to vector<16xf32>
      %swap3A_1218 = vector.shape_cast %mul3A_1214 : vector<16xf32> to vector<16xf32>
      tpu.vector_store %arg12[%swap3A_1215], %swap3A_1218 {strides = array<i32>} : memref<16384xf32, #tpu.memory_space<vmem>>, vector<16xf32>,
      %scan3A_1219 = arith.constant 0 : i32
      scf.yield %scan3A_1219 : i32
    }
    %scan3A_377 = arith.constant 256 : i32
    %add3A_378 = arith.constant 32768 : i32
    %add3A_379 = arith.addi %mul3A_2, %add3A_378 : i32
    %multiple_of3A_380 = tpu.assume_multiple %add3A_379, 16384 : i32
    %dma_start3A_381 = arith.constant 0 : i32
    %dma_start3A_382 = tpu.memref_slice %arg5[%multiple_of3A_380] : memref<4194304xf32, #tpu.memory_space<hbm>> -> memref<16384xf32, #tpu.memory_space<hbm>>
    %dma_start3A_383 = tpu.memref_slice %arg15[%dma_start3A_381] : memref<2x!tpu.dma_semaphore, #tpu.memory_space<semaphore_mem>> -> memref<1x!tpu.dma_semaphore, #tpu.memory_space<semaphore_mem>>
    %dma_start3A_384 = tpu.memref_squeeze %dma_start3A_383 : memref<1x!tpu.dma_semaphore, #tpu.memory_space<semaphore_mem>> -> memref<!tpu.dma_semaphore, #tpu.memory_space<semaphore_mem>>
    %dma_start3A_385 = tpu.memref_slice %arg5[%multiple_of3A_380] : memref<4194304xf32, #tpu.memory_space<hbm>> -> memref<16384xf32, #tpu.memory_space<hbm>>
    tpu.enqueue_dma source(%arg12 : memref<16384xf32, #tpu.memory_space<vmem>>) target(%dma_start3A_385 : memref<16384xf32, #tpu.memory_space<hbm>>) target_semaphore(%dma_start3A_384 : memref<!tpu.dma_semaphore, #tpu.memory_space<semaphore_mem>>)
    %add3A_386 = arith.constant 65536 : i32
    %add3A_387 = arith.addi %mul3A_2, %add3A_386 : i32
    %multiple_of3A_388 = tpu.assume_multiple %add3A_387, 16384 : i32
    %add3A_389 = arith.constant 65536 : i32
    %add3A_390 = arith.addi %mul3A_2, %add3A_389 : i32
    %jit3A_391 = arith.constant 4 : i32
    %div3A_392 = arith.divsi %add3A_390, %jit3A_391 : i32
    %sign3A_393 = arith.constant 0 : i32
    %sign3A_394 = arith.cmpi sgt, %add3A_390, %sign3A_393 : i32
    %sign3A_395 = arith.extui %sign3A_394 : i1 to i32
    %sign3A_396 = arith.constant 0 : i32
    %sign3A_397 = arith.cmpi slt, %add3A_390, %sign3A_396 : i32
    %sign3A_398 = arith.extui %sign3A_397 : i1 to i32
    %sign3A_399 = arith.subi %sign3A_395, %sign3A_398 : i32
    %sign3A_400 = arith.constant 0 : i32
    %sign3A_401 = arith.cmpi sgt, %jit3A_391, %sign3A_400 : i32
    %sign3A_402 = arith.extui %sign3A_401 : i1 to i32
    %sign3A_403 = arith.constant 0 : i32
    %sign3A_404 = arith.cmpi slt, %jit3A_391, %sign3A_403 : i32
    %sign3A_405 = arith.extui %sign3A_404 : i1 to i32
    %sign3A_406 = arith.subi %sign3A_402, %sign3A_405 : i32
    %ne3A_407 = arith.cmpi ne, %sign3A_399, %sign3A_406 : i32
    %rem3A_408 = arith.remsi %add3A_390, %jit3A_391 : i32
    %ne3A_409 = arith.constant 0 : i32
    %ne3A_410 = arith.cmpi ne, %rem3A_408, %ne3A_409 : i32
    %and3A_411 = arith.andi %ne3A_407, %ne3A_410 : i1
    %sub3A_412 = arith.constant 1 : i32
    %sub3A_413 = arith.subi %div3A_392, %sub3A_412 : i32
    %select_n3A_414 = arith.select %and3A_411, %sub3A_413, %div3A_392 : i32
    %multiple_of3A_415 = tpu.assume_multiple %select_n3A_414, 4096 : i32
    %dma_start3A_416 = arith.constant 0 : i32
    %dma_start3A_417 = tpu.memref_slice %arg2[%multiple_of3A_388] : memref<4194304xf32, #tpu.memory_space<hbm>> -> memref<16384xf32, #tpu.memory_space<hbm>>
    %dma_start3A_418 = tpu.memref_slice %arg14[%dma_start3A_416] : memref<2x!tpu.dma_semaphore, #tpu.memory_space<semaphore_mem>> -> memref<1x!tpu.dma_semaphore, #tpu.memory_space<semaphore_mem>>
    %dma_start3A_419 = tpu.memref_squeeze %dma_start3A_418 : memref<1x!tpu.dma_semaphore, #tpu.memory_space<semaphore_mem>> -> memref<!tpu.dma_semaphore, #tpu.memory_space<semaphore_mem>>
    %dma_start3A_420 = tpu.memref_slice %arg2[%multiple_of3A_388] : memref<4194304xf32, #tpu.memory_space<hbm>> -> memref<16384xf32, #tpu.memory_space<hbm>>
    tpu.enqueue_dma source(%dma_start3A_420 : memref<16384xf32, #tpu.memory_space<hbm>>) target(%arg6 : memref<16384xf32, #tpu.memory_space<vmem>>) target_semaphore(%dma_start3A_419 : memref<!tpu.dma_semaphore, #tpu.memory_space<semaphore_mem>>)
    %dma_start3A_421 = arith.constant 0 : i32
    %dma_start3A_422 = tpu.memref_slice %arg3[%multiple_of3A_388] : memref<4194304xf32, #tpu.memory_space<hbm>> -> memref<16384xf32, #tpu.memory_space<hbm>>
    %dma_start3A_423 = tpu.memref_slice %arg14[%dma_start3A_421] : memref<2x!tpu.dma_semaphore, #tpu.memory_space<semaphore_mem>> -> memref<1x!tpu.dma_semaphore, #tpu.memory_space<semaphore_mem>>
    %dma_start3A_424 = tpu.memref_squeeze %dma_start3A_423 : memref<1x!tpu.dma_semaphore, #tpu.memory_space<semaphore_mem>> -> memref<!tpu.dma_semaphore, #tpu.memory_space<semaphore_mem>>
    %dma_start3A_425 = tpu.memref_slice %arg3[%multiple_of3A_388] : memref<4194304xf32, #tpu.memory_space<hbm>> -> memref<16384xf32, #tpu.memory_space<hbm>>
    tpu.enqueue_dma source(%dma_start3A_425 : memref<16384xf32, #tpu.memory_space<hbm>>) target(%arg8 : memref<16384xf32, #tpu.memory_space<vmem>>) target_semaphore(%dma_start3A_424 : memref<!tpu.dma_semaphore, #tpu.memory_space<semaphore_mem>>)
    %dma_start3A_426 = arith.constant 0 : i32
    %dma_start3A_427 = tpu.memref_slice %arg4[%multiple_of3A_415] : memref<1048576xi32, #tpu.memory_space<hbm>> -> memref<4096xi32, #tpu.memory_space<hbm>>
    %dma_start3A_428 = tpu.memref_slice %arg14[%dma_start3A_426] : memref<2x!tpu.dma_semaphore, #tpu.memory_space<semaphore_mem>> -> memref<1x!tpu.dma_semaphore, #tpu.memory_space<semaphore_mem>>
    %dma_start3A_429 = tpu.memref_squeeze %dma_start3A_428 : memref<1x!tpu.dma_semaphore, #tpu.memory_space<semaphore_mem>> -> memref<!tpu.dma_semaphore, #tpu.memory_space<semaphore_mem>>
    %dma_start3A_430 = tpu.memref_slice %arg4[%multiple_of3A_415] : memref<1048576xi32, #tpu.memory_space<hbm>> -> memref<4096xi32, #tpu.memory_space<hbm>>
    tpu.enqueue_dma source(%dma_start3A_430 : memref<4096xi32, #tpu.memory_space<hbm>>) target(%arg10 : memref<4096xi32, #tpu.memory_space<vmem>>) target_semaphore(%dma_start3A_429 : memref<!tpu.dma_semaphore, #tpu.memory_space<semaphore_mem>>)
    %add3A_431 = arith.constant 49152 : i32
    %add3A_432 = arith.addi %mul3A_2, %add3A_431 : i32
    %multiple_of3A_433 = tpu.assume_multiple %add3A_432, 16384 : i32
    %add3A_434 = arith.constant 49152 : i32
    %add3A_435 = arith.addi %mul3A_2, %add3A_434 : i32
    %jit3A_436 = arith.constant 4 : i32
    %div3A_437 = arith.divsi %add3A_435, %jit3A_436 : i32
    %sign3A_438 = arith.constant 0 : i32
    %sign3A_439 = arith.cmpi sgt, %add3A_435, %sign3A_438 : i32
    %sign3A_440 = arith.extui %sign3A_439 : i1 to i32
    %sign3A_441 = arith.constant 0 : i32
    %sign3A_442 = arith.cmpi slt, %add3A_435, %sign3A_441 : i32
    %sign3A_443 = arith.extui %sign3A_442 : i1 to i32
    %sign3A_444 = arith.subi %sign3A_440, %sign3A_443 : i32
    %sign3A_445 = arith.constant 0 : i32
    %sign3A_446 = arith.cmpi sgt, %jit3A_436, %sign3A_445 : i32
    %sign3A_447 = arith.extui %sign3A_446 : i1 to i32
    %sign3A_448 = arith.constant 0 : i32
    %sign3A_449 = arith.cmpi slt, %jit3A_436, %sign3A_448 : i32
    %sign3A_450 = arith.extui %sign3A_449 : i1 to i32
    %sign3A_451 = arith.subi %sign3A_447, %sign3A_450 : i32
    %ne3A_452 = arith.cmpi ne, %sign3A_444, %sign3A_451 : i32
    %rem3A_453 = arith.remsi %add3A_435, %jit3A_436 : i32
    %ne3A_454 = arith.constant 0 : i32
    %ne3A_455 = arith.cmpi ne, %rem3A_453, %ne3A_454 : i32
    %and3A_456 = arith.andi %ne3A_452, %ne3A_455 : i1
    %sub3A_457 = arith.constant 1 : i32
    %sub3A_458 = arith.subi %div3A_437, %sub3A_457 : i32
    %select_n3A_459 = arith.select %and3A_456, %sub3A_458, %div3A_437 : i32
    %multiple_of3A_460 = tpu.assume_multiple %select_n3A_459, 4096 : i32
    %dma_wait3A_461 = arith.constant 1 : i32
    %dma_wait3A_462 = tpu.memref_slice %arg2[%multiple_of3A_433] : memref<4194304xf32, #tpu.memory_space<hbm>> -> memref<16384xf32, #tpu.memory_space<hbm>>
    %dma_wait3A_463 = tpu.memref_slice %arg14[%dma_wait3A_461] : memref<2x!tpu.dma_semaphore, #tpu.memory_space<semaphore_mem>> -> memref<1x!tpu.dma_semaphore, #tpu.memory_space<semaphore_mem>>
    %dma_wait3A_464 = tpu.memref_squeeze %dma_wait3A_463 : memref<1x!tpu.dma_semaphore, #tpu.memory_space<semaphore_mem>> -> memref<!tpu.dma_semaphore, #tpu.memory_space<semaphore_mem>>
    %dma_wait3A_465 = tpu.memref_slice %arg2[%multiple_of3A_433] : memref<4194304xf32, #tpu.memory_space<hbm>> -> memref<16384xf32, #tpu.memory_space<hbm>>
    tpu.wait_dma2 semaphore(%dma_wait3A_464 : memref<!tpu.dma_semaphore, #tpu.memory_space<semaphore_mem>>) src(%dma_wait3A_465 : memref<16384xf32, #tpu.memory_space<hbm>>) dst(%arg7 : memref<16384xf32, #tpu.memory_space<vmem>>)
    %dma_wait3A_466 = arith.constant 1 : i32
    %dma_wait3A_467 = tpu.memref_slice %arg3[%multiple_of3A_433] : memref<4194304xf32, #tpu.memory_space<hbm>> -> memref<16384xf32, #tpu.memory_space<hbm>>
    %dma_wait3A_468 = tpu.memref_slice %arg14[%dma_wait3A_466] : memref<2x!tpu.dma_semaphore, #tpu.memory_space<semaphore_mem>> -> memref<1x!tpu.dma_semaphore, #tpu.memory_space<semaphore_mem>>
    %dma_wait3A_469 = tpu.memref_squeeze %dma_wait3A_468 : memref<1x!tpu.dma_semaphore, #tpu.memory_space<semaphore_mem>> -> memref<!tpu.dma_semaphore, #tpu.memory_space<semaphore_mem>>
    %dma_wait3A_470 = tpu.memref_slice %arg3[%multiple_of3A_433] : memref<4194304xf32, #tpu.memory_space<hbm>> -> memref<16384xf32, #tpu.memory_space<hbm>>
    tpu.wait_dma2 semaphore(%dma_wait3A_469 : memref<!tpu.dma_semaphore, #tpu.memory_space<semaphore_mem>>) src(%dma_wait3A_470 : memref<16384xf32, #tpu.memory_space<hbm>>) dst(%arg9 : memref<16384xf32, #tpu.memory_space<vmem>>)
    %dma_wait3A_471 = arith.constant 1 : i32
    %dma_wait3A_472 = tpu.memref_slice %arg4[%multiple_of3A_460] : memref<1048576xi32, #tpu.memory_space<hbm>> -> memref<4096xi32, #tpu.memory_space<hbm>>
    %dma_wait3A_473 = tpu.memref_slice %arg14[%dma_wait3A_471] : memref<2x!tpu.dma_semaphore, #tpu.memory_space<semaphore_mem>> -> memref<1x!tpu.dma_semaphore, #tpu.memory_space<semaphore_mem>>
    %dma_wait3A_474 = tpu.memref_squeeze %dma_wait3A_473 : memref<1x!tpu.dma_semaphore, #tpu.memory_space<semaphore_mem>> -> memref<!tpu.dma_semaphore, #tpu.memory_space<semaphore_mem>>
    %dma_wait3A_475 = tpu.memref_slice %arg4[%multiple_of3A_460] : memref<1048576xi32, #tpu.memory_space<hbm>> -> memref<4096xi32, #tpu.memory_space<hbm>>
    tpu.wait_dma2 semaphore(%dma_wait3A_474 : memref<!tpu.dma_semaphore, #tpu.memory_space<semaphore_mem>>) src(%dma_wait3A_475 : memref<4096xi32, #tpu.memory_space<hbm>>) dst(%arg11 : memref<4096xi32, #tpu.memory_space<vmem>>)
    %add3A_476 = arith.constant 16384 : i32
    %add3A_477 = arith.addi %mul3A_2, %add3A_476 : i32
    %multiple_of3A_478 = tpu.assume_multiple %add3A_477, 16384 : i32
    %dma_wait3A_479 = arith.constant 1 : i32
    %dma_wait3A_480 = tpu.memref_slice %arg5[%multiple_of3A_478] : memref<4194304xf32, #tpu.memory_space<hbm>> -> memref<16384xf32, #tpu.memory_space<hbm>>
    %dma_wait3A_481 = tpu.memref_slice %arg15[%dma_wait3A_479] : memref<2x!tpu.dma_semaphore, #tpu.memory_space<semaphore_mem>> -> memref<1x!tpu.dma_semaphore, #tpu.memory_space<semaphore_mem>>
    %dma_wait3A_482 = tpu.memref_squeeze %dma_wait3A_481 : memref<1x!tpu.dma_semaphore, #tpu.memory_space<semaphore_mem>> -> memref<!tpu.dma_semaphore, #tpu.memory_space<semaphore_mem>>
    %dma_wait3A_483 = tpu.memref_slice %arg5[%multiple_of3A_478] : memref<4194304xf32, #tpu.memory_space<hbm>> -> memref<16384xf32, #tpu.memory_space<hbm>>
    tpu.wait_dma2 semaphore(%dma_wait3A_482 : memref<!tpu.dma_semaphore, #tpu.memory_space<semaphore_mem>>) src(%arg13 : memref<16384xf32, #tpu.memory_space<vmem>>) dst(%dma_wait3A_483 : memref<16384xf32, #tpu.memory_space<hbm>>)
    %iota3A_484 = tpu.iota {dimensions = array<i32: 0>} : vector<16xi32>
    %shift_right_logical3A_485 = arith.constant 2 : i32
    %shift_right_logical3A_486 = vector.broadcast %shift_right_logical3A_485 : i32 to vector<16xi32>
    %shift_right_logical3A_487 = arith.shrui %iota3A_484, %shift_right_logical3A_486 : vector<16xi32>
    %and3A_488 = arith.constant 3 : i32
    %and3A_489 = vector.broadcast %and3A_488 : i32 to vector<16xi32>
    %and3A_490 = arith.andi %iota3A_484, %and3A_489 : vector<16xi32>
    %shift_left3A_491 = arith.constant 3 : i32
    %shift_left3A_492 = vector.broadcast %shift_left3A_491 : i32 to vector<16xi32>
    %shift_left3A_493 = arith.shli %and3A_490, %shift_left3A_492 : vector<16xi32>
    %scan3A_494 = arith.constant 0 : i32
    %scan3A_495 = arith.constant 0 : i32
    %scan3A_496 = arith.constant 256 : i32
    %scan3A_497 = arith.addi %scan3A_495, %scan3A_496 : i32
    %scan3A_498 = arith.constant 1 : i32
    %scan3A_499 = scf.for %scan3A_972 = %scan3A_495 to %scan3A_497 step %scan3A_498 iter_args(%scan3A_973 = %scan3A_494) -> (i32)  : i32 {
      %mul3A_974 = arith.constant 16 : i32
      %mul3A_975 = arith.muli %scan3A_972, %mul3A_974 : i32
      %get3A = arith.index_cast %mul3A_975 : i32 to index
      %get3A_976 = tpu.vector_load %arg11[%get3A] {strides = array<i32>} : memref<4096xi32, #tpu.memory_space<vmem>>, vector<16xi32>,
      %get3A_977 = vector.shape_cast %get3A_976 : vector<16xi32> to vector<16xi32>
      %mul3A_978 = arith.constant 64 : i32
      %mul3A_979 = arith.muli %scan3A_972, %mul3A_978 : i32
      %add3A_980 = arith.constant 0 : i32
      %add3A_981 = arith.addi %mul3A_979, %add3A_980 : i32
      %get3A_982 = arith.index_cast %add3A_981 : i32 to index
      %get3A_983 = tpu.vector_load %arg7[%get3A_982] {strides = array<i32>} : memref<16384xf32, #tpu.memory_space<vmem>>, vector<16xf32>,
      %get3A_984 = vector.shape_cast %get3A_983 : vector<16xf32> to vector<16xf32>
      %get3A_985 = arith.index_cast %add3A_981 : i32 to index
      %get3A_986 = tpu.vector_load %arg9[%get3A_985] {strides = array<i32>} : memref<16384xf32, #tpu.memory_space<vmem>>, vector<16xf32>,
      %get3A_987 = vector.shape_cast %get3A_986 : vector<16xf32> to vector<16xf32>
      %abs3A = math.absf %get3A_984 : vector<16xf32>
      %min3A = arith.constant 8.000000e+00 : f32
      %min3A_988 = vector.broadcast %min3A : f32 to vector<16xf32>
      %min3A_989 = arith.minimumf %abs3A, %min3A_988 : vector<16xf32>
      %mul3A_990 = arith.constant -4.23574238E-6 : f32
      %mul3A_991 = vector.broadcast %mul3A_990 : f32 to vector<16xf32>
      %mul3A_992 = arith.mulf %mul3A_991, %min3A_989 : vector<16xf32>
      %add3A_993 = arith.constant 3.74917909E-5 : f32
      %add3A_994 = vector.broadcast %add3A_993 : f32 to vector<16xf32>
      %add3A_995 = arith.addf %mul3A_992, %add3A_994 : vector<16xf32>
      %mul3A_996 = arith.mulf %add3A_995, %min3A_989 : vector<16xf32>
      %add3A_997 = arith.constant 0.00110166182 : f32
      %add3A_998 = vector.broadcast %add3A_997 : f32 to vector<16xf32>
      %add3A_999 = arith.addf %mul3A_996, %add3A_998 : vector<16xf32>
      %mul3A_1000 = arith.mulf %add3A_999, %min3A_989 : vector<16xf32>
      %add3A_1001 = arith.constant -0.0215470828 : f32
      %add3A_1002 = vector.broadcast %add3A_1001 : f32 to vector<16xf32>
      %add3A_1003 = arith.addf %mul3A_1000, %add3A_1002 : vector<16xf32>
      %mul3A_1004 = arith.mulf %add3A_1003, %min3A_989 : vector<16xf32>
      %add3A_1005 = arith.constant 0.153337061 : f32
      %add3A_1006 = vector.broadcast %add3A_1005 : f32 to vector<16xf32>
      %add3A_1007 = arith.addf %mul3A_1004, %add3A_1006 : vector<16xf32>
      %mul3A_1008 = arith.mulf %add3A_1007, %min3A_989 : vector<16xf32>
      %add3A_1009 = arith.constant -0.513292253 : f32
      %add3A_1010 = vector.broadcast %add3A_1009 : f32 to vector<16xf32>
      %add3A_1011 = arith.addf %mul3A_1008, %add3A_1010 : vector<16xf32>
      %mul3A_1012 = arith.mulf %add3A_1011, %min3A_989 : vector<16xf32>
      %add3A_1013 = arith.constant 0.694155812 : f32
      %add3A_1014 = vector.broadcast %add3A_1013 : f32 to vector<16xf32>
      %add3A_1015 = arith.addf %mul3A_1012, %add3A_1014 : vector<16xf32>
      %max3A = arith.constant 0.000000e+00 : f32
      %max3A_1016 = vector.broadcast %max3A : f32 to vector<16xf32>
      %max3A_1017 = arith.maximumf %get3A_984, %max3A_1016 : vector<16xf32>
      %mul3A_1018 = arith.mulf %get3A_984, %get3A_987 : vector<16xf32>
      %sub3A_1019 = arith.subf %max3A_1017, %mul3A_1018 : vector<16xf32>
      %add3A_1020 = arith.addf %sub3A_1019, %add3A_1015 : vector<16xf32>
      %add3A_1021 = arith.constant 0 : i32
      %add3A_1022 = vector.broadcast %add3A_1021 : i32 to vector<16xi32>
      %add3A_1023 = arith.addi %shift_right_logical3A_487, %add3A_1022 : vector<16xi32>
      %broadcast_in_dim3A = vector.shape_cast %add3A_1023 : vector<16xi32> to vector<16x1xi32>
      %gather3A = vector.shape_cast %broadcast_in_dim3A : vector<16x1xi32> to vector<16xi32>
      %gather3A_1024 = tpu.dynamic_gather %get3A_977[%gather3A] in [0] : vector<16xi32>, vector<16xi32> -> vector<16xi32>
      %shift_right_logical3A_1025 = arith.shrui %gather3A_1024, %shift_left3A_493 : vector<16xi32>
      %and3A_1026 = arith.constant 1 : i32
      %and3A_1027 = vector.broadcast %and3A_1026 : i32 to vector<16xi32>
      %and3A_1028 = arith.andi %shift_right_logical3A_1025, %and3A_1027 : vector<16xi32>
      %convert_element_type3A = arith.sitofp %and3A_1028 : vector<16xi32> to vector<16xf32>
      %mul3A_1029 = arith.mulf %add3A_1020, %convert_element_type3A : vector<16xf32>
      %swap3A = arith.index_cast %add3A_981 : i32 to index
      %swap3A_1030 = tpu.vector_load %arg13[%swap3A] {strides = array<i32>} : memref<16384xf32, #tpu.memory_space<vmem>>, vector<16xf32>,
      %swap3A_1031 = vector.shape_cast %swap3A_1030 : vector<16xf32> to vector<16xf32>
      %swap3A_1032 = vector.shape_cast %mul3A_1029 : vector<16xf32> to vector<16xf32>
      tpu.vector_store %arg13[%swap3A], %swap3A_1032 {strides = array<i32>} : memref<16384xf32, #tpu.memory_space<vmem>>, vector<16xf32>,
      %mul3A_1033 = arith.constant 64 : i32
      %mul3A_1034 = arith.muli %scan3A_972, %mul3A_1033 : i32
      %add3A_1035 = arith.constant 16 : i32
      %add3A_1036 = arith.addi %mul3A_1034, %add3A_1035 : i32
      %get3A_1037 = arith.index_cast %add3A_1036 : i32 to index
      %get3A_1038 = tpu.vector_load %arg7[%get3A_1037] {strides = array<i32>} : memref<16384xf32, #tpu.memory_space<vmem>>, vector<16xf32>,
      %get3A_1039 = vector.shape_cast %get3A_1038 : vector<16xf32> to vector<16xf32>
      %get3A_1040 = arith.index_cast %add3A_1036 : i32 to index
      %get3A_1041 = tpu.vector_load %arg9[%get3A_1040] {strides = array<i32>} : memref<16384xf32, #tpu.memory_space<vmem>>, vector<16xf32>,
      %get3A_1042 = vector.shape_cast %get3A_1041 : vector<16xf32> to vector<16xf32>
      %abs3A_1043 = math.absf %get3A_1039 : vector<16xf32>
      %min3A_1044 = arith.constant 8.000000e+00 : f32
      %min3A_1045 = vector.broadcast %min3A_1044 : f32 to vector<16xf32>
      %min3A_1046 = arith.minimumf %abs3A_1043, %min3A_1045 : vector<16xf32>
      %mul3A_1047 = arith.constant -4.23574238E-6 : f32
      %mul3A_1048 = vector.broadcast %mul3A_1047 : f32 to vector<16xf32>
      %mul3A_1049 = arith.mulf %mul3A_1048, %min3A_1046 : vector<16xf32>
      %add3A_1050 = arith.constant 3.74917909E-5 : f32
      %add3A_1051 = vector.broadcast %add3A_1050 : f32 to vector<16xf32>
      %add3A_1052 = arith.addf %mul3A_1049, %add3A_1051 : vector<16xf32>
      %mul3A_1053 = arith.mulf %add3A_1052, %min3A_1046 : vector<16xf32>
      %add3A_1054 = arith.constant 0.00110166182 : f32
      %add3A_1055 = vector.broadcast %add3A_1054 : f32 to vector<16xf32>
      %add3A_1056 = arith.addf %mul3A_1053, %add3A_1055 : vector<16xf32>
      %mul3A_1057 = arith.mulf %add3A_1056, %min3A_1046 : vector<16xf32>
      %add3A_1058 = arith.constant -0.0215470828 : f32
      %add3A_1059 = vector.broadcast %add3A_1058 : f32 to vector<16xf32>
      %add3A_1060 = arith.addf %mul3A_1057, %add3A_1059 : vector<16xf32>
      %mul3A_1061 = arith.mulf %add3A_1060, %min3A_1046 : vector<16xf32>
      %add3A_1062 = arith.constant 0.153337061 : f32
      %add3A_1063 = vector.broadcast %add3A_1062 : f32 to vector<16xf32>
      %add3A_1064 = arith.addf %mul3A_1061, %add3A_1063 : vector<16xf32>
      %mul3A_1065 = arith.mulf %add3A_1064, %min3A_1046 : vector<16xf32>
      %add3A_1066 = arith.constant -0.513292253 : f32
      %add3A_1067 = vector.broadcast %add3A_1066 : f32 to vector<16xf32>
      %add3A_1068 = arith.addf %mul3A_1065, %add3A_1067 : vector<16xf32>
      %mul3A_1069 = arith.mulf %add3A_1068, %min3A_1046 : vector<16xf32>
      %add3A_1070 = arith.constant 0.694155812 : f32
      %add3A_1071 = vector.broadcast %add3A_1070 : f32 to vector<16xf32>
      %add3A_1072 = arith.addf %mul3A_1069, %add3A_1071 : vector<16xf32>
      %max3A_1073 = arith.constant 0.000000e+00 : f32
      %max3A_1074 = vector.broadcast %max3A_1073 : f32 to vector<16xf32>
      %max3A_1075 = arith.maximumf %get3A_1039, %max3A_1074 : vector<16xf32>
      %mul3A_1076 = arith.mulf %get3A_1039, %get3A_1042 : vector<16xf32>
      %sub3A_1077 = arith.subf %max3A_1075, %mul3A_1076 : vector<16xf32>
      %add3A_1078 = arith.addf %sub3A_1077, %add3A_1072 : vector<16xf32>
      %add3A_1079 = arith.constant 4 : i32
      %add3A_1080 = vector.broadcast %add3A_1079 : i32 to vector<16xi32>
      %add3A_1081 = arith.addi %shift_right_logical3A_487, %add3A_1080 : vector<16xi32>
      %broadcast_in_dim3A_1082 = vector.shape_cast %add3A_1081 : vector<16xi32> to vector<16x1xi32>
      %gather3A_1083 = vector.shape_cast %broadcast_in_dim3A_1082 : vector<16x1xi32> to vector<16xi32>
      %gather3A_1084 = tpu.dynamic_gather %get3A_977[%gather3A_1083] in [0] : vector<16xi32>, vector<16xi32> -> vector<16xi32>
      %shift_right_logical3A_1085 = arith.shrui %gather3A_1084, %shift_left3A_493 : vector<16xi32>
      %and3A_1086 = arith.constant 1 : i32
      %and3A_1087 = vector.broadcast %and3A_1086 : i32 to vector<16xi32>
      %and3A_1088 = arith.andi %shift_right_logical3A_1085, %and3A_1087 : vector<16xi32>
      %convert_element_type3A_1089 = arith.sitofp %and3A_1088 : vector<16xi32> to vector<16xf32>
      %mul3A_1090 = arith.mulf %add3A_1078, %convert_element_type3A_1089 : vector<16xf32>
      %swap3A_1091 = arith.index_cast %add3A_1036 : i32 to index
      %swap3A_1092 = tpu.vector_load %arg13[%swap3A_1091] {strides = array<i32>} : memref<16384xf32, #tpu.memory_space<vmem>>, vector<16xf32>,
      %swap3A_1093 = vector.shape_cast %swap3A_1092 : vector<16xf32> to vector<16xf32>
      %swap3A_1094 = vector.shape_cast %mul3A_1090 : vector<16xf32> to vector<16xf32>
      tpu.vector_store %arg13[%swap3A_1091], %swap3A_1094 {strides = array<i32>} : memref<16384xf32, #tpu.memory_space<vmem>>, vector<16xf32>,
      %mul3A_1095 = arith.constant 64 : i32
      %mul3A_1096 = arith.muli %scan3A_972, %mul3A_1095 : i32
      %add3A_1097 = arith.constant 32 : i32
      %add3A_1098 = arith.addi %mul3A_1096, %add3A_1097 : i32
      %get3A_1099 = arith.index_cast %add3A_1098 : i32 to index
      %get3A_1100 = tpu.vector_load %arg7[%get3A_1099] {strides = array<i32>} : memref<16384xf32, #tpu.memory_space<vmem>>, vector<16xf32>,
      %get3A_1101 = vector.shape_cast %get3A_1100 : vector<16xf32> to vector<16xf32>
      %get3A_1102 = arith.index_cast %add3A_1098 : i32 to index
      %get3A_1103 = tpu.vector_load %arg9[%get3A_1102] {strides = array<i32>} : memref<16384xf32, #tpu.memory_space<vmem>>, vector<16xf32>,
      %get3A_1104 = vector.shape_cast %get3A_1103 : vector<16xf32> to vector<16xf32>
      %abs3A_1105 = math.absf %get3A_1101 : vector<16xf32>
      %min3A_1106 = arith.constant 8.000000e+00 : f32
      %min3A_1107 = vector.broadcast %min3A_1106 : f32 to vector<16xf32>
      %min3A_1108 = arith.minimumf %abs3A_1105, %min3A_1107 : vector<16xf32>
      %mul3A_1109 = arith.constant -4.23574238E-6 : f32
      %mul3A_1110 = vector.broadcast %mul3A_1109 : f32 to vector<16xf32>
      %mul3A_1111 = arith.mulf %mul3A_1110, %min3A_1108 : vector<16xf32>
      %add3A_1112 = arith.constant 3.74917909E-5 : f32
      %add3A_1113 = vector.broadcast %add3A_1112 : f32 to vector<16xf32>
      %add3A_1114 = arith.addf %mul3A_1111, %add3A_1113 : vector<16xf32>
      %mul3A_1115 = arith.mulf %add3A_1114, %min3A_1108 : vector<16xf32>
      %add3A_1116 = arith.constant 0.00110166182 : f32
      %add3A_1117 = vector.broadcast %add3A_1116 : f32 to vector<16xf32>
      %add3A_1118 = arith.addf %mul3A_1115, %add3A_1117 : vector<16xf32>
      %mul3A_1119 = arith.mulf %add3A_1118, %min3A_1108 : vector<16xf32>
      %add3A_1120 = arith.constant -0.0215470828 : f32
      %add3A_1121 = vector.broadcast %add3A_1120 : f32 to vector<16xf32>
      %add3A_1122 = arith.addf %mul3A_1119, %add3A_1121 : vector<16xf32>
      %mul3A_1123 = arith.mulf %add3A_1122, %min3A_1108 : vector<16xf32>
      %add3A_1124 = arith.constant 0.153337061 : f32
      %add3A_1125 = vector.broadcast %add3A_1124 : f32 to vector<16xf32>
      %add3A_1126 = arith.addf %mul3A_1123, %add3A_1125 : vector<16xf32>
      %mul3A_1127 = arith.mulf %add3A_1126, %min3A_1108 : vector<16xf32>
      %add3A_1128 = arith.constant -0.513292253 : f32
      %add3A_1129 = vector.broadcast %add3A_1128 : f32 to vector<16xf32>
      %add3A_1130 = arith.addf %mul3A_1127, %add3A_1129 : vector<16xf32>
      %mul3A_1131 = arith.mulf %add3A_1130, %min3A_1108 : vector<16xf32>
      %add3A_1132 = arith.constant 0.694155812 : f32
      %add3A_1133 = vector.broadcast %add3A_1132 : f32 to vector<16xf32>
      %add3A_1134 = arith.addf %mul3A_1131, %add3A_1133 : vector<16xf32>
      %max3A_1135 = arith.constant 0.000000e+00 : f32
      %max3A_1136 = vector.broadcast %max3A_1135 : f32 to vector<16xf32>
      %max3A_1137 = arith.maximumf %get3A_1101, %max3A_1136 : vector<16xf32>
      %mul3A_1138 = arith.mulf %get3A_1101, %get3A_1104 : vector<16xf32>
      %sub3A_1139 = arith.subf %max3A_1137, %mul3A_1138 : vector<16xf32>
      %add3A_1140 = arith.addf %sub3A_1139, %add3A_1134 : vector<16xf32>
      %add3A_1141 = arith.constant 8 : i32
      %add3A_1142 = vector.broadcast %add3A_1141 : i32 to vector<16xi32>
      %add3A_1143 = arith.addi %shift_right_logical3A_487, %add3A_1142 : vector<16xi32>
      %broadcast_in_dim3A_1144 = vector.shape_cast %add3A_1143 : vector<16xi32> to vector<16x1xi32>
      %gather3A_1145 = vector.shape_cast %broadcast_in_dim3A_1144 : vector<16x1xi32> to vector<16xi32>
      %gather3A_1146 = tpu.dynamic_gather %get3A_977[%gather3A_1145] in [0] : vector<16xi32>, vector<16xi32> -> vector<16xi32>
      %shift_right_logical3A_1147 = arith.shrui %gather3A_1146, %shift_left3A_493 : vector<16xi32>
      %and3A_1148 = arith.constant 1 : i32
      %and3A_1149 = vector.broadcast %and3A_1148 : i32 to vector<16xi32>
      %and3A_1150 = arith.andi %shift_right_logical3A_1147, %and3A_1149 : vector<16xi32>
      %convert_element_type3A_1151 = arith.sitofp %and3A_1150 : vector<16xi32> to vector<16xf32>
      %mul3A_1152 = arith.mulf %add3A_1140, %convert_element_type3A_1151 : vector<16xf32>
      %swap3A_1153 = arith.index_cast %add3A_1098 : i32 to index
      %swap3A_1154 = tpu.vector_load %arg13[%swap3A_1153] {strides = array<i32>} : memref<16384xf32, #tpu.memory_space<vmem>>, vector<16xf32>,
      %swap3A_1155 = vector.shape_cast %swap3A_1154 : vector<16xf32> to vector<16xf32>
      %swap3A_1156 = vector.shape_cast %mul3A_1152 : vector<16xf32> to vector<16xf32>
      tpu.vector_store %arg13[%swap3A_1153], %swap3A_1156 {strides = array<i32>} : memref<16384xf32, #tpu.memory_space<vmem>>, vector<16xf32>,
      %mul3A_1157 = arith.constant 64 : i32
      %mul3A_1158 = arith.muli %scan3A_972, %mul3A_1157 : i32
      %add3A_1159 = arith.constant 48 : i32
      %add3A_1160 = arith.addi %mul3A_1158, %add3A_1159 : i32
      %get3A_1161 = arith.index_cast %add3A_1160 : i32 to index
      %get3A_1162 = tpu.vector_load %arg7[%get3A_1161] {strides = array<i32>} : memref<16384xf32, #tpu.memory_space<vmem>>, vector<16xf32>,
      %get3A_1163 = vector.shape_cast %get3A_1162 : vector<16xf32> to vector<16xf32>
      %get3A_1164 = arith.index_cast %add3A_1160 : i32 to index
      %get3A_1165 = tpu.vector_load %arg9[%get3A_1164] {strides = array<i32>} : memref<16384xf32, #tpu.memory_space<vmem>>, vector<16xf32>,
      %get3A_1166 = vector.shape_cast %get3A_1165 : vector<16xf32> to vector<16xf32>
      %abs3A_1167 = math.absf %get3A_1163 : vector<16xf32>
      %min3A_1168 = arith.constant 8.000000e+00 : f32
      %min3A_1169 = vector.broadcast %min3A_1168 : f32 to vector<16xf32>
      %min3A_1170 = arith.minimumf %abs3A_1167, %min3A_1169 : vector<16xf32>
      %mul3A_1171 = arith.constant -4.23574238E-6 : f32
      %mul3A_1172 = vector.broadcast %mul3A_1171 : f32 to vector<16xf32>
      %mul3A_1173 = arith.mulf %mul3A_1172, %min3A_1170 : vector<16xf32>
      %add3A_1174 = arith.constant 3.74917909E-5 : f32
      %add3A_1175 = vector.broadcast %add3A_1174 : f32 to vector<16xf32>
      %add3A_1176 = arith.addf %mul3A_1173, %add3A_1175 : vector<16xf32>
      %mul3A_1177 = arith.mulf %add3A_1176, %min3A_1170 : vector<16xf32>
      %add3A_1178 = arith.constant 0.00110166182 : f32
      %add3A_1179 = vector.broadcast %add3A_1178 : f32 to vector<16xf32>
      %add3A_1180 = arith.addf %mul3A_1177, %add3A_1179 : vector<16xf32>
      %mul3A_1181 = arith.mulf %add3A_1180, %min3A_1170 : vector<16xf32>
      %add3A_1182 = arith.constant -0.0215470828 : f32
      %add3A_1183 = vector.broadcast %add3A_1182 : f32 to vector<16xf32>
      %add3A_1184 = arith.addf %mul3A_1181, %add3A_1183 : vector<16xf32>
      %mul3A_1185 = arith.mulf %add3A_1184, %min3A_1170 : vector<16xf32>
      %add3A_1186 = arith.constant 0.153337061 : f32
      %add3A_1187 = vector.broadcast %add3A_1186 : f32 to vector<16xf32>
      %add3A_1188 = arith.addf %mul3A_1185, %add3A_1187 : vector<16xf32>
      %mul3A_1189 = arith.mulf %add3A_1188, %min3A_1170 : vector<16xf32>
      %add3A_1190 = arith.constant -0.513292253 : f32
      %add3A_1191 = vector.broadcast %add3A_1190 : f32 to vector<16xf32>
      %add3A_1192 = arith.addf %mul3A_1189, %add3A_1191 : vector<16xf32>
      %mul3A_1193 = arith.mulf %add3A_1192, %min3A_1170 : vector<16xf32>
      %add3A_1194 = arith.constant 0.694155812 : f32
      %add3A_1195 = vector.broadcast %add3A_1194 : f32 to vector<16xf32>
      %add3A_1196 = arith.addf %mul3A_1193, %add3A_1195 : vector<16xf32>
      %max3A_1197 = arith.constant 0.000000e+00 : f32
      %max3A_1198 = vector.broadcast %max3A_1197 : f32 to vector<16xf32>
      %max3A_1199 = arith.maximumf %get3A_1163, %max3A_1198 : vector<16xf32>
      %mul3A_1200 = arith.mulf %get3A_1163, %get3A_1166 : vector<16xf32>
      %sub3A_1201 = arith.subf %max3A_1199, %mul3A_1200 : vector<16xf32>
      %add3A_1202 = arith.addf %sub3A_1201, %add3A_1196 : vector<16xf32>
      %add3A_1203 = arith.constant 12 : i32
      %add3A_1204 = vector.broadcast %add3A_1203 : i32 to vector<16xi32>
      %add3A_1205 = arith.addi %shift_right_logical3A_487, %add3A_1204 : vector<16xi32>
      %broadcast_in_dim3A_1206 = vector.shape_cast %add3A_1205 : vector<16xi32> to vector<16x1xi32>
      %gather3A_1207 = vector.shape_cast %broadcast_in_dim3A_1206 : vector<16x1xi32> to vector<16xi32>
      %gather3A_1208 = tpu.dynamic_gather %get3A_977[%gather3A_1207] in [0] : vector<16xi32>, vector<16xi32> -> vector<16xi32>
      %shift_right_logical3A_1209 = arith.shrui %gather3A_1208, %shift_left3A_493 : vector<16xi32>
      %and3A_1210 = arith.constant 1 : i32
      %and3A_1211 = vector.broadcast %and3A_1210 : i32 to vector<16xi32>
      %and3A_1212 = arith.andi %shift_right_logical3A_1209, %and3A_1211 : vector<16xi32>
      %convert_element_type3A_1213 = arith.sitofp %and3A_1212 : vector<16xi32> to vector<16xf32>
      %mul3A_1214 = arith.mulf %add3A_1202, %convert_element_type3A_1213 : vector<16xf32>
      %swap3A_1215 = arith.index_cast %add3A_1160 : i32 to index
      %swap3A_1216 = tpu.vector_load %arg13[%swap3A_1215] {strides = array<i32>} : memref<16384xf32, #tpu.memory_space<vmem>>, vector<16xf32>,
      %swap3A_1217 = vector.shape_cast %swap3A_1216 : vector<16xf32> to vector<16xf32>
      %swap3A_1218 = vector.shape_cast %mul3A_1214 : vector<16xf32> to vector<16xf32>
      tpu.vector_store %arg13[%swap3A_1215], %swap3A_1218 {strides = array<i32>} : memref<16384xf32, #tpu.memory_space<vmem>>, vector<16xf32>,
      %scan3A_1219 = arith.constant 0 : i32
      scf.yield %scan3A_1219 : i32
    }
    %scan3A_500 = arith.constant 256 : i32
    %add3A_501 = arith.constant 49152 : i32
    %add3A_502 = arith.addi %mul3A_2, %add3A_501 : i32
    %multiple_of3A_503 = tpu.assume_multiple %add3A_502, 16384 : i32
    %dma_start3A_504 = arith.constant 1 : i32
    %dma_start3A_505 = tpu.memref_slice %arg5[%multiple_of3A_503] : memref<4194304xf32, #tpu.memory_space<hbm>> -> memref<16384xf32, #tpu.memory_space<hbm>>
    %dma_start3A_506 = tpu.memref_slice %arg15[%dma_start3A_504] : memref<2x!tpu.dma_semaphore, #tpu.memory_space<semaphore_mem>> -> memref<1x!tpu.dma_semaphore, #tpu.memory_space<semaphore_mem>>
    %dma_start3A_507 = tpu.memref_squeeze %dma_start3A_506 : memref<1x!tpu.dma_semaphore, #tpu.memory_space<semaphore_mem>> -> memref<!tpu.dma_semaphore, #tpu.memory_space<semaphore_mem>>
    %dma_start3A_508 = tpu.memref_slice %arg5[%multiple_of3A_503] : memref<4194304xf32, #tpu.memory_space<hbm>> -> memref<16384xf32, #tpu.memory_space<hbm>>
    tpu.enqueue_dma source(%arg13 : memref<16384xf32, #tpu.memory_space<vmem>>) target(%dma_start3A_508 : memref<16384xf32, #tpu.memory_space<hbm>>) target_semaphore(%dma_start3A_507 : memref<!tpu.dma_semaphore, #tpu.memory_space<semaphore_mem>>)
    %add3A_509 = arith.constant 81920 : i32
    %add3A_510 = arith.addi %mul3A_2, %add3A_509 : i32
    %multiple_of3A_511 = tpu.assume_multiple %add3A_510, 16384 : i32
    %add3A_512 = arith.constant 81920 : i32
    %add3A_513 = arith.addi %mul3A_2, %add3A_512 : i32
    %jit3A_514 = arith.constant 4 : i32
    %div3A_515 = arith.divsi %add3A_513, %jit3A_514 : i32
    %sign3A_516 = arith.constant 0 : i32
    %sign3A_517 = arith.cmpi sgt, %add3A_513, %sign3A_516 : i32
    %sign3A_518 = arith.extui %sign3A_517 : i1 to i32
    %sign3A_519 = arith.constant 0 : i32
    %sign3A_520 = arith.cmpi slt, %add3A_513, %sign3A_519 : i32
    %sign3A_521 = arith.extui %sign3A_520 : i1 to i32
    %sign3A_522 = arith.subi %sign3A_518, %sign3A_521 : i32
    %sign3A_523 = arith.constant 0 : i32
    %sign3A_524 = arith.cmpi sgt, %jit3A_514, %sign3A_523 : i32
    %sign3A_525 = arith.extui %sign3A_524 : i1 to i32
    %sign3A_526 = arith.constant 0 : i32
    %sign3A_527 = arith.cmpi slt, %jit3A_514, %sign3A_526 : i32
    %sign3A_528 = arith.extui %sign3A_527 : i1 to i32
    %sign3A_529 = arith.subi %sign3A_525, %sign3A_528 : i32
    %ne3A_530 = arith.cmpi ne, %sign3A_522, %sign3A_529 : i32
    %rem3A_531 = arith.remsi %add3A_513, %jit3A_514 : i32
    %ne3A_532 = arith.constant 0 : i32
    %ne3A_533 = arith.cmpi ne, %rem3A_531, %ne3A_532 : i32
    %and3A_534 = arith.andi %ne3A_530, %ne3A_533 : i1
    %sub3A_535 = arith.constant 1 : i32
    %sub3A_536 = arith.subi %div3A_515, %sub3A_535 : i32
    %select_n3A_537 = arith.select %and3A_534, %sub3A_536, %div3A_515 : i32
    %multiple_of3A_538 = tpu.assume_multiple %select_n3A_537, 4096 : i32
    %dma_start3A_539 = arith.constant 1 : i32
    %dma_start3A_540 = tpu.memref_slice %arg2[%multiple_of3A_511] : memref<4194304xf32, #tpu.memory_space<hbm>> -> memref<16384xf32, #tpu.memory_space<hbm>>
    %dma_start3A_541 = tpu.memref_slice %arg14[%dma_start3A_539] : memref<2x!tpu.dma_semaphore, #tpu.memory_space<semaphore_mem>> -> memref<1x!tpu.dma_semaphore, #tpu.memory_space<semaphore_mem>>
    %dma_start3A_542 = tpu.memref_squeeze %dma_start3A_541 : memref<1x!tpu.dma_semaphore, #tpu.memory_space<semaphore_mem>> -> memref<!tpu.dma_semaphore, #tpu.memory_space<semaphore_mem>>
    %dma_start3A_543 = tpu.memref_slice %arg2[%multiple_of3A_511] : memref<4194304xf32, #tpu.memory_space<hbm>> -> memref<16384xf32, #tpu.memory_space<hbm>>
    tpu.enqueue_dma source(%dma_start3A_543 : memref<16384xf32, #tpu.memory_space<hbm>>) target(%arg7 : memref<16384xf32, #tpu.memory_space<vmem>>) target_semaphore(%dma_start3A_542 : memref<!tpu.dma_semaphore, #tpu.memory_space<semaphore_mem>>)
    %dma_start3A_544 = arith.constant 1 : i32
    %dma_start3A_545 = tpu.memref_slice %arg3[%multiple_of3A_511] : memref<4194304xf32, #tpu.memory_space<hbm>> -> memref<16384xf32, #tpu.memory_space<hbm>>
    %dma_start3A_546 = tpu.memref_slice %arg14[%dma_start3A_544] : memref<2x!tpu.dma_semaphore, #tpu.memory_space<semaphore_mem>> -> memref<1x!tpu.dma_semaphore, #tpu.memory_space<semaphore_mem>>
    %dma_start3A_547 = tpu.memref_squeeze %dma_start3A_546 : memref<1x!tpu.dma_semaphore, #tpu.memory_space<semaphore_mem>> -> memref<!tpu.dma_semaphore, #tpu.memory_space<semaphore_mem>>
    %dma_start3A_548 = tpu.memref_slice %arg3[%multiple_of3A_511] : memref<4194304xf32, #tpu.memory_space<hbm>> -> memref<16384xf32, #tpu.memory_space<hbm>>
    tpu.enqueue_dma source(%dma_start3A_548 : memref<16384xf32, #tpu.memory_space<hbm>>) target(%arg9 : memref<16384xf32, #tpu.memory_space<vmem>>) target_semaphore(%dma_start3A_547 : memref<!tpu.dma_semaphore, #tpu.memory_space<semaphore_mem>>)
    %dma_start3A_549 = arith.constant 1 : i32
    %dma_start3A_550 = tpu.memref_slice %arg4[%multiple_of3A_538] : memref<1048576xi32, #tpu.memory_space<hbm>> -> memref<4096xi32, #tpu.memory_space<hbm>>
    %dma_start3A_551 = tpu.memref_slice %arg14[%dma_start3A_549] : memref<2x!tpu.dma_semaphore, #tpu.memory_space<semaphore_mem>> -> memref<1x!tpu.dma_semaphore, #tpu.memory_space<semaphore_mem>>
    %dma_start3A_552 = tpu.memref_squeeze %dma_start3A_551 : memref<1x!tpu.dma_semaphore, #tpu.memory_space<semaphore_mem>> -> memref<!tpu.dma_semaphore, #tpu.memory_space<semaphore_mem>>
    %dma_start3A_553 = tpu.memref_slice %arg4[%multiple_of3A_538] : memref<1048576xi32, #tpu.memory_space<hbm>> -> memref<4096xi32, #tpu.memory_space<hbm>>
    tpu.enqueue_dma source(%dma_start3A_553 : memref<4096xi32, #tpu.memory_space<hbm>>) target(%arg11 : memref<4096xi32, #tpu.memory_space<vmem>>) target_semaphore(%dma_start3A_552 : memref<!tpu.dma_semaphore, #tpu.memory_space<semaphore_mem>>)
    %add3A_554 = arith.constant 65536 : i32
    %add3A_555 = arith.addi %mul3A_2, %add3A_554 : i32
    %multiple_of3A_556 = tpu.assume_multiple %add3A_555, 16384 : i32
    %add3A_557 = arith.constant 65536 : i32
    %add3A_558 = arith.addi %mul3A_2, %add3A_557 : i32
    %jit3A_559 = arith.constant 4 : i32
    %div3A_560 = arith.divsi %add3A_558, %jit3A_559 : i32
    %sign3A_561 = arith.constant 0 : i32
    %sign3A_562 = arith.cmpi sgt, %add3A_558, %sign3A_561 : i32
    %sign3A_563 = arith.extui %sign3A_562 : i1 to i32
    %sign3A_564 = arith.constant 0 : i32
    %sign3A_565 = arith.cmpi slt, %add3A_558, %sign3A_564 : i32
    %sign3A_566 = arith.extui %sign3A_565 : i1 to i32
    %sign3A_567 = arith.subi %sign3A_563, %sign3A_566 : i32
    %sign3A_568 = arith.constant 0 : i32
    %sign3A_569 = arith.cmpi sgt, %jit3A_559, %sign3A_568 : i32
    %sign3A_570 = arith.extui %sign3A_569 : i1 to i32
    %sign3A_571 = arith.constant 0 : i32
    %sign3A_572 = arith.cmpi slt, %jit3A_559, %sign3A_571 : i32
    %sign3A_573 = arith.extui %sign3A_572 : i1 to i32
    %sign3A_574 = arith.subi %sign3A_570, %sign3A_573 : i32
    %ne3A_575 = arith.cmpi ne, %sign3A_567, %sign3A_574 : i32
    %rem3A_576 = arith.remsi %add3A_558, %jit3A_559 : i32
    %ne3A_577 = arith.constant 0 : i32
    %ne3A_578 = arith.cmpi ne, %rem3A_576, %ne3A_577 : i32
    %and3A_579 = arith.andi %ne3A_575, %ne3A_578 : i1
    %sub3A_580 = arith.constant 1 : i32
    %sub3A_581 = arith.subi %div3A_560, %sub3A_580 : i32
    %select_n3A_582 = arith.select %and3A_579, %sub3A_581, %div3A_560 : i32
    %multiple_of3A_583 = tpu.assume_multiple %select_n3A_582, 4096 : i32
    %dma_wait3A_584 = arith.constant 0 : i32
    %dma_wait3A_585 = tpu.memref_slice %arg2[%multiple_of3A_556] : memref<4194304xf32, #tpu.memory_space<hbm>> -> memref<16384xf32, #tpu.memory_space<hbm>>
    %dma_wait3A_586 = tpu.memref_slice %arg14[%dma_wait3A_584] : memref<2x!tpu.dma_semaphore, #tpu.memory_space<semaphore_mem>> -> memref<1x!tpu.dma_semaphore, #tpu.memory_space<semaphore_mem>>
    %dma_wait3A_587 = tpu.memref_squeeze %dma_wait3A_586 : memref<1x!tpu.dma_semaphore, #tpu.memory_space<semaphore_mem>> -> memref<!tpu.dma_semaphore, #tpu.memory_space<semaphore_mem>>
    %dma_wait3A_588 = tpu.memref_slice %arg2[%multiple_of3A_556] : memref<4194304xf32, #tpu.memory_space<hbm>> -> memref<16384xf32, #tpu.memory_space<hbm>>
    tpu.wait_dma2 semaphore(%dma_wait3A_587 : memref<!tpu.dma_semaphore, #tpu.memory_space<semaphore_mem>>) src(%dma_wait3A_588 : memref<16384xf32, #tpu.memory_space<hbm>>) dst(%arg6 : memref<16384xf32, #tpu.memory_space<vmem>>)
    %dma_wait3A_589 = arith.constant 0 : i32
    %dma_wait3A_590 = tpu.memref_slice %arg3[%multiple_of3A_556] : memref<4194304xf32, #tpu.memory_space<hbm>> -> memref<16384xf32, #tpu.memory_space<hbm>>
    %dma_wait3A_591 = tpu.memref_slice %arg14[%dma_wait3A_589] : memref<2x!tpu.dma_semaphore, #tpu.memory_space<semaphore_mem>> -> memref<1x!tpu.dma_semaphore, #tpu.memory_space<semaphore_mem>>
    %dma_wait3A_592 = tpu.memref_squeeze %dma_wait3A_591 : memref<1x!tpu.dma_semaphore, #tpu.memory_space<semaphore_mem>> -> memref<!tpu.dma_semaphore, #tpu.memory_space<semaphore_mem>>
    %dma_wait3A_593 = tpu.memref_slice %arg3[%multiple_of3A_556] : memref<4194304xf32, #tpu.memory_space<hbm>> -> memref<16384xf32, #tpu.memory_space<hbm>>
    tpu.wait_dma2 semaphore(%dma_wait3A_592 : memref<!tpu.dma_semaphore, #tpu.memory_space<semaphore_mem>>) src(%dma_wait3A_593 : memref<16384xf32, #tpu.memory_space<hbm>>) dst(%arg8 : memref<16384xf32, #tpu.memory_space<vmem>>)
    %dma_wait3A_594 = arith.constant 0 : i32
    %dma_wait3A_595 = tpu.memref_slice %arg4[%multiple_of3A_583] : memref<1048576xi32, #tpu.memory_space<hbm>> -> memref<4096xi32, #tpu.memory_space<hbm>>
    %dma_wait3A_596 = tpu.memref_slice %arg14[%dma_wait3A_594] : memref<2x!tpu.dma_semaphore, #tpu.memory_space<semaphore_mem>> -> memref<1x!tpu.dma_semaphore, #tpu.memory_space<semaphore_mem>>
    %dma_wait3A_597 = tpu.memref_squeeze %dma_wait3A_596 : memref<1x!tpu.dma_semaphore, #tpu.memory_space<semaphore_mem>> -> memref<!tpu.dma_semaphore, #tpu.memory_space<semaphore_mem>>
    %dma_wait3A_598 = tpu.memref_slice %arg4[%multiple_of3A_583] : memref<1048576xi32, #tpu.memory_space<hbm>> -> memref<4096xi32, #tpu.memory_space<hbm>>
    tpu.wait_dma2 semaphore(%dma_wait3A_597 : memref<!tpu.dma_semaphore, #tpu.memory_space<semaphore_mem>>) src(%dma_wait3A_598 : memref<4096xi32, #tpu.memory_space<hbm>>) dst(%arg10 : memref<4096xi32, #tpu.memory_space<vmem>>)
    %add3A_599 = arith.constant 32768 : i32
    %add3A_600 = arith.addi %mul3A_2, %add3A_599 : i32
    %multiple_of3A_601 = tpu.assume_multiple %add3A_600, 16384 : i32
    %dma_wait3A_602 = arith.constant 0 : i32
    %dma_wait3A_603 = tpu.memref_slice %arg5[%multiple_of3A_601] : memref<4194304xf32, #tpu.memory_space<hbm>> -> memref<16384xf32, #tpu.memory_space<hbm>>
    %dma_wait3A_604 = tpu.memref_slice %arg15[%dma_wait3A_602] : memref<2x!tpu.dma_semaphore, #tpu.memory_space<semaphore_mem>> -> memref<1x!tpu.dma_semaphore, #tpu.memory_space<semaphore_mem>>
    %dma_wait3A_605 = tpu.memref_squeeze %dma_wait3A_604 : memref<1x!tpu.dma_semaphore, #tpu.memory_space<semaphore_mem>> -> memref<!tpu.dma_semaphore, #tpu.memory_space<semaphore_mem>>
    %dma_wait3A_606 = tpu.memref_slice %arg5[%multiple_of3A_601] : memref<4194304xf32, #tpu.memory_space<hbm>> -> memref<16384xf32, #tpu.memory_space<hbm>>
    tpu.wait_dma2 semaphore(%dma_wait3A_605 : memref<!tpu.dma_semaphore, #tpu.memory_space<semaphore_mem>>) src(%arg12 : memref<16384xf32, #tpu.memory_space<vmem>>) dst(%dma_wait3A_606 : memref<16384xf32, #tpu.memory_space<hbm>>)
    %iota3A_607 = tpu.iota {dimensions = array<i32: 0>} : vector<16xi32>
    %shift_right_logical3A_608 = arith.constant 2 : i32
    %shift_right_logical3A_609 = vector.broadcast %shift_right_logical3A_608 : i32 to vector<16xi32>
    %shift_right_logical3A_610 = arith.shrui %iota3A_607, %shift_right_logical3A_609 : vector<16xi32>
    %and3A_611 = arith.constant 3 : i32
    %and3A_612 = vector.broadcast %and3A_611 : i32 to vector<16xi32>
    %and3A_613 = arith.andi %iota3A_607, %and3A_612 : vector<16xi32>
    %shift_left3A_614 = arith.constant 3 : i32
    %shift_left3A_615 = vector.broadcast %shift_left3A_614 : i32 to vector<16xi32>
    %shift_left3A_616 = arith.shli %and3A_613, %shift_left3A_615 : vector<16xi32>
    %scan3A_617 = arith.constant 0 : i32
    %scan3A_618 = arith.constant 0 : i32
    %scan3A_619 = arith.constant 256 : i32
    %scan3A_620 = arith.addi %scan3A_618, %scan3A_619 : i32
    %scan3A_621 = arith.constant 1 : i32
    %scan3A_622 = scf.for %scan3A_972 = %scan3A_618 to %scan3A_620 step %scan3A_621 iter_args(%scan3A_973 = %scan3A_617) -> (i32)  : i32 {
      %mul3A_974 = arith.constant 16 : i32
      %mul3A_975 = arith.muli %scan3A_972, %mul3A_974 : i32
      %get3A = arith.index_cast %mul3A_975 : i32 to index
      %get3A_976 = tpu.vector_load %arg10[%get3A] {strides = array<i32>} : memref<4096xi32, #tpu.memory_space<vmem>>, vector<16xi32>,
      %get3A_977 = vector.shape_cast %get3A_976 : vector<16xi32> to vector<16xi32>
      %mul3A_978 = arith.constant 64 : i32
      %mul3A_979 = arith.muli %scan3A_972, %mul3A_978 : i32
      %add3A_980 = arith.constant 0 : i32
      %add3A_981 = arith.addi %mul3A_979, %add3A_980 : i32
      %get3A_982 = arith.index_cast %add3A_981 : i32 to index
      %get3A_983 = tpu.vector_load %arg6[%get3A_982] {strides = array<i32>} : memref<16384xf32, #tpu.memory_space<vmem>>, vector<16xf32>,
      %get3A_984 = vector.shape_cast %get3A_983 : vector<16xf32> to vector<16xf32>
      %get3A_985 = arith.index_cast %add3A_981 : i32 to index
      %get3A_986 = tpu.vector_load %arg8[%get3A_985] {strides = array<i32>} : memref<16384xf32, #tpu.memory_space<vmem>>, vector<16xf32>,
      %get3A_987 = vector.shape_cast %get3A_986 : vector<16xf32> to vector<16xf32>
      %abs3A = math.absf %get3A_984 : vector<16xf32>
      %min3A = arith.constant 8.000000e+00 : f32
      %min3A_988 = vector.broadcast %min3A : f32 to vector<16xf32>
      %min3A_989 = arith.minimumf %abs3A, %min3A_988 : vector<16xf32>
      %mul3A_990 = arith.constant -4.23574238E-6 : f32
      %mul3A_991 = vector.broadcast %mul3A_990 : f32 to vector<16xf32>
      %mul3A_992 = arith.mulf %mul3A_991, %min3A_989 : vector<16xf32>
      %add3A_993 = arith.constant 3.74917909E-5 : f32
      %add3A_994 = vector.broadcast %add3A_993 : f32 to vector<16xf32>
      %add3A_995 = arith.addf %mul3A_992, %add3A_994 : vector<16xf32>
      %mul3A_996 = arith.mulf %add3A_995, %min3A_989 : vector<16xf32>
      %add3A_997 = arith.constant 0.00110166182 : f32
      %add3A_998 = vector.broadcast %add3A_997 : f32 to vector<16xf32>
      %add3A_999 = arith.addf %mul3A_996, %add3A_998 : vector<16xf32>
      %mul3A_1000 = arith.mulf %add3A_999, %min3A_989 : vector<16xf32>
      %add3A_1001 = arith.constant -0.0215470828 : f32
      %add3A_1002 = vector.broadcast %add3A_1001 : f32 to vector<16xf32>
      %add3A_1003 = arith.addf %mul3A_1000, %add3A_1002 : vector<16xf32>
      %mul3A_1004 = arith.mulf %add3A_1003, %min3A_989 : vector<16xf32>
      %add3A_1005 = arith.constant 0.153337061 : f32
      %add3A_1006 = vector.broadcast %add3A_1005 : f32 to vector<16xf32>
      %add3A_1007 = arith.addf %mul3A_1004, %add3A_1006 : vector<16xf32>
      %mul3A_1008 = arith.mulf %add3A_1007, %min3A_989 : vector<16xf32>
      %add3A_1009 = arith.constant -0.513292253 : f32
      %add3A_1010 = vector.broadcast %add3A_1009 : f32 to vector<16xf32>
      %add3A_1011 = arith.addf %mul3A_1008, %add3A_1010 : vector<16xf32>
      %mul3A_1012 = arith.mulf %add3A_1011, %min3A_989 : vector<16xf32>
      %add3A_1013 = arith.constant 0.694155812 : f32
      %add3A_1014 = vector.broadcast %add3A_1013 : f32 to vector<16xf32>
      %add3A_1015 = arith.addf %mul3A_1012, %add3A_1014 : vector<16xf32>
      %max3A = arith.constant 0.000000e+00 : f32
      %max3A_1016 = vector.broadcast %max3A : f32 to vector<16xf32>
      %max3A_1017 = arith.maximumf %get3A_984, %max3A_1016 : vector<16xf32>
      %mul3A_1018 = arith.mulf %get3A_984, %get3A_987 : vector<16xf32>
      %sub3A_1019 = arith.subf %max3A_1017, %mul3A_1018 : vector<16xf32>
      %add3A_1020 = arith.addf %sub3A_1019, %add3A_1015 : vector<16xf32>
      %add3A_1021 = arith.constant 0 : i32
      %add3A_1022 = vector.broadcast %add3A_1021 : i32 to vector<16xi32>
      %add3A_1023 = arith.addi %shift_right_logical3A_610, %add3A_1022 : vector<16xi32>
      %broadcast_in_dim3A = vector.shape_cast %add3A_1023 : vector<16xi32> to vector<16x1xi32>
      %gather3A = vector.shape_cast %broadcast_in_dim3A : vector<16x1xi32> to vector<16xi32>
      %gather3A_1024 = tpu.dynamic_gather %get3A_977[%gather3A] in [0] : vector<16xi32>, vector<16xi32> -> vector<16xi32>
      %shift_right_logical3A_1025 = arith.shrui %gather3A_1024, %shift_left3A_616 : vector<16xi32>
      %and3A_1026 = arith.constant 1 : i32
      %and3A_1027 = vector.broadcast %and3A_1026 : i32 to vector<16xi32>
      %and3A_1028 = arith.andi %shift_right_logical3A_1025, %and3A_1027 : vector<16xi32>
      %convert_element_type3A = arith.sitofp %and3A_1028 : vector<16xi32> to vector<16xf32>
      %mul3A_1029 = arith.mulf %add3A_1020, %convert_element_type3A : vector<16xf32>
      %swap3A = arith.index_cast %add3A_981 : i32 to index
      %swap3A_1030 = tpu.vector_load %arg12[%swap3A] {strides = array<i32>} : memref<16384xf32, #tpu.memory_space<vmem>>, vector<16xf32>,
      %swap3A_1031 = vector.shape_cast %swap3A_1030 : vector<16xf32> to vector<16xf32>
      %swap3A_1032 = vector.shape_cast %mul3A_1029 : vector<16xf32> to vector<16xf32>
      tpu.vector_store %arg12[%swap3A], %swap3A_1032 {strides = array<i32>} : memref<16384xf32, #tpu.memory_space<vmem>>, vector<16xf32>,
      %mul3A_1033 = arith.constant 64 : i32
      %mul3A_1034 = arith.muli %scan3A_972, %mul3A_1033 : i32
      %add3A_1035 = arith.constant 16 : i32
      %add3A_1036 = arith.addi %mul3A_1034, %add3A_1035 : i32
      %get3A_1037 = arith.index_cast %add3A_1036 : i32 to index
      %get3A_1038 = tpu.vector_load %arg6[%get3A_1037] {strides = array<i32>} : memref<16384xf32, #tpu.memory_space<vmem>>, vector<16xf32>,
      %get3A_1039 = vector.shape_cast %get3A_1038 : vector<16xf32> to vector<16xf32>
      %get3A_1040 = arith.index_cast %add3A_1036 : i32 to index
      %get3A_1041 = tpu.vector_load %arg8[%get3A_1040] {strides = array<i32>} : memref<16384xf32, #tpu.memory_space<vmem>>, vector<16xf32>,
      %get3A_1042 = vector.shape_cast %get3A_1041 : vector<16xf32> to vector<16xf32>
      %abs3A_1043 = math.absf %get3A_1039 : vector<16xf32>
      %min3A_1044 = arith.constant 8.000000e+00 : f32
      %min3A_1045 = vector.broadcast %min3A_1044 : f32 to vector<16xf32>
      %min3A_1046 = arith.minimumf %abs3A_1043, %min3A_1045 : vector<16xf32>
      %mul3A_1047 = arith.constant -4.23574238E-6 : f32
      %mul3A_1048 = vector.broadcast %mul3A_1047 : f32 to vector<16xf32>
      %mul3A_1049 = arith.mulf %mul3A_1048, %min3A_1046 : vector<16xf32>
      %add3A_1050 = arith.constant 3.74917909E-5 : f32
      %add3A_1051 = vector.broadcast %add3A_1050 : f32 to vector<16xf32>
      %add3A_1052 = arith.addf %mul3A_1049, %add3A_1051 : vector<16xf32>
      %mul3A_1053 = arith.mulf %add3A_1052, %min3A_1046 : vector<16xf32>
      %add3A_1054 = arith.constant 0.00110166182 : f32
      %add3A_1055 = vector.broadcast %add3A_1054 : f32 to vector<16xf32>
      %add3A_1056 = arith.addf %mul3A_1053, %add3A_1055 : vector<16xf32>
      %mul3A_1057 = arith.mulf %add3A_1056, %min3A_1046 : vector<16xf32>
      %add3A_1058 = arith.constant -0.0215470828 : f32
      %add3A_1059 = vector.broadcast %add3A_1058 : f32 to vector<16xf32>
      %add3A_1060 = arith.addf %mul3A_1057, %add3A_1059 : vector<16xf32>
      %mul3A_1061 = arith.mulf %add3A_1060, %min3A_1046 : vector<16xf32>
      %add3A_1062 = arith.constant 0.153337061 : f32
      %add3A_1063 = vector.broadcast %add3A_1062 : f32 to vector<16xf32>
      %add3A_1064 = arith.addf %mul3A_1061, %add3A_1063 : vector<16xf32>
      %mul3A_1065 = arith.mulf %add3A_1064, %min3A_1046 : vector<16xf32>
      %add3A_1066 = arith.constant -0.513292253 : f32
      %add3A_1067 = vector.broadcast %add3A_1066 : f32 to vector<16xf32>
      %add3A_1068 = arith.addf %mul3A_1065, %add3A_1067 : vector<16xf32>
      %mul3A_1069 = arith.mulf %add3A_1068, %min3A_1046 : vector<16xf32>
      %add3A_1070 = arith.constant 0.694155812 : f32
      %add3A_1071 = vector.broadcast %add3A_1070 : f32 to vector<16xf32>
      %add3A_1072 = arith.addf %mul3A_1069, %add3A_1071 : vector<16xf32>
      %max3A_1073 = arith.constant 0.000000e+00 : f32
      %max3A_1074 = vector.broadcast %max3A_1073 : f32 to vector<16xf32>
      %max3A_1075 = arith.maximumf %get3A_1039, %max3A_1074 : vector<16xf32>
      %mul3A_1076 = arith.mulf %get3A_1039, %get3A_1042 : vector<16xf32>
      %sub3A_1077 = arith.subf %max3A_1075, %mul3A_1076 : vector<16xf32>
      %add3A_1078 = arith.addf %sub3A_1077, %add3A_1072 : vector<16xf32>
      %add3A_1079 = arith.constant 4 : i32
      %add3A_1080 = vector.broadcast %add3A_1079 : i32 to vector<16xi32>
      %add3A_1081 = arith.addi %shift_right_logical3A_610, %add3A_1080 : vector<16xi32>
      %broadcast_in_dim3A_1082 = vector.shape_cast %add3A_1081 : vector<16xi32> to vector<16x1xi32>
      %gather3A_1083 = vector.shape_cast %broadcast_in_dim3A_1082 : vector<16x1xi32> to vector<16xi32>
      %gather3A_1084 = tpu.dynamic_gather %get3A_977[%gather3A_1083] in [0] : vector<16xi32>, vector<16xi32> -> vector<16xi32>
      %shift_right_logical3A_1085 = arith.shrui %gather3A_1084, %shift_left3A_616 : vector<16xi32>
      %and3A_1086 = arith.constant 1 : i32
      %and3A_1087 = vector.broadcast %and3A_1086 : i32 to vector<16xi32>
      %and3A_1088 = arith.andi %shift_right_logical3A_1085, %and3A_1087 : vector<16xi32>
      %convert_element_type3A_1089 = arith.sitofp %and3A_1088 : vector<16xi32> to vector<16xf32>
      %mul3A_1090 = arith.mulf %add3A_1078, %convert_element_type3A_1089 : vector<16xf32>
      %swap3A_1091 = arith.index_cast %add3A_1036 : i32 to index
      %swap3A_1092 = tpu.vector_load %arg12[%swap3A_1091] {strides = array<i32>} : memref<16384xf32, #tpu.memory_space<vmem>>, vector<16xf32>,
      %swap3A_1093 = vector.shape_cast %swap3A_1092 : vector<16xf32> to vector<16xf32>
      %swap3A_1094 = vector.shape_cast %mul3A_1090 : vector<16xf32> to vector<16xf32>
      tpu.vector_store %arg12[%swap3A_1091], %swap3A_1094 {strides = array<i32>} : memref<16384xf32, #tpu.memory_space<vmem>>, vector<16xf32>,
      %mul3A_1095 = arith.constant 64 : i32
      %mul3A_1096 = arith.muli %scan3A_972, %mul3A_1095 : i32
      %add3A_1097 = arith.constant 32 : i32
      %add3A_1098 = arith.addi %mul3A_1096, %add3A_1097 : i32
      %get3A_1099 = arith.index_cast %add3A_1098 : i32 to index
      %get3A_1100 = tpu.vector_load %arg6[%get3A_1099] {strides = array<i32>} : memref<16384xf32, #tpu.memory_space<vmem>>, vector<16xf32>,
      %get3A_1101 = vector.shape_cast %get3A_1100 : vector<16xf32> to vector<16xf32>
      %get3A_1102 = arith.index_cast %add3A_1098 : i32 to index
      %get3A_1103 = tpu.vector_load %arg8[%get3A_1102] {strides = array<i32>} : memref<16384xf32, #tpu.memory_space<vmem>>, vector<16xf32>,
      %get3A_1104 = vector.shape_cast %get3A_1103 : vector<16xf32> to vector<16xf32>
      %abs3A_1105 = math.absf %get3A_1101 : vector<16xf32>
      %min3A_1106 = arith.constant 8.000000e+00 : f32
      %min3A_1107 = vector.broadcast %min3A_1106 : f32 to vector<16xf32>
      %min3A_1108 = arith.minimumf %abs3A_1105, %min3A_1107 : vector<16xf32>
      %mul3A_1109 = arith.constant -4.23574238E-6 : f32
      %mul3A_1110 = vector.broadcast %mul3A_1109 : f32 to vector<16xf32>
      %mul3A_1111 = arith.mulf %mul3A_1110, %min3A_1108 : vector<16xf32>
      %add3A_1112 = arith.constant 3.74917909E-5 : f32
      %add3A_1113 = vector.broadcast %add3A_1112 : f32 to vector<16xf32>
      %add3A_1114 = arith.addf %mul3A_1111, %add3A_1113 : vector<16xf32>
      %mul3A_1115 = arith.mulf %add3A_1114, %min3A_1108 : vector<16xf32>
      %add3A_1116 = arith.constant 0.00110166182 : f32
      %add3A_1117 = vector.broadcast %add3A_1116 : f32 to vector<16xf32>
      %add3A_1118 = arith.addf %mul3A_1115, %add3A_1117 : vector<16xf32>
      %mul3A_1119 = arith.mulf %add3A_1118, %min3A_1108 : vector<16xf32>
      %add3A_1120 = arith.constant -0.0215470828 : f32
      %add3A_1121 = vector.broadcast %add3A_1120 : f32 to vector<16xf32>
      %add3A_1122 = arith.addf %mul3A_1119, %add3A_1121 : vector<16xf32>
      %mul3A_1123 = arith.mulf %add3A_1122, %min3A_1108 : vector<16xf32>
      %add3A_1124 = arith.constant 0.153337061 : f32
      %add3A_1125 = vector.broadcast %add3A_1124 : f32 to vector<16xf32>
      %add3A_1126 = arith.addf %mul3A_1123, %add3A_1125 : vector<16xf32>
      %mul3A_1127 = arith.mulf %add3A_1126, %min3A_1108 : vector<16xf32>
      %add3A_1128 = arith.constant -0.513292253 : f32
      %add3A_1129 = vector.broadcast %add3A_1128 : f32 to vector<16xf32>
      %add3A_1130 = arith.addf %mul3A_1127, %add3A_1129 : vector<16xf32>
      %mul3A_1131 = arith.mulf %add3A_1130, %min3A_1108 : vector<16xf32>
      %add3A_1132 = arith.constant 0.694155812 : f32
      %add3A_1133 = vector.broadcast %add3A_1132 : f32 to vector<16xf32>
      %add3A_1134 = arith.addf %mul3A_1131, %add3A_1133 : vector<16xf32>
      %max3A_1135 = arith.constant 0.000000e+00 : f32
      %max3A_1136 = vector.broadcast %max3A_1135 : f32 to vector<16xf32>
      %max3A_1137 = arith.maximumf %get3A_1101, %max3A_1136 : vector<16xf32>
      %mul3A_1138 = arith.mulf %get3A_1101, %get3A_1104 : vector<16xf32>
      %sub3A_1139 = arith.subf %max3A_1137, %mul3A_1138 : vector<16xf32>
      %add3A_1140 = arith.addf %sub3A_1139, %add3A_1134 : vector<16xf32>
      %add3A_1141 = arith.constant 8 : i32
      %add3A_1142 = vector.broadcast %add3A_1141 : i32 to vector<16xi32>
      %add3A_1143 = arith.addi %shift_right_logical3A_610, %add3A_1142 : vector<16xi32>
      %broadcast_in_dim3A_1144 = vector.shape_cast %add3A_1143 : vector<16xi32> to vector<16x1xi32>
      %gather3A_1145 = vector.shape_cast %broadcast_in_dim3A_1144 : vector<16x1xi32> to vector<16xi32>
      %gather3A_1146 = tpu.dynamic_gather %get3A_977[%gather3A_1145] in [0] : vector<16xi32>, vector<16xi32> -> vector<16xi32>
      %shift_right_logical3A_1147 = arith.shrui %gather3A_1146, %shift_left3A_616 : vector<16xi32>
      %and3A_1148 = arith.constant 1 : i32
      %and3A_1149 = vector.broadcast %and3A_1148 : i32 to vector<16xi32>
      %and3A_1150 = arith.andi %shift_right_logical3A_1147, %and3A_1149 : vector<16xi32>
      %convert_element_type3A_1151 = arith.sitofp %and3A_1150 : vector<16xi32> to vector<16xf32>
      %mul3A_1152 = arith.mulf %add3A_1140, %convert_element_type3A_1151 : vector<16xf32>
      %swap3A_1153 = arith.index_cast %add3A_1098 : i32 to index
      %swap3A_1154 = tpu.vector_load %arg12[%swap3A_1153] {strides = array<i32>} : memref<16384xf32, #tpu.memory_space<vmem>>, vector<16xf32>,
      %swap3A_1155 = vector.shape_cast %swap3A_1154 : vector<16xf32> to vector<16xf32>
      %swap3A_1156 = vector.shape_cast %mul3A_1152 : vector<16xf32> to vector<16xf32>
      tpu.vector_store %arg12[%swap3A_1153], %swap3A_1156 {strides = array<i32>} : memref<16384xf32, #tpu.memory_space<vmem>>, vector<16xf32>,
      %mul3A_1157 = arith.constant 64 : i32
      %mul3A_1158 = arith.muli %scan3A_972, %mul3A_1157 : i32
      %add3A_1159 = arith.constant 48 : i32
      %add3A_1160 = arith.addi %mul3A_1158, %add3A_1159 : i32
      %get3A_1161 = arith.index_cast %add3A_1160 : i32 to index
      %get3A_1162 = tpu.vector_load %arg6[%get3A_1161] {strides = array<i32>} : memref<16384xf32, #tpu.memory_space<vmem>>, vector<16xf32>,
      %get3A_1163 = vector.shape_cast %get3A_1162 : vector<16xf32> to vector<16xf32>
      %get3A_1164 = arith.index_cast %add3A_1160 : i32 to index
      %get3A_1165 = tpu.vector_load %arg8[%get3A_1164] {strides = array<i32>} : memref<16384xf32, #tpu.memory_space<vmem>>, vector<16xf32>,
      %get3A_1166 = vector.shape_cast %get3A_1165 : vector<16xf32> to vector<16xf32>
      %abs3A_1167 = math.absf %get3A_1163 : vector<16xf32>
      %min3A_1168 = arith.constant 8.000000e+00 : f32
      %min3A_1169 = vector.broadcast %min3A_1168 : f32 to vector<16xf32>
      %min3A_1170 = arith.minimumf %abs3A_1167, %min3A_1169 : vector<16xf32>
      %mul3A_1171 = arith.constant -4.23574238E-6 : f32
      %mul3A_1172 = vector.broadcast %mul3A_1171 : f32 to vector<16xf32>
      %mul3A_1173 = arith.mulf %mul3A_1172, %min3A_1170 : vector<16xf32>
      %add3A_1174 = arith.constant 3.74917909E-5 : f32
      %add3A_1175 = vector.broadcast %add3A_1174 : f32 to vector<16xf32>
      %add3A_1176 = arith.addf %mul3A_1173, %add3A_1175 : vector<16xf32>
      %mul3A_1177 = arith.mulf %add3A_1176, %min3A_1170 : vector<16xf32>
      %add3A_1178 = arith.constant 0.00110166182 : f32
      %add3A_1179 = vector.broadcast %add3A_1178 : f32 to vector<16xf32>
      %add3A_1180 = arith.addf %mul3A_1177, %add3A_1179 : vector<16xf32>
      %mul3A_1181 = arith.mulf %add3A_1180, %min3A_1170 : vector<16xf32>
      %add3A_1182 = arith.constant -0.0215470828 : f32
      %add3A_1183 = vector.broadcast %add3A_1182 : f32 to vector<16xf32>
      %add3A_1184 = arith.addf %mul3A_1181, %add3A_1183 : vector<16xf32>
      %mul3A_1185 = arith.mulf %add3A_1184, %min3A_1170 : vector<16xf32>
      %add3A_1186 = arith.constant 0.153337061 : f32
      %add3A_1187 = vector.broadcast %add3A_1186 : f32 to vector<16xf32>
      %add3A_1188 = arith.addf %mul3A_1185, %add3A_1187 : vector<16xf32>
      %mul3A_1189 = arith.mulf %add3A_1188, %min3A_1170 : vector<16xf32>
      %add3A_1190 = arith.constant -0.513292253 : f32
      %add3A_1191 = vector.broadcast %add3A_1190 : f32 to vector<16xf32>
      %add3A_1192 = arith.addf %mul3A_1189, %add3A_1191 : vector<16xf32>
      %mul3A_1193 = arith.mulf %add3A_1192, %min3A_1170 : vector<16xf32>
      %add3A_1194 = arith.constant 0.694155812 : f32
      %add3A_1195 = vector.broadcast %add3A_1194 : f32 to vector<16xf32>
      %add3A_1196 = arith.addf %mul3A_1193, %add3A_1195 : vector<16xf32>
      %max3A_1197 = arith.constant 0.000000e+00 : f32
      %max3A_1198 = vector.broadcast %max3A_1197 : f32 to vector<16xf32>
      %max3A_1199 = arith.maximumf %get3A_1163, %max3A_1198 : vector<16xf32>
      %mul3A_1200 = arith.mulf %get3A_1163, %get3A_1166 : vector<16xf32>
      %sub3A_1201 = arith.subf %max3A_1199, %mul3A_1200 : vector<16xf32>
      %add3A_1202 = arith.addf %sub3A_1201, %add3A_1196 : vector<16xf32>
      %add3A_1203 = arith.constant 12 : i32
      %add3A_1204 = vector.broadcast %add3A_1203 : i32 to vector<16xi32>
      %add3A_1205 = arith.addi %shift_right_logical3A_610, %add3A_1204 : vector<16xi32>
      %broadcast_in_dim3A_1206 = vector.shape_cast %add3A_1205 : vector<16xi32> to vector<16x1xi32>
      %gather3A_1207 = vector.shape_cast %broadcast_in_dim3A_1206 : vector<16x1xi32> to vector<16xi32>
      %gather3A_1208 = tpu.dynamic_gather %get3A_977[%gather3A_1207] in [0] : vector<16xi32>, vector<16xi32> -> vector<16xi32>
      %shift_right_logical3A_1209 = arith.shrui %gather3A_1208, %shift_left3A_616 : vector<16xi32>
      %and3A_1210 = arith.constant 1 : i32
      %and3A_1211 = vector.broadcast %and3A_1210 : i32 to vector<16xi32>
      %and3A_1212 = arith.andi %shift_right_logical3A_1209, %and3A_1211 : vector<16xi32>
      %convert_element_type3A_1213 = arith.sitofp %and3A_1212 : vector<16xi32> to vector<16xf32>
      %mul3A_1214 = arith.mulf %add3A_1202, %convert_element_type3A_1213 : vector<16xf32>
      %swap3A_1215 = arith.index_cast %add3A_1160 : i32 to index
      %swap3A_1216 = tpu.vector_load %arg12[%swap3A_1215] {strides = array<i32>} : memref<16384xf32, #tpu.memory_space<vmem>>, vector<16xf32>,
      %swap3A_1217 = vector.shape_cast %swap3A_1216 : vector<16xf32> to vector<16xf32>
      %swap3A_1218 = vector.shape_cast %mul3A_1214 : vector<16xf32> to vector<16xf32>
      tpu.vector_store %arg12[%swap3A_1215], %swap3A_1218 {strides = array<i32>} : memref<16384xf32, #tpu.memory_space<vmem>>, vector<16xf32>,
      %scan3A_1219 = arith.constant 0 : i32
      scf.yield %scan3A_1219 : i32
    }
    %scan3A_623 = arith.constant 256 : i32
    %add3A_624 = arith.constant 65536 : i32
    %add3A_625 = arith.addi %mul3A_2, %add3A_624 : i32
    %multiple_of3A_626 = tpu.assume_multiple %add3A_625, 16384 : i32
    %dma_start3A_627 = arith.constant 0 : i32
    %dma_start3A_628 = tpu.memref_slice %arg5[%multiple_of3A_626] : memref<4194304xf32, #tpu.memory_space<hbm>> -> memref<16384xf32, #tpu.memory_space<hbm>>
    %dma_start3A_629 = tpu.memref_slice %arg15[%dma_start3A_627] : memref<2x!tpu.dma_semaphore, #tpu.memory_space<semaphore_mem>> -> memref<1x!tpu.dma_semaphore, #tpu.memory_space<semaphore_mem>>
    %dma_start3A_630 = tpu.memref_squeeze %dma_start3A_629 : memref<1x!tpu.dma_semaphore, #tpu.memory_space<semaphore_mem>> -> memref<!tpu.dma_semaphore, #tpu.memory_space<semaphore_mem>>
    %dma_start3A_631 = tpu.memref_slice %arg5[%multiple_of3A_626] : memref<4194304xf32, #tpu.memory_space<hbm>> -> memref<16384xf32, #tpu.memory_space<hbm>>
    tpu.enqueue_dma source(%arg12 : memref<16384xf32, #tpu.memory_space<vmem>>) target(%dma_start3A_631 : memref<16384xf32, #tpu.memory_space<hbm>>) target_semaphore(%dma_start3A_630 : memref<!tpu.dma_semaphore, #tpu.memory_space<semaphore_mem>>)
    %add3A_632 = arith.constant 98304 : i32
    %add3A_633 = arith.addi %mul3A_2, %add3A_632 : i32
    %multiple_of3A_634 = tpu.assume_multiple %add3A_633, 16384 : i32
    %add3A_635 = arith.constant 98304 : i32
    %add3A_636 = arith.addi %mul3A_2, %add3A_635 : i32
    %jit3A_637 = arith.constant 4 : i32
    %div3A_638 = arith.divsi %add3A_636, %jit3A_637 : i32
    %sign3A_639 = arith.constant 0 : i32
    %sign3A_640 = arith.cmpi sgt, %add3A_636, %sign3A_639 : i32
    %sign3A_641 = arith.extui %sign3A_640 : i1 to i32
    %sign3A_642 = arith.constant 0 : i32
    %sign3A_643 = arith.cmpi slt, %add3A_636, %sign3A_642 : i32
    %sign3A_644 = arith.extui %sign3A_643 : i1 to i32
    %sign3A_645 = arith.subi %sign3A_641, %sign3A_644 : i32
    %sign3A_646 = arith.constant 0 : i32
    %sign3A_647 = arith.cmpi sgt, %jit3A_637, %sign3A_646 : i32
    %sign3A_648 = arith.extui %sign3A_647 : i1 to i32
    %sign3A_649 = arith.constant 0 : i32
    %sign3A_650 = arith.cmpi slt, %jit3A_637, %sign3A_649 : i32
    %sign3A_651 = arith.extui %sign3A_650 : i1 to i32
    %sign3A_652 = arith.subi %sign3A_648, %sign3A_651 : i32
    %ne3A_653 = arith.cmpi ne, %sign3A_645, %sign3A_652 : i32
    %rem3A_654 = arith.remsi %add3A_636, %jit3A_637 : i32
    %ne3A_655 = arith.constant 0 : i32
    %ne3A_656 = arith.cmpi ne, %rem3A_654, %ne3A_655 : i32
    %and3A_657 = arith.andi %ne3A_653, %ne3A_656 : i1
    %sub3A_658 = arith.constant 1 : i32
    %sub3A_659 = arith.subi %div3A_638, %sub3A_658 : i32
    %select_n3A_660 = arith.select %and3A_657, %sub3A_659, %div3A_638 : i32
    %multiple_of3A_661 = tpu.assume_multiple %select_n3A_660, 4096 : i32
    %dma_start3A_662 = arith.constant 0 : i32
    %dma_start3A_663 = tpu.memref_slice %arg2[%multiple_of3A_634] : memref<4194304xf32, #tpu.memory_space<hbm>> -> memref<16384xf32, #tpu.memory_space<hbm>>
    %dma_start3A_664 = tpu.memref_slice %arg14[%dma_start3A_662] : memref<2x!tpu.dma_semaphore, #tpu.memory_space<semaphore_mem>> -> memref<1x!tpu.dma_semaphore, #tpu.memory_space<semaphore_mem>>
    %dma_start3A_665 = tpu.memref_squeeze %dma_start3A_664 : memref<1x!tpu.dma_semaphore, #tpu.memory_space<semaphore_mem>> -> memref<!tpu.dma_semaphore, #tpu.memory_space<semaphore_mem>>
    %dma_start3A_666 = tpu.memref_slice %arg2[%multiple_of3A_634] : memref<4194304xf32, #tpu.memory_space<hbm>> -> memref<16384xf32, #tpu.memory_space<hbm>>
    tpu.enqueue_dma source(%dma_start3A_666 : memref<16384xf32, #tpu.memory_space<hbm>>) target(%arg6 : memref<16384xf32, #tpu.memory_space<vmem>>) target_semaphore(%dma_start3A_665 : memref<!tpu.dma_semaphore, #tpu.memory_space<semaphore_mem>>)
    %dma_start3A_667 = arith.constant 0 : i32
    %dma_start3A_668 = tpu.memref_slice %arg3[%multiple_of3A_634] : memref<4194304xf32, #tpu.memory_space<hbm>> -> memref<16384xf32, #tpu.memory_space<hbm>>
    %dma_start3A_669 = tpu.memref_slice %arg14[%dma_start3A_667] : memref<2x!tpu.dma_semaphore, #tpu.memory_space<semaphore_mem>> -> memref<1x!tpu.dma_semaphore, #tpu.memory_space<semaphore_mem>>
    %dma_start3A_670 = tpu.memref_squeeze %dma_start3A_669 : memref<1x!tpu.dma_semaphore, #tpu.memory_space<semaphore_mem>> -> memref<!tpu.dma_semaphore, #tpu.memory_space<semaphore_mem>>
    %dma_start3A_671 = tpu.memref_slice %arg3[%multiple_of3A_634] : memref<4194304xf32, #tpu.memory_space<hbm>> -> memref<16384xf32, #tpu.memory_space<hbm>>
    tpu.enqueue_dma source(%dma_start3A_671 : memref<16384xf32, #tpu.memory_space<hbm>>) target(%arg8 : memref<16384xf32, #tpu.memory_space<vmem>>) target_semaphore(%dma_start3A_670 : memref<!tpu.dma_semaphore, #tpu.memory_space<semaphore_mem>>)
    %dma_start3A_672 = arith.constant 0 : i32
    %dma_start3A_673 = tpu.memref_slice %arg4[%multiple_of3A_661] : memref<1048576xi32, #tpu.memory_space<hbm>> -> memref<4096xi32, #tpu.memory_space<hbm>>
    %dma_start3A_674 = tpu.memref_slice %arg14[%dma_start3A_672] : memref<2x!tpu.dma_semaphore, #tpu.memory_space<semaphore_mem>> -> memref<1x!tpu.dma_semaphore, #tpu.memory_space<semaphore_mem>>
    %dma_start3A_675 = tpu.memref_squeeze %dma_start3A_674 : memref<1x!tpu.dma_semaphore, #tpu.memory_space<semaphore_mem>> -> memref<!tpu.dma_semaphore, #tpu.memory_space<semaphore_mem>>
    %dma_start3A_676 = tpu.memref_slice %arg4[%multiple_of3A_661] : memref<1048576xi32, #tpu.memory_space<hbm>> -> memref<4096xi32, #tpu.memory_space<hbm>>
    tpu.enqueue_dma source(%dma_start3A_676 : memref<4096xi32, #tpu.memory_space<hbm>>) target(%arg10 : memref<4096xi32, #tpu.memory_space<vmem>>) target_semaphore(%dma_start3A_675 : memref<!tpu.dma_semaphore, #tpu.memory_space<semaphore_mem>>)
    %add3A_677 = arith.constant 81920 : i32
    %add3A_678 = arith.addi %mul3A_2, %add3A_677 : i32
    %multiple_of3A_679 = tpu.assume_multiple %add3A_678, 16384 : i32
    %add3A_680 = arith.constant 81920 : i32
    %add3A_681 = arith.addi %mul3A_2, %add3A_680 : i32
    %jit3A_682 = arith.constant 4 : i32
    %div3A_683 = arith.divsi %add3A_681, %jit3A_682 : i32
    %sign3A_684 = arith.constant 0 : i32
    %sign3A_685 = arith.cmpi sgt, %add3A_681, %sign3A_684 : i32
    %sign3A_686 = arith.extui %sign3A_685 : i1 to i32
    %sign3A_687 = arith.constant 0 : i32
    %sign3A_688 = arith.cmpi slt, %add3A_681, %sign3A_687 : i32
    %sign3A_689 = arith.extui %sign3A_688 : i1 to i32
    %sign3A_690 = arith.subi %sign3A_686, %sign3A_689 : i32
    %sign3A_691 = arith.constant 0 : i32
    %sign3A_692 = arith.cmpi sgt, %jit3A_682, %sign3A_691 : i32
    %sign3A_693 = arith.extui %sign3A_692 : i1 to i32
    %sign3A_694 = arith.constant 0 : i32
    %sign3A_695 = arith.cmpi slt, %jit3A_682, %sign3A_694 : i32
    %sign3A_696 = arith.extui %sign3A_695 : i1 to i32
    %sign3A_697 = arith.subi %sign3A_693, %sign3A_696 : i32
    %ne3A_698 = arith.cmpi ne, %sign3A_690, %sign3A_697 : i32
    %rem3A_699 = arith.remsi %add3A_681, %jit3A_682 : i32
    %ne3A_700 = arith.constant 0 : i32
    %ne3A_701 = arith.cmpi ne, %rem3A_699, %ne3A_700 : i32
    %and3A_702 = arith.andi %ne3A_698, %ne3A_701 : i1
    %sub3A_703 = arith.constant 1 : i32
    %sub3A_704 = arith.subi %div3A_683, %sub3A_703 : i32
    %select_n3A_705 = arith.select %and3A_702, %sub3A_704, %div3A_683 : i32
    %multiple_of3A_706 = tpu.assume_multiple %select_n3A_705, 4096 : i32
    %dma_wait3A_707 = arith.constant 1 : i32
    %dma_wait3A_708 = tpu.memref_slice %arg2[%multiple_of3A_679] : memref<4194304xf32, #tpu.memory_space<hbm>> -> memref<16384xf32, #tpu.memory_space<hbm>>
    %dma_wait3A_709 = tpu.memref_slice %arg14[%dma_wait3A_707] : memref<2x!tpu.dma_semaphore, #tpu.memory_space<semaphore_mem>> -> memref<1x!tpu.dma_semaphore, #tpu.memory_space<semaphore_mem>>
    %dma_wait3A_710 = tpu.memref_squeeze %dma_wait3A_709 : memref<1x!tpu.dma_semaphore, #tpu.memory_space<semaphore_mem>> -> memref<!tpu.dma_semaphore, #tpu.memory_space<semaphore_mem>>
    %dma_wait3A_711 = tpu.memref_slice %arg2[%multiple_of3A_679] : memref<4194304xf32, #tpu.memory_space<hbm>> -> memref<16384xf32, #tpu.memory_space<hbm>>
    tpu.wait_dma2 semaphore(%dma_wait3A_710 : memref<!tpu.dma_semaphore, #tpu.memory_space<semaphore_mem>>) src(%dma_wait3A_711 : memref<16384xf32, #tpu.memory_space<hbm>>) dst(%arg7 : memref<16384xf32, #tpu.memory_space<vmem>>)
    %dma_wait3A_712 = arith.constant 1 : i32
    %dma_wait3A_713 = tpu.memref_slice %arg3[%multiple_of3A_679] : memref<4194304xf32, #tpu.memory_space<hbm>> -> memref<16384xf32, #tpu.memory_space<hbm>>
    %dma_wait3A_714 = tpu.memref_slice %arg14[%dma_wait3A_712] : memref<2x!tpu.dma_semaphore, #tpu.memory_space<semaphore_mem>> -> memref<1x!tpu.dma_semaphore, #tpu.memory_space<semaphore_mem>>
    %dma_wait3A_715 = tpu.memref_squeeze %dma_wait3A_714 : memref<1x!tpu.dma_semaphore, #tpu.memory_space<semaphore_mem>> -> memref<!tpu.dma_semaphore, #tpu.memory_space<semaphore_mem>>
    %dma_wait3A_716 = tpu.memref_slice %arg3[%multiple_of3A_679] : memref<4194304xf32, #tpu.memory_space<hbm>> -> memref<16384xf32, #tpu.memory_space<hbm>>
    tpu.wait_dma2 semaphore(%dma_wait3A_715 : memref<!tpu.dma_semaphore, #tpu.memory_space<semaphore_mem>>) src(%dma_wait3A_716 : memref<16384xf32, #tpu.memory_space<hbm>>) dst(%arg9 : memref<16384xf32, #tpu.memory_space<vmem>>)
    %dma_wait3A_717 = arith.constant 1 : i32
    %dma_wait3A_718 = tpu.memref_slice %arg4[%multiple_of3A_706] : memref<1048576xi32, #tpu.memory_space<hbm>> -> memref<4096xi32, #tpu.memory_space<hbm>>
    %dma_wait3A_719 = tpu.memref_slice %arg14[%dma_wait3A_717] : memref<2x!tpu.dma_semaphore, #tpu.memory_space<semaphore_mem>> -> memref<1x!tpu.dma_semaphore, #tpu.memory_space<semaphore_mem>>
    %dma_wait3A_720 = tpu.memref_squeeze %dma_wait3A_719 : memref<1x!tpu.dma_semaphore, #tpu.memory_space<semaphore_mem>> -> memref<!tpu.dma_semaphore, #tpu.memory_space<semaphore_mem>>
    %dma_wait3A_721 = tpu.memref_slice %arg4[%multiple_of3A_706] : memref<1048576xi32, #tpu.memory_space<hbm>> -> memref<4096xi32, #tpu.memory_space<hbm>>
    tpu.wait_dma2 semaphore(%dma_wait3A_720 : memref<!tpu.dma_semaphore, #tpu.memory_space<semaphore_mem>>) src(%dma_wait3A_721 : memref<4096xi32, #tpu.memory_space<hbm>>) dst(%arg11 : memref<4096xi32, #tpu.memory_space<vmem>>)
    %add3A_722 = arith.constant 49152 : i32
    %add3A_723 = arith.addi %mul3A_2, %add3A_722 : i32
    %multiple_of3A_724 = tpu.assume_multiple %add3A_723, 16384 : i32
    %dma_wait3A_725 = arith.constant 1 : i32
    %dma_wait3A_726 = tpu.memref_slice %arg5[%multiple_of3A_724] : memref<4194304xf32, #tpu.memory_space<hbm>> -> memref<16384xf32, #tpu.memory_space<hbm>>
    %dma_wait3A_727 = tpu.memref_slice %arg15[%dma_wait3A_725] : memref<2x!tpu.dma_semaphore, #tpu.memory_space<semaphore_mem>> -> memref<1x!tpu.dma_semaphore, #tpu.memory_space<semaphore_mem>>
    %dma_wait3A_728 = tpu.memref_squeeze %dma_wait3A_727 : memref<1x!tpu.dma_semaphore, #tpu.memory_space<semaphore_mem>> -> memref<!tpu.dma_semaphore, #tpu.memory_space<semaphore_mem>>
    %dma_wait3A_729 = tpu.memref_slice %arg5[%multiple_of3A_724] : memref<4194304xf32, #tpu.memory_space<hbm>> -> memref<16384xf32, #tpu.memory_space<hbm>>
    tpu.wait_dma2 semaphore(%dma_wait3A_728 : memref<!tpu.dma_semaphore, #tpu.memory_space<semaphore_mem>>) src(%arg13 : memref<16384xf32, #tpu.memory_space<vmem>>) dst(%dma_wait3A_729 : memref<16384xf32, #tpu.memory_space<hbm>>)
    %iota3A_730 = tpu.iota {dimensions = array<i32: 0>} : vector<16xi32>
    %shift_right_logical3A_731 = arith.constant 2 : i32
    %shift_right_logical3A_732 = vector.broadcast %shift_right_logical3A_731 : i32 to vector<16xi32>
    %shift_right_logical3A_733 = arith.shrui %iota3A_730, %shift_right_logical3A_732 : vector<16xi32>
    %and3A_734 = arith.constant 3 : i32
    %and3A_735 = vector.broadcast %and3A_734 : i32 to vector<16xi32>
    %and3A_736 = arith.andi %iota3A_730, %and3A_735 : vector<16xi32>
    %shift_left3A_737 = arith.constant 3 : i32
    %shift_left3A_738 = vector.broadcast %shift_left3A_737 : i32 to vector<16xi32>
    %shift_left3A_739 = arith.shli %and3A_736, %shift_left3A_738 : vector<16xi32>
    %scan3A_740 = arith.constant 0 : i32
    %scan3A_741 = arith.constant 0 : i32
    %scan3A_742 = arith.constant 256 : i32
    %scan3A_743 = arith.addi %scan3A_741, %scan3A_742 : i32
    %scan3A_744 = arith.constant 1 : i32
    %scan3A_745 = scf.for %scan3A_972 = %scan3A_741 to %scan3A_743 step %scan3A_744 iter_args(%scan3A_973 = %scan3A_740) -> (i32)  : i32 {
      %mul3A_974 = arith.constant 16 : i32
      %mul3A_975 = arith.muli %scan3A_972, %mul3A_974 : i32
      %get3A = arith.index_cast %mul3A_975 : i32 to index
      %get3A_976 = tpu.vector_load %arg11[%get3A] {strides = array<i32>} : memref<4096xi32, #tpu.memory_space<vmem>>, vector<16xi32>,
      %get3A_977 = vector.shape_cast %get3A_976 : vector<16xi32> to vector<16xi32>
      %mul3A_978 = arith.constant 64 : i32
      %mul3A_979 = arith.muli %scan3A_972, %mul3A_978 : i32
      %add3A_980 = arith.constant 0 : i32
      %add3A_981 = arith.addi %mul3A_979, %add3A_980 : i32
      %get3A_982 = arith.index_cast %add3A_981 : i32 to index
      %get3A_983 = tpu.vector_load %arg7[%get3A_982] {strides = array<i32>} : memref<16384xf32, #tpu.memory_space<vmem>>, vector<16xf32>,
      %get3A_984 = vector.shape_cast %get3A_983 : vector<16xf32> to vector<16xf32>
      %get3A_985 = arith.index_cast %add3A_981 : i32 to index
      %get3A_986 = tpu.vector_load %arg9[%get3A_985] {strides = array<i32>} : memref<16384xf32, #tpu.memory_space<vmem>>, vector<16xf32>,
      %get3A_987 = vector.shape_cast %get3A_986 : vector<16xf32> to vector<16xf32>
      %abs3A = math.absf %get3A_984 : vector<16xf32>
      %min3A = arith.constant 8.000000e+00 : f32
      %min3A_988 = vector.broadcast %min3A : f32 to vector<16xf32>
      %min3A_989 = arith.minimumf %abs3A, %min3A_988 : vector<16xf32>
      %mul3A_990 = arith.constant -4.23574238E-6 : f32
      %mul3A_991 = vector.broadcast %mul3A_990 : f32 to vector<16xf32>
      %mul3A_992 = arith.mulf %mul3A_991, %min3A_989 : vector<16xf32>
      %add3A_993 = arith.constant 3.74917909E-5 : f32
      %add3A_994 = vector.broadcast %add3A_993 : f32 to vector<16xf32>
      %add3A_995 = arith.addf %mul3A_992, %add3A_994 : vector<16xf32>
      %mul3A_996 = arith.mulf %add3A_995, %min3A_989 : vector<16xf32>
      %add3A_997 = arith.constant 0.00110166182 : f32
      %add3A_998 = vector.broadcast %add3A_997 : f32 to vector<16xf32>
      %add3A_999 = arith.addf %mul3A_996, %add3A_998 : vector<16xf32>
      %mul3A_1000 = arith.mulf %add3A_999, %min3A_989 : vector<16xf32>
      %add3A_1001 = arith.constant -0.0215470828 : f32
      %add3A_1002 = vector.broadcast %add3A_1001 : f32 to vector<16xf32>
      %add3A_1003 = arith.addf %mul3A_1000, %add3A_1002 : vector<16xf32>
      %mul3A_1004 = arith.mulf %add3A_1003, %min3A_989 : vector<16xf32>
      %add3A_1005 = arith.constant 0.153337061 : f32
      %add3A_1006 = vector.broadcast %add3A_1005 : f32 to vector<16xf32>
      %add3A_1007 = arith.addf %mul3A_1004, %add3A_1006 : vector<16xf32>
      %mul3A_1008 = arith.mulf %add3A_1007, %min3A_989 : vector<16xf32>
      %add3A_1009 = arith.constant -0.513292253 : f32
      %add3A_1010 = vector.broadcast %add3A_1009 : f32 to vector<16xf32>
      %add3A_1011 = arith.addf %mul3A_1008, %add3A_1010 : vector<16xf32>
      %mul3A_1012 = arith.mulf %add3A_1011, %min3A_989 : vector<16xf32>
      %add3A_1013 = arith.constant 0.694155812 : f32
      %add3A_1014 = vector.broadcast %add3A_1013 : f32 to vector<16xf32>
      %add3A_1015 = arith.addf %mul3A_1012, %add3A_1014 : vector<16xf32>
      %max3A = arith.constant 0.000000e+00 : f32
      %max3A_1016 = vector.broadcast %max3A : f32 to vector<16xf32>
      %max3A_1017 = arith.maximumf %get3A_984, %max3A_1016 : vector<16xf32>
      %mul3A_1018 = arith.mulf %get3A_984, %get3A_987 : vector<16xf32>
      %sub3A_1019 = arith.subf %max3A_1017, %mul3A_1018 : vector<16xf32>
      %add3A_1020 = arith.addf %sub3A_1019, %add3A_1015 : vector<16xf32>
      %add3A_1021 = arith.constant 0 : i32
      %add3A_1022 = vector.broadcast %add3A_1021 : i32 to vector<16xi32>
      %add3A_1023 = arith.addi %shift_right_logical3A_733, %add3A_1022 : vector<16xi32>
      %broadcast_in_dim3A = vector.shape_cast %add3A_1023 : vector<16xi32> to vector<16x1xi32>
      %gather3A = vector.shape_cast %broadcast_in_dim3A : vector<16x1xi32> to vector<16xi32>
      %gather3A_1024 = tpu.dynamic_gather %get3A_977[%gather3A] in [0] : vector<16xi32>, vector<16xi32> -> vector<16xi32>
      %shift_right_logical3A_1025 = arith.shrui %gather3A_1024, %shift_left3A_739 : vector<16xi32>
      %and3A_1026 = arith.constant 1 : i32
      %and3A_1027 = vector.broadcast %and3A_1026 : i32 to vector<16xi32>
      %and3A_1028 = arith.andi %shift_right_logical3A_1025, %and3A_1027 : vector<16xi32>
      %convert_element_type3A = arith.sitofp %and3A_1028 : vector<16xi32> to vector<16xf32>
      %mul3A_1029 = arith.mulf %add3A_1020, %convert_element_type3A : vector<16xf32>
      %swap3A = arith.index_cast %add3A_981 : i32 to index
      %swap3A_1030 = tpu.vector_load %arg13[%swap3A] {strides = array<i32>} : memref<16384xf32, #tpu.memory_space<vmem>>, vector<16xf32>,
      %swap3A_1031 = vector.shape_cast %swap3A_1030 : vector<16xf32> to vector<16xf32>
      %swap3A_1032 = vector.shape_cast %mul3A_1029 : vector<16xf32> to vector<16xf32>
      tpu.vector_store %arg13[%swap3A], %swap3A_1032 {strides = array<i32>} : memref<16384xf32, #tpu.memory_space<vmem>>, vector<16xf32>,
      %mul3A_1033 = arith.constant 64 : i32
      %mul3A_1034 = arith.muli %scan3A_972, %mul3A_1033 : i32
      %add3A_1035 = arith.constant 16 : i32
      %add3A_1036 = arith.addi %mul3A_1034, %add3A_1035 : i32
      %get3A_1037 = arith.index_cast %add3A_1036 : i32 to index
      %get3A_1038 = tpu.vector_load %arg7[%get3A_1037] {strides = array<i32>} : memref<16384xf32, #tpu.memory_space<vmem>>, vector<16xf32>,
      %get3A_1039 = vector.shape_cast %get3A_1038 : vector<16xf32> to vector<16xf32>
      %get3A_1040 = arith.index_cast %add3A_1036 : i32 to index
      %get3A_1041 = tpu.vector_load %arg9[%get3A_1040] {strides = array<i32>} : memref<16384xf32, #tpu.memory_space<vmem>>, vector<16xf32>,
      %get3A_1042 = vector.shape_cast %get3A_1041 : vector<16xf32> to vector<16xf32>
      %abs3A_1043 = math.absf %get3A_1039 : vector<16xf32>
      %min3A_1044 = arith.constant 8.000000e+00 : f32
      %min3A_1045 = vector.broadcast %min3A_1044 : f32 to vector<16xf32>
      %min3A_1046 = arith.minimumf %abs3A_1043, %min3A_1045 : vector<16xf32>
      %mul3A_1047 = arith.constant -4.23574238E-6 : f32
      %mul3A_1048 = vector.broadcast %mul3A_1047 : f32 to vector<16xf32>
      %mul3A_1049 = arith.mulf %mul3A_1048, %min3A_1046 : vector<16xf32>
      %add3A_1050 = arith.constant 3.74917909E-5 : f32
      %add3A_1051 = vector.broadcast %add3A_1050 : f32 to vector<16xf32>
      %add3A_1052 = arith.addf %mul3A_1049, %add3A_1051 : vector<16xf32>
      %mul3A_1053 = arith.mulf %add3A_1052, %min3A_1046 : vector<16xf32>
      %add3A_1054 = arith.constant 0.00110166182 : f32
      %add3A_1055 = vector.broadcast %add3A_1054 : f32 to vector<16xf32>
      %add3A_1056 = arith.addf %mul3A_1053, %add3A_1055 : vector<16xf32>
      %mul3A_1057 = arith.mulf %add3A_1056, %min3A_1046 : vector<16xf32>
      %add3A_1058 = arith.constant -0.0215470828 : f32
      %add3A_1059 = vector.broadcast %add3A_1058 : f32 to vector<16xf32>
      %add3A_1060 = arith.addf %mul3A_1057, %add3A_1059 : vector<16xf32>
      %mul3A_1061 = arith.mulf %add3A_1060, %min3A_1046 : vector<16xf32>
      %add3A_1062 = arith.constant 0.153337061 : f32
      %add3A_1063 = vector.broadcast %add3A_1062 : f32 to vector<16xf32>
      %add3A_1064 = arith.addf %mul3A_1061, %add3A_1063 : vector<16xf32>
      %mul3A_1065 = arith.mulf %add3A_1064, %min3A_1046 : vector<16xf32>
      %add3A_1066 = arith.constant -0.513292253 : f32
      %add3A_1067 = vector.broadcast %add3A_1066 : f32 to vector<16xf32>
      %add3A_1068 = arith.addf %mul3A_1065, %add3A_1067 : vector<16xf32>
      %mul3A_1069 = arith.mulf %add3A_1068, %min3A_1046 : vector<16xf32>
      %add3A_1070 = arith.constant 0.694155812 : f32
      %add3A_1071 = vector.broadcast %add3A_1070 : f32 to vector<16xf32>
      %add3A_1072 = arith.addf %mul3A_1069, %add3A_1071 : vector<16xf32>
      %max3A_1073 = arith.constant 0.000000e+00 : f32
      %max3A_1074 = vector.broadcast %max3A_1073 : f32 to vector<16xf32>
      %max3A_1075 = arith.maximumf %get3A_1039, %max3A_1074 : vector<16xf32>
      %mul3A_1076 = arith.mulf %get3A_1039, %get3A_1042 : vector<16xf32>
      %sub3A_1077 = arith.subf %max3A_1075, %mul3A_1076 : vector<16xf32>
      %add3A_1078 = arith.addf %sub3A_1077, %add3A_1072 : vector<16xf32>
      %add3A_1079 = arith.constant 4 : i32
      %add3A_1080 = vector.broadcast %add3A_1079 : i32 to vector<16xi32>
      %add3A_1081 = arith.addi %shift_right_logical3A_733, %add3A_1080 : vector<16xi32>
      %broadcast_in_dim3A_1082 = vector.shape_cast %add3A_1081 : vector<16xi32> to vector<16x1xi32>
      %gather3A_1083 = vector.shape_cast %broadcast_in_dim3A_1082 : vector<16x1xi32> to vector<16xi32>
      %gather3A_1084 = tpu.dynamic_gather %get3A_977[%gather3A_1083] in [0] : vector<16xi32>, vector<16xi32> -> vector<16xi32>
      %shift_right_logical3A_1085 = arith.shrui %gather3A_1084, %shift_left3A_739 : vector<16xi32>
      %and3A_1086 = arith.constant 1 : i32
      %and3A_1087 = vector.broadcast %and3A_1086 : i32 to vector<16xi32>
      %and3A_1088 = arith.andi %shift_right_logical3A_1085, %and3A_1087 : vector<16xi32>
      %convert_element_type3A_1089 = arith.sitofp %and3A_1088 : vector<16xi32> to vector<16xf32>
      %mul3A_1090 = arith.mulf %add3A_1078, %convert_element_type3A_1089 : vector<16xf32>
      %swap3A_1091 = arith.index_cast %add3A_1036 : i32 to index
      %swap3A_1092 = tpu.vector_load %arg13[%swap3A_1091] {strides = array<i32>} : memref<16384xf32, #tpu.memory_space<vmem>>, vector<16xf32>,
      %swap3A_1093 = vector.shape_cast %swap3A_1092 : vector<16xf32> to vector<16xf32>
      %swap3A_1094 = vector.shape_cast %mul3A_1090 : vector<16xf32> to vector<16xf32>
      tpu.vector_store %arg13[%swap3A_1091], %swap3A_1094 {strides = array<i32>} : memref<16384xf32, #tpu.memory_space<vmem>>, vector<16xf32>,
      %mul3A_1095 = arith.constant 64 : i32
      %mul3A_1096 = arith.muli %scan3A_972, %mul3A_1095 : i32
      %add3A_1097 = arith.constant 32 : i32
      %add3A_1098 = arith.addi %mul3A_1096, %add3A_1097 : i32
      %get3A_1099 = arith.index_cast %add3A_1098 : i32 to index
      %get3A_1100 = tpu.vector_load %arg7[%get3A_1099] {strides = array<i32>} : memref<16384xf32, #tpu.memory_space<vmem>>, vector<16xf32>,
      %get3A_1101 = vector.shape_cast %get3A_1100 : vector<16xf32> to vector<16xf32>
      %get3A_1102 = arith.index_cast %add3A_1098 : i32 to index
      %get3A_1103 = tpu.vector_load %arg9[%get3A_1102] {strides = array<i32>} : memref<16384xf32, #tpu.memory_space<vmem>>, vector<16xf32>,
      %get3A_1104 = vector.shape_cast %get3A_1103 : vector<16xf32> to vector<16xf32>
      %abs3A_1105 = math.absf %get3A_1101 : vector<16xf32>
      %min3A_1106 = arith.constant 8.000000e+00 : f32
      %min3A_1107 = vector.broadcast %min3A_1106 : f32 to vector<16xf32>
      %min3A_1108 = arith.minimumf %abs3A_1105, %min3A_1107 : vector<16xf32>
      %mul3A_1109 = arith.constant -4.23574238E-6 : f32
      %mul3A_1110 = vector.broadcast %mul3A_1109 : f32 to vector<16xf32>
      %mul3A_1111 = arith.mulf %mul3A_1110, %min3A_1108 : vector<16xf32>
      %add3A_1112 = arith.constant 3.74917909E-5 : f32
      %add3A_1113 = vector.broadcast %add3A_1112 : f32 to vector<16xf32>
      %add3A_1114 = arith.addf %mul3A_1111, %add3A_1113 : vector<16xf32>
      %mul3A_1115 = arith.mulf %add3A_1114, %min3A_1108 : vector<16xf32>
      %add3A_1116 = arith.constant 0.00110166182 : f32
      %add3A_1117 = vector.broadcast %add3A_1116 : f32 to vector<16xf32>
      %add3A_1118 = arith.addf %mul3A_1115, %add3A_1117 : vector<16xf32>
      %mul3A_1119 = arith.mulf %add3A_1118, %min3A_1108 : vector<16xf32>
      %add3A_1120 = arith.constant -0.0215470828 : f32
      %add3A_1121 = vector.broadcast %add3A_1120 : f32 to vector<16xf32>
      %add3A_1122 = arith.addf %mul3A_1119, %add3A_1121 : vector<16xf32>
      %mul3A_1123 = arith.mulf %add3A_1122, %min3A_1108 : vector<16xf32>
      %add3A_1124 = arith.constant 0.153337061 : f32
      %add3A_1125 = vector.broadcast %add3A_1124 : f32 to vector<16xf32>
      %add3A_1126 = arith.addf %mul3A_1123, %add3A_1125 : vector<16xf32>
      %mul3A_1127 = arith.mulf %add3A_1126, %min3A_1108 : vector<16xf32>
      %add3A_1128 = arith.constant -0.513292253 : f32
      %add3A_1129 = vector.broadcast %add3A_1128 : f32 to vector<16xf32>
      %add3A_1130 = arith.addf %mul3A_1127, %add3A_1129 : vector<16xf32>
      %mul3A_1131 = arith.mulf %add3A_1130, %min3A_1108 : vector<16xf32>
      %add3A_1132 = arith.constant 0.694155812 : f32
      %add3A_1133 = vector.broadcast %add3A_1132 : f32 to vector<16xf32>
      %add3A_1134 = arith.addf %mul3A_1131, %add3A_1133 : vector<16xf32>
      %max3A_1135 = arith.constant 0.000000e+00 : f32
      %max3A_1136 = vector.broadcast %max3A_1135 : f32 to vector<16xf32>
      %max3A_1137 = arith.maximumf %get3A_1101, %max3A_1136 : vector<16xf32>
      %mul3A_1138 = arith.mulf %get3A_1101, %get3A_1104 : vector<16xf32>
      %sub3A_1139 = arith.subf %max3A_1137, %mul3A_1138 : vector<16xf32>
      %add3A_1140 = arith.addf %sub3A_1139, %add3A_1134 : vector<16xf32>
      %add3A_1141 = arith.constant 8 : i32
      %add3A_1142 = vector.broadcast %add3A_1141 : i32 to vector<16xi32>
      %add3A_1143 = arith.addi %shift_right_logical3A_733, %add3A_1142 : vector<16xi32>
      %broadcast_in_dim3A_1144 = vector.shape_cast %add3A_1143 : vector<16xi32> to vector<16x1xi32>
      %gather3A_1145 = vector.shape_cast %broadcast_in_dim3A_1144 : vector<16x1xi32> to vector<16xi32>
      %gather3A_1146 = tpu.dynamic_gather %get3A_977[%gather3A_1145] in [0] : vector<16xi32>, vector<16xi32> -> vector<16xi32>
      %shift_right_logical3A_1147 = arith.shrui %gather3A_1146, %shift_left3A_739 : vector<16xi32>
      %and3A_1148 = arith.constant 1 : i32
      %and3A_1149 = vector.broadcast %and3A_1148 : i32 to vector<16xi32>
      %and3A_1150 = arith.andi %shift_right_logical3A_1147, %and3A_1149 : vector<16xi32>
      %convert_element_type3A_1151 = arith.sitofp %and3A_1150 : vector<16xi32> to vector<16xf32>
      %mul3A_1152 = arith.mulf %add3A_1140, %convert_element_type3A_1151 : vector<16xf32>
      %swap3A_1153 = arith.index_cast %add3A_1098 : i32 to index
      %swap3A_1154 = tpu.vector_load %arg13[%swap3A_1153] {strides = array<i32>} : memref<16384xf32, #tpu.memory_space<vmem>>, vector<16xf32>,
      %swap3A_1155 = vector.shape_cast %swap3A_1154 : vector<16xf32> to vector<16xf32>
      %swap3A_1156 = vector.shape_cast %mul3A_1152 : vector<16xf32> to vector<16xf32>
      tpu.vector_store %arg13[%swap3A_1153], %swap3A_1156 {strides = array<i32>} : memref<16384xf32, #tpu.memory_space<vmem>>, vector<16xf32>,
      %mul3A_1157 = arith.constant 64 : i32
      %mul3A_1158 = arith.muli %scan3A_972, %mul3A_1157 : i32
      %add3A_1159 = arith.constant 48 : i32
      %add3A_1160 = arith.addi %mul3A_1158, %add3A_1159 : i32
      %get3A_1161 = arith.index_cast %add3A_1160 : i32 to index
      %get3A_1162 = tpu.vector_load %arg7[%get3A_1161] {strides = array<i32>} : memref<16384xf32, #tpu.memory_space<vmem>>, vector<16xf32>,
      %get3A_1163 = vector.shape_cast %get3A_1162 : vector<16xf32> to vector<16xf32>
      %get3A_1164 = arith.index_cast %add3A_1160 : i32 to index
      %get3A_1165 = tpu.vector_load %arg9[%get3A_1164] {strides = array<i32>} : memref<16384xf32, #tpu.memory_space<vmem>>, vector<16xf32>,
      %get3A_1166 = vector.shape_cast %get3A_1165 : vector<16xf32> to vector<16xf32>
      %abs3A_1167 = math.absf %get3A_1163 : vector<16xf32>
      %min3A_1168 = arith.constant 8.000000e+00 : f32
      %min3A_1169 = vector.broadcast %min3A_1168 : f32 to vector<16xf32>
      %min3A_1170 = arith.minimumf %abs3A_1167, %min3A_1169 : vector<16xf32>
      %mul3A_1171 = arith.constant -4.23574238E-6 : f32
      %mul3A_1172 = vector.broadcast %mul3A_1171 : f32 to vector<16xf32>
      %mul3A_1173 = arith.mulf %mul3A_1172, %min3A_1170 : vector<16xf32>
      %add3A_1174 = arith.constant 3.74917909E-5 : f32
      %add3A_1175 = vector.broadcast %add3A_1174 : f32 to vector<16xf32>
      %add3A_1176 = arith.addf %mul3A_1173, %add3A_1175 : vector<16xf32>
      %mul3A_1177 = arith.mulf %add3A_1176, %min3A_1170 : vector<16xf32>
      %add3A_1178 = arith.constant 0.00110166182 : f32
      %add3A_1179 = vector.broadcast %add3A_1178 : f32 to vector<16xf32>
      %add3A_1180 = arith.addf %mul3A_1177, %add3A_1179 : vector<16xf32>
      %mul3A_1181 = arith.mulf %add3A_1180, %min3A_1170 : vector<16xf32>
      %add3A_1182 = arith.constant -0.0215470828 : f32
      %add3A_1183 = vector.broadcast %add3A_1182 : f32 to vector<16xf32>
      %add3A_1184 = arith.addf %mul3A_1181, %add3A_1183 : vector<16xf32>
      %mul3A_1185 = arith.mulf %add3A_1184, %min3A_1170 : vector<16xf32>
      %add3A_1186 = arith.constant 0.153337061 : f32
      %add3A_1187 = vector.broadcast %add3A_1186 : f32 to vector<16xf32>
      %add3A_1188 = arith.addf %mul3A_1185, %add3A_1187 : vector<16xf32>
      %mul3A_1189 = arith.mulf %add3A_1188, %min3A_1170 : vector<16xf32>
      %add3A_1190 = arith.constant -0.513292253 : f32
      %add3A_1191 = vector.broadcast %add3A_1190 : f32 to vector<16xf32>
      %add3A_1192 = arith.addf %mul3A_1189, %add3A_1191 : vector<16xf32>
      %mul3A_1193 = arith.mulf %add3A_1192, %min3A_1170 : vector<16xf32>
      %add3A_1194 = arith.constant 0.694155812 : f32
      %add3A_1195 = vector.broadcast %add3A_1194 : f32 to vector<16xf32>
      %add3A_1196 = arith.addf %mul3A_1193, %add3A_1195 : vector<16xf32>
      %max3A_1197 = arith.constant 0.000000e+00 : f32
      %max3A_1198 = vector.broadcast %max3A_1197 : f32 to vector<16xf32>
      %max3A_1199 = arith.maximumf %get3A_1163, %max3A_1198 : vector<16xf32>
      %mul3A_1200 = arith.mulf %get3A_1163, %get3A_1166 : vector<16xf32>
      %sub3A_1201 = arith.subf %max3A_1199, %mul3A_1200 : vector<16xf32>
      %add3A_1202 = arith.addf %sub3A_1201, %add3A_1196 : vector<16xf32>
      %add3A_1203 = arith.constant 12 : i32
      %add3A_1204 = vector.broadcast %add3A_1203 : i32 to vector<16xi32>
      %add3A_1205 = arith.addi %shift_right_logical3A_733, %add3A_1204 : vector<16xi32>
      %broadcast_in_dim3A_1206 = vector.shape_cast %add3A_1205 : vector<16xi32> to vector<16x1xi32>
      %gather3A_1207 = vector.shape_cast %broadcast_in_dim3A_1206 : vector<16x1xi32> to vector<16xi32>
      %gather3A_1208 = tpu.dynamic_gather %get3A_977[%gather3A_1207] in [0] : vector<16xi32>, vector<16xi32> -> vector<16xi32>
      %shift_right_logical3A_1209 = arith.shrui %gather3A_1208, %shift_left3A_739 : vector<16xi32>
      %and3A_1210 = arith.constant 1 : i32
      %and3A_1211 = vector.broadcast %and3A_1210 : i32 to vector<16xi32>
      %and3A_1212 = arith.andi %shift_right_logical3A_1209, %and3A_1211 : vector<16xi32>
      %convert_element_type3A_1213 = arith.sitofp %and3A_1212 : vector<16xi32> to vector<16xf32>
      %mul3A_1214 = arith.mulf %add3A_1202, %convert_element_type3A_1213 : vector<16xf32>
      %swap3A_1215 = arith.index_cast %add3A_1160 : i32 to index
      %swap3A_1216 = tpu.vector_load %arg13[%swap3A_1215] {strides = array<i32>} : memref<16384xf32, #tpu.memory_space<vmem>>, vector<16xf32>,
      %swap3A_1217 = vector.shape_cast %swap3A_1216 : vector<16xf32> to vector<16xf32>
      %swap3A_1218 = vector.shape_cast %mul3A_1214 : vector<16xf32> to vector<16xf32>
      tpu.vector_store %arg13[%swap3A_1215], %swap3A_1218 {strides = array<i32>} : memref<16384xf32, #tpu.memory_space<vmem>>, vector<16xf32>,
      %scan3A_1219 = arith.constant 0 : i32
      scf.yield %scan3A_1219 : i32
    }
    %scan3A_746 = arith.constant 256 : i32
    %add3A_747 = arith.constant 81920 : i32
    %add3A_748 = arith.addi %mul3A_2, %add3A_747 : i32
    %multiple_of3A_749 = tpu.assume_multiple %add3A_748, 16384 : i32
    %dma_start3A_750 = arith.constant 1 : i32
    %dma_start3A_751 = tpu.memref_slice %arg5[%multiple_of3A_749] : memref<4194304xf32, #tpu.memory_space<hbm>> -> memref<16384xf32, #tpu.memory_space<hbm>>
    %dma_start3A_752 = tpu.memref_slice %arg15[%dma_start3A_750] : memref<2x!tpu.dma_semaphore, #tpu.memory_space<semaphore_mem>> -> memref<1x!tpu.dma_semaphore, #tpu.memory_space<semaphore_mem>>
    %dma_start3A_753 = tpu.memref_squeeze %dma_start3A_752 : memref<1x!tpu.dma_semaphore, #tpu.memory_space<semaphore_mem>> -> memref<!tpu.dma_semaphore, #tpu.memory_space<semaphore_mem>>
    %dma_start3A_754 = tpu.memref_slice %arg5[%multiple_of3A_749] : memref<4194304xf32, #tpu.memory_space<hbm>> -> memref<16384xf32, #tpu.memory_space<hbm>>
    tpu.enqueue_dma source(%arg13 : memref<16384xf32, #tpu.memory_space<vmem>>) target(%dma_start3A_754 : memref<16384xf32, #tpu.memory_space<hbm>>) target_semaphore(%dma_start3A_753 : memref<!tpu.dma_semaphore, #tpu.memory_space<semaphore_mem>>)
    %add3A_755 = arith.constant 114688 : i32
    %add3A_756 = arith.addi %mul3A_2, %add3A_755 : i32
    %multiple_of3A_757 = tpu.assume_multiple %add3A_756, 16384 : i32
    %add3A_758 = arith.constant 114688 : i32
    %add3A_759 = arith.addi %mul3A_2, %add3A_758 : i32
    %jit3A_760 = arith.constant 4 : i32
    %div3A_761 = arith.divsi %add3A_759, %jit3A_760 : i32
    %sign3A_762 = arith.constant 0 : i32
    %sign3A_763 = arith.cmpi sgt, %add3A_759, %sign3A_762 : i32
    %sign3A_764 = arith.extui %sign3A_763 : i1 to i32
    %sign3A_765 = arith.constant 0 : i32
    %sign3A_766 = arith.cmpi slt, %add3A_759, %sign3A_765 : i32
    %sign3A_767 = arith.extui %sign3A_766 : i1 to i32
    %sign3A_768 = arith.subi %sign3A_764, %sign3A_767 : i32
    %sign3A_769 = arith.constant 0 : i32
    %sign3A_770 = arith.cmpi sgt, %jit3A_760, %sign3A_769 : i32
    %sign3A_771 = arith.extui %sign3A_770 : i1 to i32
    %sign3A_772 = arith.constant 0 : i32
    %sign3A_773 = arith.cmpi slt, %jit3A_760, %sign3A_772 : i32
    %sign3A_774 = arith.extui %sign3A_773 : i1 to i32
    %sign3A_775 = arith.subi %sign3A_771, %sign3A_774 : i32
    %ne3A_776 = arith.cmpi ne, %sign3A_768, %sign3A_775 : i32
    %rem3A_777 = arith.remsi %add3A_759, %jit3A_760 : i32
    %ne3A_778 = arith.constant 0 : i32
    %ne3A_779 = arith.cmpi ne, %rem3A_777, %ne3A_778 : i32
    %and3A_780 = arith.andi %ne3A_776, %ne3A_779 : i1
    %sub3A_781 = arith.constant 1 : i32
    %sub3A_782 = arith.subi %div3A_761, %sub3A_781 : i32
    %select_n3A_783 = arith.select %and3A_780, %sub3A_782, %div3A_761 : i32
    %multiple_of3A_784 = tpu.assume_multiple %select_n3A_783, 4096 : i32
    %dma_start3A_785 = arith.constant 1 : i32
    %dma_start3A_786 = tpu.memref_slice %arg2[%multiple_of3A_757] : memref<4194304xf32, #tpu.memory_space<hbm>> -> memref<16384xf32, #tpu.memory_space<hbm>>
    %dma_start3A_787 = tpu.memref_slice %arg14[%dma_start3A_785] : memref<2x!tpu.dma_semaphore, #tpu.memory_space<semaphore_mem>> -> memref<1x!tpu.dma_semaphore, #tpu.memory_space<semaphore_mem>>
    %dma_start3A_788 = tpu.memref_squeeze %dma_start3A_787 : memref<1x!tpu.dma_semaphore, #tpu.memory_space<semaphore_mem>> -> memref<!tpu.dma_semaphore, #tpu.memory_space<semaphore_mem>>
    %dma_start3A_789 = tpu.memref_slice %arg2[%multiple_of3A_757] : memref<4194304xf32, #tpu.memory_space<hbm>> -> memref<16384xf32, #tpu.memory_space<hbm>>
    tpu.enqueue_dma source(%dma_start3A_789 : memref<16384xf32, #tpu.memory_space<hbm>>) target(%arg7 : memref<16384xf32, #tpu.memory_space<vmem>>) target_semaphore(%dma_start3A_788 : memref<!tpu.dma_semaphore, #tpu.memory_space<semaphore_mem>>)
    %dma_start3A_790 = arith.constant 1 : i32
    %dma_start3A_791 = tpu.memref_slice %arg3[%multiple_of3A_757] : memref<4194304xf32, #tpu.memory_space<hbm>> -> memref<16384xf32, #tpu.memory_space<hbm>>
    %dma_start3A_792 = tpu.memref_slice %arg14[%dma_start3A_790] : memref<2x!tpu.dma_semaphore, #tpu.memory_space<semaphore_mem>> -> memref<1x!tpu.dma_semaphore, #tpu.memory_space<semaphore_mem>>
    %dma_start3A_793 = tpu.memref_squeeze %dma_start3A_792 : memref<1x!tpu.dma_semaphore, #tpu.memory_space<semaphore_mem>> -> memref<!tpu.dma_semaphore, #tpu.memory_space<semaphore_mem>>
    %dma_start3A_794 = tpu.memref_slice %arg3[%multiple_of3A_757] : memref<4194304xf32, #tpu.memory_space<hbm>> -> memref<16384xf32, #tpu.memory_space<hbm>>
    tpu.enqueue_dma source(%dma_start3A_794 : memref<16384xf32, #tpu.memory_space<hbm>>) target(%arg9 : memref<16384xf32, #tpu.memory_space<vmem>>) target_semaphore(%dma_start3A_793 : memref<!tpu.dma_semaphore, #tpu.memory_space<semaphore_mem>>)
    %dma_start3A_795 = arith.constant 1 : i32
    %dma_start3A_796 = tpu.memref_slice %arg4[%multiple_of3A_784] : memref<1048576xi32, #tpu.memory_space<hbm>> -> memref<4096xi32, #tpu.memory_space<hbm>>
    %dma_start3A_797 = tpu.memref_slice %arg14[%dma_start3A_795] : memref<2x!tpu.dma_semaphore, #tpu.memory_space<semaphore_mem>> -> memref<1x!tpu.dma_semaphore, #tpu.memory_space<semaphore_mem>>
    %dma_start3A_798 = tpu.memref_squeeze %dma_start3A_797 : memref<1x!tpu.dma_semaphore, #tpu.memory_space<semaphore_mem>> -> memref<!tpu.dma_semaphore, #tpu.memory_space<semaphore_mem>>
    %dma_start3A_799 = tpu.memref_slice %arg4[%multiple_of3A_784] : memref<1048576xi32, #tpu.memory_space<hbm>> -> memref<4096xi32, #tpu.memory_space<hbm>>
    tpu.enqueue_dma source(%dma_start3A_799 : memref<4096xi32, #tpu.memory_space<hbm>>) target(%arg11 : memref<4096xi32, #tpu.memory_space<vmem>>) target_semaphore(%dma_start3A_798 : memref<!tpu.dma_semaphore, #tpu.memory_space<semaphore_mem>>)
    %add3A_800 = arith.constant 98304 : i32
    %add3A_801 = arith.addi %mul3A_2, %add3A_800 : i32
    %multiple_of3A_802 = tpu.assume_multiple %add3A_801, 16384 : i32
    %add3A_803 = arith.constant 98304 : i32
    %add3A_804 = arith.addi %mul3A_2, %add3A_803 : i32
    %jit3A_805 = arith.constant 4 : i32
    %div3A_806 = arith.divsi %add3A_804, %jit3A_805 : i32
    %sign3A_807 = arith.constant 0 : i32
    %sign3A_808 = arith.cmpi sgt, %add3A_804, %sign3A_807 : i32
    %sign3A_809 = arith.extui %sign3A_808 : i1 to i32
    %sign3A_810 = arith.constant 0 : i32
    %sign3A_811 = arith.cmpi slt, %add3A_804, %sign3A_810 : i32
    %sign3A_812 = arith.extui %sign3A_811 : i1 to i32
    %sign3A_813 = arith.subi %sign3A_809, %sign3A_812 : i32
    %sign3A_814 = arith.constant 0 : i32
    %sign3A_815 = arith.cmpi sgt, %jit3A_805, %sign3A_814 : i32
    %sign3A_816 = arith.extui %sign3A_815 : i1 to i32
    %sign3A_817 = arith.constant 0 : i32
    %sign3A_818 = arith.cmpi slt, %jit3A_805, %sign3A_817 : i32
    %sign3A_819 = arith.extui %sign3A_818 : i1 to i32
    %sign3A_820 = arith.subi %sign3A_816, %sign3A_819 : i32
    %ne3A_821 = arith.cmpi ne, %sign3A_813, %sign3A_820 : i32
    %rem3A_822 = arith.remsi %add3A_804, %jit3A_805 : i32
    %ne3A_823 = arith.constant 0 : i32
    %ne3A_824 = arith.cmpi ne, %rem3A_822, %ne3A_823 : i32
    %and3A_825 = arith.andi %ne3A_821, %ne3A_824 : i1
    %sub3A_826 = arith.constant 1 : i32
    %sub3A_827 = arith.subi %div3A_806, %sub3A_826 : i32
    %select_n3A_828 = arith.select %and3A_825, %sub3A_827, %div3A_806 : i32
    %multiple_of3A_829 = tpu.assume_multiple %select_n3A_828, 4096 : i32
    %dma_wait3A_830 = arith.constant 0 : i32
    %dma_wait3A_831 = tpu.memref_slice %arg2[%multiple_of3A_802] : memref<4194304xf32, #tpu.memory_space<hbm>> -> memref<16384xf32, #tpu.memory_space<hbm>>
    %dma_wait3A_832 = tpu.memref_slice %arg14[%dma_wait3A_830] : memref<2x!tpu.dma_semaphore, #tpu.memory_space<semaphore_mem>> -> memref<1x!tpu.dma_semaphore, #tpu.memory_space<semaphore_mem>>
    %dma_wait3A_833 = tpu.memref_squeeze %dma_wait3A_832 : memref<1x!tpu.dma_semaphore, #tpu.memory_space<semaphore_mem>> -> memref<!tpu.dma_semaphore, #tpu.memory_space<semaphore_mem>>
    %dma_wait3A_834 = tpu.memref_slice %arg2[%multiple_of3A_802] : memref<4194304xf32, #tpu.memory_space<hbm>> -> memref<16384xf32, #tpu.memory_space<hbm>>
    tpu.wait_dma2 semaphore(%dma_wait3A_833 : memref<!tpu.dma_semaphore, #tpu.memory_space<semaphore_mem>>) src(%dma_wait3A_834 : memref<16384xf32, #tpu.memory_space<hbm>>) dst(%arg6 : memref<16384xf32, #tpu.memory_space<vmem>>)
    %dma_wait3A_835 = arith.constant 0 : i32
    %dma_wait3A_836 = tpu.memref_slice %arg3[%multiple_of3A_802] : memref<4194304xf32, #tpu.memory_space<hbm>> -> memref<16384xf32, #tpu.memory_space<hbm>>
    %dma_wait3A_837 = tpu.memref_slice %arg14[%dma_wait3A_835] : memref<2x!tpu.dma_semaphore, #tpu.memory_space<semaphore_mem>> -> memref<1x!tpu.dma_semaphore, #tpu.memory_space<semaphore_mem>>
    %dma_wait3A_838 = tpu.memref_squeeze %dma_wait3A_837 : memref<1x!tpu.dma_semaphore, #tpu.memory_space<semaphore_mem>> -> memref<!tpu.dma_semaphore, #tpu.memory_space<semaphore_mem>>
    %dma_wait3A_839 = tpu.memref_slice %arg3[%multiple_of3A_802] : memref<4194304xf32, #tpu.memory_space<hbm>> -> memref<16384xf32, #tpu.memory_space<hbm>>
    tpu.wait_dma2 semaphore(%dma_wait3A_838 : memref<!tpu.dma_semaphore, #tpu.memory_space<semaphore_mem>>) src(%dma_wait3A_839 : memref<16384xf32, #tpu.memory_space<hbm>>) dst(%arg8 : memref<16384xf32, #tpu.memory_space<vmem>>)
    %dma_wait3A_840 = arith.constant 0 : i32
    %dma_wait3A_841 = tpu.memref_slice %arg4[%multiple_of3A_829] : memref<1048576xi32, #tpu.memory_space<hbm>> -> memref<4096xi32, #tpu.memory_space<hbm>>
    %dma_wait3A_842 = tpu.memref_slice %arg14[%dma_wait3A_840] : memref<2x!tpu.dma_semaphore, #tpu.memory_space<semaphore_mem>> -> memref<1x!tpu.dma_semaphore, #tpu.memory_space<semaphore_mem>>
    %dma_wait3A_843 = tpu.memref_squeeze %dma_wait3A_842 : memref<1x!tpu.dma_semaphore, #tpu.memory_space<semaphore_mem>> -> memref<!tpu.dma_semaphore, #tpu.memory_space<semaphore_mem>>
    %dma_wait3A_844 = tpu.memref_slice %arg4[%multiple_of3A_829] : memref<1048576xi32, #tpu.memory_space<hbm>> -> memref<4096xi32, #tpu.memory_space<hbm>>
    tpu.wait_dma2 semaphore(%dma_wait3A_843 : memref<!tpu.dma_semaphore, #tpu.memory_space<semaphore_mem>>) src(%dma_wait3A_844 : memref<4096xi32, #tpu.memory_space<hbm>>) dst(%arg10 : memref<4096xi32, #tpu.memory_space<vmem>>)
    %add3A_845 = arith.constant 65536 : i32
    %add3A_846 = arith.addi %mul3A_2, %add3A_845 : i32
    %multiple_of3A_847 = tpu.assume_multiple %add3A_846, 16384 : i32
    %dma_wait3A_848 = arith.constant 0 : i32
    %dma_wait3A_849 = tpu.memref_slice %arg5[%multiple_of3A_847] : memref<4194304xf32, #tpu.memory_space<hbm>> -> memref<16384xf32, #tpu.memory_space<hbm>>
    %dma_wait3A_850 = tpu.memref_slice %arg15[%dma_wait3A_848] : memref<2x!tpu.dma_semaphore, #tpu.memory_space<semaphore_mem>> -> memref<1x!tpu.dma_semaphore, #tpu.memory_space<semaphore_mem>>
    %dma_wait3A_851 = tpu.memref_squeeze %dma_wait3A_850 : memref<1x!tpu.dma_semaphore, #tpu.memory_space<semaphore_mem>> -> memref<!tpu.dma_semaphore, #tpu.memory_space<semaphore_mem>>
    %dma_wait3A_852 = tpu.memref_slice %arg5[%multiple_of3A_847] : memref<4194304xf32, #tpu.memory_space<hbm>> -> memref<16384xf32, #tpu.memory_space<hbm>>
    tpu.wait_dma2 semaphore(%dma_wait3A_851 : memref<!tpu.dma_semaphore, #tpu.memory_space<semaphore_mem>>) src(%arg12 : memref<16384xf32, #tpu.memory_space<vmem>>) dst(%dma_wait3A_852 : memref<16384xf32, #tpu.memory_space<hbm>>)
    %iota3A_853 = tpu.iota {dimensions = array<i32: 0>} : vector<16xi32>
    %shift_right_logical3A_854 = arith.constant 2 : i32
    %shift_right_logical3A_855 = vector.broadcast %shift_right_logical3A_854 : i32 to vector<16xi32>
    %shift_right_logical3A_856 = arith.shrui %iota3A_853, %shift_right_logical3A_855 : vector<16xi32>
    %and3A_857 = arith.constant 3 : i32
    %and3A_858 = vector.broadcast %and3A_857 : i32 to vector<16xi32>
    %and3A_859 = arith.andi %iota3A_853, %and3A_858 : vector<16xi32>
    %shift_left3A_860 = arith.constant 3 : i32
    %shift_left3A_861 = vector.broadcast %shift_left3A_860 : i32 to vector<16xi32>
    %shift_left3A_862 = arith.shli %and3A_859, %shift_left3A_861 : vector<16xi32>
    %scan3A_863 = arith.constant 0 : i32
    %scan3A_864 = arith.constant 0 : i32
    %scan3A_865 = arith.constant 256 : i32
    %scan3A_866 = arith.addi %scan3A_864, %scan3A_865 : i32
    %scan3A_867 = arith.constant 1 : i32
    %scan3A_868 = scf.for %scan3A_972 = %scan3A_864 to %scan3A_866 step %scan3A_867 iter_args(%scan3A_973 = %scan3A_863) -> (i32)  : i32 {
      %mul3A_974 = arith.constant 16 : i32
      %mul3A_975 = arith.muli %scan3A_972, %mul3A_974 : i32
      %get3A = arith.index_cast %mul3A_975 : i32 to index
      %get3A_976 = tpu.vector_load %arg10[%get3A] {strides = array<i32>} : memref<4096xi32, #tpu.memory_space<vmem>>, vector<16xi32>,
      %get3A_977 = vector.shape_cast %get3A_976 : vector<16xi32> to vector<16xi32>
      %mul3A_978 = arith.constant 64 : i32
      %mul3A_979 = arith.muli %scan3A_972, %mul3A_978 : i32
      %add3A_980 = arith.constant 0 : i32
      %add3A_981 = arith.addi %mul3A_979, %add3A_980 : i32
      %get3A_982 = arith.index_cast %add3A_981 : i32 to index
      %get3A_983 = tpu.vector_load %arg6[%get3A_982] {strides = array<i32>} : memref<16384xf32, #tpu.memory_space<vmem>>, vector<16xf32>,
      %get3A_984 = vector.shape_cast %get3A_983 : vector<16xf32> to vector<16xf32>
      %get3A_985 = arith.index_cast %add3A_981 : i32 to index
      %get3A_986 = tpu.vector_load %arg8[%get3A_985] {strides = array<i32>} : memref<16384xf32, #tpu.memory_space<vmem>>, vector<16xf32>,
      %get3A_987 = vector.shape_cast %get3A_986 : vector<16xf32> to vector<16xf32>
      %abs3A = math.absf %get3A_984 : vector<16xf32>
      %min3A = arith.constant 8.000000e+00 : f32
      %min3A_988 = vector.broadcast %min3A : f32 to vector<16xf32>
      %min3A_989 = arith.minimumf %abs3A, %min3A_988 : vector<16xf32>
      %mul3A_990 = arith.constant -4.23574238E-6 : f32
      %mul3A_991 = vector.broadcast %mul3A_990 : f32 to vector<16xf32>
      %mul3A_992 = arith.mulf %mul3A_991, %min3A_989 : vector<16xf32>
      %add3A_993 = arith.constant 3.74917909E-5 : f32
      %add3A_994 = vector.broadcast %add3A_993 : f32 to vector<16xf32>
      %add3A_995 = arith.addf %mul3A_992, %add3A_994 : vector<16xf32>
      %mul3A_996 = arith.mulf %add3A_995, %min3A_989 : vector<16xf32>
      %add3A_997 = arith.constant 0.00110166182 : f32
      %add3A_998 = vector.broadcast %add3A_997 : f32 to vector<16xf32>
      %add3A_999 = arith.addf %mul3A_996, %add3A_998 : vector<16xf32>
      %mul3A_1000 = arith.mulf %add3A_999, %min3A_989 : vector<16xf32>
      %add3A_1001 = arith.constant -0.0215470828 : f32
      %add3A_1002 = vector.broadcast %add3A_1001 : f32 to vector<16xf32>
      %add3A_1003 = arith.addf %mul3A_1000, %add3A_1002 : vector<16xf32>
      %mul3A_1004 = arith.mulf %add3A_1003, %min3A_989 : vector<16xf32>
      %add3A_1005 = arith.constant 0.153337061 : f32
      %add3A_1006 = vector.broadcast %add3A_1005 : f32 to vector<16xf32>
      %add3A_1007 = arith.addf %mul3A_1004, %add3A_1006 : vector<16xf32>
      %mul3A_1008 = arith.mulf %add3A_1007, %min3A_989 : vector<16xf32>
      %add3A_1009 = arith.constant -0.513292253 : f32
      %add3A_1010 = vector.broadcast %add3A_1009 : f32 to vector<16xf32>
      %add3A_1011 = arith.addf %mul3A_1008, %add3A_1010 : vector<16xf32>
      %mul3A_1012 = arith.mulf %add3A_1011, %min3A_989 : vector<16xf32>
      %add3A_1013 = arith.constant 0.694155812 : f32
      %add3A_1014 = vector.broadcast %add3A_1013 : f32 to vector<16xf32>
      %add3A_1015 = arith.addf %mul3A_1012, %add3A_1014 : vector<16xf32>
      %max3A = arith.constant 0.000000e+00 : f32
      %max3A_1016 = vector.broadcast %max3A : f32 to vector<16xf32>
      %max3A_1017 = arith.maximumf %get3A_984, %max3A_1016 : vector<16xf32>
      %mul3A_1018 = arith.mulf %get3A_984, %get3A_987 : vector<16xf32>
      %sub3A_1019 = arith.subf %max3A_1017, %mul3A_1018 : vector<16xf32>
      %add3A_1020 = arith.addf %sub3A_1019, %add3A_1015 : vector<16xf32>
      %add3A_1021 = arith.constant 0 : i32
      %add3A_1022 = vector.broadcast %add3A_1021 : i32 to vector<16xi32>
      %add3A_1023 = arith.addi %shift_right_logical3A_856, %add3A_1022 : vector<16xi32>
      %broadcast_in_dim3A = vector.shape_cast %add3A_1023 : vector<16xi32> to vector<16x1xi32>
      %gather3A = vector.shape_cast %broadcast_in_dim3A : vector<16x1xi32> to vector<16xi32>
      %gather3A_1024 = tpu.dynamic_gather %get3A_977[%gather3A] in [0] : vector<16xi32>, vector<16xi32> -> vector<16xi32>
      %shift_right_logical3A_1025 = arith.shrui %gather3A_1024, %shift_left3A_862 : vector<16xi32>
      %and3A_1026 = arith.constant 1 : i32
      %and3A_1027 = vector.broadcast %and3A_1026 : i32 to vector<16xi32>
      %and3A_1028 = arith.andi %shift_right_logical3A_1025, %and3A_1027 : vector<16xi32>
      %convert_element_type3A = arith.sitofp %and3A_1028 : vector<16xi32> to vector<16xf32>
      %mul3A_1029 = arith.mulf %add3A_1020, %convert_element_type3A : vector<16xf32>
      %swap3A = arith.index_cast %add3A_981 : i32 to index
      %swap3A_1030 = tpu.vector_load %arg12[%swap3A] {strides = array<i32>} : memref<16384xf32, #tpu.memory_space<vmem>>, vector<16xf32>,
      %swap3A_1031 = vector.shape_cast %swap3A_1030 : vector<16xf32> to vector<16xf32>
      %swap3A_1032 = vector.shape_cast %mul3A_1029 : vector<16xf32> to vector<16xf32>
      tpu.vector_store %arg12[%swap3A], %swap3A_1032 {strides = array<i32>} : memref<16384xf32, #tpu.memory_space<vmem>>, vector<16xf32>,
      %mul3A_1033 = arith.constant 64 : i32
      %mul3A_1034 = arith.muli %scan3A_972, %mul3A_1033 : i32
      %add3A_1035 = arith.constant 16 : i32
      %add3A_1036 = arith.addi %mul3A_1034, %add3A_1035 : i32
      %get3A_1037 = arith.index_cast %add3A_1036 : i32 to index
      %get3A_1038 = tpu.vector_load %arg6[%get3A_1037] {strides = array<i32>} : memref<16384xf32, #tpu.memory_space<vmem>>, vector<16xf32>,
      %get3A_1039 = vector.shape_cast %get3A_1038 : vector<16xf32> to vector<16xf32>
      %get3A_1040 = arith.index_cast %add3A_1036 : i32 to index
      %get3A_1041 = tpu.vector_load %arg8[%get3A_1040] {strides = array<i32>} : memref<16384xf32, #tpu.memory_space<vmem>>, vector<16xf32>,
      %get3A_1042 = vector.shape_cast %get3A_1041 : vector<16xf32> to vector<16xf32>
      %abs3A_1043 = math.absf %get3A_1039 : vector<16xf32>
      %min3A_1044 = arith.constant 8.000000e+00 : f32
      %min3A_1045 = vector.broadcast %min3A_1044 : f32 to vector<16xf32>
      %min3A_1046 = arith.minimumf %abs3A_1043, %min3A_1045 : vector<16xf32>
      %mul3A_1047 = arith.constant -4.23574238E-6 : f32
      %mul3A_1048 = vector.broadcast %mul3A_1047 : f32 to vector<16xf32>
      %mul3A_1049 = arith.mulf %mul3A_1048, %min3A_1046 : vector<16xf32>
      %add3A_1050 = arith.constant 3.74917909E-5 : f32
      %add3A_1051 = vector.broadcast %add3A_1050 : f32 to vector<16xf32>
      %add3A_1052 = arith.addf %mul3A_1049, %add3A_1051 : vector<16xf32>
      %mul3A_1053 = arith.mulf %add3A_1052, %min3A_1046 : vector<16xf32>
      %add3A_1054 = arith.constant 0.00110166182 : f32
      %add3A_1055 = vector.broadcast %add3A_1054 : f32 to vector<16xf32>
      %add3A_1056 = arith.addf %mul3A_1053, %add3A_1055 : vector<16xf32>
      %mul3A_1057 = arith.mulf %add3A_1056, %min3A_1046 : vector<16xf32>
      %add3A_1058 = arith.constant -0.0215470828 : f32
      %add3A_1059 = vector.broadcast %add3A_1058 : f32 to vector<16xf32>
      %add3A_1060 = arith.addf %mul3A_1057, %add3A_1059 : vector<16xf32>
      %mul3A_1061 = arith.mulf %add3A_1060, %min3A_1046 : vector<16xf32>
      %add3A_1062 = arith.constant 0.153337061 : f32
      %add3A_1063 = vector.broadcast %add3A_1062 : f32 to vector<16xf32>
      %add3A_1064 = arith.addf %mul3A_1061, %add3A_1063 : vector<16xf32>
      %mul3A_1065 = arith.mulf %add3A_1064, %min3A_1046 : vector<16xf32>
      %add3A_1066 = arith.constant -0.513292253 : f32
      %add3A_1067 = vector.broadcast %add3A_1066 : f32 to vector<16xf32>
      %add3A_1068 = arith.addf %mul3A_1065, %add3A_1067 : vector<16xf32>
      %mul3A_1069 = arith.mulf %add3A_1068, %min3A_1046 : vector<16xf32>
      %add3A_1070 = arith.constant 0.694155812 : f32
      %add3A_1071 = vector.broadcast %add3A_1070 : f32 to vector<16xf32>
      %add3A_1072 = arith.addf %mul3A_1069, %add3A_1071 : vector<16xf32>
      %max3A_1073 = arith.constant 0.000000e+00 : f32
      %max3A_1074 = vector.broadcast %max3A_1073 : f32 to vector<16xf32>
      %max3A_1075 = arith.maximumf %get3A_1039, %max3A_1074 : vector<16xf32>
      %mul3A_1076 = arith.mulf %get3A_1039, %get3A_1042 : vector<16xf32>
      %sub3A_1077 = arith.subf %max3A_1075, %mul3A_1076 : vector<16xf32>
      %add3A_1078 = arith.addf %sub3A_1077, %add3A_1072 : vector<16xf32>
      %add3A_1079 = arith.constant 4 : i32
      %add3A_1080 = vector.broadcast %add3A_1079 : i32 to vector<16xi32>
      %add3A_1081 = arith.addi %shift_right_logical3A_856, %add3A_1080 : vector<16xi32>
      %broadcast_in_dim3A_1082 = vector.shape_cast %add3A_1081 : vector<16xi32> to vector<16x1xi32>
      %gather3A_1083 = vector.shape_cast %broadcast_in_dim3A_1082 : vector<16x1xi32> to vector<16xi32>
      %gather3A_1084 = tpu.dynamic_gather %get3A_977[%gather3A_1083] in [0] : vector<16xi32>, vector<16xi32> -> vector<16xi32>
      %shift_right_logical3A_1085 = arith.shrui %gather3A_1084, %shift_left3A_862 : vector<16xi32>
      %and3A_1086 = arith.constant 1 : i32
      %and3A_1087 = vector.broadcast %and3A_1086 : i32 to vector<16xi32>
      %and3A_1088 = arith.andi %shift_right_logical3A_1085, %and3A_1087 : vector<16xi32>
      %convert_element_type3A_1089 = arith.sitofp %and3A_1088 : vector<16xi32> to vector<16xf32>
      %mul3A_1090 = arith.mulf %add3A_1078, %convert_element_type3A_1089 : vector<16xf32>
      %swap3A_1091 = arith.index_cast %add3A_1036 : i32 to index
      %swap3A_1092 = tpu.vector_load %arg12[%swap3A_1091] {strides = array<i32>} : memref<16384xf32, #tpu.memory_space<vmem>>, vector<16xf32>,
      %swap3A_1093 = vector.shape_cast %swap3A_1092 : vector<16xf32> to vector<16xf32>
      %swap3A_1094 = vector.shape_cast %mul3A_1090 : vector<16xf32> to vector<16xf32>
      tpu.vector_store %arg12[%swap3A_1091], %swap3A_1094 {strides = array<i32>} : memref<16384xf32, #tpu.memory_space<vmem>>, vector<16xf32>,
      %mul3A_1095 = arith.constant 64 : i32
      %mul3A_1096 = arith.muli %scan3A_972, %mul3A_1095 : i32
      %add3A_1097 = arith.constant 32 : i32
      %add3A_1098 = arith.addi %mul3A_1096, %add3A_1097 : i32
      %get3A_1099 = arith.index_cast %add3A_1098 : i32 to index
      %get3A_1100 = tpu.vector_load %arg6[%get3A_1099] {strides = array<i32>} : memref<16384xf32, #tpu.memory_space<vmem>>, vector<16xf32>,
      %get3A_1101 = vector.shape_cast %get3A_1100 : vector<16xf32> to vector<16xf32>
      %get3A_1102 = arith.index_cast %add3A_1098 : i32 to index
      %get3A_1103 = tpu.vector_load %arg8[%get3A_1102] {strides = array<i32>} : memref<16384xf32, #tpu.memory_space<vmem>>, vector<16xf32>,
      %get3A_1104 = vector.shape_cast %get3A_1103 : vector<16xf32> to vector<16xf32>
      %abs3A_1105 = math.absf %get3A_1101 : vector<16xf32>
      %min3A_1106 = arith.constant 8.000000e+00 : f32
      %min3A_1107 = vector.broadcast %min3A_1106 : f32 to vector<16xf32>
      %min3A_1108 = arith.minimumf %abs3A_1105, %min3A_1107 : vector<16xf32>
      %mul3A_1109 = arith.constant -4.23574238E-6 : f32
      %mul3A_1110 = vector.broadcast %mul3A_1109 : f32 to vector<16xf32>
      %mul3A_1111 = arith.mulf %mul3A_1110, %min3A_1108 : vector<16xf32>
      %add3A_1112 = arith.constant 3.74917909E-5 : f32
      %add3A_1113 = vector.broadcast %add3A_1112 : f32 to vector<16xf32>
      %add3A_1114 = arith.addf %mul3A_1111, %add3A_1113 : vector<16xf32>
      %mul3A_1115 = arith.mulf %add3A_1114, %min3A_1108 : vector<16xf32>
      %add3A_1116 = arith.constant 0.00110166182 : f32
      %add3A_1117 = vector.broadcast %add3A_1116 : f32 to vector<16xf32>
      %add3A_1118 = arith.addf %mul3A_1115, %add3A_1117 : vector<16xf32>
      %mul3A_1119 = arith.mulf %add3A_1118, %min3A_1108 : vector<16xf32>
      %add3A_1120 = arith.constant -0.0215470828 : f32
      %add3A_1121 = vector.broadcast %add3A_1120 : f32 to vector<16xf32>
      %add3A_1122 = arith.addf %mul3A_1119, %add3A_1121 : vector<16xf32>
      %mul3A_1123 = arith.mulf %add3A_1122, %min3A_1108 : vector<16xf32>
      %add3A_1124 = arith.constant 0.153337061 : f32
      %add3A_1125 = vector.broadcast %add3A_1124 : f32 to vector<16xf32>
      %add3A_1126 = arith.addf %mul3A_1123, %add3A_1125 : vector<16xf32>
      %mul3A_1127 = arith.mulf %add3A_1126, %min3A_1108 : vector<16xf32>
      %add3A_1128 = arith.constant -0.513292253 : f32
      %add3A_1129 = vector.broadcast %add3A_1128 : f32 to vector<16xf32>
      %add3A_1130 = arith.addf %mul3A_1127, %add3A_1129 : vector<16xf32>
      %mul3A_1131 = arith.mulf %add3A_1130, %min3A_1108 : vector<16xf32>
      %add3A_1132 = arith.constant 0.694155812 : f32
      %add3A_1133 = vector.broadcast %add3A_1132 : f32 to vector<16xf32>
      %add3A_1134 = arith.addf %mul3A_1131, %add3A_1133 : vector<16xf32>
      %max3A_1135 = arith.constant 0.000000e+00 : f32
      %max3A_1136 = vector.broadcast %max3A_1135 : f32 to vector<16xf32>
      %max3A_1137 = arith.maximumf %get3A_1101, %max3A_1136 : vector<16xf32>
      %mul3A_1138 = arith.mulf %get3A_1101, %get3A_1104 : vector<16xf32>
      %sub3A_1139 = arith.subf %max3A_1137, %mul3A_1138 : vector<16xf32>
      %add3A_1140 = arith.addf %sub3A_1139, %add3A_1134 : vector<16xf32>
      %add3A_1141 = arith.constant 8 : i32
      %add3A_1142 = vector.broadcast %add3A_1141 : i32 to vector<16xi32>
      %add3A_1143 = arith.addi %shift_right_logical3A_856, %add3A_1142 : vector<16xi32>
      %broadcast_in_dim3A_1144 = vector.shape_cast %add3A_1143 : vector<16xi32> to vector<16x1xi32>
      %gather3A_1145 = vector.shape_cast %broadcast_in_dim3A_1144 : vector<16x1xi32> to vector<16xi32>
      %gather3A_1146 = tpu.dynamic_gather %get3A_977[%gather3A_1145] in [0] : vector<16xi32>, vector<16xi32> -> vector<16xi32>
      %shift_right_logical3A_1147 = arith.shrui %gather3A_1146, %shift_left3A_862 : vector<16xi32>
      %and3A_1148 = arith.constant 1 : i32
      %and3A_1149 = vector.broadcast %and3A_1148 : i32 to vector<16xi32>
      %and3A_1150 = arith.andi %shift_right_logical3A_1147, %and3A_1149 : vector<16xi32>
      %convert_element_type3A_1151 = arith.sitofp %and3A_1150 : vector<16xi32> to vector<16xf32>
      %mul3A_1152 = arith.mulf %add3A_1140, %convert_element_type3A_1151 : vector<16xf32>
      %swap3A_1153 = arith.index_cast %add3A_1098 : i32 to index
      %swap3A_1154 = tpu.vector_load %arg12[%swap3A_1153] {strides = array<i32>} : memref<16384xf32, #tpu.memory_space<vmem>>, vector<16xf32>,
      %swap3A_1155 = vector.shape_cast %swap3A_1154 : vector<16xf32> to vector<16xf32>
      %swap3A_1156 = vector.shape_cast %mul3A_1152 : vector<16xf32> to vector<16xf32>
      tpu.vector_store %arg12[%swap3A_1153], %swap3A_1156 {strides = array<i32>} : memref<16384xf32, #tpu.memory_space<vmem>>, vector<16xf32>,
      %mul3A_1157 = arith.constant 64 : i32
      %mul3A_1158 = arith.muli %scan3A_972, %mul3A_1157 : i32
      %add3A_1159 = arith.constant 48 : i32
      %add3A_1160 = arith.addi %mul3A_1158, %add3A_1159 : i32
      %get3A_1161 = arith.index_cast %add3A_1160 : i32 to index
      %get3A_1162 = tpu.vector_load %arg6[%get3A_1161] {strides = array<i32>} : memref<16384xf32, #tpu.memory_space<vmem>>, vector<16xf32>,
      %get3A_1163 = vector.shape_cast %get3A_1162 : vector<16xf32> to vector<16xf32>
      %get3A_1164 = arith.index_cast %add3A_1160 : i32 to index
      %get3A_1165 = tpu.vector_load %arg8[%get3A_1164] {strides = array<i32>} : memref<16384xf32, #tpu.memory_space<vmem>>, vector<16xf32>,
      %get3A_1166 = vector.shape_cast %get3A_1165 : vector<16xf32> to vector<16xf32>
      %abs3A_1167 = math.absf %get3A_1163 : vector<16xf32>
      %min3A_1168 = arith.constant 8.000000e+00 : f32
      %min3A_1169 = vector.broadcast %min3A_1168 : f32 to vector<16xf32>
      %min3A_1170 = arith.minimumf %abs3A_1167, %min3A_1169 : vector<16xf32>
      %mul3A_1171 = arith.constant -4.23574238E-6 : f32
      %mul3A_1172 = vector.broadcast %mul3A_1171 : f32 to vector<16xf32>
      %mul3A_1173 = arith.mulf %mul3A_1172, %min3A_1170 : vector<16xf32>
      %add3A_1174 = arith.constant 3.74917909E-5 : f32
      %add3A_1175 = vector.broadcast %add3A_1174 : f32 to vector<16xf32>
      %add3A_1176 = arith.addf %mul3A_1173, %add3A_1175 : vector<16xf32>
      %mul3A_1177 = arith.mulf %add3A_1176, %min3A_1170 : vector<16xf32>
      %add3A_1178 = arith.constant 0.00110166182 : f32
      %add3A_1179 = vector.broadcast %add3A_1178 : f32 to vector<16xf32>
      %add3A_1180 = arith.addf %mul3A_1177, %add3A_1179 : vector<16xf32>
      %mul3A_1181 = arith.mulf %add3A_1180, %min3A_1170 : vector<16xf32>
      %add3A_1182 = arith.constant -0.0215470828 : f32
      %add3A_1183 = vector.broadcast %add3A_1182 : f32 to vector<16xf32>
      %add3A_1184 = arith.addf %mul3A_1181, %add3A_1183 : vector<16xf32>
      %mul3A_1185 = arith.mulf %add3A_1184, %min3A_1170 : vector<16xf32>
      %add3A_1186 = arith.constant 0.153337061 : f32
      %add3A_1187 = vector.broadcast %add3A_1186 : f32 to vector<16xf32>
      %add3A_1188 = arith.addf %mul3A_1185, %add3A_1187 : vector<16xf32>
      %mul3A_1189 = arith.mulf %add3A_1188, %min3A_1170 : vector<16xf32>
      %add3A_1190 = arith.constant -0.513292253 : f32
      %add3A_1191 = vector.broadcast %add3A_1190 : f32 to vector<16xf32>
      %add3A_1192 = arith.addf %mul3A_1189, %add3A_1191 : vector<16xf32>
      %mul3A_1193 = arith.mulf %add3A_1192, %min3A_1170 : vector<16xf32>
      %add3A_1194 = arith.constant 0.694155812 : f32
      %add3A_1195 = vector.broadcast %add3A_1194 : f32 to vector<16xf32>
      %add3A_1196 = arith.addf %mul3A_1193, %add3A_1195 : vector<16xf32>
      %max3A_1197 = arith.constant 0.000000e+00 : f32
      %max3A_1198 = vector.broadcast %max3A_1197 : f32 to vector<16xf32>
      %max3A_1199 = arith.maximumf %get3A_1163, %max3A_1198 : vector<16xf32>
      %mul3A_1200 = arith.mulf %get3A_1163, %get3A_1166 : vector<16xf32>
      %sub3A_1201 = arith.subf %max3A_1199, %mul3A_1200 : vector<16xf32>
      %add3A_1202 = arith.addf %sub3A_1201, %add3A_1196 : vector<16xf32>
      %add3A_1203 = arith.constant 12 : i32
      %add3A_1204 = vector.broadcast %add3A_1203 : i32 to vector<16xi32>
      %add3A_1205 = arith.addi %shift_right_logical3A_856, %add3A_1204 : vector<16xi32>
      %broadcast_in_dim3A_1206 = vector.shape_cast %add3A_1205 : vector<16xi32> to vector<16x1xi32>
      %gather3A_1207 = vector.shape_cast %broadcast_in_dim3A_1206 : vector<16x1xi32> to vector<16xi32>
      %gather3A_1208 = tpu.dynamic_gather %get3A_977[%gather3A_1207] in [0] : vector<16xi32>, vector<16xi32> -> vector<16xi32>
      %shift_right_logical3A_1209 = arith.shrui %gather3A_1208, %shift_left3A_862 : vector<16xi32>
      %and3A_1210 = arith.constant 1 : i32
      %and3A_1211 = vector.broadcast %and3A_1210 : i32 to vector<16xi32>
      %and3A_1212 = arith.andi %shift_right_logical3A_1209, %and3A_1211 : vector<16xi32>
      %convert_element_type3A_1213 = arith.sitofp %and3A_1212 : vector<16xi32> to vector<16xf32>
      %mul3A_1214 = arith.mulf %add3A_1202, %convert_element_type3A_1213 : vector<16xf32>
      %swap3A_1215 = arith.index_cast %add3A_1160 : i32 to index
      %swap3A_1216 = tpu.vector_load %arg12[%swap3A_1215] {strides = array<i32>} : memref<16384xf32, #tpu.memory_space<vmem>>, vector<16xf32>,
      %swap3A_1217 = vector.shape_cast %swap3A_1216 : vector<16xf32> to vector<16xf32>
      %swap3A_1218 = vector.shape_cast %mul3A_1214 : vector<16xf32> to vector<16xf32>
      tpu.vector_store %arg12[%swap3A_1215], %swap3A_1218 {strides = array<i32>} : memref<16384xf32, #tpu.memory_space<vmem>>, vector<16xf32>,
      %scan3A_1219 = arith.constant 0 : i32
      scf.yield %scan3A_1219 : i32
    }
    %scan3A_869 = arith.constant 256 : i32
    %add3A_870 = arith.constant 98304 : i32
    %add3A_871 = arith.addi %mul3A_2, %add3A_870 : i32
    %multiple_of3A_872 = tpu.assume_multiple %add3A_871, 16384 : i32
    %dma_start3A_873 = arith.constant 0 : i32
    %dma_start3A_874 = tpu.memref_slice %arg5[%multiple_of3A_872] : memref<4194304xf32, #tpu.memory_space<hbm>> -> memref<16384xf32, #tpu.memory_space<hbm>>
    %dma_start3A_875 = tpu.memref_slice %arg15[%dma_start3A_873] : memref<2x!tpu.dma_semaphore, #tpu.memory_space<semaphore_mem>> -> memref<1x!tpu.dma_semaphore, #tpu.memory_space<semaphore_mem>>
    %dma_start3A_876 = tpu.memref_squeeze %dma_start3A_875 : memref<1x!tpu.dma_semaphore, #tpu.memory_space<semaphore_mem>> -> memref<!tpu.dma_semaphore, #tpu.memory_space<semaphore_mem>>
    %dma_start3A_877 = tpu.memref_slice %arg5[%multiple_of3A_872] : memref<4194304xf32, #tpu.memory_space<hbm>> -> memref<16384xf32, #tpu.memory_space<hbm>>
    tpu.enqueue_dma source(%arg12 : memref<16384xf32, #tpu.memory_space<vmem>>) target(%dma_start3A_877 : memref<16384xf32, #tpu.memory_space<hbm>>) target_semaphore(%dma_start3A_876 : memref<!tpu.dma_semaphore, #tpu.memory_space<semaphore_mem>>)
    %add3A_878 = arith.constant 114688 : i32
    %add3A_879 = arith.addi %mul3A_2, %add3A_878 : i32
    %multiple_of3A_880 = tpu.assume_multiple %add3A_879, 16384 : i32
    %add3A_881 = arith.constant 114688 : i32
    %add3A_882 = arith.addi %mul3A_2, %add3A_881 : i32
    %jit3A_883 = arith.constant 4 : i32
    %div3A_884 = arith.divsi %add3A_882, %jit3A_883 : i32
    %sign3A_885 = arith.constant 0 : i32
    %sign3A_886 = arith.cmpi sgt, %add3A_882, %sign3A_885 : i32
    %sign3A_887 = arith.extui %sign3A_886 : i1 to i32
    %sign3A_888 = arith.constant 0 : i32
    %sign3A_889 = arith.cmpi slt, %add3A_882, %sign3A_888 : i32
    %sign3A_890 = arith.extui %sign3A_889 : i1 to i32
    %sign3A_891 = arith.subi %sign3A_887, %sign3A_890 : i32
    %sign3A_892 = arith.constant 0 : i32
    %sign3A_893 = arith.cmpi sgt, %jit3A_883, %sign3A_892 : i32
    %sign3A_894 = arith.extui %sign3A_893 : i1 to i32
    %sign3A_895 = arith.constant 0 : i32
    %sign3A_896 = arith.cmpi slt, %jit3A_883, %sign3A_895 : i32
    %sign3A_897 = arith.extui %sign3A_896 : i1 to i32
    %sign3A_898 = arith.subi %sign3A_894, %sign3A_897 : i32
    %ne3A_899 = arith.cmpi ne, %sign3A_891, %sign3A_898 : i32
    %rem3A_900 = arith.remsi %add3A_882, %jit3A_883 : i32
    %ne3A_901 = arith.constant 0 : i32
    %ne3A_902 = arith.cmpi ne, %rem3A_900, %ne3A_901 : i32
    %and3A_903 = arith.andi %ne3A_899, %ne3A_902 : i1
    %sub3A_904 = arith.constant 1 : i32
    %sub3A_905 = arith.subi %div3A_884, %sub3A_904 : i32
    %select_n3A_906 = arith.select %and3A_903, %sub3A_905, %div3A_884 : i32
    %multiple_of3A_907 = tpu.assume_multiple %select_n3A_906, 4096 : i32
    %dma_wait3A_908 = arith.constant 1 : i32
    %dma_wait3A_909 = tpu.memref_slice %arg2[%multiple_of3A_880] : memref<4194304xf32, #tpu.memory_space<hbm>> -> memref<16384xf32, #tpu.memory_space<hbm>>
    %dma_wait3A_910 = tpu.memref_slice %arg14[%dma_wait3A_908] : memref<2x!tpu.dma_semaphore, #tpu.memory_space<semaphore_mem>> -> memref<1x!tpu.dma_semaphore, #tpu.memory_space<semaphore_mem>>
    %dma_wait3A_911 = tpu.memref_squeeze %dma_wait3A_910 : memref<1x!tpu.dma_semaphore, #tpu.memory_space<semaphore_mem>> -> memref<!tpu.dma_semaphore, #tpu.memory_space<semaphore_mem>>
    %dma_wait3A_912 = tpu.memref_slice %arg2[%multiple_of3A_880] : memref<4194304xf32, #tpu.memory_space<hbm>> -> memref<16384xf32, #tpu.memory_space<hbm>>
    tpu.wait_dma2 semaphore(%dma_wait3A_911 : memref<!tpu.dma_semaphore, #tpu.memory_space<semaphore_mem>>) src(%dma_wait3A_912 : memref<16384xf32, #tpu.memory_space<hbm>>) dst(%arg7 : memref<16384xf32, #tpu.memory_space<vmem>>)
    %dma_wait3A_913 = arith.constant 1 : i32
    %dma_wait3A_914 = tpu.memref_slice %arg3[%multiple_of3A_880] : memref<4194304xf32, #tpu.memory_space<hbm>> -> memref<16384xf32, #tpu.memory_space<hbm>>
    %dma_wait3A_915 = tpu.memref_slice %arg14[%dma_wait3A_913] : memref<2x!tpu.dma_semaphore, #tpu.memory_space<semaphore_mem>> -> memref<1x!tpu.dma_semaphore, #tpu.memory_space<semaphore_mem>>
    %dma_wait3A_916 = tpu.memref_squeeze %dma_wait3A_915 : memref<1x!tpu.dma_semaphore, #tpu.memory_space<semaphore_mem>> -> memref<!tpu.dma_semaphore, #tpu.memory_space<semaphore_mem>>
    %dma_wait3A_917 = tpu.memref_slice %arg3[%multiple_of3A_880] : memref<4194304xf32, #tpu.memory_space<hbm>> -> memref<16384xf32, #tpu.memory_space<hbm>>
    tpu.wait_dma2 semaphore(%dma_wait3A_916 : memref<!tpu.dma_semaphore, #tpu.memory_space<semaphore_mem>>) src(%dma_wait3A_917 : memref<16384xf32, #tpu.memory_space<hbm>>) dst(%arg9 : memref<16384xf32, #tpu.memory_space<vmem>>)
    %dma_wait3A_918 = arith.constant 1 : i32
    %dma_wait3A_919 = tpu.memref_slice %arg4[%multiple_of3A_907] : memref<1048576xi32, #tpu.memory_space<hbm>> -> memref<4096xi32, #tpu.memory_space<hbm>>
    %dma_wait3A_920 = tpu.memref_slice %arg14[%dma_wait3A_918] : memref<2x!tpu.dma_semaphore, #tpu.memory_space<semaphore_mem>> -> memref<1x!tpu.dma_semaphore, #tpu.memory_space<semaphore_mem>>
    %dma_wait3A_921 = tpu.memref_squeeze %dma_wait3A_920 : memref<1x!tpu.dma_semaphore, #tpu.memory_space<semaphore_mem>> -> memref<!tpu.dma_semaphore, #tpu.memory_space<semaphore_mem>>
    %dma_wait3A_922 = tpu.memref_slice %arg4[%multiple_of3A_907] : memref<1048576xi32, #tpu.memory_space<hbm>> -> memref<4096xi32, #tpu.memory_space<hbm>>
    tpu.wait_dma2 semaphore(%dma_wait3A_921 : memref<!tpu.dma_semaphore, #tpu.memory_space<semaphore_mem>>) src(%dma_wait3A_922 : memref<4096xi32, #tpu.memory_space<hbm>>) dst(%arg11 : memref<4096xi32, #tpu.memory_space<vmem>>)
    %add3A_923 = arith.constant 81920 : i32
    %add3A_924 = arith.addi %mul3A_2, %add3A_923 : i32
    %multiple_of3A_925 = tpu.assume_multiple %add3A_924, 16384 : i32
    %dma_wait3A_926 = arith.constant 1 : i32
    %dma_wait3A_927 = tpu.memref_slice %arg5[%multiple_of3A_925] : memref<4194304xf32, #tpu.memory_space<hbm>> -> memref<16384xf32, #tpu.memory_space<hbm>>
    %dma_wait3A_928 = tpu.memref_slice %arg15[%dma_wait3A_926] : memref<2x!tpu.dma_semaphore, #tpu.memory_space<semaphore_mem>> -> memref<1x!tpu.dma_semaphore, #tpu.memory_space<semaphore_mem>>
    %dma_wait3A_929 = tpu.memref_squeeze %dma_wait3A_928 : memref<1x!tpu.dma_semaphore, #tpu.memory_space<semaphore_mem>> -> memref<!tpu.dma_semaphore, #tpu.memory_space<semaphore_mem>>
    %dma_wait3A_930 = tpu.memref_slice %arg5[%multiple_of3A_925] : memref<4194304xf32, #tpu.memory_space<hbm>> -> memref<16384xf32, #tpu.memory_space<hbm>>
    tpu.wait_dma2 semaphore(%dma_wait3A_929 : memref<!tpu.dma_semaphore, #tpu.memory_space<semaphore_mem>>) src(%arg13 : memref<16384xf32, #tpu.memory_space<vmem>>) dst(%dma_wait3A_930 : memref<16384xf32, #tpu.memory_space<hbm>>)
    %iota3A_931 = tpu.iota {dimensions = array<i32: 0>} : vector<16xi32>
    %shift_right_logical3A_932 = arith.constant 2 : i32
    %shift_right_logical3A_933 = vector.broadcast %shift_right_logical3A_932 : i32 to vector<16xi32>
    %shift_right_logical3A_934 = arith.shrui %iota3A_931, %shift_right_logical3A_933 : vector<16xi32>
    %and3A_935 = arith.constant 3 : i32
    %and3A_936 = vector.broadcast %and3A_935 : i32 to vector<16xi32>
    %and3A_937 = arith.andi %iota3A_931, %and3A_936 : vector<16xi32>
    %shift_left3A_938 = arith.constant 3 : i32
    %shift_left3A_939 = vector.broadcast %shift_left3A_938 : i32 to vector<16xi32>
    %shift_left3A_940 = arith.shli %and3A_937, %shift_left3A_939 : vector<16xi32>
    %scan3A_941 = arith.constant 0 : i32
    %scan3A_942 = arith.constant 0 : i32
    %scan3A_943 = arith.constant 256 : i32
    %scan3A_944 = arith.addi %scan3A_942, %scan3A_943 : i32
    %scan3A_945 = arith.constant 1 : i32
    %scan3A_946 = scf.for %scan3A_972 = %scan3A_942 to %scan3A_944 step %scan3A_945 iter_args(%scan3A_973 = %scan3A_941) -> (i32)  : i32 {
      %mul3A_974 = arith.constant 16 : i32
      %mul3A_975 = arith.muli %scan3A_972, %mul3A_974 : i32
      %get3A = arith.index_cast %mul3A_975 : i32 to index
      %get3A_976 = tpu.vector_load %arg11[%get3A] {strides = array<i32>} : memref<4096xi32, #tpu.memory_space<vmem>>, vector<16xi32>,
      %get3A_977 = vector.shape_cast %get3A_976 : vector<16xi32> to vector<16xi32>
      %mul3A_978 = arith.constant 64 : i32
      %mul3A_979 = arith.muli %scan3A_972, %mul3A_978 : i32
      %add3A_980 = arith.constant 0 : i32
      %add3A_981 = arith.addi %mul3A_979, %add3A_980 : i32
      %get3A_982 = arith.index_cast %add3A_981 : i32 to index
      %get3A_983 = tpu.vector_load %arg7[%get3A_982] {strides = array<i32>} : memref<16384xf32, #tpu.memory_space<vmem>>, vector<16xf32>,
      %get3A_984 = vector.shape_cast %get3A_983 : vector<16xf32> to vector<16xf32>
      %get3A_985 = arith.index_cast %add3A_981 : i32 to index
      %get3A_986 = tpu.vector_load %arg9[%get3A_985] {strides = array<i32>} : memref<16384xf32, #tpu.memory_space<vmem>>, vector<16xf32>,
      %get3A_987 = vector.shape_cast %get3A_986 : vector<16xf32> to vector<16xf32>
      %abs3A = math.absf %get3A_984 : vector<16xf32>
      %min3A = arith.constant 8.000000e+00 : f32
      %min3A_988 = vector.broadcast %min3A : f32 to vector<16xf32>
      %min3A_989 = arith.minimumf %abs3A, %min3A_988 : vector<16xf32>
      %mul3A_990 = arith.constant -4.23574238E-6 : f32
      %mul3A_991 = vector.broadcast %mul3A_990 : f32 to vector<16xf32>
      %mul3A_992 = arith.mulf %mul3A_991, %min3A_989 : vector<16xf32>
      %add3A_993 = arith.constant 3.74917909E-5 : f32
      %add3A_994 = vector.broadcast %add3A_993 : f32 to vector<16xf32>
      %add3A_995 = arith.addf %mul3A_992, %add3A_994 : vector<16xf32>
      %mul3A_996 = arith.mulf %add3A_995, %min3A_989 : vector<16xf32>
      %add3A_997 = arith.constant 0.00110166182 : f32
      %add3A_998 = vector.broadcast %add3A_997 : f32 to vector<16xf32>
      %add3A_999 = arith.addf %mul3A_996, %add3A_998 : vector<16xf32>
      %mul3A_1000 = arith.mulf %add3A_999, %min3A_989 : vector<16xf32>
      %add3A_1001 = arith.constant -0.0215470828 : f32
      %add3A_1002 = vector.broadcast %add3A_1001 : f32 to vector<16xf32>
      %add3A_1003 = arith.addf %mul3A_1000, %add3A_1002 : vector<16xf32>
      %mul3A_1004 = arith.mulf %add3A_1003, %min3A_989 : vector<16xf32>
      %add3A_1005 = arith.constant 0.153337061 : f32
      %add3A_1006 = vector.broadcast %add3A_1005 : f32 to vector<16xf32>
      %add3A_1007 = arith.addf %mul3A_1004, %add3A_1006 : vector<16xf32>
      %mul3A_1008 = arith.mulf %add3A_1007, %min3A_989 : vector<16xf32>
      %add3A_1009 = arith.constant -0.513292253 : f32
      %add3A_1010 = vector.broadcast %add3A_1009 : f32 to vector<16xf32>
      %add3A_1011 = arith.addf %mul3A_1008, %add3A_1010 : vector<16xf32>
      %mul3A_1012 = arith.mulf %add3A_1011, %min3A_989 : vector<16xf32>
      %add3A_1013 = arith.constant 0.694155812 : f32
      %add3A_1014 = vector.broadcast %add3A_1013 : f32 to vector<16xf32>
      %add3A_1015 = arith.addf %mul3A_1012, %add3A_1014 : vector<16xf32>
      %max3A = arith.constant 0.000000e+00 : f32
      %max3A_1016 = vector.broadcast %max3A : f32 to vector<16xf32>
      %max3A_1017 = arith.maximumf %get3A_984, %max3A_1016 : vector<16xf32>
      %mul3A_1018 = arith.mulf %get3A_984, %get3A_987 : vector<16xf32>
      %sub3A_1019 = arith.subf %max3A_1017, %mul3A_1018 : vector<16xf32>
      %add3A_1020 = arith.addf %sub3A_1019, %add3A_1015 : vector<16xf32>
      %add3A_1021 = arith.constant 0 : i32
      %add3A_1022 = vector.broadcast %add3A_1021 : i32 to vector<16xi32>
      %add3A_1023 = arith.addi %shift_right_logical3A_934, %add3A_1022 : vector<16xi32>
      %broadcast_in_dim3A = vector.shape_cast %add3A_1023 : vector<16xi32> to vector<16x1xi32>
      %gather3A = vector.shape_cast %broadcast_in_dim3A : vector<16x1xi32> to vector<16xi32>
      %gather3A_1024 = tpu.dynamic_gather %get3A_977[%gather3A] in [0] : vector<16xi32>, vector<16xi32> -> vector<16xi32>
      %shift_right_logical3A_1025 = arith.shrui %gather3A_1024, %shift_left3A_940 : vector<16xi32>
      %and3A_1026 = arith.constant 1 : i32
      %and3A_1027 = vector.broadcast %and3A_1026 : i32 to vector<16xi32>
      %and3A_1028 = arith.andi %shift_right_logical3A_1025, %and3A_1027 : vector<16xi32>
      %convert_element_type3A = arith.sitofp %and3A_1028 : vector<16xi32> to vector<16xf32>
      %mul3A_1029 = arith.mulf %add3A_1020, %convert_element_type3A : vector<16xf32>
      %swap3A = arith.index_cast %add3A_981 : i32 to index
      %swap3A_1030 = tpu.vector_load %arg13[%swap3A] {strides = array<i32>} : memref<16384xf32, #tpu.memory_space<vmem>>, vector<16xf32>,
      %swap3A_1031 = vector.shape_cast %swap3A_1030 : vector<16xf32> to vector<16xf32>
      %swap3A_1032 = vector.shape_cast %mul3A_1029 : vector<16xf32> to vector<16xf32>
      tpu.vector_store %arg13[%swap3A], %swap3A_1032 {strides = array<i32>} : memref<16384xf32, #tpu.memory_space<vmem>>, vector<16xf32>,
      %mul3A_1033 = arith.constant 64 : i32
      %mul3A_1034 = arith.muli %scan3A_972, %mul3A_1033 : i32
      %add3A_1035 = arith.constant 16 : i32
      %add3A_1036 = arith.addi %mul3A_1034, %add3A_1035 : i32
      %get3A_1037 = arith.index_cast %add3A_1036 : i32 to index
      %get3A_1038 = tpu.vector_load %arg7[%get3A_1037] {strides = array<i32>} : memref<16384xf32, #tpu.memory_space<vmem>>, vector<16xf32>,
      %get3A_1039 = vector.shape_cast %get3A_1038 : vector<16xf32> to vector<16xf32>
      %get3A_1040 = arith.index_cast %add3A_1036 : i32 to index
      %get3A_1041 = tpu.vector_load %arg9[%get3A_1040] {strides = array<i32>} : memref<16384xf32, #tpu.memory_space<vmem>>, vector<16xf32>,
      %get3A_1042 = vector.shape_cast %get3A_1041 : vector<16xf32> to vector<16xf32>
      %abs3A_1043 = math.absf %get3A_1039 : vector<16xf32>
      %min3A_1044 = arith.constant 8.000000e+00 : f32
      %min3A_1045 = vector.broadcast %min3A_1044 : f32 to vector<16xf32>
      %min3A_1046 = arith.minimumf %abs3A_1043, %min3A_1045 : vector<16xf32>
      %mul3A_1047 = arith.constant -4.23574238E-6 : f32
      %mul3A_1048 = vector.broadcast %mul3A_1047 : f32 to vector<16xf32>
      %mul3A_1049 = arith.mulf %mul3A_1048, %min3A_1046 : vector<16xf32>
      %add3A_1050 = arith.constant 3.74917909E-5 : f32
      %add3A_1051 = vector.broadcast %add3A_1050 : f32 to vector<16xf32>
      %add3A_1052 = arith.addf %mul3A_1049, %add3A_1051 : vector<16xf32>
      %mul3A_1053 = arith.mulf %add3A_1052, %min3A_1046 : vector<16xf32>
      %add3A_1054 = arith.constant 0.00110166182 : f32
      %add3A_1055 = vector.broadcast %add3A_1054 : f32 to vector<16xf32>
      %add3A_1056 = arith.addf %mul3A_1053, %add3A_1055 : vector<16xf32>
      %mul3A_1057 = arith.mulf %add3A_1056, %min3A_1046 : vector<16xf32>
      %add3A_1058 = arith.constant -0.0215470828 : f32
      %add3A_1059 = vector.broadcast %add3A_1058 : f32 to vector<16xf32>
      %add3A_1060 = arith.addf %mul3A_1057, %add3A_1059 : vector<16xf32>
      %mul3A_1061 = arith.mulf %add3A_1060, %min3A_1046 : vector<16xf32>
      %add3A_1062 = arith.constant 0.153337061 : f32
      %add3A_1063 = vector.broadcast %add3A_1062 : f32 to vector<16xf32>
      %add3A_1064 = arith.addf %mul3A_1061, %add3A_1063 : vector<16xf32>
      %mul3A_1065 = arith.mulf %add3A_1064, %min3A_1046 : vector<16xf32>
      %add3A_1066 = arith.constant -0.513292253 : f32
      %add3A_1067 = vector.broadcast %add3A_1066 : f32 to vector<16xf32>
      %add3A_1068 = arith.addf %mul3A_1065, %add3A_1067 : vector<16xf32>
      %mul3A_1069 = arith.mulf %add3A_1068, %min3A_1046 : vector<16xf32>
      %add3A_1070 = arith.constant 0.694155812 : f32
      %add3A_1071 = vector.broadcast %add3A_1070 : f32 to vector<16xf32>
      %add3A_1072 = arith.addf %mul3A_1069, %add3A_1071 : vector<16xf32>
      %max3A_1073 = arith.constant 0.000000e+00 : f32
      %max3A_1074 = vector.broadcast %max3A_1073 : f32 to vector<16xf32>
      %max3A_1075 = arith.maximumf %get3A_1039, %max3A_1074 : vector<16xf32>
      %mul3A_1076 = arith.mulf %get3A_1039, %get3A_1042 : vector<16xf32>
      %sub3A_1077 = arith.subf %max3A_1075, %mul3A_1076 : vector<16xf32>
      %add3A_1078 = arith.addf %sub3A_1077, %add3A_1072 : vector<16xf32>
      %add3A_1079 = arith.constant 4 : i32
      %add3A_1080 = vector.broadcast %add3A_1079 : i32 to vector<16xi32>
      %add3A_1081 = arith.addi %shift_right_logical3A_934, %add3A_1080 : vector<16xi32>
      %broadcast_in_dim3A_1082 = vector.shape_cast %add3A_1081 : vector<16xi32> to vector<16x1xi32>
      %gather3A_1083 = vector.shape_cast %broadcast_in_dim3A_1082 : vector<16x1xi32> to vector<16xi32>
      %gather3A_1084 = tpu.dynamic_gather %get3A_977[%gather3A_1083] in [0] : vector<16xi32>, vector<16xi32> -> vector<16xi32>
      %shift_right_logical3A_1085 = arith.shrui %gather3A_1084, %shift_left3A_940 : vector<16xi32>
      %and3A_1086 = arith.constant 1 : i32
      %and3A_1087 = vector.broadcast %and3A_1086 : i32 to vector<16xi32>
      %and3A_1088 = arith.andi %shift_right_logical3A_1085, %and3A_1087 : vector<16xi32>
      %convert_element_type3A_1089 = arith.sitofp %and3A_1088 : vector<16xi32> to vector<16xf32>
      %mul3A_1090 = arith.mulf %add3A_1078, %convert_element_type3A_1089 : vector<16xf32>
      %swap3A_1091 = arith.index_cast %add3A_1036 : i32 to index
      %swap3A_1092 = tpu.vector_load %arg13[%swap3A_1091] {strides = array<i32>} : memref<16384xf32, #tpu.memory_space<vmem>>, vector<16xf32>,
      %swap3A_1093 = vector.shape_cast %swap3A_1092 : vector<16xf32> to vector<16xf32>
      %swap3A_1094 = vector.shape_cast %mul3A_1090 : vector<16xf32> to vector<16xf32>
      tpu.vector_store %arg13[%swap3A_1091], %swap3A_1094 {strides = array<i32>} : memref<16384xf32, #tpu.memory_space<vmem>>, vector<16xf32>,
      %mul3A_1095 = arith.constant 64 : i32
      %mul3A_1096 = arith.muli %scan3A_972, %mul3A_1095 : i32
      %add3A_1097 = arith.constant 32 : i32
      %add3A_1098 = arith.addi %mul3A_1096, %add3A_1097 : i32
      %get3A_1099 = arith.index_cast %add3A_1098 : i32 to index
      %get3A_1100 = tpu.vector_load %arg7[%get3A_1099] {strides = array<i32>} : memref<16384xf32, #tpu.memory_space<vmem>>, vector<16xf32>,
      %get3A_1101 = vector.shape_cast %get3A_1100 : vector<16xf32> to vector<16xf32>
      %get3A_1102 = arith.index_cast %add3A_1098 : i32 to index
      %get3A_1103 = tpu.vector_load %arg9[%get3A_1102] {strides = array<i32>} : memref<16384xf32, #tpu.memory_space<vmem>>, vector<16xf32>,
      %get3A_1104 = vector.shape_cast %get3A_1103 : vector<16xf32> to vector<16xf32>
      %abs3A_1105 = math.absf %get3A_1101 : vector<16xf32>
      %min3A_1106 = arith.constant 8.000000e+00 : f32
      %min3A_1107 = vector.broadcast %min3A_1106 : f32 to vector<16xf32>
      %min3A_1108 = arith.minimumf %abs3A_1105, %min3A_1107 : vector<16xf32>
      %mul3A_1109 = arith.constant -4.23574238E-6 : f32
      %mul3A_1110 = vector.broadcast %mul3A_1109 : f32 to vector<16xf32>
      %mul3A_1111 = arith.mulf %mul3A_1110, %min3A_1108 : vector<16xf32>
      %add3A_1112 = arith.constant 3.74917909E-5 : f32
      %add3A_1113 = vector.broadcast %add3A_1112 : f32 to vector<16xf32>
      %add3A_1114 = arith.addf %mul3A_1111, %add3A_1113 : vector<16xf32>
      %mul3A_1115 = arith.mulf %add3A_1114, %min3A_1108 : vector<16xf32>
      %add3A_1116 = arith.constant 0.00110166182 : f32
      %add3A_1117 = vector.broadcast %add3A_1116 : f32 to vector<16xf32>
      %add3A_1118 = arith.addf %mul3A_1115, %add3A_1117 : vector<16xf32>
      %mul3A_1119 = arith.mulf %add3A_1118, %min3A_1108 : vector<16xf32>
      %add3A_1120 = arith.constant -0.0215470828 : f32
      %add3A_1121 = vector.broadcast %add3A_1120 : f32 to vector<16xf32>
      %add3A_1122 = arith.addf %mul3A_1119, %add3A_1121 : vector<16xf32>
      %mul3A_1123 = arith.mulf %add3A_1122, %min3A_1108 : vector<16xf32>
      %add3A_1124 = arith.constant 0.153337061 : f32
      %add3A_1125 = vector.broadcast %add3A_1124 : f32 to vector<16xf32>
      %add3A_1126 = arith.addf %mul3A_1123, %add3A_1125 : vector<16xf32>
      %mul3A_1127 = arith.mulf %add3A_1126, %min3A_1108 : vector<16xf32>
      %add3A_1128 = arith.constant -0.513292253 : f32
      %add3A_1129 = vector.broadcast %add3A_1128 : f32 to vector<16xf32>
      %add3A_1130 = arith.addf %mul3A_1127, %add3A_1129 : vector<16xf32>
      %mul3A_1131 = arith.mulf %add3A_1130, %min3A_1108 : vector<16xf32>
      %add3A_1132 = arith.constant 0.694155812 : f32
      %add3A_1133 = vector.broadcast %add3A_1132 : f32 to vector<16xf32>
      %add3A_1134 = arith.addf %mul3A_1131, %add3A_1133 : vector<16xf32>
      %max3A_1135 = arith.constant 0.000000e+00 : f32
      %max3A_1136 = vector.broadcast %max3A_1135 : f32 to vector<16xf32>
      %max3A_1137 = arith.maximumf %get3A_1101, %max3A_1136 : vector<16xf32>
      %mul3A_1138 = arith.mulf %get3A_1101, %get3A_1104 : vector<16xf32>
      %sub3A_1139 = arith.subf %max3A_1137, %mul3A_1138 : vector<16xf32>
      %add3A_1140 = arith.addf %sub3A_1139, %add3A_1134 : vector<16xf32>
      %add3A_1141 = arith.constant 8 : i32
      %add3A_1142 = vector.broadcast %add3A_1141 : i32 to vector<16xi32>
      %add3A_1143 = arith.addi %shift_right_logical3A_934, %add3A_1142 : vector<16xi32>
      %broadcast_in_dim3A_1144 = vector.shape_cast %add3A_1143 : vector<16xi32> to vector<16x1xi32>
      %gather3A_1145 = vector.shape_cast %broadcast_in_dim3A_1144 : vector<16x1xi32> to vector<16xi32>
      %gather3A_1146 = tpu.dynamic_gather %get3A_977[%gather3A_1145] in [0] : vector<16xi32>, vector<16xi32> -> vector<16xi32>
      %shift_right_logical3A_1147 = arith.shrui %gather3A_1146, %shift_left3A_940 : vector<16xi32>
      %and3A_1148 = arith.constant 1 : i32
      %and3A_1149 = vector.broadcast %and3A_1148 : i32 to vector<16xi32>
      %and3A_1150 = arith.andi %shift_right_logical3A_1147, %and3A_1149 : vector<16xi32>
      %convert_element_type3A_1151 = arith.sitofp %and3A_1150 : vector<16xi32> to vector<16xf32>
      %mul3A_1152 = arith.mulf %add3A_1140, %convert_element_type3A_1151 : vector<16xf32>
      %swap3A_1153 = arith.index_cast %add3A_1098 : i32 to index
      %swap3A_1154 = tpu.vector_load %arg13[%swap3A_1153] {strides = array<i32>} : memref<16384xf32, #tpu.memory_space<vmem>>, vector<16xf32>,
      %swap3A_1155 = vector.shape_cast %swap3A_1154 : vector<16xf32> to vector<16xf32>
      %swap3A_1156 = vector.shape_cast %mul3A_1152 : vector<16xf32> to vector<16xf32>
      tpu.vector_store %arg13[%swap3A_1153], %swap3A_1156 {strides = array<i32>} : memref<16384xf32, #tpu.memory_space<vmem>>, vector<16xf32>,
      %mul3A_1157 = arith.constant 64 : i32
      %mul3A_1158 = arith.muli %scan3A_972, %mul3A_1157 : i32
      %add3A_1159 = arith.constant 48 : i32
      %add3A_1160 = arith.addi %mul3A_1158, %add3A_1159 : i32
      %get3A_1161 = arith.index_cast %add3A_1160 : i32 to index
      %get3A_1162 = tpu.vector_load %arg7[%get3A_1161] {strides = array<i32>} : memref<16384xf32, #tpu.memory_space<vmem>>, vector<16xf32>,
      %get3A_1163 = vector.shape_cast %get3A_1162 : vector<16xf32> to vector<16xf32>
      %get3A_1164 = arith.index_cast %add3A_1160 : i32 to index
      %get3A_1165 = tpu.vector_load %arg9[%get3A_1164] {strides = array<i32>} : memref<16384xf32, #tpu.memory_space<vmem>>, vector<16xf32>,
      %get3A_1166 = vector.shape_cast %get3A_1165 : vector<16xf32> to vector<16xf32>
      %abs3A_1167 = math.absf %get3A_1163 : vector<16xf32>
      %min3A_1168 = arith.constant 8.000000e+00 : f32
      %min3A_1169 = vector.broadcast %min3A_1168 : f32 to vector<16xf32>
      %min3A_1170 = arith.minimumf %abs3A_1167, %min3A_1169 : vector<16xf32>
      %mul3A_1171 = arith.constant -4.23574238E-6 : f32
      %mul3A_1172 = vector.broadcast %mul3A_1171 : f32 to vector<16xf32>
      %mul3A_1173 = arith.mulf %mul3A_1172, %min3A_1170 : vector<16xf32>
      %add3A_1174 = arith.constant 3.74917909E-5 : f32
      %add3A_1175 = vector.broadcast %add3A_1174 : f32 to vector<16xf32>
      %add3A_1176 = arith.addf %mul3A_1173, %add3A_1175 : vector<16xf32>
      %mul3A_1177 = arith.mulf %add3A_1176, %min3A_1170 : vector<16xf32>
      %add3A_1178 = arith.constant 0.00110166182 : f32
      %add3A_1179 = vector.broadcast %add3A_1178 : f32 to vector<16xf32>
      %add3A_1180 = arith.addf %mul3A_1177, %add3A_1179 : vector<16xf32>
      %mul3A_1181 = arith.mulf %add3A_1180, %min3A_1170 : vector<16xf32>
      %add3A_1182 = arith.constant -0.0215470828 : f32
      %add3A_1183 = vector.broadcast %add3A_1182 : f32 to vector<16xf32>
      %add3A_1184 = arith.addf %mul3A_1181, %add3A_1183 : vector<16xf32>
      %mul3A_1185 = arith.mulf %add3A_1184, %min3A_1170 : vector<16xf32>
      %add3A_1186 = arith.constant 0.153337061 : f32
      %add3A_1187 = vector.broadcast %add3A_1186 : f32 to vector<16xf32>
      %add3A_1188 = arith.addf %mul3A_1185, %add3A_1187 : vector<16xf32>
      %mul3A_1189 = arith.mulf %add3A_1188, %min3A_1170 : vector<16xf32>
      %add3A_1190 = arith.constant -0.513292253 : f32
      %add3A_1191 = vector.broadcast %add3A_1190 : f32 to vector<16xf32>
      %add3A_1192 = arith.addf %mul3A_1189, %add3A_1191 : vector<16xf32>
      %mul3A_1193 = arith.mulf %add3A_1192, %min3A_1170 : vector<16xf32>
      %add3A_1194 = arith.constant 0.694155812 : f32
      %add3A_1195 = vector.broadcast %add3A_1194 : f32 to vector<16xf32>
      %add3A_1196 = arith.addf %mul3A_1193, %add3A_1195 : vector<16xf32>
      %max3A_1197 = arith.constant 0.000000e+00 : f32
      %max3A_1198 = vector.broadcast %max3A_1197 : f32 to vector<16xf32>
      %max3A_1199 = arith.maximumf %get3A_1163, %max3A_1198 : vector<16xf32>
      %mul3A_1200 = arith.mulf %get3A_1163, %get3A_1166 : vector<16xf32>
      %sub3A_1201 = arith.subf %max3A_1199, %mul3A_1200 : vector<16xf32>
      %add3A_1202 = arith.addf %sub3A_1201, %add3A_1196 : vector<16xf32>
      %add3A_1203 = arith.constant 12 : i32
      %add3A_1204 = vector.broadcast %add3A_1203 : i32 to vector<16xi32>
      %add3A_1205 = arith.addi %shift_right_logical3A_934, %add3A_1204 : vector<16xi32>
      %broadcast_in_dim3A_1206 = vector.shape_cast %add3A_1205 : vector<16xi32> to vector<16x1xi32>
      %gather3A_1207 = vector.shape_cast %broadcast_in_dim3A_1206 : vector<16x1xi32> to vector<16xi32>
      %gather3A_1208 = tpu.dynamic_gather %get3A_977[%gather3A_1207] in [0] : vector<16xi32>, vector<16xi32> -> vector<16xi32>
      %shift_right_logical3A_1209 = arith.shrui %gather3A_1208, %shift_left3A_940 : vector<16xi32>
      %and3A_1210 = arith.constant 1 : i32
      %and3A_1211 = vector.broadcast %and3A_1210 : i32 to vector<16xi32>
      %and3A_1212 = arith.andi %shift_right_logical3A_1209, %and3A_1211 : vector<16xi32>
      %convert_element_type3A_1213 = arith.sitofp %and3A_1212 : vector<16xi32> to vector<16xf32>
      %mul3A_1214 = arith.mulf %add3A_1202, %convert_element_type3A_1213 : vector<16xf32>
      %swap3A_1215 = arith.index_cast %add3A_1160 : i32 to index
      %swap3A_1216 = tpu.vector_load %arg13[%swap3A_1215] {strides = array<i32>} : memref<16384xf32, #tpu.memory_space<vmem>>, vector<16xf32>,
      %swap3A_1217 = vector.shape_cast %swap3A_1216 : vector<16xf32> to vector<16xf32>
      %swap3A_1218 = vector.shape_cast %mul3A_1214 : vector<16xf32> to vector<16xf32>
      tpu.vector_store %arg13[%swap3A_1215], %swap3A_1218 {strides = array<i32>} : memref<16384xf32, #tpu.memory_space<vmem>>, vector<16xf32>,
      %scan3A_1219 = arith.constant 0 : i32
      scf.yield %scan3A_1219 : i32
    }
    %scan3A_947 = arith.constant 256 : i32
    %add3A_948 = arith.constant 114688 : i32
    %add3A_949 = arith.addi %mul3A_2, %add3A_948 : i32
    %multiple_of3A_950 = tpu.assume_multiple %add3A_949, 16384 : i32
    %dma_start3A_951 = arith.constant 1 : i32
    %dma_start3A_952 = tpu.memref_slice %arg5[%multiple_of3A_950] : memref<4194304xf32, #tpu.memory_space<hbm>> -> memref<16384xf32, #tpu.memory_space<hbm>>
    %dma_start3A_953 = tpu.memref_slice %arg15[%dma_start3A_951] : memref<2x!tpu.dma_semaphore, #tpu.memory_space<semaphore_mem>> -> memref<1x!tpu.dma_semaphore, #tpu.memory_space<semaphore_mem>>
    %dma_start3A_954 = tpu.memref_squeeze %dma_start3A_953 : memref<1x!tpu.dma_semaphore, #tpu.memory_space<semaphore_mem>> -> memref<!tpu.dma_semaphore, #tpu.memory_space<semaphore_mem>>
    %dma_start3A_955 = tpu.memref_slice %arg5[%multiple_of3A_950] : memref<4194304xf32, #tpu.memory_space<hbm>> -> memref<16384xf32, #tpu.memory_space<hbm>>
    tpu.enqueue_dma source(%arg13 : memref<16384xf32, #tpu.memory_space<vmem>>) target(%dma_start3A_955 : memref<16384xf32, #tpu.memory_space<hbm>>) target_semaphore(%dma_start3A_954 : memref<!tpu.dma_semaphore, #tpu.memory_space<semaphore_mem>>)
    %add3A_956 = arith.constant 98304 : i32
    %add3A_957 = arith.addi %mul3A_2, %add3A_956 : i32
    %multiple_of3A_958 = tpu.assume_multiple %add3A_957, 16384 : i32
    %dma_wait3A_959 = arith.constant 0 : i32
    %dma_wait3A_960 = tpu.memref_slice %arg5[%multiple_of3A_958] : memref<4194304xf32, #tpu.memory_space<hbm>> -> memref<16384xf32, #tpu.memory_space<hbm>>
    %dma_wait3A_961 = tpu.memref_slice %arg15[%dma_wait3A_959] : memref<2x!tpu.dma_semaphore, #tpu.memory_space<semaphore_mem>> -> memref<1x!tpu.dma_semaphore, #tpu.memory_space<semaphore_mem>>
    %dma_wait3A_962 = tpu.memref_squeeze %dma_wait3A_961 : memref<1x!tpu.dma_semaphore, #tpu.memory_space<semaphore_mem>> -> memref<!tpu.dma_semaphore, #tpu.memory_space<semaphore_mem>>
    %dma_wait3A_963 = tpu.memref_slice %arg5[%multiple_of3A_958] : memref<4194304xf32, #tpu.memory_space<hbm>> -> memref<16384xf32, #tpu.memory_space<hbm>>
    tpu.wait_dma2 semaphore(%dma_wait3A_962 : memref<!tpu.dma_semaphore, #tpu.memory_space<semaphore_mem>>) src(%arg12 : memref<16384xf32, #tpu.memory_space<vmem>>) dst(%dma_wait3A_963 : memref<16384xf32, #tpu.memory_space<hbm>>)
    %add3A_964 = arith.constant 114688 : i32
    %add3A_965 = arith.addi %mul3A_2, %add3A_964 : i32
    %multiple_of3A_966 = tpu.assume_multiple %add3A_965, 16384 : i32
    %dma_wait3A_967 = arith.constant 1 : i32
    %dma_wait3A_968 = tpu.memref_slice %arg5[%multiple_of3A_966] : memref<4194304xf32, #tpu.memory_space<hbm>> -> memref<16384xf32, #tpu.memory_space<hbm>>
    %dma_wait3A_969 = tpu.memref_slice %arg15[%dma_wait3A_967] : memref<2x!tpu.dma_semaphore, #tpu.memory_space<semaphore_mem>> -> memref<1x!tpu.dma_semaphore, #tpu.memory_space<semaphore_mem>>
    %dma_wait3A_970 = tpu.memref_squeeze %dma_wait3A_969 : memref<1x!tpu.dma_semaphore, #tpu.memory_space<semaphore_mem>> -> memref<!tpu.dma_semaphore, #tpu.memory_space<semaphore_mem>>
    %dma_wait3A_971 = tpu.memref_slice %arg5[%multiple_of3A_966] : memref<4194304xf32, #tpu.memory_space<hbm>> -> memref<16384xf32, #tpu.memory_space<hbm>>
    tpu.wait_dma2 semaphore(%dma_wait3A_970 : memref<!tpu.dma_semaphore, #tpu.memory_space<semaphore_mem>>) src(%arg13 : memref<16384xf32, #tpu.memory_space<vmem>>) dst(%dma_wait3A_971 : memref<16384xf32, #tpu.memory_space<hbm>>)
    return
  }
}

</mosaic_0001>

<sc_bundles>
// kernel: _run.3.cloned.1.call-start
scs
__scs_entry_jumppad:
0x0: {  	(pc) =	sbr.rel $0x88, $3  }
0x1: {  	(tag) =	ssettag $0x0;
	lr =	simm.s32 $0x1  }
0x2: {  	[smem:$0x3F9E] =	sst lr;
	_ =	strace $0xD0000000  }
0x3: {  	_ = 	snop  }
0x4: {  	_ = 	snop  }
0x5: {  	_ = 	snop  }
0x6: {  	_ = 	snop  }
0x7: {  	_ = 	snop  }
__scs_overlays_trampoline_lowered:
0x8: {  	[smem:$0x3FAD] =	sst s0  }
0x9: {  	[smem:$0x3FAE] =	sst s1  }
0xa: {  	[smem:$0x3FAF] =	sst s2  }
0xb: {  	[smem:$0x3FB0] =	sst s3  }
0xc: {  	[smem:$0x3FB1] =	sst s4  }
0xd: {  	[smem:$0x3FB2] =	sst s5  }
0xe: {  	[smem:$0x3FB3] =	sst s6  }
0xf: {  	[smem:$0x3FB4] =	sst s7  }
0x10: {  	[smem:$0x3FB5] =	sst s8  }
0x11: {  	[smem:$0x3FB6] =	sst s9;
	s0 =	simm.s32 @!p0 $0x0  }
0x12: {  	s1 =	sld [smem:$0x3F9C];
	s0 =	simm.s32 @p0 $0x1  }
0x13: {  	[smem:$0x3FB7] =	sst s0;
	s0 =	simm.s32 @!p1 $0x0  }
0x14: {  	s2 =	sld [smem:$0x3F9B];
	s0 =	simm.s32 @p1 $0x1  }
0x15: {  	[smem:$0x3FB8] =	sst s0;
	s0 =	simm.s32 @!p2 $0x0  }
0x16: {  	s3 =	sld [smem:$0x3FDB];
	s0 =	simm.s32 @p2 $0x1  }
0x17: {  	s4 =	simm.s32 $0x1BF5;
	[smem:$0x3FBA] =	sst s0  }
0x18: {  	s0 =	sld [smem:$0x3F9D];
	_ =	swait.ge [sflag:s4], $0x0  }
0x19: {  	s7 =	sld [smem:$0x3F9E]  }
0x1a: {  	s8 =	sadd.s32 $0xFFFFE003, lr  }
0x1b: {  	s9 =	sadd.s32 $0xFFFFFEF7, lr;
	s5 =	simm.s32 $0xFFFFFFFF;
	p2 =	slt.u32 s8, $0xFFFFF086  }
0x1c: {  	p1 =	slt.u32 s9, $0xF7A;
	s5 =	simm.s32 @!p2 $0x0  }
0x1d: {  	s5 =	simm.s32 @p1 $0x1;
	p0 =	seq.s32 s7, s2  }
0x1e: {  	s7 =	smul.u32 @!p0 $0xF7A, s2;
	p2 =	seq.s32 @!p0 s5, $0x0  }
0x1f: {  	s9 =	smul.u32 $0xF7A, s1;
	s8 =	simm.s32 @!p0 $0x1BF5;
	p2 =	por !p2, p0  }
0x20: {  	[sflag:s8] =	ssyncset.s32 @!p0 $0xFFFFF086;
	s6 =	sadd.s32 @!p0 s3, s7;
	s7 =	simm.s32 @!p0 $0x108  }
0x21: {  	s3 =	sadd.s32 s3, s9;
	s6 =	sadd.s32 @!p0 $0x88, s6;
	s7 =	simm.s32 @p2 $0x1082  }
0x22: {  	[simem:s7], [sflag:s8] =	dma.local @!p0 [hbm:s6], $0xF7A  }
0x23: {  	s9 =	sor.u32 $0xD0000000, s2;
	s6 =	simm.s32 $0x108;
	_ =	swait.ge @!p0 [sflag:s8], $0x0  }
0x24: {  	s3 =	sadd.s32 $0x88, s3;
	s6 =	simm.s32 @!p1 $0x1082;
	[sflag:s4] =	ssyncset.s32 $0xFFFFF086  }
0x25: {  	[simem:s6], [sflag:s4] =	dma.local [hbm:s3], $0xF7A  }
0x26: {  	[smem:$0x3F9E] =	sst s1;
	(tag) =	ssettag s2;
	_ =	strace s9  }
0x27: {  	s1 =	sld [smem:$0x3FAE]  }
0x28: {  	s2 =	sld [smem:$0x3FAF]  }
0x29: {  	s4 =	sld [smem:$0x3FB1]  }
0x2a: {  	p0 =	seq.s32 s5, $0x0;
	s5 =	sld [smem:$0x3FB2]  }
0x2b: {  	s6 =	sld [smem:$0x3FB3]  }
0x2c: {  	s7 =	sld [smem:$0x3FB4]  }
0x2d: {  	s3 =	simm.s32 $0x108;
	s8 =	sld [smem:$0x3FB5]  }
0x2e: {  	s3 =	simm.s32 @!p0 $0x1082;
	s9 =	sld [smem:$0x3FB6]  }
0x2f: {  	lr =	sadd.s32 s0, s3;
	s0 =	sld [smem:$0x3FAD]  }
0x30: {  	s3 =	sld [smem:$0x3FB0]  }
0x31: {  	[smem:$0x3FB9] =	sst s10  }
0x32: {  	s10 =	sld [smem:$0x3FB7];
	_ =	sdelay $0x3  }
0x33: {  	p0 =	seq.s32 s10, $0x1;
	s10 =	sld [smem:$0x3FB9];
	_ =	sdelay $0x3  }
0x34: {  	[smem:$0x3FB9] =	sst s10  }
0x35: {  	s10 =	sld [smem:$0x3FB8];
	_ =	sdelay $0x3  }
0x36: {  	p1 =	seq.s32 s10, $0x1;
	s10 =	sld [smem:$0x3FB9];
	_ =	sdelay $0x3  }
0x37: {  	[smem:$0x3FB9] =	sst s10  }
0x38: {  	s10 =	sld [smem:$0x3FBA]  }
0x39: {  	_ = 	snop;
	(pc) =	sbr.ind lr, $3  }
0x3a: {  	_ = 	snop  }
0x3b: {  	_ = 	snop  }
0x3c: {  	p2 =	seq.s32 s10, $0x1;
	s10 =	sld [smem:$0x3FB9]  }
0x3d: {  	_ =	shalt  }
0x3e: {  	_ =	shalt  }
0x3f: {  	_ =	shalt  }
0x40: {  	_ =	shalt  }
0x41: {  	_ =	shalt  }
0x42: {  	_ =	shalt  }
0x43: {  	_ =	shalt  }
0x44: {  	_ =	shalt  }
0x45: {  	_ =	shalt  }
0x46: {  	_ =	shalt  }
0x47: {  	_ =	shalt  }
0x48: {  	_ =	shalt  }
0x49: {  	_ =	shalt  }
0x4a: {  	_ =	shalt  }
0x4b: {  	_ =	shalt  }
0x4c: {  	_ =	shalt  }
0x4d: {  	_ =	shalt  }
0x4e: {  	_ =	shalt  }
0x4f: {  	_ =	shalt  }
0x50: {  	_ =	shalt  }
0x51: {  	_ =	shalt  }
0x52: {  	_ =	shalt  }
0x53: {  	_ =	shalt  }
0x54: {  	_ =	shalt  }
0x55: {  	_ =	shalt  }
0x56: {  	_ =	shalt  }
0x57: {  	_ =	shalt  }
0x58: {  	_ =	shalt  }
0x59: {  	_ =	shalt  }
0x5a: {  	_ =	shalt  }
0x5b: {  	_ =	shalt  }
0x5c: {  	_ =	shalt  }
0x5d: {  	_ =	shalt  }
0x5e: {  	_ =	shalt  }
0x5f: {  	_ =	shalt  }
0x60: {  	_ =	shalt  }
0x61: {  	_ =	shalt  }
0x62: {  	_ =	shalt  }
0x63: {  	_ =	shalt  }
0x64: {  	_ =	shalt  }
0x65: {  	_ =	shalt  }
0x66: {  	_ =	shalt  }
0x67: {  	_ =	shalt  }
0x68: {  	_ =	shalt  }
0x69: {  	_ =	shalt  }
0x6a: {  	_ =	shalt  }
0x6b: {  	_ =	shalt  }
0x6c: {  	_ =	shalt  }
0x6d: {  	_ =	shalt  }
0x6e: {  	_ =	shalt  }
0x6f: {  	_ =	shalt  }
0x70: {  	_ =	shalt  }
0x71: {  	_ =	shalt  }
0x72: {  	_ =	shalt  }
0x73: {  	_ =	shalt  }
0x74: {  	_ =	shalt  }
0x75: {  	_ =	shalt  }
0x76: {  	_ =	shalt  }
0x77: {  	_ =	shalt  }
0x78: {  	_ =	shalt  }
0x79: {  	_ =	shalt  }
0x7a: {  	_ =	shalt  }
0x7b: {  	_ =	shalt  }
0x7c: {  	_ =	shalt  }
0x7d: {  	_ =	shalt  }
0x7e: {  	_ =	shalt  }
0x7f: {  	_ =	shalt  }
0x80: {  	_ =	shalt  }
0x81: {  	_ =	shalt  }
0x82: {  	_ =	shalt  }
0x83: {  	_ =	shalt  }
0x84: {  	_ =	shalt  }
0x85: {  	_ =	shalt  }
0x86: {  	_ =	shalt  }
0x87: {  	_ =	shalt  }
.Lfunc_end0:
.L_simem_size_0:
called_computation_lowered:
.L_overlay_start_0:
0x88: {  	s2 =	sld [smem:$0x3FD9]  }
0x89: {  	s3 =	sld [smem:$0x3FFE];
	_ =	sdelay $0x1  }
0x8a: {  	s1 =	srdreg.scid  }
0x8b: {  	s0 =	sand.u32 $0x1, s1  }
0x8c: {  	s18 =	sshll.u32 s0, $0xA;
	s2 =	sadd.s32 s3, s2  }
0x8d: {  	s2 =	sadd.s32 s2, s18  }
0x8e: {  	[smem:$0x3FC5] =	sst s2  }
0x8f: {  	_ = 	snop  }
0x90: {  	s2 =	sld [smem:$0x3FC9]  }
0x91: {  	s19 =	sld [smem:$0x3FC8]  }
0x92: {  	s4 =	sld [smem:$0x3FC7]  }
0x93: {  	s5 =	sld [smem:$0x3FD0];
	(tm) =	ssettm $0x1  }
0x94: {  	s6 =	sld [smem:$0x3FFB];
	_ =	sdelay $0x3  }
0x95: {  	_ =	strace s6  }
0x96: {  	s6 =	sld [smem:$0x3FFC];
	_ =	sdelay $0x3  }
0x97: {  	_ =	strace s6  }
0x98: {  	s6 =	sld [smem:$0x3FFD];
	_ =	sdelay $0x3  }
0x99: {  	_ =	strace s6  }
0x9a: {  	_ =	strace $0x8FFFFFFF  }
0x9b: {  	s20 =	sld [smem:$0x3FDB];
	_ =	sdelay $0x1  }
0x9c: {  	s7 =	simm.s32 $_scs_section_size  }
0x9d: {  	s8 =	simm.s32 $_size__tile_overlayer_lowered;
	s9 =	simm.s32 $_tile_overlayer_lowered  }
0x9e: {  	s23 =	simm.s32 $0x1BFF;
	s22 =	sshll.u32 s9, $0x1;
	s6 =	sadd.s32 s7, s20  }
0x9f: {  	s10 =	simm.s32 $0x0;
	s21 =	sshll.u32 s8, $0x1;
	s8 =	sadd.s32 s22, s6  }
0xa0: {  	[timem:s10], [sflag:s23] =	dma.local [hbm:s8], s21  }
0xa1: {  	_ =	swait.ge [sflag:s23], s21  }
0xa2: {  	s7 =	ssub.s32 $0x0, s21;
	[sflag:s23] =	ssyncset.done $0x0  }
0xa3: {  	[sflag:s23] =	ssyncadd.s32 s7;
	_ =	sdelay $0x1  }
0xa4: {  	s24 =	simm.s32 $0x1B8B  }
0xa5: {  	_ =	swait.ge [sflag:s24], $0x1  }
0xa6: {  	[sflag:s24] =	ssyncset.done $0x0  }
0xa7: {  	s25 =	simm.s32 $0x1B8E;
	[sflag:s24] =	ssyncadd.s32 $0xFFFFFFFF  }
0xa8: {  	s26 =	simm.s32 $execute0_lowered;
	[smem:$0x3FD2] =	sst s25  }
0xa9: {  	s7 =	sshll.u32 s26, $0x1;
	_ =	strace $0x80000046;
	[dreg:$0x1] =	wrdreg $0xFFFFFFFF  }
0xaa: {  	s28 =	simm.s32 $_size_execute0_lowered;
	s6 =	sadd.s32 s6, s7;
	[dreg:$0x0] =	wrdreg $0x0  }
0xab: {  	s7 =	sshll.u32 s28, $0x1;
	[dreg:$0x2] =	wrdreg s6  }
0xac: {  	[dreg:$0x3] =	wrdreg s7  }
0xad: {  	[dreg:$0x4] =	wrdreg $0xC0  }
0xae: {  	_ =	task [dreg:s10], $0x5FFFF  }
0xaf: {  	[dreg:$0x1] =	wrdreg $0xFFFFFFFF  }
0xb0: {  	[dreg:$0x0] =	wrdreg $0x60  }
0xb1: {  	[dreg:$0x2] =	wrdreg s2  }
0xb2: {  	[dreg:$0x3] =	wrdreg s19  }
0xb3: {  	[dreg:$0x4] =	wrdreg s4  }
0xb4: {  	[dreg:$0x5] =	wrdreg s5  }
0xb5: {  	[dreg:$0x6] =	wrdreg $0x9  }
0xb6: {  	_ =	task.clear_ibuf [dreg:s10], $0x7FFFF;
	_ =	strace $0x90000046  }
0xb7: {  	s29 =	simm.s32 $0x9;
	_ =	strace $0x80000048  }
0xb8: {  	_ =	swait.ge [sflag:s29], $0x1  }
0xb9: {  	[sflag:s29] =	ssyncadd.s32 $0xFFFFFFFF  }
0xba: {  	_ =	strace $0x90000048  }
0xbb: {  	_ =	sfence  }
0xbc: {  	s30 =	sld [smem:$0x0];
	_ =	sdelay $0x2  }
0xbd: {  	s31 =	sshll.u32 s1, $0xD;
	s1 =	sshrl.u32 s1, $0x2  }
0xbe: {  	s3 =	sand.u32 $0x4000, s31;
	s1 =	sadd.s32 s1, s30  }
0xbf: {  	s0 =	sor.u32 s3, s0;
	s1 =	sshll.u32 s1, $0x11  }
0xc0: {  	s0 =	sor.u32 s1, s0  }
0xc1: {  	s0 =	sadd.s32 $0x8F2B, s0  }
0xc2: {  	[sflag:s0] =	ssyncadd.remote.s32 $0x1  }
0xc3: {  	_ =	sfence.sel $0xFFFF  }
0xc4: {  	[dreg:$0x0] =	wrdreg $0xFFFFFFFF;
	(pc) =	sbr.abs _section_cstart, $3  }
0xc5: {  	[dreg:$0x1] =	wrdreg $0xFFFFFFFF  }
0xc6: {  	_ =	task.clear_ibuf [dreg:s10], $0x2FFFF;
	_ =	strace $0x9FFFFFFF  }
0xc7: {  	(tm) =	ssettm $0x7FFFFFFF  }
tec
execute0_lowered:
.L_overlay_start_1:
0x0: {  	(tag) =	ssettag $0x1  }
0x1: {  	s2 =	rddreg [dreg:$0x0]  }
0x2: {  	s0 =	rddreg [dreg:$0x1]  }
0x3: {  	s4 =	rddreg [dreg:$0x2];
	s1 =	srdreg.scid  }
0x4: {  	s3 =	rddreg [dreg:$0x3];
	s6 =	stileid.u32;
	s1 =	sand.u32 $0x1, s1  }
0x5: {  	s6 =	sshll.u32 s6, $0x12;
	s5 =	ssub.s32 $0x2, s1;
	s7 =	sshll.u32 s1, $0x11  }
0x6: {  	s1 =	simm.s32 $0x0;
	s8 =	sshrl.u32 s5, $0x1;
	s6 =	sor.u32 s7, s6  }
0x7: {  	[smem:$0x7FF] =	sst s1;
	s5 =	ssub.s32 s5, s8;
	s7 =	sshrl.u32 s6, $0x3  }
0x8: {  	s25 =	sor.u32 $0x4000, s6;
	s9 =	sshrl.u32 s6, $0x5;
	s21 =	sor.u32 $0xC000, s6  }
0x9: {  	s11 =	sor.u32 $0x10000, s6;
	s19 =	sor.u32 $0x14000, s6;
	s20 =	sor.u32 $0x18000, s6  }
0xa: {  	s23 =	sadd.s32 s2, s7;
	s24 =	sadd.s32 s0, s7;
	s10 =	sshrl.u32 s25, $0x3  }
0xb: {  	s8 =	sshrl.u32 s25, $0x5;
	s9 =	sadd.s32 s4, s9;
	s13 =	sshrl.u32 s21, $0x5  }
0xc: {  	s14 =	sshrl.u32 s11, $0x5;
	s22 =	sshrl.u32 s19, $0x5;
	s15 =	sshrl.u32 s20, $0x5  }
0xd: {  	s25 =	sadd.s32 s3, s7;
	s19 =	sshrl.u32 s19, $0x3;
	[dreg:$0x5] =	wrdreg s23  }
0xe: {  	s20 =	sshrl.u32 s20, $0x3;
	s7 =	simm.s32 $0xC000;
	[dreg:$0x6] =	wrdreg s24  }
0xf: {  	[dreg:$0x7] =	wrdreg s9;
	s26 =	sadd.s32 s2, s10;
	s8 =	sadd.s32 s4, s8  }
0x10: {  	s9 =	sor.u32 $0x8000, s6;
	s17 =	sadd.s32 s4, s13;
	[dreg:$0x11] =	wrdreg s25  }
0x11: {  	s18 =	sadd.s32 s4, s14;
	s6 =	sor.u32 $0x1C000, s6;
	[dreg:$0x8] =	wrdreg s26  }
0x12: {  	s14 =	sadd.s32 s4, s22;
	s23 =	sadd.s32 s4, s15;
	[dreg:$0x9] =	wrdreg s8  }
0x13: {  	s24 =	sadd.s32 s0, s10;
	s10 =	sadd.s32 s3, s10;
	[dreg:$0xb] =	wrdreg s17  }
0x14: {  	s25 =	sadd.s32 s2, s19;
	s28 =	sadd.s32 s3, s19;
	[dreg:$0xc] =	wrdreg s18  }
0x15: {  	s30 =	sadd.s32 s2, s20;
	s29 =	sadd.s32 s0, s20;
	[dreg:$0xd] =	wrdreg s14  }
0x16: {  	s13 =	simm.s32 $0x16000;
	s12 =	sshrl.u32 s9, $0x5;
	[dreg:$0xe] =	wrdreg s23  }
0x17: {  	s16 =	sshrl.u32 s6, $0x5;
	[dreg:$0x10] =	wrdreg s24;
	s26 =	sshrl.u32 s9, $0x3  }
0x18: {  	[dreg:$0x12] =	wrdreg s10;
	s14 =	sshrl.u32 s21, $0x3;
	s6 =	sshrl.u32 s6, $0x3  }
0x19: {  	s9 =	simm.s32 $0x1;
	s10 =	simm.s32 $0x12000;
	s12 =	sadd.s32 s4, s12  }
0x1a: {  	s4 =	sadd.s32 s4, s16;
	s8 =	sadd.s32 s2, s26;
	[dreg:$0xa] =	wrdreg s12  }
0x1b: {  	s15 =	sadd.s32 s0, s26;
	s16 =	sshrl.u32 s11, $0x3;
	[dreg:$0xf] =	wrdreg s4  }
0x1c: {  	s17 =	sadd.s32 s2, s14;
	s18 =	sadd.s32 s0, s14;
	[dreg:$0x13] =	wrdreg s8  }
0x1d: {  	s21 =	sadd.s32 s3, s14;
	s31 =	sadd.s32 s2, s6;
	[dreg:$0x14] =	wrdreg s15  }
0x1e: {  	s11 =	simm.s32 $0x10000;
	s14 =	simm.s32 $0x3;
	[dreg:$0x16] =	wrdreg s17  }
0x1f: {  	s4 =	sadd.s32 s3, s26;
	[dreg:$0x17] =	wrdreg s18;
	s22 =	sadd.s32 s2, s16  }
0x20: {  	s23 =	sadd.s32 s0, s16;
	s24 =	sadd.s32 s3, s16;
	s26 =	sadd.s32 s0, s19  }
0x21: {  	v0 =	vlaneseq.u32;
	s0 =	sadd.s32 s0, s6;
	s2 =	sadd.s32 s3, s20;
	s3 =	sadd.s32 s3, s6  }
0x22: {  	v1 =	vand.u32 $0x3, v0;
	s6 =	simm.s32 $0x4000;
	s8 =	simm.s32 $0x11000;
	s12 =	simm.s32 $0x2  }
0x23: {  	v0 =	vshrl.u32 v0, $0x2;
	v1 =	vmul.u32 $0x8, v1;
	s15 =	simm.s32 $0x4;
	s16 =	simm.s32 $0x0;
	[dreg:$0x15] =	wrdreg s4  }
0x24: {  	v2 =	vor.u32 $0x4, v0;
	v3 =	vor.u32 $0x8, v0;
	v4 =	vor.u32 $0xC, v0;
	s4 =	smax.u32 s5, $0x1;
	s5 =	simm.s32 $0x8000;
	_ =	strace $0x80000047  }
.LBB2_1:
0x25: {  	s17 =	rddreg [dreg:$0x5]  }
0x26: {  	[tilespmem:s1], [sflag:$0x1] =	stream.linear.gather [hbm4b:s17+s1], $0x4000, $0x38;
	[tilespmem:$0x1A000] =	vst v63  }
0x27: {  	s19 =	rddreg [dreg:$0x6]  }
0x28: {  	[tilespmem:s5], [sflag:$0x1] =	stream.linear.gather [hbm4b:s19+s1], $0x4000, $0x38;
	[tilespmem:$0x1A000] =	vst v63  }
0x29: {  	s20 =	rddreg [dreg:$0x7]  }
0x2a: {  	[tilespmem:s11], [sflag:$0x1] =	stream.linear.gather [hbm4b:s20+s1], $0x1000, $0x38;
	[tilespmem:$0x1A000] =	vst v63  }
0x2b: {  	s18 =	rddreg [dreg:$0x8]  }
0x2c: {  	[tilespmem:s6], [sflag:$0x2] =	stream.linear.gather [hbm4b:s18+s1], $0x4000, $0x38;
	[tilespmem:$0x1A000] =	vst v63  }
0x2d: {  	s19 =	rddreg [dreg:$0x10]  }
0x2e: {  	[tilespmem:s7], [sflag:$0x2] =	stream.linear.gather [hbm4b:s19+s1], $0x4000, $0x38;
	[tilespmem:$0x1A000] =	vst v63  }
0x2f: {  	s20 =	rddreg [dreg:$0x9]  }
0x30: {  	[tilespmem:s8], [sflag:$0x2] =	stream.linear.gather [hbm4b:s20+s1], $0x1000, $0x38;
	[tilespmem:$0x1A000] =	vst v63  }
0x31: {  	_ =	swait.ge [sflag:s9], $0x4000  }
0x32: {  	[sflag:s9] =	ssyncset.done $0x0  }
0x33: {  	[sflag:s9] =	ssyncadd.s32 $0xFFFFC000  }
0x34: {  	_ =	swait.ge [sflag:s9], $0x4000  }
0x35: {  	[sflag:s9] =	ssyncset.done $0x0  }
0x36: {  	[sflag:s9] =	ssyncadd.s32 $0xFFFFC000  }
0x37: {  	_ =	swait.ge [sflag:s9], $0x1000  }
0x38: {  	[sflag:s9] =	ssyncset.done $0x0  }
0x39: {  	s18 =	simm.s32 $0x0;
	[sflag:s9] =	ssyncadd.s32 $0xFFFFF000  }
0x3a: {  	v6 =	vld [tilespmem:s18+$0x0]  }
0x3b: {  	v7 =	vld [tilespmem:s18+$0x10]  }
0x3c: {  	v8 =	vld [tilespmem:s18+$0x20]  }
0x3d: {  	v11 =	vld [tilespmem:s18+$0x30];
	_ =	sdelay $0x1  }
0x3e: {  	v5 =	vand.u32 $0x7FFFFFFF, v6  }
0x3f: {  	v9 =	vand.u32 $0x7FFFFFFF, v7;
	v13 =	vmin.f32 v5, $8.000000000e+00  }
0x40: {  	v10 =	vand.u32 $0x7FFFFFFF, v8;
	v14 =	vmin.f32 v9, $8.000000000e+00;
	v5 =	vmul.f32 $4.235742380e-06, v13  }
0x41: {  	v18 =	vld [tilespmem:s18+$0x8010];
	v12 =	vand.u32 $0x7FFFFFFF, v11;
	v15 =	vmin.f32 v10, $8.000000000e+00;
	v9 =	vmul.f32 $4.235742380e-06, v14  }
0x42: {  	v17 =	vmin.f32 v12, $8.000000000e+00;
	v12 =	vld [tilespmem:s18+$0x8000];
	v10 =	vmul.f32 $4.235742380e-06, v15;
	v5 =	vsub.f32 $3.749179090e-05, v5  }
0x43: {  	v19 =	vmax.f32 v6, $0.0e+00;
	v16 =	vmul.f32 $4.235742380e-06, v17;
	v9 =	vsub.f32 $3.749179090e-05, v9  }
0x44: {  	v21 =	vld [tilespmem:s18+$0x8020];
	v20 =	vmax.f32 v7, $0.0e+00;
	v10 =	vsub.f32 $3.749179090e-05, v10;
	v5 =	vmul.f32 v5, v13  }
0x45: {  	v24 =	vld [tilespmem:s18+$0x8030];
	v23 =	vmax.f32 v8, $0.0e+00;
	v16 =	vsub.f32 $3.749179090e-05, v16;
	v9 =	vmul.f32 v9, v14  }
0x46: {  	v60 =	vld [tilespmem:s11+$0x0];
	v18 =	vmul.f32 v18, v7;
	v10 =	vmul.f32 v10, v15;
	v22 =	vadd.f32 $1.101661820e-03, v5  }
0x47: {  	v16 =	vmul.f32 v16, v17;
	v25 =	vmul.f32 v12, v6;
	v12 =	vadd.f32 $1.101661820e-03, v9  }
0x48: {  	s17 =	simm.s32 $0x40;
	v26 =	vmax.f32 v11, $0.0e+00;
	v10 =	vadd.f32 $1.101661820e-03, v10;
	v22 =	vmul.f32 v22, v13  }
0x49: {  	v21 =	vmul.f32 v21, v8;
	v5 =	vld [tilespmem:s17+$0x0];
	v7 =	vadd.f32 $1.101661820e-03, v16;
	v12 =	vmul.f32 v12, v14  }
0x4a: {  	v24 =	vmul.f32 v24, v11;
	v6 =	vld [tilespmem:s17+$0x10];
	v16 =	vmul.f32 v10, v15;
	v22 =	vadd.f32 $-2.154708280e-02, v22  }
0x4b: {  	v62 =	vperm.xlane v60, v2;
	v7 =	vmul.f32 v7, v17;
	v8 =	vadd.f32 $-2.154708280e-02, v12  }
0x4c: {  	v63 =	vperm.xlane v60, v3;
	v12 =	vadd.f32 $-2.154708280e-02, v16;
	v16 =	vmul.f32 v22, v13  }
0x4d: {  	v61 =	vsub.f32 v20, v18;
	v9 =	vld [tilespmem:s17+$0x20];
	v7 =	vadd.f32 $-2.154708280e-02, v7;
	v8 =	vmul.f32 v8, v14  }
0x4e: {  	v11 =	vand.u32 $0x7FFFFFFF, v5;
	v27 =	vmul.f32 v12, v15;
	v16 =	vadd.f32 $1.533370610e-01, v16  }
0x4f: {  	v10 =	vld [tilespmem:s17+$0x30];
	v22 =	vand.u32 $0x7FFFFFFF, v6;
	v7 =	vmul.f32 v7, v17;
	v29 =	vadd.f32 $1.533370610e-01, v8  }
0x50: {  	v27 =	vadd.f32 $1.533370610e-01, v27;
	v8 =	vmin.f32 v11, $8.000000000e+00;
	v11 =	vmul.f32 v16, v13  }
0x51: {  	v16 =	vadd.f32 $1.533370610e-01, v7;
	v7 =	vmin.f32 v22, $8.000000000e+00;
	v22 =	vmul.f32 v29, v14  }
0x52: {  	v19 =	vsub.f32 v19, v25;
	v28 =	vand.u32 $0x7FFFFFFF, v9;
	v27 =	vmul.f32 v27, v15  }
0x53: {  	v59 =	vadd.f32 $-5.132922530e-01, v11;
	v16 =	vmul.f32 v16, v17;
	v22 =	vadd.f32 $-5.132922530e-01, v22  }
0x54: {  	v12 =	vand.u32 $0x7FFFFFFF, v10;
	v11 =	vmin.f32 v28, $8.000000000e+00;
	v27 =	vadd.f32 $-5.132922530e-01, v27  }
0x55: {  	v13 =	vmul.f32 v59, v13;
	v18 =	vadd.f32 $-5.132922530e-01, v16;
	v20 =	vmul.f32 v22, v14  }
0x56: {  	v15 =	vmul.f32 v27, v15;
	v16 =	vsub.f32 v23, v21;
	v14 =	vmul.f32 $4.235742380e-06, v8  }
0x57: {  	v21 =	vadd.f32 $6.941558120e-01, v13;
	v17 =	vmul.f32 v18, v17;
	v13 =	vsub.f32 v26, v24  }
0x58: {  	v23 =	vperm.xlane v60, v0;
	v22 =	vadd.f32 $6.941558120e-01, v20;
	v18 =	vadd.f32 $6.941558120e-01, v15  }
0x59: {  	v20 =	vperm.xlane v60, v4;
	v15 =	vadd.f32 $6.941558120e-01, v17;
	v17 =	vadd.f32 v21, v19  }
0x5a: {  	v21 =	vshrl.u32 v23, v1;
	v19 =	vadd.f32 v22, v61;
	v22 =	vshrl.u32 v62, v1  }
0x5b: {  	s19 =	simm.s32 $0x10000;
	s20 =	simm.s32 $0x200;
	v23 =	vshrl.u32 v63, v1;
	v21 =	vand.u32 $0x1, v21;
	v22 =	vand.u32 $0x1, v22  }
.LBB2_2:
0x5c: {  	p0 =	sne.s32 s20, $0xFF00;
	v21 =	vcvt.s32.f32 v21;
	v22 =	vcvt.s32.f32 v22;
	v23 =	vand.u32 $0x1, v23  }
0x5d: {  	v16 =	vadd.f32 v18, v16;
	v20 =	vshrl.u32 v20, v1;
	v18 =	vcvt.s32.f32 v23  }
0x5e: {  	v20 =	vand.u32 $0x1, v20;
	v17 =	vmul.f32 v21, v17;
	v19 =	vmul.f32 v22, v19  }
0x5f: {  	v13 =	vadd.f32 v15, v13;
	v15 =	vcvt.s32.f32 v20;
	v16 =	vmul.f32 v18, v16  }
0x60: {  	v20 =	vmul.f32 $4.235742380e-06, v11;
	v21 =	vmin.f32 v12, $8.000000000e+00;
	v18 =	vmul.f32 $4.235742380e-06, v7;
	[tilespmem:s18+$0x12000] =	vst v17  }
0x61: {  	v14 =	vsub.f32 $3.749179090e-05, v14;
	v17 =	vmul.f32 $4.235742380e-06, v21;
	v13 =	vmul.f32 v15, v13;
	v12 =	vld [tilespmem:s17+$0x8000];
	[tilespmem:s18+$0x12010] =	vst v19  }
0x62: {  	v18 =	vsub.f32 $3.749179090e-05, v18;
	v19 =	vsub.f32 $3.749179090e-05, v20;
	v15 =	vld [tilespmem:s17+$0x8010];
	[tilespmem:s18+$0x12020] =	vst v16  }
0x63: {  	v14 =	vmul.f32 v14, v8;
	v16 =	vmax.f32 v5, $0.0e+00;
	v17 =	vsub.f32 $3.749179090e-05, v17;
	[tilespmem:s18+$0x12030] =	vst v13;
	s18 =	smov.u32 s17  }
0x64: {  	v13 =	vmul.f32 v18, v7;
	v18 =	vmax.f32 v6, $0.0e+00;
	v19 =	vmul.f32 v19, v11;
	v20 =	vld [tilespmem:s18+$0x8020]  }
0x65: {  	v22 =	vmax.f32 v9, $0.0e+00;
	v14 =	vadd.f32 $1.101661820e-03, v14;
	s17 =	sshra.s32 s20, $0x2;
	v17 =	vmul.f32 v17, v21;
	v23 =	vld [tilespmem:s18+$0x8030]  }
0x66: {  	v24 =	vmul.f32 v12, v5;
	v5 =	vld [tilespmem:s17+$0x0];
	v12 =	vadd.f32 $1.101661820e-03, v13;
	v13 =	vadd.f32 $1.101661820e-03, v19  }
0x67: {  	v14 =	vmul.f32 v14, v8;
	v17 =	vadd.f32 $1.101661820e-03, v17;
	v15 =	vmul.f32 v15, v6;
	v6 =	vld [tilespmem:s17+$0x10]  }
0x68: {  	v25 =	vmax.f32 v10, $0.0e+00;
	v19 =	vld [tilespmem:s17+$0x20];
	v12 =	vmul.f32 v12, v7;
	v13 =	vmul.f32 v13, v11  }
0x69: {  	v14 =	vadd.f32 $-2.154708280e-02, v14;
	v26 =	vld [tilespmem:s17+$0x30];
	v20 =	vmul.f32 v20, v9;
	v9 =	vmul.f32 v17, v21  }
0x6a: {  	v12 =	vadd.f32 $-2.154708280e-02, v12;
	v13 =	vadd.f32 $-2.154708280e-02, v13;
	v17 =	vmul.f32 v23, v10  }
0x6b: {  	v32 =	vmul.f32 v14, v8;
	v23 =	vand.u32 $0x7FFFFFFF, v5;
	v31 =	vadd.f32 $-2.154708280e-02, v9  }
0x6c: {  	v14 =	vand.u32 $0x7FFFFFFF, v6;
	v27 =	vmul.f32 v12, v7;
	v13 =	vmul.f32 v13, v11  }
0x6d: {  	v29 =	vadd.f32 $1.533370610e-01, v32;
	v28 =	vand.u32 $0x7FFFFFFF, v19;
	v30 =	vmul.f32 v31, v21;
	v9 =	vmovc v19  }
0x6e: {  	v12 =	vand.u32 $0x7FFFFFFF, v26;
	v19 =	vadd.f32 $1.533370610e-01, v27;
	v13 =	vadd.f32 $1.533370610e-01, v13;
	v10 =	vmovc v26  }
0x6f: {  	v23 =	vmin.f32 v23, $8.000000000e+00;
	v26 =	vmul.f32 v29, v8;
	v27 =	vadd.f32 $1.533370610e-01, v30  }
0x70: {  	v14 =	vmin.f32 v14, $8.000000000e+00;
	v19 =	vmul.f32 v19, v7;
	v13 =	vmul.f32 v13, v11  }
0x71: {  	s19 =	sadd.s32 $0x10, s19;
	v24 =	vsub.f32 v16, v24;
	v26 =	vadd.f32 $-5.132922530e-01, v26;
	v16 =	vmul.f32 v27, v21  }
0x72: {  	v27 =	vmin.f32 v28, $8.000000000e+00;
	v28 =	vld [tilespmem:s19+$0x0];
	v19 =	vadd.f32 $-5.132922530e-01, v19;
	v13 =	vadd.f32 $-5.132922530e-01, v13  }
0x73: {  	v29 =	vsub.f32 v18, v15;
	v26 =	vmul.f32 v26, v8;
	v8 =	vmovc v23;
	v15 =	vadd.f32 $-5.132922530e-01, v16  }
0x74: {  	v16 =	vsub.f32 v22, v20;
	v18 =	vmul.f32 v19, v7;
	v19 =	vmul.f32 v13, v11;
	v7 =	vmovc v14  }
0x75: {  	v20 =	vadd.f32 $6.941558120e-01, v26;
	v13 =	vsub.f32 v25, v17;
	v11 =	vmovc v27;
	v15 =	vmul.f32 v15, v21  }
.Ltmp0:
0x76: {  	v14 =	vmul.f32 $4.235742380e-06, v8;
	v21 =	vadd.f32 $6.941558120e-01, v18;
	v18 =	vadd.f32 $6.941558120e-01, v19;
	(pc) =	sbr.rel @p0 .LBB2_2-.Ltmp0, $4  }
0x77: {  	v19 =	vperm.xlane v28, v0;
	v22 =	vperm.xlane v28, v2;
	v15 =	vadd.f32 $6.941558120e-01, v15  }
0x78: {  	v17 =	vadd.f32 v20, v24;
	v23 =	vperm.xlane v28, v3;
	v20 =	vperm.xlane v28, v4  }
0x79: {  	v24 =	vshrl.u32 v19, v1;
	v19 =	vadd.f32 v21, v29;
	v22 =	vshrl.u32 v22, v1  }
0x7a: {  	s20 =	sadd.s32 $0x100, s20;
	v23 =	vshrl.u32 v23, v1;
	v21 =	vand.u32 $0x1, v24;
	v22 =	vand.u32 $0x1, v22  }
0x7b: {  	v21 =	vcvt.s32.f32 v21;
	v22 =	vcvt.s32.f32 v22  }
0x7c: {  	v23 =	vand.u32 $0x1, v23;
	v16 =	vadd.f32 v18, v16;
	v24 =	vmul.f32 $4.235742380e-06, v11  }
0x7d: {  	v12 =	vmin.f32 v12, $8.000000000e+00;
	v14 =	vsub.f32 $3.749179090e-05, v14;
	v20 =	vshrl.u32 v20, v1  }
0x7e: {  	v13 =	vadd.f32 v15, v13;
	v18 =	vcvt.s32.f32 v23;
	v23 =	vmul.f32 $4.235742380e-06, v7  }
0x7f: {  	v25 =	vmul.f32 $4.235742380e-06, v12;
	v20 =	vand.u32 $0x1, v20;
	v17 =	vmul.f32 v21, v17  }
0x80: {  	v21 =	vsub.f32 $3.749179090e-05, v24;
	v14 =	vmul.f32 v14, v8;
	v19 =	vmul.f32 v22, v19  }
0x81: {  	v20 =	vcvt.s32.f32 v20;
	v23 =	vsub.f32 $3.749179090e-05, v23;
	v22 =	vsub.f32 $3.749179090e-05, v25  }
0x82: {  	v16 =	vmul.f32 v18, v16;
	v21 =	vmul.f32 v21, v11;
	v14 =	vadd.f32 $1.101661820e-03, v14  }
0x83: {  	[tilespmem:s18+$0x12000] =	vst v17;
	v23 =	vmul.f32 v23, v7;
	v15 =	vmul.f32 v22, v12  }
0x84: {  	v13 =	vmul.f32 v20, v13;
	v22 =	vld [tilespmem:s17+$0x8000];
	[tilespmem:s18+$0x12010] =	vst v19;
	v21 =	vadd.f32 $1.101661820e-03, v21;
	v14 =	vmul.f32 v14, v8  }
0x85: {  	v18 =	vld [tilespmem:s17+$0x8010];
	[tilespmem:s18+$0x12020] =	vst v16;
	v17 =	vadd.f32 $1.101661820e-03, v23;
	v15 =	vadd.f32 $1.101661820e-03, v15  }
0x86: {  	[tilespmem:s18+$0x12030] =	vst v13;
	v19 =	vmul.f32 v21, v11;
	v14 =	vadd.f32 $-2.154708280e-02, v14  }
0x87: {  	v20 =	vld [tilespmem:s17+$0x8020];
	v21 =	vmax.f32 v9, $0.0e+00;
	v17 =	vmul.f32 v17, v7;
	v15 =	vmul.f32 v15, v12  }
0x88: {  	v23 =	vld [tilespmem:s17+$0x8030];
	v13 =	vadd.f32 $-2.154708280e-02, v19;
	v14 =	vmul.f32 v14, v8;
	v19 =	vmax.f32 v6, $0.0e+00  }
0x89: {  	v16 =	vadd.f32 $-2.154708280e-02, v17;
	v17 =	vmax.f32 v5, $0.0e+00;
	v5 =	vmul.f32 v22, v5  }
0x8a: {  	v15 =	vadd.f32 $-2.154708280e-02, v15;
	v6 =	vmul.f32 v18, v6;
	v13 =	vmul.f32 v13, v11  }
0x8b: {  	v18 =	vmax.f32 v10, $0.0e+00;
	v14 =	vadd.f32 $1.533370610e-01, v14;
	v16 =	vmul.f32 v16, v7  }
0x8c: {  	s20 =	sadd.s32 $0x10, s19;
	v9 =	vmul.f32 v20, v9;
	v15 =	vmul.f32 v15, v12;
	v13 =	vadd.f32 $1.533370610e-01, v13  }
0x8d: {  	v10 =	vmul.f32 v23, v10;
	v20 =	vld [tilespmem:s20+$0x0];
	v14 =	vmul.f32 v14, v8;
	v16 =	vadd.f32 $1.533370610e-01, v16  }
0x8e: {  	v5 =	vsub.f32 v17, v5;
	v15 =	vadd.f32 $1.533370610e-01, v15;
	v13 =	vmul.f32 v13, v11  }
0x8f: {  	v6 =	vsub.f32 v19, v6;
	v14 =	vadd.f32 $-5.132922530e-01, v14;
	v16 =	vmul.f32 v16, v7  }
0x90: {  	v9 =	vsub.f32 v21, v9;
	v15 =	vmul.f32 v15, v12;
	v13 =	vadd.f32 $-5.132922530e-01, v13  }
0x91: {  	v10 =	vsub.f32 v18, v10;
	v8 =	vmul.f32 v14, v8;
	v16 =	vadd.f32 $-5.132922530e-01, v16  }
0x92: {  	v14 =	vadd.f32 $-5.132922530e-01, v15;
	v15 =	vperm.xlane v20, v4;
	v11 =	vmul.f32 v13, v11  }
0x93: {  	v8 =	vadd.f32 $6.941558120e-01, v8;
	v13 =	vperm.xlane v20, v0;
	v7 =	vmul.f32 v16, v7  }
0x94: {  	v12 =	vmul.f32 v14, v12;
	v14 =	vperm.xlane v20, v2;
	v11 =	vadd.f32 $6.941558120e-01, v11  }
0x95: {  	v5 =	vadd.f32 v8, v5;
	v8 =	vperm.xlane v20, v3;
	v7 =	vadd.f32 $6.941558120e-01, v7  }
0x96: {  	v13 =	vshrl.u32 v13, v1;
	v12 =	vadd.f32 $6.941558120e-01, v12;
	v14 =	vshrl.u32 v14, v1  }
0x97: {  	v8 =	vshrl.u32 v8, v1;
	v6 =	vadd.f32 v7, v6;
	v7 =	vand.u32 $0x1, v13  }
0x98: {  	v9 =	vadd.f32 v11, v9;
	v13 =	vand.u32 $0x1, v14;
	v7 =	vcvt.s32.f32 v7  }
0x99: {  	v11 =	vshrl.u32 v15, v1;
	v8 =	vand.u32 $0x1, v8;
	v13 =	vcvt.s32.f32 v13  }
0x9a: {  	v8 =	vcvt.s32.f32 v8;
	v5 =	vmul.f32 v7, v5;
	v7 =	vand.u32 $0x1, v11  }
0x9b: {  	v10 =	vadd.f32 v12, v10;
	v6 =	vmul.f32 v13, v6;
	v7 =	vcvt.s32.f32 v7  }
0x9c: {  	v8 =	vmul.f32 v8, v9;
	[tilespmem:s17+$0x12000] =	vst v5  }
0x9d: {  	[tilespmem:s17+$0x12010] =	vst v6;
	v5 =	vmul.f32 v7, v10  }
0x9e: {  	[tilespmem:s17+$0x12020] =	vst v8  }
0x9f: {  	s19 =	rddreg [dreg:$0x11];
	[tilespmem:s17+$0x12030] =	vst v5;
	s17 =	simm.s32 $0x0  }
0xa0: {  	[hbm4b:s19+s17] =	stream.linear.scatter [tilespmem:s10], [sflag:$0x3], $0x4000, $0x38;
	[tilespmem:$0x1A000] =	vst v63  }
0xa1: {  	s20 =	rddreg [dreg:$0x13]  }
0xa2: {  	[tilespmem:s17], [sflag:$0x1] =	stream.linear.gather [hbm4b:s20+s17], $0x4000, $0x38;
	[tilespmem:$0x1A000] =	vst v63  }
0xa3: {  	s19 =	rddreg [dreg:$0x14]  }
0xa4: {  	[tilespmem:s5], [sflag:$0x1] =	stream.linear.gather [hbm4b:s19+s17], $0x4000, $0x38;
	[tilespmem:$0x1A000] =	vst v63  }
0xa5: {  	s20 =	rddreg [dreg:$0xa]  }
0xa6: {  	[tilespmem:s11], [sflag:$0x1] =	stream.linear.gather [hbm4b:s20+s17], $0x1000, $0x38;
	[tilespmem:$0x1A000] =	vst v63  }
0xa7: {  	_ =	swait.ge [sflag:s12], $0x4000  }
0xa8: {  	[sflag:s12] =	ssyncset.done $0x0  }
0xa9: {  	[sflag:s12] =	ssyncadd.s32 $0xFFFFC000  }
0xaa: {  	_ =	swait.ge [sflag:s12], $0x4000  }
0xab: {  	[sflag:s12] =	ssyncset.done $0x0  }
0xac: {  	[sflag:s12] =	ssyncadd.s32 $0xFFFFC000  }
0xad: {  	_ =	swait.ge [sflag:s12], $0x1000  }
0xae: {  	[sflag:s12] =	ssyncset.done $0x0  }
0xaf: {  	s18 =	simm.s32 $0x0;
	[sflag:s12] =	ssyncadd.s32 $0xFFFFF000  }
0xb0: {  	v6 =	vld [tilespmem:s18+$0x4000]  }
0xb1: {  	v7 =	vld [tilespmem:s18+$0x4010]  }
0xb2: {  	v8 =	vld [tilespmem:s18+$0x4020]  }
0xb3: {  	v11 =	vld [tilespmem:s18+$0x4030];
	_ =	sdelay $0x1  }
0xb4: {  	v5 =	vand.u32 $0x7FFFFFFF, v6  }
0xb5: {  	v9 =	vand.u32 $0x7FFFFFFF, v7;
	v13 =	vmin.f32 v5, $8.000000000e+00  }
0xb6: {  	v10 =	vand.u32 $0x7FFFFFFF, v8;
	v14 =	vmin.f32 v9, $8.000000000e+00;
	v5 =	vmul.f32 $4.235742380e-06, v13  }
0xb7: {  	v18 =	vld [tilespmem:s18+$0xC010];
	v12 =	vand.u32 $0x7FFFFFFF, v11;
	v15 =	vmin.f32 v10, $8.000000000e+00;
	v9 =	vmul.f32 $4.235742380e-06, v14  }
0xb8: {  	v17 =	vmin.f32 v12, $8.000000000e+00;
	v12 =	vld [tilespmem:s18+$0xC000];
	v10 =	vmul.f32 $4.235742380e-06, v15;
	v5 =	vsub.f32 $3.749179090e-05, v5  }
0xb9: {  	v19 =	vmax.f32 v6, $0.0e+00;
	v16 =	vmul.f32 $4.235742380e-06, v17;
	v9 =	vsub.f32 $3.749179090e-05, v9  }
0xba: {  	v21 =	vld [tilespmem:s18+$0xC020];
	v20 =	vmax.f32 v7, $0.0e+00;
	v10 =	vsub.f32 $3.749179090e-05, v10;
	v5 =	vmul.f32 v5, v13  }
0xbb: {  	s19 =	simm.s32 $0x11000;
	v57 =	vld [tilespmem:s18+$0xC030];
	v23 =	vmax.f32 v8, $0.0e+00;
	v16 =	vsub.f32 $3.749179090e-05, v16;
	v9 =	vmul.f32 v9, v14  }
0xbc: {  	v60 =	vld [tilespmem:s19+$0x0];
	v18 =	vmul.f32 v18, v7;
	v10 =	vmul.f32 v10, v15;
	v22 =	vadd.f32 $1.101661820e-03, v5  }
0xbd: {  	v16 =	vmul.f32 v16, v17;
	v58 =	vmul.f32 v12, v6;
	v12 =	vadd.f32 $1.101661820e-03, v9  }
0xbe: {  	s17 =	simm.s32 $0x40;
	v26 =	vmax.f32 v11, $0.0e+00;
	v10 =	vadd.f32 $1.101661820e-03, v10;
	v22 =	vmul.f32 v22, v13  }
0xbf: {  	v21 =	vmul.f32 v21, v8;
	v5 =	vld [tilespmem:s17+$0x4000];
	v7 =	vadd.f32 $1.101661820e-03, v16;
	v12 =	vmul.f32 v12, v14  }
0xc0: {  	v24 =	vmul.f32 v57, v11;
	v6 =	vld [tilespmem:s17+$0x4010];
	v16 =	vmul.f32 v10, v15;
	v22 =	vadd.f32 $-2.154708280e-02, v22  }
0xc1: {  	v62 =	vperm.xlane v60, v2;
	v7 =	vmul.f32 v7, v17;
	v8 =	vadd.f32 $-2.154708280e-02, v12  }
0xc2: {  	v63 =	vperm.xlane v60, v3;
	v12 =	vadd.f32 $-2.154708280e-02, v16;
	v16 =	vmul.f32 v22, v13  }
0xc3: {  	v61 =	vsub.f32 v20, v18;
	v9 =	vld [tilespmem:s17+$0x4020];
	v7 =	vadd.f32 $-2.154708280e-02, v7;
	v8 =	vmul.f32 v8, v14  }
0xc4: {  	v11 =	vand.u32 $0x7FFFFFFF, v5;
	v27 =	vmul.f32 v12, v15;
	v16 =	vadd.f32 $1.533370610e-01, v16  }
0xc5: {  	v10 =	vld [tilespmem:s17+$0x4030];
	v22 =	vand.u32 $0x7FFFFFFF, v6;
	v7 =	vmul.f32 v7, v17;
	v29 =	vadd.f32 $1.533370610e-01, v8  }
0xc6: {  	v27 =	vadd.f32 $1.533370610e-01, v27;
	v8 =	vmin.f32 v11, $8.000000000e+00;
	v11 =	vmul.f32 v16, v13  }
0xc7: {  	v16 =	vadd.f32 $1.533370610e-01, v7;
	v7 =	vmin.f32 v22, $8.000000000e+00;
	v22 =	vmul.f32 v29, v14  }
0xc8: {  	v19 =	vsub.f32 v19, v58;
	v28 =	vand.u32 $0x7FFFFFFF, v9;
	v27 =	vmul.f32 v27, v15  }
0xc9: {  	v59 =	vadd.f32 $-5.132922530e-01, v11;
	v16 =	vmul.f32 v16, v17;
	v22 =	vadd.f32 $-5.132922530e-01, v22  }
0xca: {  	v12 =	vand.u32 $0x7FFFFFFF, v10;
	v11 =	vmin.f32 v28, $8.000000000e+00;
	v27 =	vadd.f32 $-5.132922530e-01, v27  }
0xcb: {  	v13 =	vmul.f32 v59, v13;
	v18 =	vadd.f32 $-5.132922530e-01, v16;
	v20 =	vmul.f32 v22, v14  }
0xcc: {  	v15 =	vmul.f32 v27, v15;
	v16 =	vsub.f32 v23, v21;
	v14 =	vmul.f32 $4.235742380e-06, v8  }
0xcd: {  	v21 =	vadd.f32 $6.941558120e-01, v13;
	v17 =	vmul.f32 v18, v17;
	v13 =	vsub.f32 v26, v24  }
0xce: {  	v23 =	vperm.xlane v60, v0;
	v22 =	vadd.f32 $6.941558120e-01, v20;
	v18 =	vadd.f32 $6.941558120e-01, v15  }
0xcf: {  	v20 =	vperm.xlane v60, v4;
	v15 =	vadd.f32 $6.941558120e-01, v17;
	v17 =	vadd.f32 v21, v19  }
0xd0: {  	v21 =	vshrl.u32 v23, v1;
	v19 =	vadd.f32 v22, v61;
	v22 =	vshrl.u32 v62, v1  }
0xd1: {  	s20 =	simm.s32 $0x200;
	v23 =	vshrl.u32 v63, v1;
	v21 =	vand.u32 $0x1, v21;
	v22 =	vand.u32 $0x1, v22  }
.LBB2_4:
0xd2: {  	p0 =	sne.s32 s20, $0xFF00;
	v21 =	vcvt.s32.f32 v21;
	v22 =	vcvt.s32.f32 v22;
	v23 =	vand.u32 $0x1, v23  }
0xd3: {  	v16 =	vadd.f32 v18, v16;
	v20 =	vshrl.u32 v20, v1;
	v18 =	vcvt.s32.f32 v23  }
0xd4: {  	v20 =	vand.u32 $0x1, v20;
	v17 =	vmul.f32 v21, v17;
	v19 =	vmul.f32 v22, v19  }
0xd5: {  	v13 =	vadd.f32 v15, v13;
	v15 =	vcvt.s32.f32 v20;
	v16 =	vmul.f32 v18, v16  }
0xd6: {  	v20 =	vmul.f32 $4.235742380e-06, v11;
	v21 =	vmin.f32 v12, $8.000000000e+00;
	v18 =	vmul.f32 $4.235742380e-06, v7;
	[tilespmem:s18+$0x16000] =	vst v17  }
0xd7: {  	v14 =	vsub.f32 $3.749179090e-05, v14;
	v17 =	vmul.f32 $4.235742380e-06, v21;
	v13 =	vmul.f32 v15, v13;
	v12 =	vld [tilespmem:s17+$0xC000];
	[tilespmem:s18+$0x16010] =	vst v19  }
0xd8: {  	v18 =	vsub.f32 $3.749179090e-05, v18;
	v19 =	vsub.f32 $3.749179090e-05, v20;
	v15 =	vld [tilespmem:s17+$0xC010];
	[tilespmem:s18+$0x16020] =	vst v16  }
0xd9: {  	v14 =	vmul.f32 v14, v8;
	v16 =	vmax.f32 v5, $0.0e+00;
	v17 =	vsub.f32 $3.749179090e-05, v17;
	[tilespmem:s18+$0x16030] =	vst v13;
	s18 =	smov.u32 s17  }
0xda: {  	v13 =	vmul.f32 v18, v7;
	v18 =	vmax.f32 v6, $0.0e+00;
	v19 =	vmul.f32 v19, v11;
	v20 =	vld [tilespmem:s18+$0xC020]  }
0xdb: {  	v22 =	vmax.f32 v9, $0.0e+00;
	v14 =	vadd.f32 $1.101661820e-03, v14;
	s17 =	sshra.s32 s20, $0x2;
	v17 =	vmul.f32 v17, v21;
	v23 =	vld [tilespmem:s18+$0xC030]  }
0xdc: {  	v24 =	vmul.f32 v12, v5;
	v5 =	vld [tilespmem:s17+$0x4000];
	v12 =	vadd.f32 $1.101661820e-03, v13;
	v13 =	vadd.f32 $1.101661820e-03, v19  }
0xdd: {  	v14 =	vmul.f32 v14, v8;
	v17 =	vadd.f32 $1.101661820e-03, v17;
	v15 =	vmul.f32 v15, v6;
	v6 =	vld [tilespmem:s17+$0x4010]  }
0xde: {  	v25 =	vmax.f32 v10, $0.0e+00;
	v19 =	vld [tilespmem:s17+$0x4020];
	v12 =	vmul.f32 v12, v7;
	v13 =	vmul.f32 v13, v11  }
0xdf: {  	v14 =	vadd.f32 $-2.154708280e-02, v14;
	v26 =	vld [tilespmem:s17+$0x4030];
	v20 =	vmul.f32 v20, v9;
	v9 =	vmul.f32 v17, v21  }
0xe0: {  	v12 =	vadd.f32 $-2.154708280e-02, v12;
	v13 =	vadd.f32 $-2.154708280e-02, v13;
	v17 =	vmul.f32 v23, v10  }
0xe1: {  	v32 =	vmul.f32 v14, v8;
	v23 =	vand.u32 $0x7FFFFFFF, v5;
	v31 =	vadd.f32 $-2.154708280e-02, v9  }
0xe2: {  	v14 =	vand.u32 $0x7FFFFFFF, v6;
	v27 =	vmul.f32 v12, v7;
	v13 =	vmul.f32 v13, v11  }
0xe3: {  	v29 =	vadd.f32 $1.533370610e-01, v32;
	v28 =	vand.u32 $0x7FFFFFFF, v19;
	v30 =	vmul.f32 v31, v21;
	v9 =	vmovc v19  }
0xe4: {  	v12 =	vand.u32 $0x7FFFFFFF, v26;
	v19 =	vadd.f32 $1.533370610e-01, v27;
	v13 =	vadd.f32 $1.533370610e-01, v13;
	v10 =	vmovc v26  }
0xe5: {  	v23 =	vmin.f32 v23, $8.000000000e+00;
	v26 =	vmul.f32 v29, v8;
	v27 =	vadd.f32 $1.533370610e-01, v30  }
0xe6: {  	v14 =	vmin.f32 v14, $8.000000000e+00;
	v19 =	vmul.f32 v19, v7;
	v13 =	vmul.f32 v13, v11  }
0xe7: {  	s19 =	sadd.s32 $0x10, s19;
	v24 =	vsub.f32 v16, v24;
	v26 =	vadd.f32 $-5.132922530e-01, v26;
	v16 =	vmul.f32 v27, v21  }
0xe8: {  	v27 =	vmin.f32 v28, $8.000000000e+00;
	v28 =	vld [tilespmem:s19+$0x0];
	v19 =	vadd.f32 $-5.132922530e-01, v19;
	v13 =	vadd.f32 $-5.132922530e-01, v13  }
0xe9: {  	v29 =	vsub.f32 v18, v15;
	v26 =	vmul.f32 v26, v8;
	v8 =	vmovc v23;
	v15 =	vadd.f32 $-5.132922530e-01, v16  }
0xea: {  	v16 =	vsub.f32 v22, v20;
	v18 =	vmul.f32 v19, v7;
	v19 =	vmul.f32 v13, v11;
	v7 =	vmovc v14  }
0xeb: {  	v20 =	vadd.f32 $6.941558120e-01, v26;
	v13 =	vsub.f32 v25, v17;
	v11 =	vmovc v27;
	v15 =	vmul.f32 v15, v21  }
.Ltmp1:
0xec: {  	v14 =	vmul.f32 $4.235742380e-06, v8;
	v21 =	vadd.f32 $6.941558120e-01, v18;
	v18 =	vadd.f32 $6.941558120e-01, v19;
	(pc) =	sbr.rel @p0 .LBB2_4-.Ltmp1, $4  }
0xed: {  	v19 =	vperm.xlane v28, v0;
	v22 =	vperm.xlane v28, v2;
	v15 =	vadd.f32 $6.941558120e-01, v15  }
0xee: {  	v17 =	vadd.f32 v20, v24;
	v23 =	vperm.xlane v28, v3;
	v20 =	vperm.xlane v28, v4  }
0xef: {  	v24 =	vshrl.u32 v19, v1;
	v19 =	vadd.f32 v21, v29;
	v22 =	vshrl.u32 v22, v1  }
0xf0: {  	s20 =	sadd.s32 $0x100, s20;
	v23 =	vshrl.u32 v23, v1;
	v21 =	vand.u32 $0x1, v24;
	v22 =	vand.u32 $0x1, v22  }
0xf1: {  	v21 =	vcvt.s32.f32 v21;
	v22 =	vcvt.s32.f32 v22  }
0xf2: {  	v23 =	vand.u32 $0x1, v23;
	v16 =	vadd.f32 v18, v16;
	v24 =	vmul.f32 $4.235742380e-06, v11  }
0xf3: {  	v12 =	vmin.f32 v12, $8.000000000e+00;
	v14 =	vsub.f32 $3.749179090e-05, v14;
	v20 =	vshrl.u32 v20, v1  }
0xf4: {  	v13 =	vadd.f32 v15, v13;
	v18 =	vcvt.s32.f32 v23;
	v23 =	vmul.f32 $4.235742380e-06, v7  }
0xf5: {  	v25 =	vmul.f32 $4.235742380e-06, v12;
	v20 =	vand.u32 $0x1, v20;
	v17 =	vmul.f32 v21, v17  }
0xf6: {  	v21 =	vsub.f32 $3.749179090e-05, v24;
	v14 =	vmul.f32 v14, v8;
	v19 =	vmul.f32 v22, v19  }
0xf7: {  	v20 =	vcvt.s32.f32 v20;
	v23 =	vsub.f32 $3.749179090e-05, v23;
	v22 =	vsub.f32 $3.749179090e-05, v25  }
0xf8: {  	v16 =	vmul.f32 v18, v16;
	v21 =	vmul.f32 v21, v11;
	v14 =	vadd.f32 $1.101661820e-03, v14  }
0xf9: {  	[tilespmem:s18+$0x16000] =	vst v17;
	v23 =	vmul.f32 v23, v7;
	v15 =	vmul.f32 v22, v12  }
0xfa: {  	v13 =	vmul.f32 v20, v13;
	v22 =	vld [tilespmem:s17+$0xC000];
	[tilespmem:s18+$0x16010] =	vst v19;
	v21 =	vadd.f32 $1.101661820e-03, v21;
	v14 =	vmul.f32 v14, v8  }
0xfb: {  	v18 =	vld [tilespmem:s17+$0xC010];
	[tilespmem:s18+$0x16020] =	vst v16;
	v17 =	vadd.f32 $1.101661820e-03, v23;
	v15 =	vadd.f32 $1.101661820e-03, v15  }
0xfc: {  	[tilespmem:s18+$0x16030] =	vst v13;
	v19 =	vmul.f32 v21, v11;
	v14 =	vadd.f32 $-2.154708280e-02, v14  }
0xfd: {  	v20 =	vld [tilespmem:s17+$0xC020];
	v21 =	vmax.f32 v9, $0.0e+00;
	v17 =	vmul.f32 v17, v7;
	v15 =	vmul.f32 v15, v12  }
0xfe: {  	v23 =	vld [tilespmem:s17+$0xC030];
	v13 =	vadd.f32 $-2.154708280e-02, v19;
	v14 =	vmul.f32 v14, v8;
	v19 =	vmax.f32 v6, $0.0e+00  }
0xff: {  	v16 =	vadd.f32 $-2.154708280e-02, v17;
	v17 =	vmax.f32 v5, $0.0e+00;
	v5 =	vmul.f32 v22, v5  }
0x100: {  	v15 =	vadd.f32 $-2.154708280e-02, v15;
	v6 =	vmul.f32 v18, v6;
	v13 =	vmul.f32 v13, v11  }
0x101: {  	v18 =	vmax.f32 v10, $0.0e+00;
	v14 =	vadd.f32 $1.533370610e-01, v14;
	v16 =	vmul.f32 v16, v7  }
0x102: {  	s20 =	sadd.s32 $0x10, s19;
	v9 =	vmul.f32 v20, v9;
	v15 =	vmul.f32 v15, v12;
	v13 =	vadd.f32 $1.533370610e-01, v13  }
0x103: {  	v10 =	vmul.f32 v23, v10;
	v20 =	vld [tilespmem:s20+$0x0];
	v14 =	vmul.f32 v14, v8;
	v16 =	vadd.f32 $1.533370610e-01, v16  }
0x104: {  	v5 =	vsub.f32 v17, v5;
	v15 =	vadd.f32 $1.533370610e-01, v15;
	v13 =	vmul.f32 v13, v11  }
0x105: {  	v6 =	vsub.f32 v19, v6;
	v14 =	vadd.f32 $-5.132922530e-01, v14;
	v16 =	vmul.f32 v16, v7  }
0x106: {  	v9 =	vsub.f32 v21, v9;
	v15 =	vmul.f32 v15, v12;
	v13 =	vadd.f32 $-5.132922530e-01, v13  }
0x107: {  	v10 =	vsub.f32 v18, v10;
	v8 =	vmul.f32 v14, v8;
	v16 =	vadd.f32 $-5.132922530e-01, v16  }
0x108: {  	v14 =	vadd.f32 $-5.132922530e-01, v15;
	v15 =	vperm.xlane v20, v4;
	v11 =	vmul.f32 v13, v11  }
0x109: {  	v8 =	vadd.f32 $6.941558120e-01, v8;
	v13 =	vperm.xlane v20, v0;
	v7 =	vmul.f32 v16, v7  }
0x10a: {  	v12 =	vmul.f32 v14, v12;
	v14 =	vperm.xlane v20, v2;
	v11 =	vadd.f32 $6.941558120e-01, v11  }
0x10b: {  	v5 =	vadd.f32 v8, v5;
	v8 =	vperm.xlane v20, v3;
	v7 =	vadd.f32 $6.941558120e-01, v7  }
0x10c: {  	v13 =	vshrl.u32 v13, v1;
	v12 =	vadd.f32 $6.941558120e-01, v12;
	v14 =	vshrl.u32 v14, v1  }
0x10d: {  	v8 =	vshrl.u32 v8, v1;
	v6 =	vadd.f32 v7, v6;
	v7 =	vand.u32 $0x1, v13  }
0x10e: {  	v9 =	vadd.f32 v11, v9;
	v13 =	vand.u32 $0x1, v14;
	v7 =	vcvt.s32.f32 v7  }
0x10f: {  	v11 =	vshrl.u32 v15, v1;
	v8 =	vand.u32 $0x1, v8;
	v13 =	vcvt.s32.f32 v13  }
0x110: {  	v8 =	vcvt.s32.f32 v8;
	v5 =	vmul.f32 v7, v5;
	v7 =	vand.u32 $0x1, v11  }
0x111: {  	v10 =	vadd.f32 v12, v10;
	v6 =	vmul.f32 v13, v6;
	v7 =	vcvt.s32.f32 v7  }
0x112: {  	v8 =	vmul.f32 v8, v9;
	[tilespmem:s17+$0x16000] =	vst v5  }
0x113: {  	[tilespmem:s17+$0x16010] =	vst v6;
	v5 =	vmul.f32 v7, v10  }
0x114: {  	[tilespmem:s17+$0x16020] =	vst v8  }
0x115: {  	s19 =	rddreg [dreg:$0x12];
	[tilespmem:s17+$0x16030] =	vst v5;
	s17 =	simm.s32 $0x0  }
0x116: {  	[hbm4b:s19+s17] =	stream.linear.scatter [tilespmem:s13], [sflag:$0x4], $0x4000, $0x38;
	[tilespmem:$0x1A000] =	vst v63  }
0x117: {  	s20 =	rddreg [dreg:$0x16]  }
0x118: {  	[tilespmem:s6], [sflag:$0x2] =	stream.linear.gather [hbm4b:s20+s17], $0x4000, $0x38;
	[tilespmem:$0x1A000] =	vst v63  }
0x119: {  	s19 =	rddreg [dreg:$0x17]  }
0x11a: {  	[tilespmem:s7], [sflag:$0x2] =	stream.linear.gather [hbm4b:s19+s17], $0x4000, $0x38;
	[tilespmem:$0x1A000] =	vst v63  }
0x11b: {  	s20 =	rddreg [dreg:$0xb]  }
0x11c: {  	[tilespmem:s8], [sflag:$0x2] =	stream.linear.gather [hbm4b:s20+s17], $0x1000, $0x38;
	[tilespmem:$0x1A000] =	vst v63  }
0x11d: {  	_ =	swait.ge [sflag:s9], $0x4000  }
0x11e: {  	[sflag:s9] =	ssyncset.done $0x0  }
0x11f: {  	[sflag:s9] =	ssyncadd.s32 $0xFFFFC000  }
0x120: {  	_ =	swait.ge [sflag:s9], $0x4000  }
0x121: {  	[sflag:s9] =	ssyncset.done $0x0  }
0x122: {  	[sflag:s9] =	ssyncadd.s32 $0xFFFFC000  }
0x123: {  	_ =	swait.ge [sflag:s9], $0x1000  }
0x124: {  	[sflag:s9] =	ssyncset.done $0x0  }
0x125: {  	[sflag:s9] =	ssyncadd.s32 $0xFFFFF000  }
0x126: {  	_ =	swait.ge [sflag:s14], $0x4000  }
0x127: {  	[sflag:s14] =	ssyncset.done $0x0  }
0x128: {  	s18 =	simm.s32 $0x0;
	[sflag:s14] =	ssyncadd.s32 $0xFFFFC000  }
0x129: {  	v6 =	vld [tilespmem:s18+$0x0]  }
0x12a: {  	v7 =	vld [tilespmem:s18+$0x10]  }
0x12b: {  	v8 =	vld [tilespmem:s18+$0x20]  }
0x12c: {  	v11 =	vld [tilespmem:s18+$0x30];
	_ =	sdelay $0x1  }
0x12d: {  	v5 =	vand.u32 $0x7FFFFFFF, v6  }
0x12e: {  	v9 =	vand.u32 $0x7FFFFFFF, v7;
	v13 =	vmin.f32 v5, $8.000000000e+00  }
0x12f: {  	v10 =	vand.u32 $0x7FFFFFFF, v8;
	v14 =	vmin.f32 v9, $8.000000000e+00;
	v5 =	vmul.f32 $4.235742380e-06, v13  }
0x130: {  	v18 =	vld [tilespmem:s18+$0x8010];
	v12 =	vand.u32 $0x7FFFFFFF, v11;
	v15 =	vmin.f32 v10, $8.000000000e+00;
	v9 =	vmul.f32 $4.235742380e-06, v14  }
0x131: {  	v17 =	vmin.f32 v12, $8.000000000e+00;
	v12 =	vld [tilespmem:s18+$0x8000];
	v10 =	vmul.f32 $4.235742380e-06, v15;
	v5 =	vsub.f32 $3.749179090e-05, v5  }
0x132: {  	v19 =	vmax.f32 v6, $0.0e+00;
	v16 =	vmul.f32 $4.235742380e-06, v17;
	v9 =	vsub.f32 $3.749179090e-05, v9  }
0x133: {  	v21 =	vld [tilespmem:s18+$0x8020];
	v20 =	vmax.f32 v7, $0.0e+00;
	v10 =	vsub.f32 $3.749179090e-05, v10;
	v5 =	vmul.f32 v5, v13  }
0x134: {  	s19 =	simm.s32 $0x10000;
	v57 =	vld [tilespmem:s18+$0x8030];
	v23 =	vmax.f32 v8, $0.0e+00;
	v16 =	vsub.f32 $3.749179090e-05, v16;
	v9 =	vmul.f32 v9, v14  }
0x135: {  	v60 =	vld [tilespmem:s19+$0x0];
	v18 =	vmul.f32 v18, v7;
	v10 =	vmul.f32 v10, v15;
	v22 =	vadd.f32 $1.101661820e-03, v5  }
0x136: {  	v16 =	vmul.f32 v16, v17;
	v58 =	vmul.f32 v12, v6;
	v12 =	vadd.f32 $1.101661820e-03, v9  }
0x137: {  	s17 =	simm.s32 $0x40;
	v26 =	vmax.f32 v11, $0.0e+00;
	v10 =	vadd.f32 $1.101661820e-03, v10;
	v22 =	vmul.f32 v22, v13  }
0x138: {  	v21 =	vmul.f32 v21, v8;
	v5 =	vld [tilespmem:s17+$0x0];
	v7 =	vadd.f32 $1.101661820e-03, v16;
	v12 =	vmul.f32 v12, v14  }
0x139: {  	v24 =	vmul.f32 v57, v11;
	v6 =	vld [tilespmem:s17+$0x10];
	v16 =	vmul.f32 v10, v15;
	v22 =	vadd.f32 $-2.154708280e-02, v22  }
0x13a: {  	v62 =	vperm.xlane v60, v2;
	v7 =	vmul.f32 v7, v17;
	v8 =	vadd.f32 $-2.154708280e-02, v12  }
0x13b: {  	v63 =	vperm.xlane v60, v3;
	v12 =	vadd.f32 $-2.154708280e-02, v16;
	v16 =	vmul.f32 v22, v13  }
0x13c: {  	v61 =	vsub.f32 v20, v18;
	v9 =	vld [tilespmem:s17+$0x20];
	v7 =	vadd.f32 $-2.154708280e-02, v7;
	v8 =	vmul.f32 v8, v14  }
0x13d: {  	v11 =	vand.u32 $0x7FFFFFFF, v5;
	v27 =	vmul.f32 v12, v15;
	v16 =	vadd.f32 $1.533370610e-01, v16  }
0x13e: {  	v10 =	vld [tilespmem:s17+$0x30];
	v22 =	vand.u32 $0x7FFFFFFF, v6;
	v7 =	vmul.f32 v7, v17;
	v29 =	vadd.f32 $1.533370610e-01, v8  }
0x13f: {  	v27 =	vadd.f32 $1.533370610e-01, v27;
	v8 =	vmin.f32 v11, $8.000000000e+00;
	v11 =	vmul.f32 v16, v13  }
0x140: {  	v16 =	vadd.f32 $1.533370610e-01, v7;
	v7 =	vmin.f32 v22, $8.000000000e+00;
	v22 =	vmul.f32 v29, v14  }
0x141: {  	v19 =	vsub.f32 v19, v58;
	v28 =	vand.u32 $0x7FFFFFFF, v9;
	v27 =	vmul.f32 v27, v15  }
0x142: {  	v59 =	vadd.f32 $-5.132922530e-01, v11;
	v16 =	vmul.f32 v16, v17;
	v22 =	vadd.f32 $-5.132922530e-01, v22  }
0x143: {  	v12 =	vand.u32 $0x7FFFFFFF, v10;
	v11 =	vmin.f32 v28, $8.000000000e+00;
	v27 =	vadd.f32 $-5.132922530e-01, v27  }
0x144: {  	v13 =	vmul.f32 v59, v13;
	v18 =	vadd.f32 $-5.132922530e-01, v16;
	v20 =	vmul.f32 v22, v14  }
0x145: {  	v15 =	vmul.f32 v27, v15;
	v16 =	vsub.f32 v23, v21;
	v14 =	vmul.f32 $4.235742380e-06, v8  }
0x146: {  	v21 =	vadd.f32 $6.941558120e-01, v13;
	v17 =	vmul.f32 v18, v17;
	v13 =	vsub.f32 v26, v24  }
0x147: {  	v23 =	vperm.xlane v60, v0;
	v22 =	vadd.f32 $6.941558120e-01, v20;
	v18 =	vadd.f32 $6.941558120e-01, v15  }
0x148: {  	v20 =	vperm.xlane v60, v4;
	v15 =	vadd.f32 $6.941558120e-01, v17;
	v17 =	vadd.f32 v21, v19  }
0x149: {  	v21 =	vshrl.u32 v23, v1;
	v19 =	vadd.f32 v22, v61;
	v22 =	vshrl.u32 v62, v1  }
0x14a: {  	s20 =	simm.s32 $0x200;
	v23 =	vshrl.u32 v63, v1;
	v21 =	vand.u32 $0x1, v21;
	v22 =	vand.u32 $0x1, v22  }
.LBB2_6:
0x14b: {  	p0 =	sne.s32 s20, $0xFF00;
	v21 =	vcvt.s32.f32 v21;
	v22 =	vcvt.s32.f32 v22;
	v23 =	vand.u32 $0x1, v23  }
0x14c: {  	v16 =	vadd.f32 v18, v16;
	v20 =	vshrl.u32 v20, v1;
	v18 =	vcvt.s32.f32 v23  }
0x14d: {  	v20 =	vand.u32 $0x1, v20;
	v17 =	vmul.f32 v21, v17;
	v19 =	vmul.f32 v22, v19  }
0x14e: {  	v13 =	vadd.f32 v15, v13;
	v15 =	vcvt.s32.f32 v20;
	v16 =	vmul.f32 v18, v16  }
0x14f: {  	v20 =	vmul.f32 $4.235742380e-06, v11;
	v21 =	vmin.f32 v12, $8.000000000e+00;
	v18 =	vmul.f32 $4.235742380e-06, v7;
	[tilespmem:s18+$0x12000] =	vst v17  }
0x150: {  	v14 =	vsub.f32 $3.749179090e-05, v14;
	v17 =	vmul.f32 $4.235742380e-06, v21;
	v13 =	vmul.f32 v15, v13;
	v12 =	vld [tilespmem:s17+$0x8000];
	[tilespmem:s18+$0x12010] =	vst v19  }
0x151: {  	v18 =	vsub.f32 $3.749179090e-05, v18;
	v19 =	vsub.f32 $3.749179090e-05, v20;
	v15 =	vld [tilespmem:s17+$0x8010];
	[tilespmem:s18+$0x12020] =	vst v16  }
0x152: {  	v14 =	vmul.f32 v14, v8;
	v16 =	vmax.f32 v5, $0.0e+00;
	v17 =	vsub.f32 $3.749179090e-05, v17;
	[tilespmem:s18+$0x12030] =	vst v13;
	s18 =	smov.u32 s17  }
0x153: {  	v13 =	vmul.f32 v18, v7;
	v18 =	vmax.f32 v6, $0.0e+00;
	v19 =	vmul.f32 v19, v11;
	v20 =	vld [tilespmem:s18+$0x8020]  }
0x154: {  	v22 =	vmax.f32 v9, $0.0e+00;
	v14 =	vadd.f32 $1.101661820e-03, v14;
	s17 =	sshra.s32 s20, $0x2;
	v17 =	vmul.f32 v17, v21;
	v23 =	vld [tilespmem:s18+$0x8030]  }
0x155: {  	v24 =	vmul.f32 v12, v5;
	v5 =	vld [tilespmem:s17+$0x0];
	v12 =	vadd.f32 $1.101661820e-03, v13;
	v13 =	vadd.f32 $1.101661820e-03, v19  }
0x156: {  	v14 =	vmul.f32 v14, v8;
	v17 =	vadd.f32 $1.101661820e-03, v17;
	v15 =	vmul.f32 v15, v6;
	v6 =	vld [tilespmem:s17+$0x10]  }
0x157: {  	v25 =	vmax.f32 v10, $0.0e+00;
	v19 =	vld [tilespmem:s17+$0x20];
	v12 =	vmul.f32 v12, v7;
	v13 =	vmul.f32 v13, v11  }
0x158: {  	v14 =	vadd.f32 $-2.154708280e-02, v14;
	v26 =	vld [tilespmem:s17+$0x30];
	v20 =	vmul.f32 v20, v9;
	v9 =	vmul.f32 v17, v21  }
0x159: {  	v12 =	vadd.f32 $-2.154708280e-02, v12;
	v13 =	vadd.f32 $-2.154708280e-02, v13;
	v17 =	vmul.f32 v23, v10  }
0x15a: {  	v32 =	vmul.f32 v14, v8;
	v23 =	vand.u32 $0x7FFFFFFF, v5;
	v31 =	vadd.f32 $-2.154708280e-02, v9  }
0x15b: {  	v14 =	vand.u32 $0x7FFFFFFF, v6;
	v27 =	vmul.f32 v12, v7;
	v13 =	vmul.f32 v13, v11  }
0x15c: {  	v29 =	vadd.f32 $1.533370610e-01, v32;
	v28 =	vand.u32 $0x7FFFFFFF, v19;
	v30 =	vmul.f32 v31, v21;
	v9 =	vmovc v19  }
0x15d: {  	v12 =	vand.u32 $0x7FFFFFFF, v26;
	v19 =	vadd.f32 $1.533370610e-01, v27;
	v13 =	vadd.f32 $1.533370610e-01, v13;
	v10 =	vmovc v26  }
0x15e: {  	v23 =	vmin.f32 v23, $8.000000000e+00;
	v26 =	vmul.f32 v29, v8;
	v27 =	vadd.f32 $1.533370610e-01, v30  }
0x15f: {  	v14 =	vmin.f32 v14, $8.000000000e+00;
	v19 =	vmul.f32 v19, v7;
	v13 =	vmul.f32 v13, v11  }
0x160: {  	s19 =	sadd.s32 $0x10, s19;
	v24 =	vsub.f32 v16, v24;
	v26 =	vadd.f32 $-5.132922530e-01, v26;
	v16 =	vmul.f32 v27, v21  }
0x161: {  	v27 =	vmin.f32 v28, $8.000000000e+00;
	v28 =	vld [tilespmem:s19+$0x0];
	v19 =	vadd.f32 $-5.132922530e-01, v19;
	v13 =	vadd.f32 $-5.132922530e-01, v13  }
0x162: {  	v29 =	vsub.f32 v18, v15;
	v26 =	vmul.f32 v26, v8;
	v8 =	vmovc v23;
	v15 =	vadd.f32 $-5.132922530e-01, v16  }
0x163: {  	v16 =	vsub.f32 v22, v20;
	v18 =	vmul.f32 v19, v7;
	v19 =	vmul.f32 v13, v11;
	v7 =	vmovc v14  }
0x164: {  	v20 =	vadd.f32 $6.941558120e-01, v26;
	v13 =	vsub.f32 v25, v17;
	v11 =	vmovc v27;
	v15 =	vmul.f32 v15, v21  }
.Ltmp2:
0x165: {  	v14 =	vmul.f32 $4.235742380e-06, v8;
	v21 =	vadd.f32 $6.941558120e-01, v18;
	v18 =	vadd.f32 $6.941558120e-01, v19;
	(pc) =	sbr.rel @p0 .LBB2_6-.Ltmp2, $4  }
0x166: {  	v19 =	vperm.xlane v28, v0;
	v22 =	vperm.xlane v28, v2;
	v15 =	vadd.f32 $6.941558120e-01, v15  }
0x167: {  	v17 =	vadd.f32 v20, v24;
	v23 =	vperm.xlane v28, v3;
	v20 =	vperm.xlane v28, v4  }
0x168: {  	v24 =	vshrl.u32 v19, v1;
	v19 =	vadd.f32 v21, v29;
	v22 =	vshrl.u32 v22, v1  }
0x169: {  	s20 =	sadd.s32 $0x100, s20;
	v23 =	vshrl.u32 v23, v1;
	v21 =	vand.u32 $0x1, v24;
	v22 =	vand.u32 $0x1, v22  }
0x16a: {  	v21 =	vcvt.s32.f32 v21;
	v22 =	vcvt.s32.f32 v22  }
0x16b: {  	v23 =	vand.u32 $0x1, v23;
	v16 =	vadd.f32 v18, v16;
	v24 =	vmul.f32 $4.235742380e-06, v11  }
0x16c: {  	v12 =	vmin.f32 v12, $8.000000000e+00;
	v14 =	vsub.f32 $3.749179090e-05, v14;
	v20 =	vshrl.u32 v20, v1  }
0x16d: {  	v13 =	vadd.f32 v15, v13;
	v18 =	vcvt.s32.f32 v23;
	v23 =	vmul.f32 $4.235742380e-06, v7  }
0x16e: {  	v25 =	vmul.f32 $4.235742380e-06, v12;
	v20 =	vand.u32 $0x1, v20;
	v17 =	vmul.f32 v21, v17  }
0x16f: {  	v21 =	vsub.f32 $3.749179090e-05, v24;
	v14 =	vmul.f32 v14, v8;
	v19 =	vmul.f32 v22, v19  }
0x170: {  	v20 =	vcvt.s32.f32 v20;
	v23 =	vsub.f32 $3.749179090e-05, v23;
	v22 =	vsub.f32 $3.749179090e-05, v25  }
0x171: {  	v16 =	vmul.f32 v18, v16;
	v21 =	vmul.f32 v21, v11;
	v14 =	vadd.f32 $1.101661820e-03, v14  }
0x172: {  	[tilespmem:s18+$0x12000] =	vst v17;
	v23 =	vmul.f32 v23, v7;
	v15 =	vmul.f32 v22, v12  }
0x173: {  	v13 =	vmul.f32 v20, v13;
	v22 =	vld [tilespmem:s17+$0x8000];
	[tilespmem:s18+$0x12010] =	vst v19;
	v21 =	vadd.f32 $1.101661820e-03, v21;
	v14 =	vmul.f32 v14, v8  }
0x174: {  	v18 =	vld [tilespmem:s17+$0x8010];
	[tilespmem:s18+$0x12020] =	vst v16;
	v17 =	vadd.f32 $1.101661820e-03, v23;
	v15 =	vadd.f32 $1.101661820e-03, v15  }
0x175: {  	[tilespmem:s18+$0x12030] =	vst v13;
	v19 =	vmul.f32 v21, v11;
	v14 =	vadd.f32 $-2.154708280e-02, v14  }
0x176: {  	v20 =	vld [tilespmem:s17+$0x8020];
	v21 =	vmax.f32 v9, $0.0e+00;
	v17 =	vmul.f32 v17, v7;
	v15 =	vmul.f32 v15, v12  }
0x177: {  	v23 =	vld [tilespmem:s17+$0x8030];
	v13 =	vadd.f32 $-2.154708280e-02, v19;
	v14 =	vmul.f32 v14, v8;
	v19 =	vmax.f32 v6, $0.0e+00  }
0x178: {  	v16 =	vadd.f32 $-2.154708280e-02, v17;
	v17 =	vmax.f32 v5, $0.0e+00;
	v5 =	vmul.f32 v22, v5  }
0x179: {  	v15 =	vadd.f32 $-2.154708280e-02, v15;
	v6 =	vmul.f32 v18, v6;
	v13 =	vmul.f32 v13, v11  }
0x17a: {  	v18 =	vmax.f32 v10, $0.0e+00;
	v14 =	vadd.f32 $1.533370610e-01, v14;
	v16 =	vmul.f32 v16, v7  }
0x17b: {  	s20 =	sadd.s32 $0x10, s19;
	v9 =	vmul.f32 v20, v9;
	v15 =	vmul.f32 v15, v12;
	v13 =	vadd.f32 $1.533370610e-01, v13  }
0x17c: {  	v10 =	vmul.f32 v23, v10;
	v20 =	vld [tilespmem:s20+$0x0];
	v14 =	vmul.f32 v14, v8;
	v16 =	vadd.f32 $1.533370610e-01, v16  }
0x17d: {  	v5 =	vsub.f32 v17, v5;
	v15 =	vadd.f32 $1.533370610e-01, v15;
	v13 =	vmul.f32 v13, v11  }
0x17e: {  	v6 =	vsub.f32 v19, v6;
	v14 =	vadd.f32 $-5.132922530e-01, v14;
	v16 =	vmul.f32 v16, v7  }
0x17f: {  	v9 =	vsub.f32 v21, v9;
	v15 =	vmul.f32 v15, v12;
	v13 =	vadd.f32 $-5.132922530e-01, v13  }
0x180: {  	v10 =	vsub.f32 v18, v10;
	v8 =	vmul.f32 v14, v8;
	v16 =	vadd.f32 $-5.132922530e-01, v16  }
0x181: {  	v14 =	vadd.f32 $-5.132922530e-01, v15;
	v15 =	vperm.xlane v20, v4;
	v11 =	vmul.f32 v13, v11  }
0x182: {  	v8 =	vadd.f32 $6.941558120e-01, v8;
	v13 =	vperm.xlane v20, v0;
	v7 =	vmul.f32 v16, v7  }
0x183: {  	v12 =	vmul.f32 v14, v12;
	v14 =	vperm.xlane v20, v2;
	v11 =	vadd.f32 $6.941558120e-01, v11  }
0x184: {  	v5 =	vadd.f32 v8, v5;
	v8 =	vperm.xlane v20, v3;
	v7 =	vadd.f32 $6.941558120e-01, v7  }
0x185: {  	v13 =	vshrl.u32 v13, v1;
	v12 =	vadd.f32 $6.941558120e-01, v12;
	v14 =	vshrl.u32 v14, v1  }
0x186: {  	v8 =	vshrl.u32 v8, v1;
	v6 =	vadd.f32 v7, v6;
	v7 =	vand.u32 $0x1, v13  }
0x187: {  	v9 =	vadd.f32 v11, v9;
	v13 =	vand.u32 $0x1, v14;
	v7 =	vcvt.s32.f32 v7  }
0x188: {  	v11 =	vshrl.u32 v15, v1;
	v8 =	vand.u32 $0x1, v8;
	v13 =	vcvt.s32.f32 v13  }
0x189: {  	v8 =	vcvt.s32.f32 v8;
	v5 =	vmul.f32 v7, v5;
	v7 =	vand.u32 $0x1, v11  }
0x18a: {  	v10 =	vadd.f32 v12, v10;
	v6 =	vmul.f32 v13, v6;
	v7 =	vcvt.s32.f32 v7  }
0x18b: {  	v8 =	vmul.f32 v8, v9;
	[tilespmem:s17+$0x12000] =	vst v5  }
0x18c: {  	[tilespmem:s17+$0x12010] =	vst v6;
	v5 =	vmul.f32 v7, v10  }
0x18d: {  	[tilespmem:s17+$0x12020] =	vst v8  }
0x18e: {  	s19 =	rddreg [dreg:$0x15];
	[tilespmem:s17+$0x12030] =	vst v5;
	s17 =	simm.s32 $0x0  }
0x18f: {  	[hbm4b:s19+s17] =	stream.linear.scatter [tilespmem:s10], [sflag:$0x3], $0x4000, $0x38;
	[tilespmem:$0x1A000] =	vst v63  }
0x190: {  	_ = 	snop  }
0x191: {  	[tilespmem:s17], [sflag:$0x1] =	stream.linear.gather [hbm4b:s22+s17], $0x4000, $0x38;
	[tilespmem:$0x1A000] =	vst v63  }
0x192: {  	_ = 	snop  }
0x193: {  	[tilespmem:s5], [sflag:$0x1] =	stream.linear.gather [hbm4b:s23+s17], $0x4000, $0x38;
	[tilespmem:$0x1A000] =	vst v63  }
0x194: {  	s20 =	rddreg [dreg:$0xc]  }
0x195: {  	[tilespmem:s11], [sflag:$0x1] =	stream.linear.gather [hbm4b:s20+s17], $0x1000, $0x38;
	[tilespmem:$0x1A000] =	vst v63  }
0x196: {  	_ =	swait.ge [sflag:s12], $0x4000  }
0x197: {  	[sflag:s12] =	ssyncset.done $0x0  }
0x198: {  	[sflag:s12] =	ssyncadd.s32 $0xFFFFC000  }
0x199: {  	_ =	swait.ge [sflag:s12], $0x4000  }
0x19a: {  	[sflag:s12] =	ssyncset.done $0x0  }
0x19b: {  	[sflag:s12] =	ssyncadd.s32 $0xFFFFC000  }
0x19c: {  	_ =	swait.ge [sflag:s12], $0x1000  }
0x19d: {  	[sflag:s12] =	ssyncset.done $0x0  }
0x19e: {  	[sflag:s12] =	ssyncadd.s32 $0xFFFFF000  }
0x19f: {  	_ =	swait.ge [sflag:s15], $0x4000  }
0x1a0: {  	[sflag:s15] =	ssyncset.done $0x0  }
0x1a1: {  	s18 =	simm.s32 $0x0;
	[sflag:s15] =	ssyncadd.s32 $0xFFFFC000  }
0x1a2: {  	v6 =	vld [tilespmem:s18+$0x4000]  }
0x1a3: {  	v7 =	vld [tilespmem:s18+$0x4010]  }
0x1a4: {  	v8 =	vld [tilespmem:s18+$0x4020]  }
0x1a5: {  	v11 =	vld [tilespmem:s18+$0x4030];
	_ =	sdelay $0x1  }
0x1a6: {  	v5 =	vand.u32 $0x7FFFFFFF, v6  }
0x1a7: {  	v9 =	vand.u32 $0x7FFFFFFF, v7;
	v13 =	vmin.f32 v5, $8.000000000e+00  }
0x1a8: {  	v10 =	vand.u32 $0x7FFFFFFF, v8;
	v14 =	vmin.f32 v9, $8.000000000e+00;
	v5 =	vmul.f32 $4.235742380e-06, v13  }
0x1a9: {  	v18 =	vld [tilespmem:s18+$0xC010];
	v12 =	vand.u32 $0x7FFFFFFF, v11;
	v15 =	vmin.f32 v10, $8.000000000e+00;
	v9 =	vmul.f32 $4.235742380e-06, v14  }
0x1aa: {  	v17 =	vmin.f32 v12, $8.000000000e+00;
	v12 =	vld [tilespmem:s18+$0xC000];
	v10 =	vmul.f32 $4.235742380e-06, v15;
	v5 =	vsub.f32 $3.749179090e-05, v5  }
0x1ab: {  	v19 =	vmax.f32 v6, $0.0e+00;
	v16 =	vmul.f32 $4.235742380e-06, v17;
	v9 =	vsub.f32 $3.749179090e-05, v9  }
0x1ac: {  	v21 =	vld [tilespmem:s18+$0xC020];
	v20 =	vmax.f32 v7, $0.0e+00;
	v10 =	vsub.f32 $3.749179090e-05, v10;
	v5 =	vmul.f32 v5, v13  }
0x1ad: {  	s19 =	simm.s32 $0x11000;
	v57 =	vld [tilespmem:s18+$0xC030];
	v23 =	vmax.f32 v8, $0.0e+00;
	v16 =	vsub.f32 $3.749179090e-05, v16;
	v9 =	vmul.f32 v9, v14  }
0x1ae: {  	v60 =	vld [tilespmem:s19+$0x0];
	v18 =	vmul.f32 v18, v7;
	v10 =	vmul.f32 v10, v15;
	v22 =	vadd.f32 $1.101661820e-03, v5  }
0x1af: {  	v16 =	vmul.f32 v16, v17;
	v58 =	vmul.f32 v12, v6;
	v12 =	vadd.f32 $1.101661820e-03, v9  }
0x1b0: {  	s17 =	simm.s32 $0x40;
	v26 =	vmax.f32 v11, $0.0e+00;
	v10 =	vadd.f32 $1.101661820e-03, v10;
	v22 =	vmul.f32 v22, v13  }
0x1b1: {  	v21 =	vmul.f32 v21, v8;
	v5 =	vld [tilespmem:s17+$0x4000];
	v7 =	vadd.f32 $1.101661820e-03, v16;
	v12 =	vmul.f32 v12, v14  }
0x1b2: {  	v24 =	vmul.f32 v57, v11;
	v6 =	vld [tilespmem:s17+$0x4010];
	v16 =	vmul.f32 v10, v15;
	v22 =	vadd.f32 $-2.154708280e-02, v22  }
0x1b3: {  	v62 =	vperm.xlane v60, v2;
	v7 =	vmul.f32 v7, v17;
	v8 =	vadd.f32 $-2.154708280e-02, v12  }
0x1b4: {  	v63 =	vperm.xlane v60, v3;
	v12 =	vadd.f32 $-2.154708280e-02, v16;
	v16 =	vmul.f32 v22, v13  }
0x1b5: {  	v61 =	vsub.f32 v20, v18;
	v9 =	vld [tilespmem:s17+$0x4020];
	v7 =	vadd.f32 $-2.154708280e-02, v7;
	v8 =	vmul.f32 v8, v14  }
0x1b6: {  	v11 =	vand.u32 $0x7FFFFFFF, v5;
	v27 =	vmul.f32 v12, v15;
	v16 =	vadd.f32 $1.533370610e-01, v16  }
0x1b7: {  	v10 =	vld [tilespmem:s17+$0x4030];
	v22 =	vand.u32 $0x7FFFFFFF, v6;
	v7 =	vmul.f32 v7, v17;
	v29 =	vadd.f32 $1.533370610e-01, v8  }
0x1b8: {  	v27 =	vadd.f32 $1.533370610e-01, v27;
	v8 =	vmin.f32 v11, $8.000000000e+00;
	v11 =	vmul.f32 v16, v13  }
0x1b9: {  	v16 =	vadd.f32 $1.533370610e-01, v7;
	v7 =	vmin.f32 v22, $8.000000000e+00;
	v22 =	vmul.f32 v29, v14  }
0x1ba: {  	v19 =	vsub.f32 v19, v58;
	v28 =	vand.u32 $0x7FFFFFFF, v9;
	v27 =	vmul.f32 v27, v15  }
0x1bb: {  	v59 =	vadd.f32 $-5.132922530e-01, v11;
	v16 =	vmul.f32 v16, v17;
	v22 =	vadd.f32 $-5.132922530e-01, v22  }
0x1bc: {  	v12 =	vand.u32 $0x7FFFFFFF, v10;
	v11 =	vmin.f32 v28, $8.000000000e+00;
	v27 =	vadd.f32 $-5.132922530e-01, v27  }
0x1bd: {  	v13 =	vmul.f32 v59, v13;
	v18 =	vadd.f32 $-5.132922530e-01, v16;
	v20 =	vmul.f32 v22, v14  }
0x1be: {  	v15 =	vmul.f32 v27, v15;
	v16 =	vsub.f32 v23, v21;
	v14 =	vmul.f32 $4.235742380e-06, v8  }
0x1bf: {  	v21 =	vadd.f32 $6.941558120e-01, v13;
	v17 =	vmul.f32 v18, v17;
	v13 =	vsub.f32 v26, v24  }
0x1c0: {  	v23 =	vperm.xlane v60, v0;
	v22 =	vadd.f32 $6.941558120e-01, v20;
	v18 =	vadd.f32 $6.941558120e-01, v15  }
0x1c1: {  	v20 =	vperm.xlane v60, v4;
	v15 =	vadd.f32 $6.941558120e-01, v17;
	v17 =	vadd.f32 v21, v19  }
0x1c2: {  	v21 =	vshrl.u32 v23, v1;
	v19 =	vadd.f32 v22, v61;
	v22 =	vshrl.u32 v62, v1  }
0x1c3: {  	s20 =	simm.s32 $0x200;
	v23 =	vshrl.u32 v63, v1;
	v21 =	vand.u32 $0x1, v21;
	v22 =	vand.u32 $0x1, v22  }
.LBB2_8:
0x1c4: {  	p0 =	sne.s32 s20, $0xFF00;
	v21 =	vcvt.s32.f32 v21;
	v22 =	vcvt.s32.f32 v22;
	v23 =	vand.u32 $0x1, v23  }
0x1c5: {  	v16 =	vadd.f32 v18, v16;
	v20 =	vshrl.u32 v20, v1;
	v18 =	vcvt.s32.f32 v23  }
0x1c6: {  	v20 =	vand.u32 $0x1, v20;
	v17 =	vmul.f32 v21, v17;
	v19 =	vmul.f32 v22, v19  }
0x1c7: {  	v13 =	vadd.f32 v15, v13;
	v15 =	vcvt.s32.f32 v20;
	v16 =	vmul.f32 v18, v16  }
0x1c8: {  	v20 =	vmul.f32 $4.235742380e-06, v11;
	v21 =	vmin.f32 v12, $8.000000000e+00;
	v18 =	vmul.f32 $4.235742380e-06, v7;
	[tilespmem:s18+$0x16000] =	vst v17  }
0x1c9: {  	v14 =	vsub.f32 $3.749179090e-05, v14;
	v17 =	vmul.f32 $4.235742380e-06, v21;
	v13 =	vmul.f32 v15, v13;
	v12 =	vld [tilespmem:s17+$0xC000];
	[tilespmem:s18+$0x16010] =	vst v19  }
0x1ca: {  	v18 =	vsub.f32 $3.749179090e-05, v18;
	v19 =	vsub.f32 $3.749179090e-05, v20;
	v15 =	vld [tilespmem:s17+$0xC010];
	[tilespmem:s18+$0x16020] =	vst v16  }
0x1cb: {  	v14 =	vmul.f32 v14, v8;
	v16 =	vmax.f32 v5, $0.0e+00;
	v17 =	vsub.f32 $3.749179090e-05, v17;
	[tilespmem:s18+$0x16030] =	vst v13;
	s18 =	smov.u32 s17  }
0x1cc: {  	v13 =	vmul.f32 v18, v7;
	v18 =	vmax.f32 v6, $0.0e+00;
	v19 =	vmul.f32 v19, v11;
	v20 =	vld [tilespmem:s18+$0xC020]  }
0x1cd: {  	v22 =	vmax.f32 v9, $0.0e+00;
	v14 =	vadd.f32 $1.101661820e-03, v14;
	s17 =	sshra.s32 s20, $0x2;
	v17 =	vmul.f32 v17, v21;
	v23 =	vld [tilespmem:s18+$0xC030]  }
0x1ce: {  	v24 =	vmul.f32 v12, v5;
	v5 =	vld [tilespmem:s17+$0x4000];
	v12 =	vadd.f32 $1.101661820e-03, v13;
	v13 =	vadd.f32 $1.101661820e-03, v19  }
0x1cf: {  	v14 =	vmul.f32 v14, v8;
	v17 =	vadd.f32 $1.101661820e-03, v17;
	v15 =	vmul.f32 v15, v6;
	v6 =	vld [tilespmem:s17+$0x4010]  }
0x1d0: {  	v25 =	vmax.f32 v10, $0.0e+00;
	v19 =	vld [tilespmem:s17+$0x4020];
	v12 =	vmul.f32 v12, v7;
	v13 =	vmul.f32 v13, v11  }
0x1d1: {  	v14 =	vadd.f32 $-2.154708280e-02, v14;
	v26 =	vld [tilespmem:s17+$0x4030];
	v20 =	vmul.f32 v20, v9;
	v9 =	vmul.f32 v17, v21  }
0x1d2: {  	v12 =	vadd.f32 $-2.154708280e-02, v12;
	v13 =	vadd.f32 $-2.154708280e-02, v13;
	v17 =	vmul.f32 v23, v10  }
0x1d3: {  	v32 =	vmul.f32 v14, v8;
	v23 =	vand.u32 $0x7FFFFFFF, v5;
	v31 =	vadd.f32 $-2.154708280e-02, v9  }
0x1d4: {  	v14 =	vand.u32 $0x7FFFFFFF, v6;
	v27 =	vmul.f32 v12, v7;
	v13 =	vmul.f32 v13, v11  }
0x1d5: {  	v29 =	vadd.f32 $1.533370610e-01, v32;
	v28 =	vand.u32 $0x7FFFFFFF, v19;
	v30 =	vmul.f32 v31, v21;
	v9 =	vmovc v19  }
0x1d6: {  	v12 =	vand.u32 $0x7FFFFFFF, v26;
	v19 =	vadd.f32 $1.533370610e-01, v27;
	v13 =	vadd.f32 $1.533370610e-01, v13;
	v10 =	vmovc v26  }
0x1d7: {  	v23 =	vmin.f32 v23, $8.000000000e+00;
	v26 =	vmul.f32 v29, v8;
	v27 =	vadd.f32 $1.533370610e-01, v30  }
0x1d8: {  	v14 =	vmin.f32 v14, $8.000000000e+00;
	v19 =	vmul.f32 v19, v7;
	v13 =	vmul.f32 v13, v11  }
0x1d9: {  	s19 =	sadd.s32 $0x10, s19;
	v24 =	vsub.f32 v16, v24;
	v26 =	vadd.f32 $-5.132922530e-01, v26;
	v16 =	vmul.f32 v27, v21  }
0x1da: {  	v27 =	vmin.f32 v28, $8.000000000e+00;
	v28 =	vld [tilespmem:s19+$0x0];
	v19 =	vadd.f32 $-5.132922530e-01, v19;
	v13 =	vadd.f32 $-5.132922530e-01, v13  }
0x1db: {  	v29 =	vsub.f32 v18, v15;
	v26 =	vmul.f32 v26, v8;
	v8 =	vmovc v23;
	v15 =	vadd.f32 $-5.132922530e-01, v16  }
0x1dc: {  	v16 =	vsub.f32 v22, v20;
	v18 =	vmul.f32 v19, v7;
	v19 =	vmul.f32 v13, v11;
	v7 =	vmovc v14  }
0x1dd: {  	v20 =	vadd.f32 $6.941558120e-01, v26;
	v13 =	vsub.f32 v25, v17;
	v11 =	vmovc v27;
	v15 =	vmul.f32 v15, v21  }
.Ltmp3:
0x1de: {  	v14 =	vmul.f32 $4.235742380e-06, v8;
	v21 =	vadd.f32 $6.941558120e-01, v18;
	v18 =	vadd.f32 $6.941558120e-01, v19;
	(pc) =	sbr.rel @p0 .LBB2_8-.Ltmp3, $4  }
0x1df: {  	v19 =	vperm.xlane v28, v0;
	v22 =	vperm.xlane v28, v2;
	v15 =	vadd.f32 $6.941558120e-01, v15  }
0x1e0: {  	v17 =	vadd.f32 v20, v24;
	v23 =	vperm.xlane v28, v3;
	v20 =	vperm.xlane v28, v4  }
0x1e1: {  	v24 =	vshrl.u32 v19, v1;
	v19 =	vadd.f32 v21, v29;
	v22 =	vshrl.u32 v22, v1  }
0x1e2: {  	s20 =	sadd.s32 $0x100, s20;
	v23 =	vshrl.u32 v23, v1;
	v21 =	vand.u32 $0x1, v24;
	v22 =	vand.u32 $0x1, v22  }
0x1e3: {  	v21 =	vcvt.s32.f32 v21;
	v22 =	vcvt.s32.f32 v22  }
0x1e4: {  	v23 =	vand.u32 $0x1, v23;
	v16 =	vadd.f32 v18, v16;
	v24 =	vmul.f32 $4.235742380e-06, v11  }
0x1e5: {  	v12 =	vmin.f32 v12, $8.000000000e+00;
	v14 =	vsub.f32 $3.749179090e-05, v14;
	v20 =	vshrl.u32 v20, v1  }
0x1e6: {  	v13 =	vadd.f32 v15, v13;
	v18 =	vcvt.s32.f32 v23;
	v23 =	vmul.f32 $4.235742380e-06, v7  }
0x1e7: {  	v25 =	vmul.f32 $4.235742380e-06, v12;
	v20 =	vand.u32 $0x1, v20;
	v17 =	vmul.f32 v21, v17  }
0x1e8: {  	v21 =	vsub.f32 $3.749179090e-05, v24;
	v14 =	vmul.f32 v14, v8;
	v19 =	vmul.f32 v22, v19  }
0x1e9: {  	v20 =	vcvt.s32.f32 v20;
	v23 =	vsub.f32 $3.749179090e-05, v23;
	v22 =	vsub.f32 $3.749179090e-05, v25  }
0x1ea: {  	v16 =	vmul.f32 v18, v16;
	v21 =	vmul.f32 v21, v11;
	v14 =	vadd.f32 $1.101661820e-03, v14  }
0x1eb: {  	[tilespmem:s18+$0x16000] =	vst v17;
	v23 =	vmul.f32 v23, v7;
	v15 =	vmul.f32 v22, v12  }
0x1ec: {  	v13 =	vmul.f32 v20, v13;
	v22 =	vld [tilespmem:s17+$0xC000];
	[tilespmem:s18+$0x16010] =	vst v19;
	v21 =	vadd.f32 $1.101661820e-03, v21;
	v14 =	vmul.f32 v14, v8  }
0x1ed: {  	v18 =	vld [tilespmem:s17+$0xC010];
	[tilespmem:s18+$0x16020] =	vst v16;
	v17 =	vadd.f32 $1.101661820e-03, v23;
	v15 =	vadd.f32 $1.101661820e-03, v15  }
0x1ee: {  	[tilespmem:s18+$0x16030] =	vst v13;
	v19 =	vmul.f32 v21, v11;
	v14 =	vadd.f32 $-2.154708280e-02, v14  }
0x1ef: {  	v20 =	vld [tilespmem:s17+$0xC020];
	v21 =	vmax.f32 v9, $0.0e+00;
	v17 =	vmul.f32 v17, v7;
	v15 =	vmul.f32 v15, v12  }
0x1f0: {  	v23 =	vld [tilespmem:s17+$0xC030];
	v13 =	vadd.f32 $-2.154708280e-02, v19;
	v14 =	vmul.f32 v14, v8;
	v19 =	vmax.f32 v6, $0.0e+00  }
0x1f1: {  	v16 =	vadd.f32 $-2.154708280e-02, v17;
	v17 =	vmax.f32 v5, $0.0e+00;
	v5 =	vmul.f32 v22, v5  }
0x1f2: {  	v15 =	vadd.f32 $-2.154708280e-02, v15;
	v6 =	vmul.f32 v18, v6;
	v13 =	vmul.f32 v13, v11  }
0x1f3: {  	v18 =	vmax.f32 v10, $0.0e+00;
	v14 =	vadd.f32 $1.533370610e-01, v14;
	v16 =	vmul.f32 v16, v7  }
0x1f4: {  	s20 =	sadd.s32 $0x10, s19;
	v9 =	vmul.f32 v20, v9;
	v15 =	vmul.f32 v15, v12;
	v13 =	vadd.f32 $1.533370610e-01, v13  }
0x1f5: {  	v10 =	vmul.f32 v23, v10;
	v20 =	vld [tilespmem:s20+$0x0];
	v14 =	vmul.f32 v14, v8;
	v16 =	vadd.f32 $1.533370610e-01, v16  }
0x1f6: {  	v5 =	vsub.f32 v17, v5;
	v15 =	vadd.f32 $1.533370610e-01, v15;
	v13 =	vmul.f32 v13, v11  }
0x1f7: {  	v6 =	vsub.f32 v19, v6;
	v14 =	vadd.f32 $-5.132922530e-01, v14;
	v16 =	vmul.f32 v16, v7  }
0x1f8: {  	v9 =	vsub.f32 v21, v9;
	v15 =	vmul.f32 v15, v12;
	v13 =	vadd.f32 $-5.132922530e-01, v13  }
0x1f9: {  	v10 =	vsub.f32 v18, v10;
	v8 =	vmul.f32 v14, v8;
	v16 =	vadd.f32 $-5.132922530e-01, v16  }
0x1fa: {  	v14 =	vadd.f32 $-5.132922530e-01, v15;
	v15 =	vperm.xlane v20, v4;
	v11 =	vmul.f32 v13, v11  }
0x1fb: {  	v8 =	vadd.f32 $6.941558120e-01, v8;
	v13 =	vperm.xlane v20, v0;
	v7 =	vmul.f32 v16, v7  }
0x1fc: {  	v12 =	vmul.f32 v14, v12;
	v14 =	vperm.xlane v20, v2;
	v11 =	vadd.f32 $6.941558120e-01, v11  }
0x1fd: {  	v5 =	vadd.f32 v8, v5;
	v8 =	vperm.xlane v20, v3;
	v7 =	vadd.f32 $6.941558120e-01, v7  }
0x1fe: {  	v13 =	vshrl.u32 v13, v1;
	v12 =	vadd.f32 $6.941558120e-01, v12;
	v14 =	vshrl.u32 v14, v1  }
0x1ff: {  	v8 =	vshrl.u32 v8, v1;
	v6 =	vadd.f32 v7, v6;
	v7 =	vand.u32 $0x1, v13  }
0x200: {  	v9 =	vadd.f32 v11, v9;
	v13 =	vand.u32 $0x1, v14;
	v7 =	vcvt.s32.f32 v7  }
0x201: {  	v11 =	vshrl.u32 v15, v1;
	v8 =	vand.u32 $0x1, v8;
	v13 =	vcvt.s32.f32 v13  }
0x202: {  	v8 =	vcvt.s32.f32 v8;
	v5 =	vmul.f32 v7, v5;
	v7 =	vand.u32 $0x1, v11  }
0x203: {  	v10 =	vadd.f32 v12, v10;
	v6 =	vmul.f32 v13, v6;
	v7 =	vcvt.s32.f32 v7  }
0x204: {  	v8 =	vmul.f32 v8, v9;
	[tilespmem:s17+$0x16000] =	vst v5  }
0x205: {  	[tilespmem:s17+$0x16010] =	vst v6;
	v5 =	vmul.f32 v7, v10  }
0x206: {  	[tilespmem:s17+$0x16020] =	vst v8  }
0x207: {  	s19 =	simm.s32 $0x0;
	[tilespmem:s17+$0x16030] =	vst v5  }
0x208: {  	[hbm4b:s21+s19] =	stream.linear.scatter [tilespmem:s13], [sflag:$0x4], $0x4000, $0x38;
	[tilespmem:$0x1A000] =	vst v63  }
0x209: {  	_ = 	snop  }
0x20a: {  	[tilespmem:s6], [sflag:$0x2] =	stream.linear.gather [hbm4b:s25+s19], $0x4000, $0x38;
	[tilespmem:$0x1A000] =	vst v63  }
0x20b: {  	_ = 	snop  }
0x20c: {  	[tilespmem:s7], [sflag:$0x2] =	stream.linear.gather [hbm4b:s26+s19], $0x4000, $0x38;
	[tilespmem:$0x1A000] =	vst v63  }
0x20d: {  	s20 =	rddreg [dreg:$0xd]  }
0x20e: {  	[tilespmem:s8], [sflag:$0x2] =	stream.linear.gather [hbm4b:s20+s19], $0x1000, $0x38;
	[tilespmem:$0x1A000] =	vst v63  }
0x20f: {  	_ =	swait.ge [sflag:s9], $0x4000  }
0x210: {  	[sflag:s9] =	ssyncset.done $0x0  }
0x211: {  	[sflag:s9] =	ssyncadd.s32 $0xFFFFC000  }
0x212: {  	_ =	swait.ge [sflag:s9], $0x4000  }
0x213: {  	[sflag:s9] =	ssyncset.done $0x0  }
0x214: {  	[sflag:s9] =	ssyncadd.s32 $0xFFFFC000  }
0x215: {  	_ =	swait.ge [sflag:s9], $0x1000  }
0x216: {  	[sflag:s9] =	ssyncset.done $0x0  }
0x217: {  	[sflag:s9] =	ssyncadd.s32 $0xFFFFF000  }
0x218: {  	_ =	swait.ge [sflag:s14], $0x4000  }
0x219: {  	[sflag:s14] =	ssyncset.done $0x0  }
0x21a: {  	s18 =	simm.s32 $0x0;
	[sflag:s14] =	ssyncadd.s32 $0xFFFFC000  }
0x21b: {  	v6 =	vld [tilespmem:s18+$0x0]  }
0x21c: {  	v7 =	vld [tilespmem:s18+$0x10]  }
0x21d: {  	v8 =	vld [tilespmem:s18+$0x20]  }
0x21e: {  	v11 =	vld [tilespmem:s18+$0x30];
	_ =	sdelay $0x1  }
0x21f: {  	v5 =	vand.u32 $0x7FFFFFFF, v6  }
0x220: {  	v9 =	vand.u32 $0x7FFFFFFF, v7;
	v13 =	vmin.f32 v5, $8.000000000e+00  }
0x221: {  	v10 =	vand.u32 $0x7FFFFFFF, v8;
	v14 =	vmin.f32 v9, $8.000000000e+00;
	v5 =	vmul.f32 $4.235742380e-06, v13  }
0x222: {  	v18 =	vld [tilespmem:s18+$0x8010];
	v12 =	vand.u32 $0x7FFFFFFF, v11;
	v15 =	vmin.f32 v10, $8.000000000e+00;
	v9 =	vmul.f32 $4.235742380e-06, v14  }
0x223: {  	v17 =	vmin.f32 v12, $8.000000000e+00;
	v12 =	vld [tilespmem:s18+$0x8000];
	v10 =	vmul.f32 $4.235742380e-06, v15;
	v5 =	vsub.f32 $3.749179090e-05, v5  }
0x224: {  	v19 =	vmax.f32 v6, $0.0e+00;
	v16 =	vmul.f32 $4.235742380e-06, v17;
	v9 =	vsub.f32 $3.749179090e-05, v9  }
0x225: {  	v21 =	vld [tilespmem:s18+$0x8020];
	v20 =	vmax.f32 v7, $0.0e+00;
	v10 =	vsub.f32 $3.749179090e-05, v10;
	v5 =	vmul.f32 v5, v13  }
0x226: {  	s19 =	simm.s32 $0x10000;
	v57 =	vld [tilespmem:s18+$0x8030];
	v23 =	vmax.f32 v8, $0.0e+00;
	v16 =	vsub.f32 $3.749179090e-05, v16;
	v9 =	vmul.f32 v9, v14  }
0x227: {  	v60 =	vld [tilespmem:s19+$0x0];
	v18 =	vmul.f32 v18, v7;
	v10 =	vmul.f32 v10, v15;
	v22 =	vadd.f32 $1.101661820e-03, v5  }
0x228: {  	v16 =	vmul.f32 v16, v17;
	v58 =	vmul.f32 v12, v6;
	v12 =	vadd.f32 $1.101661820e-03, v9  }
0x229: {  	s17 =	simm.s32 $0x40;
	v26 =	vmax.f32 v11, $0.0e+00;
	v10 =	vadd.f32 $1.101661820e-03, v10;
	v22 =	vmul.f32 v22, v13  }
0x22a: {  	v21 =	vmul.f32 v21, v8;
	v5 =	vld [tilespmem:s17+$0x0];
	v7 =	vadd.f32 $1.101661820e-03, v16;
	v12 =	vmul.f32 v12, v14  }
0x22b: {  	v24 =	vmul.f32 v57, v11;
	v6 =	vld [tilespmem:s17+$0x10];
	v16 =	vmul.f32 v10, v15;
	v22 =	vadd.f32 $-2.154708280e-02, v22  }
0x22c: {  	v62 =	vperm.xlane v60, v2;
	v7 =	vmul.f32 v7, v17;
	v8 =	vadd.f32 $-2.154708280e-02, v12  }
0x22d: {  	v63 =	vperm.xlane v60, v3;
	v12 =	vadd.f32 $-2.154708280e-02, v16;
	v16 =	vmul.f32 v22, v13  }
0x22e: {  	v61 =	vsub.f32 v20, v18;
	v9 =	vld [tilespmem:s17+$0x20];
	v7 =	vadd.f32 $-2.154708280e-02, v7;
	v8 =	vmul.f32 v8, v14  }
0x22f: {  	v11 =	vand.u32 $0x7FFFFFFF, v5;
	v27 =	vmul.f32 v12, v15;
	v16 =	vadd.f32 $1.533370610e-01, v16  }
0x230: {  	v10 =	vld [tilespmem:s17+$0x30];
	v22 =	vand.u32 $0x7FFFFFFF, v6;
	v7 =	vmul.f32 v7, v17;
	v29 =	vadd.f32 $1.533370610e-01, v8  }
0x231: {  	v27 =	vadd.f32 $1.533370610e-01, v27;
	v8 =	vmin.f32 v11, $8.000000000e+00;
	v11 =	vmul.f32 v16, v13  }
0x232: {  	v16 =	vadd.f32 $1.533370610e-01, v7;
	v7 =	vmin.f32 v22, $8.000000000e+00;
	v22 =	vmul.f32 v29, v14  }
0x233: {  	v19 =	vsub.f32 v19, v58;
	v28 =	vand.u32 $0x7FFFFFFF, v9;
	v27 =	vmul.f32 v27, v15  }
0x234: {  	v59 =	vadd.f32 $-5.132922530e-01, v11;
	v16 =	vmul.f32 v16, v17;
	v22 =	vadd.f32 $-5.132922530e-01, v22  }
0x235: {  	v12 =	vand.u32 $0x7FFFFFFF, v10;
	v11 =	vmin.f32 v28, $8.000000000e+00;
	v27 =	vadd.f32 $-5.132922530e-01, v27  }
0x236: {  	v13 =	vmul.f32 v59, v13;
	v18 =	vadd.f32 $-5.132922530e-01, v16;
	v20 =	vmul.f32 v22, v14  }
0x237: {  	v15 =	vmul.f32 v27, v15;
	v16 =	vsub.f32 v23, v21;
	v14 =	vmul.f32 $4.235742380e-06, v8  }
0x238: {  	v21 =	vadd.f32 $6.941558120e-01, v13;
	v17 =	vmul.f32 v18, v17;
	v13 =	vsub.f32 v26, v24  }
0x239: {  	v23 =	vperm.xlane v60, v0;
	v22 =	vadd.f32 $6.941558120e-01, v20;
	v18 =	vadd.f32 $6.941558120e-01, v15  }
0x23a: {  	v20 =	vperm.xlane v60, v4;
	v15 =	vadd.f32 $6.941558120e-01, v17;
	v17 =	vadd.f32 v21, v19  }
0x23b: {  	v21 =	vshrl.u32 v23, v1;
	v19 =	vadd.f32 v22, v61;
	v22 =	vshrl.u32 v62, v1  }
0x23c: {  	s20 =	simm.s32 $0x200;
	v23 =	vshrl.u32 v63, v1;
	v21 =	vand.u32 $0x1, v21;
	v22 =	vand.u32 $0x1, v22  }
.LBB2_10:
0x23d: {  	p0 =	sne.s32 s20, $0xFF00;
	v21 =	vcvt.s32.f32 v21;
	v22 =	vcvt.s32.f32 v22;
	v23 =	vand.u32 $0x1, v23  }
0x23e: {  	v16 =	vadd.f32 v18, v16;
	v20 =	vshrl.u32 v20, v1;
	v18 =	vcvt.s32.f32 v23  }
0x23f: {  	v20 =	vand.u32 $0x1, v20;
	v17 =	vmul.f32 v21, v17;
	v19 =	vmul.f32 v22, v19  }
0x240: {  	v13 =	vadd.f32 v15, v13;
	v15 =	vcvt.s32.f32 v20;
	v16 =	vmul.f32 v18, v16  }
0x241: {  	v20 =	vmul.f32 $4.235742380e-06, v11;
	v21 =	vmin.f32 v12, $8.000000000e+00;
	v18 =	vmul.f32 $4.235742380e-06, v7;
	[tilespmem:s18+$0x12000] =	vst v17  }
0x242: {  	v14 =	vsub.f32 $3.749179090e-05, v14;
	v17 =	vmul.f32 $4.235742380e-06, v21;
	v13 =	vmul.f32 v15, v13;
	v12 =	vld [tilespmem:s17+$0x8000];
	[tilespmem:s18+$0x12010] =	vst v19  }
0x243: {  	v18 =	vsub.f32 $3.749179090e-05, v18;
	v19 =	vsub.f32 $3.749179090e-05, v20;
	v15 =	vld [tilespmem:s17+$0x8010];
	[tilespmem:s18+$0x12020] =	vst v16  }
0x244: {  	v14 =	vmul.f32 v14, v8;
	v16 =	vmax.f32 v5, $0.0e+00;
	v17 =	vsub.f32 $3.749179090e-05, v17;
	[tilespmem:s18+$0x12030] =	vst v13;
	s18 =	smov.u32 s17  }
0x245: {  	v13 =	vmul.f32 v18, v7;
	v18 =	vmax.f32 v6, $0.0e+00;
	v19 =	vmul.f32 v19, v11;
	v20 =	vld [tilespmem:s18+$0x8020]  }
0x246: {  	v22 =	vmax.f32 v9, $0.0e+00;
	v14 =	vadd.f32 $1.101661820e-03, v14;
	s17 =	sshra.s32 s20, $0x2;
	v17 =	vmul.f32 v17, v21;
	v23 =	vld [tilespmem:s18+$0x8030]  }
0x247: {  	v24 =	vmul.f32 v12, v5;
	v5 =	vld [tilespmem:s17+$0x0];
	v12 =	vadd.f32 $1.101661820e-03, v13;
	v13 =	vadd.f32 $1.101661820e-03, v19  }
0x248: {  	v14 =	vmul.f32 v14, v8;
	v17 =	vadd.f32 $1.101661820e-03, v17;
	v15 =	vmul.f32 v15, v6;
	v6 =	vld [tilespmem:s17+$0x10]  }
0x249: {  	v25 =	vmax.f32 v10, $0.0e+00;
	v19 =	vld [tilespmem:s17+$0x20];
	v12 =	vmul.f32 v12, v7;
	v13 =	vmul.f32 v13, v11  }
0x24a: {  	v14 =	vadd.f32 $-2.154708280e-02, v14;
	v26 =	vld [tilespmem:s17+$0x30];
	v20 =	vmul.f32 v20, v9;
	v9 =	vmul.f32 v17, v21  }
0x24b: {  	v12 =	vadd.f32 $-2.154708280e-02, v12;
	v13 =	vadd.f32 $-2.154708280e-02, v13;
	v17 =	vmul.f32 v23, v10  }
0x24c: {  	v32 =	vmul.f32 v14, v8;
	v23 =	vand.u32 $0x7FFFFFFF, v5;
	v31 =	vadd.f32 $-2.154708280e-02, v9  }
0x24d: {  	v14 =	vand.u32 $0x7FFFFFFF, v6;
	v27 =	vmul.f32 v12, v7;
	v13 =	vmul.f32 v13, v11  }
0x24e: {  	v29 =	vadd.f32 $1.533370610e-01, v32;
	v28 =	vand.u32 $0x7FFFFFFF, v19;
	v30 =	vmul.f32 v31, v21;
	v9 =	vmovc v19  }
0x24f: {  	v12 =	vand.u32 $0x7FFFFFFF, v26;
	v19 =	vadd.f32 $1.533370610e-01, v27;
	v13 =	vadd.f32 $1.533370610e-01, v13;
	v10 =	vmovc v26  }
0x250: {  	v23 =	vmin.f32 v23, $8.000000000e+00;
	v26 =	vmul.f32 v29, v8;
	v27 =	vadd.f32 $1.533370610e-01, v30  }
0x251: {  	v14 =	vmin.f32 v14, $8.000000000e+00;
	v19 =	vmul.f32 v19, v7;
	v13 =	vmul.f32 v13, v11  }
0x252: {  	s19 =	sadd.s32 $0x10, s19;
	v24 =	vsub.f32 v16, v24;
	v26 =	vadd.f32 $-5.132922530e-01, v26;
	v16 =	vmul.f32 v27, v21  }
0x253: {  	v27 =	vmin.f32 v28, $8.000000000e+00;
	v28 =	vld [tilespmem:s19+$0x0];
	v19 =	vadd.f32 $-5.132922530e-01, v19;
	v13 =	vadd.f32 $-5.132922530e-01, v13  }
0x254: {  	v29 =	vsub.f32 v18, v15;
	v26 =	vmul.f32 v26, v8;
	v8 =	vmovc v23;
	v15 =	vadd.f32 $-5.132922530e-01, v16  }
0x255: {  	v16 =	vsub.f32 v22, v20;
	v18 =	vmul.f32 v19, v7;
	v19 =	vmul.f32 v13, v11;
	v7 =	vmovc v14  }
0x256: {  	v20 =	vadd.f32 $6.941558120e-01, v26;
	v13 =	vsub.f32 v25, v17;
	v11 =	vmovc v27;
	v15 =	vmul.f32 v15, v21  }
.Ltmp4:
0x257: {  	v14 =	vmul.f32 $4.235742380e-06, v8;
	v21 =	vadd.f32 $6.941558120e-01, v18;
	v18 =	vadd.f32 $6.941558120e-01, v19;
	(pc) =	sbr.rel @p0 .LBB2_10-.Ltmp4, $4  }
0x258: {  	v19 =	vperm.xlane v28, v0;
	v22 =	vperm.xlane v28, v2;
	v15 =	vadd.f32 $6.941558120e-01, v15  }
0x259: {  	v17 =	vadd.f32 v20, v24;
	v23 =	vperm.xlane v28, v3;
	v20 =	vperm.xlane v28, v4  }
0x25a: {  	v24 =	vshrl.u32 v19, v1;
	v19 =	vadd.f32 v21, v29;
	v22 =	vshrl.u32 v22, v1  }
0x25b: {  	s20 =	sadd.s32 $0x100, s20;
	v23 =	vshrl.u32 v23, v1;
	v21 =	vand.u32 $0x1, v24;
	v22 =	vand.u32 $0x1, v22  }
0x25c: {  	v21 =	vcvt.s32.f32 v21;
	v22 =	vcvt.s32.f32 v22  }
0x25d: {  	v23 =	vand.u32 $0x1, v23;
	v16 =	vadd.f32 v18, v16;
	v24 =	vmul.f32 $4.235742380e-06, v11  }
0x25e: {  	v12 =	vmin.f32 v12, $8.000000000e+00;
	v14 =	vsub.f32 $3.749179090e-05, v14;
	v20 =	vshrl.u32 v20, v1  }
0x25f: {  	v13 =	vadd.f32 v15, v13;
	v18 =	vcvt.s32.f32 v23;
	v23 =	vmul.f32 $4.235742380e-06, v7  }
0x260: {  	v25 =	vmul.f32 $4.235742380e-06, v12;
	v20 =	vand.u32 $0x1, v20;
	v17 =	vmul.f32 v21, v17  }
0x261: {  	v21 =	vsub.f32 $3.749179090e-05, v24;
	v14 =	vmul.f32 v14, v8;
	v19 =	vmul.f32 v22, v19  }
0x262: {  	v20 =	vcvt.s32.f32 v20;
	v23 =	vsub.f32 $3.749179090e-05, v23;
	v22 =	vsub.f32 $3.749179090e-05, v25  }
0x263: {  	v16 =	vmul.f32 v18, v16;
	v21 =	vmul.f32 v21, v11;
	v14 =	vadd.f32 $1.101661820e-03, v14  }
0x264: {  	[tilespmem:s18+$0x12000] =	vst v17;
	v23 =	vmul.f32 v23, v7;
	v15 =	vmul.f32 v22, v12  }
0x265: {  	v13 =	vmul.f32 v20, v13;
	v22 =	vld [tilespmem:s17+$0x8000];
	[tilespmem:s18+$0x12010] =	vst v19;
	v21 =	vadd.f32 $1.101661820e-03, v21;
	v14 =	vmul.f32 v14, v8  }
0x266: {  	v18 =	vld [tilespmem:s17+$0x8010];
	[tilespmem:s18+$0x12020] =	vst v16;
	v17 =	vadd.f32 $1.101661820e-03, v23;
	v15 =	vadd.f32 $1.101661820e-03, v15  }
0x267: {  	[tilespmem:s18+$0x12030] =	vst v13;
	v19 =	vmul.f32 v21, v11;
	v14 =	vadd.f32 $-2.154708280e-02, v14  }
0x268: {  	v20 =	vld [tilespmem:s17+$0x8020];
	v21 =	vmax.f32 v9, $0.0e+00;
	v17 =	vmul.f32 v17, v7;
	v15 =	vmul.f32 v15, v12  }
0x269: {  	v23 =	vld [tilespmem:s17+$0x8030];
	v13 =	vadd.f32 $-2.154708280e-02, v19;
	v14 =	vmul.f32 v14, v8;
	v19 =	vmax.f32 v6, $0.0e+00  }
0x26a: {  	v16 =	vadd.f32 $-2.154708280e-02, v17;
	v17 =	vmax.f32 v5, $0.0e+00;
	v5 =	vmul.f32 v22, v5  }
0x26b: {  	v15 =	vadd.f32 $-2.154708280e-02, v15;
	v6 =	vmul.f32 v18, v6;
	v13 =	vmul.f32 v13, v11  }
0x26c: {  	v18 =	vmax.f32 v10, $0.0e+00;
	v14 =	vadd.f32 $1.533370610e-01, v14;
	v16 =	vmul.f32 v16, v7  }
0x26d: {  	s20 =	sadd.s32 $0x10, s19;
	v9 =	vmul.f32 v20, v9;
	v15 =	vmul.f32 v15, v12;
	v13 =	vadd.f32 $1.533370610e-01, v13  }
0x26e: {  	v10 =	vmul.f32 v23, v10;
	v20 =	vld [tilespmem:s20+$0x0];
	v14 =	vmul.f32 v14, v8;
	v16 =	vadd.f32 $1.533370610e-01, v16  }
0x26f: {  	v5 =	vsub.f32 v17, v5;
	v15 =	vadd.f32 $1.533370610e-01, v15;
	v13 =	vmul.f32 v13, v11  }
0x270: {  	v6 =	vsub.f32 v19, v6;
	v14 =	vadd.f32 $-5.132922530e-01, v14;
	v16 =	vmul.f32 v16, v7  }
0x271: {  	v9 =	vsub.f32 v21, v9;
	v15 =	vmul.f32 v15, v12;
	v13 =	vadd.f32 $-5.132922530e-01, v13  }
0x272: {  	v10 =	vsub.f32 v18, v10;
	v8 =	vmul.f32 v14, v8;
	v16 =	vadd.f32 $-5.132922530e-01, v16  }
0x273: {  	v14 =	vadd.f32 $-5.132922530e-01, v15;
	v15 =	vperm.xlane v20, v4;
	v11 =	vmul.f32 v13, v11  }
0x274: {  	v8 =	vadd.f32 $6.941558120e-01, v8;
	v13 =	vperm.xlane v20, v0;
	v7 =	vmul.f32 v16, v7  }
0x275: {  	v12 =	vmul.f32 v14, v12;
	v14 =	vperm.xlane v20, v2;
	v11 =	vadd.f32 $6.941558120e-01, v11  }
0x276: {  	v5 =	vadd.f32 v8, v5;
	v8 =	vperm.xlane v20, v3;
	v7 =	vadd.f32 $6.941558120e-01, v7  }
0x277: {  	v13 =	vshrl.u32 v13, v1;
	v12 =	vadd.f32 $6.941558120e-01, v12;
	v14 =	vshrl.u32 v14, v1  }
0x278: {  	v8 =	vshrl.u32 v8, v1;
	v6 =	vadd.f32 v7, v6;
	v7 =	vand.u32 $0x1, v13  }
0x279: {  	v9 =	vadd.f32 v11, v9;
	v13 =	vand.u32 $0x1, v14;
	v7 =	vcvt.s32.f32 v7  }
0x27a: {  	v11 =	vshrl.u32 v15, v1;
	v8 =	vand.u32 $0x1, v8;
	v13 =	vcvt.s32.f32 v13  }
0x27b: {  	v8 =	vcvt.s32.f32 v8;
	v5 =	vmul.f32 v7, v5;
	v7 =	vand.u32 $0x1, v11  }
0x27c: {  	v10 =	vadd.f32 v12, v10;
	v6 =	vmul.f32 v13, v6;
	v7 =	vcvt.s32.f32 v7  }
0x27d: {  	v8 =	vmul.f32 v8, v9;
	[tilespmem:s17+$0x12000] =	vst v5  }
0x27e: {  	[tilespmem:s17+$0x12010] =	vst v6;
	v5 =	vmul.f32 v7, v10  }
0x27f: {  	[tilespmem:s17+$0x12020] =	vst v8  }
0x280: {  	s19 =	simm.s32 $0x0;
	[tilespmem:s17+$0x12030] =	vst v5  }
0x281: {  	[hbm4b:s24+s19] =	stream.linear.scatter [tilespmem:s10], [sflag:$0x3], $0x4000, $0x38;
	[tilespmem:$0x1A000] =	vst v63  }
0x282: {  	_ = 	snop  }
0x283: {  	[tilespmem:s19], [sflag:$0x1] =	stream.linear.gather [hbm4b:s30+s19], $0x4000, $0x38;
	[tilespmem:$0x1A000] =	vst v63  }
0x284: {  	_ = 	snop  }
0x285: {  	[tilespmem:s5], [sflag:$0x1] =	stream.linear.gather [hbm4b:s29+s19], $0x4000, $0x38;
	[tilespmem:$0x1A000] =	vst v63  }
0x286: {  	s20 =	rddreg [dreg:$0xe]  }
0x287: {  	[tilespmem:s11], [sflag:$0x1] =	stream.linear.gather [hbm4b:s20+s19], $0x1000, $0x38;
	[tilespmem:$0x1A000] =	vst v63  }
0x288: {  	_ =	swait.ge [sflag:s12], $0x4000  }
0x289: {  	[sflag:s12] =	ssyncset.done $0x0  }
0x28a: {  	[sflag:s12] =	ssyncadd.s32 $0xFFFFC000  }
0x28b: {  	_ =	swait.ge [sflag:s12], $0x4000  }
0x28c: {  	[sflag:s12] =	ssyncset.done $0x0  }
0x28d: {  	[sflag:s12] =	ssyncadd.s32 $0xFFFFC000  }
0x28e: {  	_ =	swait.ge [sflag:s12], $0x1000  }
0x28f: {  	[sflag:s12] =	ssyncset.done $0x0  }
0x290: {  	[sflag:s12] =	ssyncadd.s32 $0xFFFFF000  }
0x291: {  	_ =	swait.ge [sflag:s15], $0x4000  }
0x292: {  	[sflag:s15] =	ssyncset.done $0x0  }
0x293: {  	s18 =	simm.s32 $0x0;
	[sflag:s15] =	ssyncadd.s32 $0xFFFFC000  }
0x294: {  	v6 =	vld [tilespmem:s18+$0x4000]  }
0x295: {  	v7 =	vld [tilespmem:s18+$0x4010]  }
0x296: {  	v8 =	vld [tilespmem:s18+$0x4020]  }
0x297: {  	v11 =	vld [tilespmem:s18+$0x4030];
	_ =	sdelay $0x1  }
0x298: {  	v5 =	vand.u32 $0x7FFFFFFF, v6  }
0x299: {  	v9 =	vand.u32 $0x7FFFFFFF, v7;
	v13 =	vmin.f32 v5, $8.000000000e+00  }
0x29a: {  	v10 =	vand.u32 $0x7FFFFFFF, v8;
	v14 =	vmin.f32 v9, $8.000000000e+00;
	v5 =	vmul.f32 $4.235742380e-06, v13  }
0x29b: {  	v18 =	vld [tilespmem:s18+$0xC010];
	v12 =	vand.u32 $0x7FFFFFFF, v11;
	v15 =	vmin.f32 v10, $8.000000000e+00;
	v9 =	vmul.f32 $4.235742380e-06, v14  }
0x29c: {  	v17 =	vmin.f32 v12, $8.000000000e+00;
	v12 =	vld [tilespmem:s18+$0xC000];
	v10 =	vmul.f32 $4.235742380e-06, v15;
	v5 =	vsub.f32 $3.749179090e-05, v5  }
0x29d: {  	v19 =	vmax.f32 v6, $0.0e+00;
	v16 =	vmul.f32 $4.235742380e-06, v17;
	v9 =	vsub.f32 $3.749179090e-05, v9  }
0x29e: {  	v21 =	vld [tilespmem:s18+$0xC020];
	v20 =	vmax.f32 v7, $0.0e+00;
	v10 =	vsub.f32 $3.749179090e-05, v10;
	v5 =	vmul.f32 v5, v13  }
0x29f: {  	s19 =	simm.s32 $0x11000;
	v57 =	vld [tilespmem:s18+$0xC030];
	v23 =	vmax.f32 v8, $0.0e+00;
	v16 =	vsub.f32 $3.749179090e-05, v16;
	v9 =	vmul.f32 v9, v14  }
0x2a0: {  	v60 =	vld [tilespmem:s19+$0x0];
	v18 =	vmul.f32 v18, v7;
	v10 =	vmul.f32 v10, v15;
	v22 =	vadd.f32 $1.101661820e-03, v5  }
0x2a1: {  	v16 =	vmul.f32 v16, v17;
	v58 =	vmul.f32 v12, v6;
	v12 =	vadd.f32 $1.101661820e-03, v9  }
0x2a2: {  	s17 =	simm.s32 $0x40;
	v26 =	vmax.f32 v11, $0.0e+00;
	v10 =	vadd.f32 $1.101661820e-03, v10;
	v22 =	vmul.f32 v22, v13  }
0x2a3: {  	v21 =	vmul.f32 v21, v8;
	v5 =	vld [tilespmem:s17+$0x4000];
	v7 =	vadd.f32 $1.101661820e-03, v16;
	v12 =	vmul.f32 v12, v14  }
0x2a4: {  	v24 =	vmul.f32 v57, v11;
	v6 =	vld [tilespmem:s17+$0x4010];
	v16 =	vmul.f32 v10, v15;
	v22 =	vadd.f32 $-2.154708280e-02, v22  }
0x2a5: {  	v62 =	vperm.xlane v60, v2;
	v7 =	vmul.f32 v7, v17;
	v8 =	vadd.f32 $-2.154708280e-02, v12  }
0x2a6: {  	v63 =	vperm.xlane v60, v3;
	v12 =	vadd.f32 $-2.154708280e-02, v16;
	v16 =	vmul.f32 v22, v13  }
0x2a7: {  	v61 =	vsub.f32 v20, v18;
	v9 =	vld [tilespmem:s17+$0x4020];
	v7 =	vadd.f32 $-2.154708280e-02, v7;
	v8 =	vmul.f32 v8, v14  }
0x2a8: {  	v11 =	vand.u32 $0x7FFFFFFF, v5;
	v27 =	vmul.f32 v12, v15;
	v16 =	vadd.f32 $1.533370610e-01, v16  }
0x2a9: {  	v10 =	vld [tilespmem:s17+$0x4030];
	v22 =	vand.u32 $0x7FFFFFFF, v6;
	v7 =	vmul.f32 v7, v17;
	v29 =	vadd.f32 $1.533370610e-01, v8  }
0x2aa: {  	v27 =	vadd.f32 $1.533370610e-01, v27;
	v8 =	vmin.f32 v11, $8.000000000e+00;
	v11 =	vmul.f32 v16, v13  }
0x2ab: {  	v16 =	vadd.f32 $1.533370610e-01, v7;
	v7 =	vmin.f32 v22, $8.000000000e+00;
	v22 =	vmul.f32 v29, v14  }
0x2ac: {  	v19 =	vsub.f32 v19, v58;
	v28 =	vand.u32 $0x7FFFFFFF, v9;
	v27 =	vmul.f32 v27, v15  }
0x2ad: {  	v59 =	vadd.f32 $-5.132922530e-01, v11;
	v16 =	vmul.f32 v16, v17;
	v22 =	vadd.f32 $-5.132922530e-01, v22  }
0x2ae: {  	v12 =	vand.u32 $0x7FFFFFFF, v10;
	v11 =	vmin.f32 v28, $8.000000000e+00;
	v27 =	vadd.f32 $-5.132922530e-01, v27  }
0x2af: {  	v13 =	vmul.f32 v59, v13;
	v18 =	vadd.f32 $-5.132922530e-01, v16;
	v20 =	vmul.f32 v22, v14  }
0x2b0: {  	v15 =	vmul.f32 v27, v15;
	v16 =	vsub.f32 v23, v21;
	v14 =	vmul.f32 $4.235742380e-06, v8  }
0x2b1: {  	v21 =	vadd.f32 $6.941558120e-01, v13;
	v17 =	vmul.f32 v18, v17;
	v13 =	vsub.f32 v26, v24  }
0x2b2: {  	v23 =	vperm.xlane v60, v0;
	v22 =	vadd.f32 $6.941558120e-01, v20;
	v18 =	vadd.f32 $6.941558120e-01, v15  }
0x2b3: {  	v20 =	vperm.xlane v60, v4;
	v15 =	vadd.f32 $6.941558120e-01, v17;
	v17 =	vadd.f32 v21, v19  }
0x2b4: {  	v21 =	vshrl.u32 v23, v1;
	v19 =	vadd.f32 v22, v61;
	v22 =	vshrl.u32 v62, v1  }
0x2b5: {  	s20 =	simm.s32 $0x200;
	v23 =	vshrl.u32 v63, v1;
	v21 =	vand.u32 $0x1, v21;
	v22 =	vand.u32 $0x1, v22  }
.LBB2_12:
0x2b6: {  	p0 =	sne.s32 s20, $0xFF00;
	v21 =	vcvt.s32.f32 v21;
	v22 =	vcvt.s32.f32 v22;
	v23 =	vand.u32 $0x1, v23  }
0x2b7: {  	v16 =	vadd.f32 v18, v16;
	v20 =	vshrl.u32 v20, v1;
	v18 =	vcvt.s32.f32 v23  }
0x2b8: {  	v20 =	vand.u32 $0x1, v20;
	v17 =	vmul.f32 v21, v17;
	v19 =	vmul.f32 v22, v19  }
0x2b9: {  	v13 =	vadd.f32 v15, v13;
	v15 =	vcvt.s32.f32 v20;
	v16 =	vmul.f32 v18, v16  }
0x2ba: {  	v20 =	vmul.f32 $4.235742380e-06, v11;
	v21 =	vmin.f32 v12, $8.000000000e+00;
	v18 =	vmul.f32 $4.235742380e-06, v7;
	[tilespmem:s18+$0x16000] =	vst v17  }
0x2bb: {  	v14 =	vsub.f32 $3.749179090e-05, v14;
	v17 =	vmul.f32 $4.235742380e-06, v21;
	v13 =	vmul.f32 v15, v13;
	v12 =	vld [tilespmem:s17+$0xC000];
	[tilespmem:s18+$0x16010] =	vst v19  }
0x2bc: {  	v18 =	vsub.f32 $3.749179090e-05, v18;
	v19 =	vsub.f32 $3.749179090e-05, v20;
	v15 =	vld [tilespmem:s17+$0xC010];
	[tilespmem:s18+$0x16020] =	vst v16  }
0x2bd: {  	v14 =	vmul.f32 v14, v8;
	v16 =	vmax.f32 v5, $0.0e+00;
	v17 =	vsub.f32 $3.749179090e-05, v17;
	[tilespmem:s18+$0x16030] =	vst v13;
	s18 =	smov.u32 s17  }
0x2be: {  	v13 =	vmul.f32 v18, v7;
	v18 =	vmax.f32 v6, $0.0e+00;
	v19 =	vmul.f32 v19, v11;
	v20 =	vld [tilespmem:s18+$0xC020]  }
0x2bf: {  	v22 =	vmax.f32 v9, $0.0e+00;
	v14 =	vadd.f32 $1.101661820e-03, v14;
	s17 =	sshra.s32 s20, $0x2;
	v17 =	vmul.f32 v17, v21;
	v23 =	vld [tilespmem:s18+$0xC030]  }
0x2c0: {  	v24 =	vmul.f32 v12, v5;
	v5 =	vld [tilespmem:s17+$0x4000];
	v12 =	vadd.f32 $1.101661820e-03, v13;
	v13 =	vadd.f32 $1.101661820e-03, v19  }
0x2c1: {  	v14 =	vmul.f32 v14, v8;
	v17 =	vadd.f32 $1.101661820e-03, v17;
	v15 =	vmul.f32 v15, v6;
	v6 =	vld [tilespmem:s17+$0x4010]  }
0x2c2: {  	v25 =	vmax.f32 v10, $0.0e+00;
	v19 =	vld [tilespmem:s17+$0x4020];
	v12 =	vmul.f32 v12, v7;
	v13 =	vmul.f32 v13, v11  }
0x2c3: {  	v14 =	vadd.f32 $-2.154708280e-02, v14;
	v26 =	vld [tilespmem:s17+$0x4030];
	v20 =	vmul.f32 v20, v9;
	v9 =	vmul.f32 v17, v21  }
0x2c4: {  	v12 =	vadd.f32 $-2.154708280e-02, v12;
	v13 =	vadd.f32 $-2.154708280e-02, v13;
	v17 =	vmul.f32 v23, v10  }
0x2c5: {  	v32 =	vmul.f32 v14, v8;
	v23 =	vand.u32 $0x7FFFFFFF, v5;
	v31 =	vadd.f32 $-2.154708280e-02, v9  }
0x2c6: {  	v14 =	vand.u32 $0x7FFFFFFF, v6;
	v27 =	vmul.f32 v12, v7;
	v13 =	vmul.f32 v13, v11  }
0x2c7: {  	v29 =	vadd.f32 $1.533370610e-01, v32;
	v28 =	vand.u32 $0x7FFFFFFF, v19;
	v30 =	vmul.f32 v31, v21;
	v9 =	vmovc v19  }
0x2c8: {  	v12 =	vand.u32 $0x7FFFFFFF, v26;
	v19 =	vadd.f32 $1.533370610e-01, v27;
	v13 =	vadd.f32 $1.533370610e-01, v13;
	v10 =	vmovc v26  }
0x2c9: {  	v23 =	vmin.f32 v23, $8.000000000e+00;
	v26 =	vmul.f32 v29, v8;
	v27 =	vadd.f32 $1.533370610e-01, v30  }
0x2ca: {  	v14 =	vmin.f32 v14, $8.000000000e+00;
	v19 =	vmul.f32 v19, v7;
	v13 =	vmul.f32 v13, v11  }
0x2cb: {  	s19 =	sadd.s32 $0x10, s19;
	v24 =	vsub.f32 v16, v24;
	v26 =	vadd.f32 $-5.132922530e-01, v26;
	v16 =	vmul.f32 v27, v21  }
0x2cc: {  	v27 =	vmin.f32 v28, $8.000000000e+00;
	v28 =	vld [tilespmem:s19+$0x0];
	v19 =	vadd.f32 $-5.132922530e-01, v19;
	v13 =	vadd.f32 $-5.132922530e-01, v13  }
0x2cd: {  	v29 =	vsub.f32 v18, v15;
	v26 =	vmul.f32 v26, v8;
	v8 =	vmovc v23;
	v15 =	vadd.f32 $-5.132922530e-01, v16  }
0x2ce: {  	v16 =	vsub.f32 v22, v20;
	v18 =	vmul.f32 v19, v7;
	v19 =	vmul.f32 v13, v11;
	v7 =	vmovc v14  }
0x2cf: {  	v20 =	vadd.f32 $6.941558120e-01, v26;
	v13 =	vsub.f32 v25, v17;
	v11 =	vmovc v27;
	v15 =	vmul.f32 v15, v21  }
.Ltmp5:
0x2d0: {  	v14 =	vmul.f32 $4.235742380e-06, v8;
	v21 =	vadd.f32 $6.941558120e-01, v18;
	v18 =	vadd.f32 $6.941558120e-01, v19;
	(pc) =	sbr.rel @p0 .LBB2_12-.Ltmp5, $4  }
0x2d1: {  	v19 =	vperm.xlane v28, v0;
	v22 =	vperm.xlane v28, v2;
	v15 =	vadd.f32 $6.941558120e-01, v15  }
0x2d2: {  	v17 =	vadd.f32 v20, v24;
	v23 =	vperm.xlane v28, v3;
	v20 =	vperm.xlane v28, v4  }
0x2d3: {  	v24 =	vshrl.u32 v19, v1;
	v19 =	vadd.f32 v21, v29;
	v22 =	vshrl.u32 v22, v1  }
0x2d4: {  	s20 =	sadd.s32 $0x100, s20;
	v23 =	vshrl.u32 v23, v1;
	v21 =	vand.u32 $0x1, v24;
	v22 =	vand.u32 $0x1, v22  }
0x2d5: {  	v21 =	vcvt.s32.f32 v21;
	v22 =	vcvt.s32.f32 v22  }
0x2d6: {  	v23 =	vand.u32 $0x1, v23;
	v16 =	vadd.f32 v18, v16;
	v24 =	vmul.f32 $4.235742380e-06, v11  }
0x2d7: {  	v12 =	vmin.f32 v12, $8.000000000e+00;
	v14 =	vsub.f32 $3.749179090e-05, v14;
	v20 =	vshrl.u32 v20, v1  }
0x2d8: {  	v13 =	vadd.f32 v15, v13;
	v18 =	vcvt.s32.f32 v23;
	v23 =	vmul.f32 $4.235742380e-06, v7  }
0x2d9: {  	v25 =	vmul.f32 $4.235742380e-06, v12;
	v20 =	vand.u32 $0x1, v20;
	v17 =	vmul.f32 v21, v17  }
0x2da: {  	v21 =	vsub.f32 $3.749179090e-05, v24;
	v14 =	vmul.f32 v14, v8;
	v19 =	vmul.f32 v22, v19  }
0x2db: {  	v20 =	vcvt.s32.f32 v20;
	v23 =	vsub.f32 $3.749179090e-05, v23;
	v22 =	vsub.f32 $3.749179090e-05, v25  }
0x2dc: {  	v16 =	vmul.f32 v18, v16;
	v21 =	vmul.f32 v21, v11;
	v14 =	vadd.f32 $1.101661820e-03, v14  }
0x2dd: {  	[tilespmem:s18+$0x16000] =	vst v17;
	v23 =	vmul.f32 v23, v7;
	v15 =	vmul.f32 v22, v12  }
0x2de: {  	v13 =	vmul.f32 v20, v13;
	v22 =	vld [tilespmem:s17+$0xC000];
	[tilespmem:s18+$0x16010] =	vst v19;
	v21 =	vadd.f32 $1.101661820e-03, v21;
	v14 =	vmul.f32 v14, v8  }
0x2df: {  	v18 =	vld [tilespmem:s17+$0xC010];
	[tilespmem:s18+$0x16020] =	vst v16;
	v17 =	vadd.f32 $1.101661820e-03, v23;
	v15 =	vadd.f32 $1.101661820e-03, v15  }
0x2e0: {  	[tilespmem:s18+$0x16030] =	vst v13;
	v19 =	vmul.f32 v21, v11;
	v14 =	vadd.f32 $-2.154708280e-02, v14  }
0x2e1: {  	v20 =	vld [tilespmem:s17+$0xC020];
	v21 =	vmax.f32 v9, $0.0e+00;
	v17 =	vmul.f32 v17, v7;
	v15 =	vmul.f32 v15, v12  }
0x2e2: {  	v23 =	vld [tilespmem:s17+$0xC030];
	v13 =	vadd.f32 $-2.154708280e-02, v19;
	v14 =	vmul.f32 v14, v8;
	v19 =	vmax.f32 v6, $0.0e+00  }
0x2e3: {  	v16 =	vadd.f32 $-2.154708280e-02, v17;
	v17 =	vmax.f32 v5, $0.0e+00;
	v5 =	vmul.f32 v22, v5  }
0x2e4: {  	v15 =	vadd.f32 $-2.154708280e-02, v15;
	v6 =	vmul.f32 v18, v6;
	v13 =	vmul.f32 v13, v11  }
0x2e5: {  	v18 =	vmax.f32 v10, $0.0e+00;
	v14 =	vadd.f32 $1.533370610e-01, v14;
	v16 =	vmul.f32 v16, v7  }
0x2e6: {  	s20 =	sadd.s32 $0x10, s19;
	v9 =	vmul.f32 v20, v9;
	v15 =	vmul.f32 v15, v12;
	v13 =	vadd.f32 $1.533370610e-01, v13  }
0x2e7: {  	v10 =	vmul.f32 v23, v10;
	v20 =	vld [tilespmem:s20+$0x0];
	v14 =	vmul.f32 v14, v8;
	v16 =	vadd.f32 $1.533370610e-01, v16  }
0x2e8: {  	v5 =	vsub.f32 v17, v5;
	v15 =	vadd.f32 $1.533370610e-01, v15;
	v13 =	vmul.f32 v13, v11  }
0x2e9: {  	v6 =	vsub.f32 v19, v6;
	v14 =	vadd.f32 $-5.132922530e-01, v14;
	v16 =	vmul.f32 v16, v7  }
0x2ea: {  	v9 =	vsub.f32 v21, v9;
	v15 =	vmul.f32 v15, v12;
	v13 =	vadd.f32 $-5.132922530e-01, v13  }
0x2eb: {  	v10 =	vsub.f32 v18, v10;
	v8 =	vmul.f32 v14, v8;
	v16 =	vadd.f32 $-5.132922530e-01, v16  }
0x2ec: {  	v14 =	vadd.f32 $-5.132922530e-01, v15;
	v15 =	vperm.xlane v20, v4;
	v11 =	vmul.f32 v13, v11  }
0x2ed: {  	v8 =	vadd.f32 $6.941558120e-01, v8;
	v13 =	vperm.xlane v20, v0;
	v7 =	vmul.f32 v16, v7  }
0x2ee: {  	v12 =	vmul.f32 v14, v12;
	v14 =	vperm.xlane v20, v2;
	v11 =	vadd.f32 $6.941558120e-01, v11  }
0x2ef: {  	v5 =	vadd.f32 v8, v5;
	v8 =	vperm.xlane v20, v3;
	v7 =	vadd.f32 $6.941558120e-01, v7  }
0x2f0: {  	v13 =	vshrl.u32 v13, v1;
	v12 =	vadd.f32 $6.941558120e-01, v12;
	v14 =	vshrl.u32 v14, v1  }
0x2f1: {  	v8 =	vshrl.u32 v8, v1;
	v6 =	vadd.f32 v7, v6;
	v7 =	vand.u32 $0x1, v13  }
0x2f2: {  	v9 =	vadd.f32 v11, v9;
	v13 =	vand.u32 $0x1, v14;
	v7 =	vcvt.s32.f32 v7  }
0x2f3: {  	v11 =	vshrl.u32 v15, v1;
	v8 =	vand.u32 $0x1, v8;
	v13 =	vcvt.s32.f32 v13  }
0x2f4: {  	v8 =	vcvt.s32.f32 v8;
	v5 =	vmul.f32 v7, v5;
	v7 =	vand.u32 $0x1, v11  }
0x2f5: {  	v10 =	vadd.f32 v12, v10;
	v6 =	vmul.f32 v13, v6;
	v7 =	vcvt.s32.f32 v7  }
0x2f6: {  	v8 =	vmul.f32 v8, v9;
	[tilespmem:s17+$0x16000] =	vst v5  }
0x2f7: {  	[tilespmem:s17+$0x16010] =	vst v6;
	v5 =	vmul.f32 v7, v10  }
0x2f8: {  	[tilespmem:s17+$0x16020] =	vst v8  }
0x2f9: {  	s19 =	simm.s32 $0x0;
	[tilespmem:s17+$0x16030] =	vst v5  }
0x2fa: {  	[hbm4b:s28+s19] =	stream.linear.scatter [tilespmem:s13], [sflag:$0x4], $0x4000, $0x38;
	[tilespmem:$0x1A000] =	vst v63  }
0x2fb: {  	_ = 	snop  }
0x2fc: {  	[tilespmem:s6], [sflag:$0x2] =	stream.linear.gather [hbm4b:s31+s19], $0x4000, $0x38;
	[tilespmem:$0x1A000] =	vst v63  }
0x2fd: {  	_ = 	snop  }
0x2fe: {  	[tilespmem:s7], [sflag:$0x2] =	stream.linear.gather [hbm4b:s0+s19], $0x4000, $0x38;
	[tilespmem:$0x1A000] =	vst v63  }
0x2ff: {  	s20 =	rddreg [dreg:$0xf]  }
0x300: {  	[tilespmem:s8], [sflag:$0x2] =	stream.linear.gather [hbm4b:s20+s19], $0x1000, $0x38;
	[tilespmem:$0x1A000] =	vst v63  }
0x301: {  	_ =	swait.ge [sflag:s9], $0x4000  }
0x302: {  	[sflag:s9] =	ssyncset.done $0x0  }
0x303: {  	[sflag:s9] =	ssyncadd.s32 $0xFFFFC000  }
0x304: {  	_ =	swait.ge [sflag:s9], $0x4000  }
0x305: {  	[sflag:s9] =	ssyncset.done $0x0  }
0x306: {  	[sflag:s9] =	ssyncadd.s32 $0xFFFFC000  }
0x307: {  	_ =	swait.ge [sflag:s9], $0x1000  }
0x308: {  	[sflag:s9] =	ssyncset.done $0x0  }
0x309: {  	[sflag:s9] =	ssyncadd.s32 $0xFFFFF000  }
0x30a: {  	_ =	swait.ge [sflag:s14], $0x4000  }
0x30b: {  	[sflag:s14] =	ssyncset.done $0x0  }
0x30c: {  	s18 =	simm.s32 $0x0;
	[sflag:s14] =	ssyncadd.s32 $0xFFFFC000  }
0x30d: {  	v6 =	vld [tilespmem:s18+$0x0]  }
0x30e: {  	v7 =	vld [tilespmem:s18+$0x10]  }
0x30f: {  	v8 =	vld [tilespmem:s18+$0x20]  }
0x310: {  	v11 =	vld [tilespmem:s18+$0x30];
	_ =	sdelay $0x1  }
0x311: {  	v5 =	vand.u32 $0x7FFFFFFF, v6  }
0x312: {  	v9 =	vand.u32 $0x7FFFFFFF, v7;
	v13 =	vmin.f32 v5, $8.000000000e+00  }
0x313: {  	v10 =	vand.u32 $0x7FFFFFFF, v8;
	v14 =	vmin.f32 v9, $8.000000000e+00;
	v5 =	vmul.f32 $4.235742380e-06, v13  }
0x314: {  	v18 =	vld [tilespmem:s18+$0x8010];
	v12 =	vand.u32 $0x7FFFFFFF, v11;
	v15 =	vmin.f32 v10, $8.000000000e+00;
	v9 =	vmul.f32 $4.235742380e-06, v14  }
0x315: {  	v17 =	vmin.f32 v12, $8.000000000e+00;
	v12 =	vld [tilespmem:s18+$0x8000];
	v10 =	vmul.f32 $4.235742380e-06, v15;
	v5 =	vsub.f32 $3.749179090e-05, v5  }
0x316: {  	v19 =	vmax.f32 v6, $0.0e+00;
	v16 =	vmul.f32 $4.235742380e-06, v17;
	v9 =	vsub.f32 $3.749179090e-05, v9  }
0x317: {  	v21 =	vld [tilespmem:s18+$0x8020];
	v20 =	vmax.f32 v7, $0.0e+00;
	v10 =	vsub.f32 $3.749179090e-05, v10;
	v5 =	vmul.f32 v5, v13  }
0x318: {  	s19 =	simm.s32 $0x10000;
	v57 =	vld [tilespmem:s18+$0x8030];
	v23 =	vmax.f32 v8, $0.0e+00;
	v16 =	vsub.f32 $3.749179090e-05, v16;
	v9 =	vmul.f32 v9, v14  }
0x319: {  	v60 =	vld [tilespmem:s19+$0x0];
	v18 =	vmul.f32 v18, v7;
	v10 =	vmul.f32 v10, v15;
	v22 =	vadd.f32 $1.101661820e-03, v5  }
0x31a: {  	v16 =	vmul.f32 v16, v17;
	v58 =	vmul.f32 v12, v6;
	v12 =	vadd.f32 $1.101661820e-03, v9  }
0x31b: {  	s17 =	simm.s32 $0x40;
	v26 =	vmax.f32 v11, $0.0e+00;
	v10 =	vadd.f32 $1.101661820e-03, v10;
	v22 =	vmul.f32 v22, v13  }
0x31c: {  	v21 =	vmul.f32 v21, v8;
	v5 =	vld [tilespmem:s17+$0x0];
	v7 =	vadd.f32 $1.101661820e-03, v16;
	v12 =	vmul.f32 v12, v14  }
0x31d: {  	v24 =	vmul.f32 v57, v11;
	v6 =	vld [tilespmem:s17+$0x10];
	v16 =	vmul.f32 v10, v15;
	v22 =	vadd.f32 $-2.154708280e-02, v22  }
0x31e: {  	v62 =	vperm.xlane v60, v2;
	v7 =	vmul.f32 v7, v17;
	v8 =	vadd.f32 $-2.154708280e-02, v12  }
0x31f: {  	v63 =	vperm.xlane v60, v3;
	v12 =	vadd.f32 $-2.154708280e-02, v16;
	v16 =	vmul.f32 v22, v13  }
0x320: {  	v61 =	vsub.f32 v20, v18;
	v9 =	vld [tilespmem:s17+$0x20];
	v7 =	vadd.f32 $-2.154708280e-02, v7;
	v8 =	vmul.f32 v8, v14  }
0x321: {  	v11 =	vand.u32 $0x7FFFFFFF, v5;
	v27 =	vmul.f32 v12, v15;
	v16 =	vadd.f32 $1.533370610e-01, v16  }
0x322: {  	v10 =	vld [tilespmem:s17+$0x30];
	v22 =	vand.u32 $0x7FFFFFFF, v6;
	v7 =	vmul.f32 v7, v17;
	v29 =	vadd.f32 $1.533370610e-01, v8  }
0x323: {  	v27 =	vadd.f32 $1.533370610e-01, v27;
	v8 =	vmin.f32 v11, $8.000000000e+00;
	v11 =	vmul.f32 v16, v13  }
0x324: {  	v16 =	vadd.f32 $1.533370610e-01, v7;
	v7 =	vmin.f32 v22, $8.000000000e+00;
	v22 =	vmul.f32 v29, v14  }
0x325: {  	v19 =	vsub.f32 v19, v58;
	v28 =	vand.u32 $0x7FFFFFFF, v9;
	v27 =	vmul.f32 v27, v15  }
0x326: {  	v59 =	vadd.f32 $-5.132922530e-01, v11;
	v16 =	vmul.f32 v16, v17;
	v22 =	vadd.f32 $-5.132922530e-01, v22  }
0x327: {  	v12 =	vand.u32 $0x7FFFFFFF, v10;
	v11 =	vmin.f32 v28, $8.000000000e+00;
	v27 =	vadd.f32 $-5.132922530e-01, v27  }
0x328: {  	v13 =	vmul.f32 v59, v13;
	v18 =	vadd.f32 $-5.132922530e-01, v16;
	v20 =	vmul.f32 v22, v14  }
0x329: {  	v15 =	vmul.f32 v27, v15;
	v16 =	vsub.f32 v23, v21;
	v14 =	vmul.f32 $4.235742380e-06, v8  }
0x32a: {  	v21 =	vadd.f32 $6.941558120e-01, v13;
	v17 =	vmul.f32 v18, v17;
	v13 =	vsub.f32 v26, v24  }
0x32b: {  	v23 =	vperm.xlane v60, v0;
	v22 =	vadd.f32 $6.941558120e-01, v20;
	v18 =	vadd.f32 $6.941558120e-01, v15  }
0x32c: {  	v20 =	vperm.xlane v60, v4;
	v15 =	vadd.f32 $6.941558120e-01, v17;
	v17 =	vadd.f32 v21, v19  }
0x32d: {  	v21 =	vshrl.u32 v23, v1;
	v19 =	vadd.f32 v22, v61;
	v22 =	vshrl.u32 v62, v1  }
0x32e: {  	s20 =	simm.s32 $0x200;
	v23 =	vshrl.u32 v63, v1;
	v21 =	vand.u32 $0x1, v21;
	v22 =	vand.u32 $0x1, v22  }
.LBB2_14:
0x32f: {  	p0 =	sne.s32 s20, $0xFF00;
	v21 =	vcvt.s32.f32 v21;
	v22 =	vcvt.s32.f32 v22;
	v23 =	vand.u32 $0x1, v23  }
0x330: {  	v16 =	vadd.f32 v18, v16;
	v20 =	vshrl.u32 v20, v1;
	v18 =	vcvt.s32.f32 v23  }
0x331: {  	v20 =	vand.u32 $0x1, v20;
	v17 =	vmul.f32 v21, v17;
	v19 =	vmul.f32 v22, v19  }
0x332: {  	v13 =	vadd.f32 v15, v13;
	v15 =	vcvt.s32.f32 v20;
	v16 =	vmul.f32 v18, v16  }
0x333: {  	v20 =	vmul.f32 $4.235742380e-06, v11;
	v21 =	vmin.f32 v12, $8.000000000e+00;
	v18 =	vmul.f32 $4.235742380e-06, v7;
	[tilespmem:s18+$0x12000] =	vst v17  }
0x334: {  	v14 =	vsub.f32 $3.749179090e-05, v14;
	v17 =	vmul.f32 $4.235742380e-06, v21;
	v13 =	vmul.f32 v15, v13;
	v12 =	vld [tilespmem:s17+$0x8000];
	[tilespmem:s18+$0x12010] =	vst v19  }
0x335: {  	v18 =	vsub.f32 $3.749179090e-05, v18;
	v19 =	vsub.f32 $3.749179090e-05, v20;
	v15 =	vld [tilespmem:s17+$0x8010];
	[tilespmem:s18+$0x12020] =	vst v16  }
0x336: {  	v14 =	vmul.f32 v14, v8;
	v16 =	vmax.f32 v5, $0.0e+00;
	v17 =	vsub.f32 $3.749179090e-05, v17;
	[tilespmem:s18+$0x12030] =	vst v13;
	s18 =	smov.u32 s17  }
0x337: {  	v13 =	vmul.f32 v18, v7;
	v18 =	vmax.f32 v6, $0.0e+00;
	v19 =	vmul.f32 v19, v11;
	v20 =	vld [tilespmem:s18+$0x8020]  }
0x338: {  	v22 =	vmax.f32 v9, $0.0e+00;
	v14 =	vadd.f32 $1.101661820e-03, v14;
	s17 =	sshra.s32 s20, $0x2;
	v17 =	vmul.f32 v17, v21;
	v23 =	vld [tilespmem:s18+$0x8030]  }
0x339: {  	v24 =	vmul.f32 v12, v5;
	v5 =	vld [tilespmem:s17+$0x0];
	v12 =	vadd.f32 $1.101661820e-03, v13;
	v13 =	vadd.f32 $1.101661820e-03, v19  }
0x33a: {  	v14 =	vmul.f32 v14, v8;
	v17 =	vadd.f32 $1.101661820e-03, v17;
	v15 =	vmul.f32 v15, v6;
	v6 =	vld [tilespmem:s17+$0x10]  }
0x33b: {  	v25 =	vmax.f32 v10, $0.0e+00;
	v19 =	vld [tilespmem:s17+$0x20];
	v12 =	vmul.f32 v12, v7;
	v13 =	vmul.f32 v13, v11  }
0x33c: {  	v14 =	vadd.f32 $-2.154708280e-02, v14;
	v26 =	vld [tilespmem:s17+$0x30];
	v20 =	vmul.f32 v20, v9;
	v9 =	vmul.f32 v17, v21  }
0x33d: {  	v12 =	vadd.f32 $-2.154708280e-02, v12;
	v13 =	vadd.f32 $-2.154708280e-02, v13;
	v17 =	vmul.f32 v23, v10  }
0x33e: {  	v32 =	vmul.f32 v14, v8;
	v23 =	vand.u32 $0x7FFFFFFF, v5;
	v31 =	vadd.f32 $-2.154708280e-02, v9  }
0x33f: {  	v14 =	vand.u32 $0x7FFFFFFF, v6;
	v27 =	vmul.f32 v12, v7;
	v13 =	vmul.f32 v13, v11  }
0x340: {  	v29 =	vadd.f32 $1.533370610e-01, v32;
	v28 =	vand.u32 $0x7FFFFFFF, v19;
	v30 =	vmul.f32 v31, v21;
	v9 =	vmovc v19  }
0x341: {  	v12 =	vand.u32 $0x7FFFFFFF, v26;
	v19 =	vadd.f32 $1.533370610e-01, v27;
	v13 =	vadd.f32 $1.533370610e-01, v13;
	v10 =	vmovc v26  }
0x342: {  	v23 =	vmin.f32 v23, $8.000000000e+00;
	v26 =	vmul.f32 v29, v8;
	v27 =	vadd.f32 $1.533370610e-01, v30  }
0x343: {  	v14 =	vmin.f32 v14, $8.000000000e+00;
	v19 =	vmul.f32 v19, v7;
	v13 =	vmul.f32 v13, v11  }
0x344: {  	s19 =	sadd.s32 $0x10, s19;
	v24 =	vsub.f32 v16, v24;
	v26 =	vadd.f32 $-5.132922530e-01, v26;
	v16 =	vmul.f32 v27, v21  }
0x345: {  	v27 =	vmin.f32 v28, $8.000000000e+00;
	v28 =	vld [tilespmem:s19+$0x0];
	v19 =	vadd.f32 $-5.132922530e-01, v19;
	v13 =	vadd.f32 $-5.132922530e-01, v13  }
0x346: {  	v29 =	vsub.f32 v18, v15;
	v26 =	vmul.f32 v26, v8;
	v8 =	vmovc v23;
	v15 =	vadd.f32 $-5.132922530e-01, v16  }
0x347: {  	v16 =	vsub.f32 v22, v20;
	v18 =	vmul.f32 v19, v7;
	v19 =	vmul.f32 v13, v11;
	v7 =	vmovc v14  }
0x348: {  	v20 =	vadd.f32 $6.941558120e-01, v26;
	v13 =	vsub.f32 v25, v17;
	v11 =	vmovc v27;
	v15 =	vmul.f32 v15, v21  }
.Ltmp6:
0x349: {  	v14 =	vmul.f32 $4.235742380e-06, v8;
	v21 =	vadd.f32 $6.941558120e-01, v18;
	v18 =	vadd.f32 $6.941558120e-01, v19;
	(pc) =	sbr.rel @p0 .LBB2_14-.Ltmp6, $4  }
0x34a: {  	v19 =	vperm.xlane v28, v0;
	v22 =	vperm.xlane v28, v2;
	v15 =	vadd.f32 $6.941558120e-01, v15  }
0x34b: {  	v17 =	vadd.f32 v20, v24;
	v23 =	vperm.xlane v28, v3;
	v20 =	vperm.xlane v28, v4  }
0x34c: {  	v24 =	vshrl.u32 v19, v1;
	v19 =	vadd.f32 v21, v29;
	v22 =	vshrl.u32 v22, v1  }
0x34d: {  	s20 =	sadd.s32 $0x100, s20;
	v23 =	vshrl.u32 v23, v1;
	v21 =	vand.u32 $0x1, v24;
	v22 =	vand.u32 $0x1, v22  }
0x34e: {  	v21 =	vcvt.s32.f32 v21;
	v22 =	vcvt.s32.f32 v22  }
0x34f: {  	v23 =	vand.u32 $0x1, v23;
	v16 =	vadd.f32 v18, v16;
	v24 =	vmul.f32 $4.235742380e-06, v11  }
0x350: {  	v12 =	vmin.f32 v12, $8.000000000e+00;
	v14 =	vsub.f32 $3.749179090e-05, v14;
	v20 =	vshrl.u32 v20, v1  }
0x351: {  	v13 =	vadd.f32 v15, v13;
	v18 =	vcvt.s32.f32 v23;
	v23 =	vmul.f32 $4.235742380e-06, v7  }
0x352: {  	v25 =	vmul.f32 $4.235742380e-06, v12;
	v20 =	vand.u32 $0x1, v20;
	v17 =	vmul.f32 v21, v17  }
0x353: {  	v21 =	vsub.f32 $3.749179090e-05, v24;
	v14 =	vmul.f32 v14, v8;
	v19 =	vmul.f32 v22, v19  }
0x354: {  	v20 =	vcvt.s32.f32 v20;
	v23 =	vsub.f32 $3.749179090e-05, v23;
	v22 =	vsub.f32 $3.749179090e-05, v25  }
0x355: {  	v16 =	vmul.f32 v18, v16;
	v21 =	vmul.f32 v21, v11;
	v14 =	vadd.f32 $1.101661820e-03, v14  }
0x356: {  	[tilespmem:s18+$0x12000] =	vst v17;
	v23 =	vmul.f32 v23, v7;
	v15 =	vmul.f32 v22, v12  }
0x357: {  	v13 =	vmul.f32 v20, v13;
	v22 =	vld [tilespmem:s17+$0x8000];
	[tilespmem:s18+$0x12010] =	vst v19;
	v21 =	vadd.f32 $1.101661820e-03, v21;
	v14 =	vmul.f32 v14, v8  }
0x358: {  	v18 =	vld [tilespmem:s17+$0x8010];
	[tilespmem:s18+$0x12020] =	vst v16;
	v17 =	vadd.f32 $1.101661820e-03, v23;
	v15 =	vadd.f32 $1.101661820e-03, v15  }
0x359: {  	[tilespmem:s18+$0x12030] =	vst v13;
	v19 =	vmul.f32 v21, v11;
	v14 =	vadd.f32 $-2.154708280e-02, v14  }
0x35a: {  	v20 =	vld [tilespmem:s17+$0x8020];
	v21 =	vmax.f32 v9, $0.0e+00;
	v17 =	vmul.f32 v17, v7;
	v15 =	vmul.f32 v15, v12  }
0x35b: {  	v23 =	vld [tilespmem:s17+$0x8030];
	v13 =	vadd.f32 $-2.154708280e-02, v19;
	v14 =	vmul.f32 v14, v8;
	v19 =	vmax.f32 v6, $0.0e+00  }
0x35c: {  	v16 =	vadd.f32 $-2.154708280e-02, v17;
	v17 =	vmax.f32 v5, $0.0e+00;
	v5 =	vmul.f32 v22, v5  }
0x35d: {  	v15 =	vadd.f32 $-2.154708280e-02, v15;
	v6 =	vmul.f32 v18, v6;
	v13 =	vmul.f32 v13, v11  }
0x35e: {  	v18 =	vmax.f32 v10, $0.0e+00;
	v14 =	vadd.f32 $1.533370610e-01, v14;
	v16 =	vmul.f32 v16, v7  }
0x35f: {  	s19 =	sadd.s32 $0x10, s19;
	v9 =	vmul.f32 v20, v9;
	v15 =	vmul.f32 v15, v12;
	v13 =	vadd.f32 $1.533370610e-01, v13  }
0x360: {  	v10 =	vmul.f32 v23, v10;
	v20 =	vld [tilespmem:s19+$0x0];
	v14 =	vmul.f32 v14, v8;
	v16 =	vadd.f32 $1.533370610e-01, v16  }
0x361: {  	v5 =	vsub.f32 v17, v5;
	v15 =	vadd.f32 $1.533370610e-01, v15;
	v13 =	vmul.f32 v13, v11  }
0x362: {  	v6 =	vsub.f32 v19, v6;
	v14 =	vadd.f32 $-5.132922530e-01, v14;
	v16 =	vmul.f32 v16, v7  }
0x363: {  	v9 =	vsub.f32 v21, v9;
	v15 =	vmul.f32 v15, v12;
	v13 =	vadd.f32 $-5.132922530e-01, v13  }
0x364: {  	v10 =	vsub.f32 v18, v10;
	v8 =	vmul.f32 v14, v8;
	v16 =	vadd.f32 $-5.132922530e-01, v16  }
0x365: {  	v14 =	vadd.f32 $-5.132922530e-01, v15;
	v15 =	vperm.xlane v20, v4;
	v11 =	vmul.f32 v13, v11  }
0x366: {  	v8 =	vadd.f32 $6.941558120e-01, v8;
	v13 =	vperm.xlane v20, v0;
	v7 =	vmul.f32 v16, v7  }
0x367: {  	v12 =	vmul.f32 v14, v12;
	v14 =	vperm.xlane v20, v2;
	v11 =	vadd.f32 $6.941558120e-01, v11  }
0x368: {  	v5 =	vadd.f32 v8, v5;
	v8 =	vperm.xlane v20, v3;
	v7 =	vadd.f32 $6.941558120e-01, v7  }
0x369: {  	v13 =	vshrl.u32 v13, v1;
	v12 =	vadd.f32 $6.941558120e-01, v12;
	v14 =	vshrl.u32 v14, v1  }
0x36a: {  	v8 =	vshrl.u32 v8, v1;
	v6 =	vadd.f32 v7, v6;
	v7 =	vand.u32 $0x1, v13  }
0x36b: {  	v9 =	vadd.f32 v11, v9;
	v13 =	vand.u32 $0x1, v14;
	v7 =	vcvt.s32.f32 v7  }
0x36c: {  	v11 =	vshrl.u32 v15, v1;
	v8 =	vand.u32 $0x1, v8;
	v13 =	vcvt.s32.f32 v13  }
0x36d: {  	v8 =	vcvt.s32.f32 v8;
	v5 =	vmul.f32 v7, v5;
	v7 =	vand.u32 $0x1, v11  }
0x36e: {  	v10 =	vadd.f32 v12, v10;
	v6 =	vmul.f32 v13, v6;
	v7 =	vcvt.s32.f32 v7  }
0x36f: {  	v8 =	vmul.f32 v8, v9;
	[tilespmem:s17+$0x12000] =	vst v5  }
0x370: {  	[tilespmem:s17+$0x12010] =	vst v6;
	v5 =	vmul.f32 v7, v10  }
0x371: {  	[tilespmem:s17+$0x12020] =	vst v8  }
0x372: {  	s20 =	simm.s32 $0x0;
	[tilespmem:s17+$0x12030] =	vst v5  }
0x373: {  	[hbm4b:s2+s20] =	stream.linear.scatter [tilespmem:s10], [sflag:$0x3], $0x4000, $0x38;
	[tilespmem:$0x1A000] =	vst v63  }
0x374: {  	_ =	swait.ge [sflag:s12], $0x4000  }
0x375: {  	[sflag:s12] =	ssyncset.done $0x0  }
0x376: {  	[sflag:s12] =	ssyncadd.s32 $0xFFFFC000  }
0x377: {  	_ =	swait.ge [sflag:s12], $0x4000  }
0x378: {  	[sflag:s12] =	ssyncset.done $0x0  }
0x379: {  	[sflag:s12] =	ssyncadd.s32 $0xFFFFC000  }
0x37a: {  	_ =	swait.ge [sflag:s12], $0x1000  }
0x37b: {  	[sflag:s12] =	ssyncset.done $0x0  }
0x37c: {  	[sflag:s12] =	ssyncadd.s32 $0xFFFFF000  }
0x37d: {  	_ =	swait.ge [sflag:s15], $0x4000  }
0x37e: {  	[sflag:s15] =	ssyncset.done $0x0  }
0x37f: {  	s18 =	simm.s32 $0x0;
	[sflag:s15] =	ssyncadd.s32 $0xFFFFC000  }
0x380: {  	v6 =	vld [tilespmem:s18+$0x4000]  }
0x381: {  	v7 =	vld [tilespmem:s18+$0x4010]  }
0x382: {  	v8 =	vld [tilespmem:s18+$0x4020]  }
0x383: {  	v11 =	vld [tilespmem:s18+$0x4030];
	_ =	sdelay $0x1  }
0x384: {  	v5 =	vand.u32 $0x7FFFFFFF, v6  }
0x385: {  	v9 =	vand.u32 $0x7FFFFFFF, v7;
	v13 =	vmin.f32 v5, $8.000000000e+00  }
0x386: {  	v10 =	vand.u32 $0x7FFFFFFF, v8;
	v14 =	vmin.f32 v9, $8.000000000e+00;
	v5 =	vmul.f32 $4.235742380e-06, v13  }
0x387: {  	v18 =	vld [tilespmem:s18+$0xC010];
	v12 =	vand.u32 $0x7FFFFFFF, v11;
	v15 =	vmin.f32 v10, $8.000000000e+00;
	v9 =	vmul.f32 $4.235742380e-06, v14  }
0x388: {  	v17 =	vmin.f32 v12, $8.000000000e+00;
	v12 =	vld [tilespmem:s18+$0xC000];
	v10 =	vmul.f32 $4.235742380e-06, v15;
	v5 =	vsub.f32 $3.749179090e-05, v5  }
0x389: {  	v19 =	vmax.f32 v6, $0.0e+00;
	v16 =	vmul.f32 $4.235742380e-06, v17;
	v9 =	vsub.f32 $3.749179090e-05, v9  }
0x38a: {  	v21 =	vld [tilespmem:s18+$0xC020];
	v20 =	vmax.f32 v7, $0.0e+00;
	v10 =	vsub.f32 $3.749179090e-05, v10;
	v5 =	vmul.f32 v5, v13  }
0x38b: {  	s19 =	simm.s32 $0x11000;
	v58 =	vld [tilespmem:s18+$0xC030];
	v23 =	vmax.f32 v8, $0.0e+00;
	v16 =	vsub.f32 $3.749179090e-05, v16;
	v9 =	vmul.f32 v9, v14  }
0x38c: {  	v61 =	vld [tilespmem:s19+$0x0];
	v18 =	vmul.f32 v18, v7;
	v10 =	vmul.f32 v10, v15;
	v22 =	vadd.f32 $1.101661820e-03, v5  }
0x38d: {  	v16 =	vmul.f32 v16, v17;
	v59 =	vmul.f32 v12, v6;
	v12 =	vadd.f32 $1.101661820e-03, v9  }
0x38e: {  	s17 =	simm.s32 $0x40;
	v26 =	vmax.f32 v11, $0.0e+00;
	v10 =	vadd.f32 $1.101661820e-03, v10;
	v22 =	vmul.f32 v22, v13  }
0x38f: {  	v21 =	vmul.f32 v21, v8;
	v5 =	vld [tilespmem:s17+$0x4000];
	v7 =	vadd.f32 $1.101661820e-03, v16;
	v12 =	vmul.f32 v12, v14  }
0x390: {  	v24 =	vmul.f32 v58, v11;
	v6 =	vld [tilespmem:s17+$0x4010];
	v16 =	vmul.f32 v10, v15;
	v22 =	vadd.f32 $-2.154708280e-02, v22  }
0x391: {  	v62 =	vperm.xlane v61, v2;
	v7 =	vmul.f32 v7, v17;
	v8 =	vadd.f32 $-2.154708280e-02, v12  }
0x392: {  	v63 =	vperm.xlane v61, v3;
	v12 =	vadd.f32 $-2.154708280e-02, v16;
	v16 =	vmul.f32 v22, v13  }
0x393: {  	v20 =	vsub.f32 v20, v18;
	v9 =	vld [tilespmem:s17+$0x4020];
	v7 =	vadd.f32 $-2.154708280e-02, v7;
	v8 =	vmul.f32 v8, v14  }
0x394: {  	v11 =	vand.u32 $0x7FFFFFFF, v5;
	v27 =	vmul.f32 v12, v15;
	v16 =	vadd.f32 $1.533370610e-01, v16  }
0x395: {  	v10 =	vld [tilespmem:s17+$0x4030];
	v22 =	vand.u32 $0x7FFFFFFF, v6;
	v7 =	vmul.f32 v7, v17;
	v29 =	vadd.f32 $1.533370610e-01, v8  }
0x396: {  	v27 =	vadd.f32 $1.533370610e-01, v27;
	v8 =	vmin.f32 v11, $8.000000000e+00;
	v11 =	vmul.f32 v16, v13  }
0x397: {  	v16 =	vadd.f32 $1.533370610e-01, v7;
	v7 =	vmin.f32 v22, $8.000000000e+00;
	v22 =	vmul.f32 v29, v14  }
0x398: {  	v19 =	vsub.f32 v19, v59;
	v28 =	vand.u32 $0x7FFFFFFF, v9;
	v27 =	vmul.f32 v27, v15  }
0x399: {  	v60 =	vadd.f32 $-5.132922530e-01, v11;
	v16 =	vmul.f32 v16, v17;
	v22 =	vadd.f32 $-5.132922530e-01, v22  }
0x39a: {  	v12 =	vand.u32 $0x7FFFFFFF, v10;
	v11 =	vmin.f32 v28, $8.000000000e+00;
	v27 =	vadd.f32 $-5.132922530e-01, v27  }
0x39b: {  	v13 =	vmul.f32 v60, v13;
	v18 =	vadd.f32 $-5.132922530e-01, v16;
	v22 =	vmul.f32 v22, v14  }
0x39c: {  	v15 =	vmul.f32 v27, v15;
	v16 =	vsub.f32 v23, v21;
	v14 =	vmul.f32 $4.235742380e-06, v8  }
0x39d: {  	v21 =	vadd.f32 $6.941558120e-01, v13;
	v18 =	vmul.f32 v18, v17;
	v13 =	vsub.f32 v26, v24  }
0x39e: {  	v23 =	vperm.xlane v61, v0;
	v22 =	vadd.f32 $6.941558120e-01, v22;
	v17 =	vadd.f32 $6.941558120e-01, v15  }
0x39f: {  	v15 =	vadd.f32 $6.941558120e-01, v18;
	v19 =	vadd.f32 v21, v19;
	v18 =	vperm.xlane v61, v4  }
0x3a0: {  	v21 =	vshrl.u32 v23, v1;
	v20 =	vadd.f32 v22, v20;
	v22 =	vshrl.u32 v62, v1  }
0x3a1: {  	s20 =	simm.s32 $0x200;
	v23 =	vshrl.u32 v63, v1;
	v21 =	vand.u32 $0x1, v21;
	v22 =	vand.u32 $0x1, v22  }
.LBB2_16:
0x3a2: {  	p0 =	sne.s32 s20, $0xFF00;
	v21 =	vcvt.s32.f32 v21;
	v22 =	vcvt.s32.f32 v22;
	v23 =	vand.u32 $0x1, v23  }
0x3a3: {  	v16 =	vadd.f32 v17, v16;
	v18 =	vshrl.u32 v18, v1;
	v17 =	vcvt.s32.f32 v23  }
0x3a4: {  	v18 =	vand.u32 $0x1, v18;
	v19 =	vmul.f32 v21, v19;
	v20 =	vmul.f32 v22, v20  }
0x3a5: {  	v13 =	vadd.f32 v15, v13;
	v15 =	vcvt.s32.f32 v18;
	v16 =	vmul.f32 v17, v16  }
0x3a6: {  	v18 =	vmul.f32 $4.235742380e-06, v11;
	v21 =	vmin.f32 v12, $8.000000000e+00;
	v17 =	vmul.f32 $4.235742380e-06, v7;
	[tilespmem:s18+$0x16000] =	vst v19  }
0x3a7: {  	v14 =	vsub.f32 $3.749179090e-05, v14;
	v19 =	vmul.f32 $4.235742380e-06, v21;
	v13 =	vmul.f32 v15, v13;
	v12 =	vld [tilespmem:s17+$0xC000];
	[tilespmem:s18+$0x16010] =	vst v20  }
0x3a8: {  	v18 =	vsub.f32 $3.749179090e-05, v18;
	v17 =	vsub.f32 $3.749179090e-05, v17;
	v15 =	vld [tilespmem:s17+$0xC010];
	[tilespmem:s18+$0x16020] =	vst v16  }
0x3a9: {  	v14 =	vmul.f32 v14, v8;
	v16 =	vmax.f32 v5, $0.0e+00;
	v19 =	vsub.f32 $3.749179090e-05, v19;
	[tilespmem:s18+$0x16030] =	vst v13;
	s18 =	smov.u32 s17  }
0x3aa: {  	v18 =	vmul.f32 v18, v11;
	v13 =	vmul.f32 v17, v7;
	v17 =	vmax.f32 v6, $0.0e+00;
	v20 =	vld [tilespmem:s18+$0xC020]  }
0x3ab: {  	v22 =	vmax.f32 v9, $0.0e+00;
	v14 =	vadd.f32 $1.101661820e-03, v14;
	s17 =	sshra.s32 s20, $0x2;
	v19 =	vmul.f32 v19, v21;
	v23 =	vld [tilespmem:s18+$0xC030]  }
0x3ac: {  	v24 =	vmul.f32 v12, v5;
	v5 =	vld [tilespmem:s17+$0x4000];
	v12 =	vadd.f32 $1.101661820e-03, v13;
	v13 =	vadd.f32 $1.101661820e-03, v18  }
0x3ad: {  	v14 =	vmul.f32 v14, v8;
	v18 =	vadd.f32 $1.101661820e-03, v19;
	v15 =	vmul.f32 v15, v6;
	v6 =	vld [tilespmem:s17+$0x4010]  }
0x3ae: {  	v25 =	vmax.f32 v10, $0.0e+00;
	v19 =	vld [tilespmem:s17+$0x4020];
	v12 =	vmul.f32 v12, v7;
	v13 =	vmul.f32 v13, v11  }
0x3af: {  	v14 =	vadd.f32 $-2.154708280e-02, v14;
	v26 =	vld [tilespmem:s17+$0x4030];
	v20 =	vmul.f32 v20, v9;
	v9 =	vmul.f32 v18, v21  }
0x3b0: {  	v12 =	vadd.f32 $-2.154708280e-02, v12;
	v13 =	vadd.f32 $-2.154708280e-02, v13;
	v18 =	vmul.f32 v23, v10  }
0x3b1: {  	v32 =	vmul.f32 v14, v8;
	v23 =	vand.u32 $0x7FFFFFFF, v5;
	v31 =	vadd.f32 $-2.154708280e-02, v9  }
0x3b2: {  	v14 =	vand.u32 $0x7FFFFFFF, v6;
	v27 =	vmul.f32 v12, v7;
	v13 =	vmul.f32 v13, v11  }
0x3b3: {  	v29 =	vadd.f32 $1.533370610e-01, v32;
	v28 =	vand.u32 $0x7FFFFFFF, v19;
	v30 =	vmul.f32 v31, v21;
	v9 =	vmovc v19  }
0x3b4: {  	v12 =	vand.u32 $0x7FFFFFFF, v26;
	v19 =	vadd.f32 $1.533370610e-01, v27;
	v13 =	vadd.f32 $1.533370610e-01, v13;
	v10 =	vmovc v26  }
0x3b5: {  	v23 =	vmin.f32 v23, $8.000000000e+00;
	v26 =	vmul.f32 v29, v8;
	v27 =	vadd.f32 $1.533370610e-01, v30  }
0x3b6: {  	v14 =	vmin.f32 v14, $8.000000000e+00;
	v19 =	vmul.f32 v19, v7;
	v13 =	vmul.f32 v13, v11  }
0x3b7: {  	s19 =	sadd.s32 $0x10, s19;
	v24 =	vsub.f32 v16, v24;
	v26 =	vadd.f32 $-5.132922530e-01, v26;
	v16 =	vmul.f32 v27, v21  }
0x3b8: {  	v27 =	vmin.f32 v28, $8.000000000e+00;
	v28 =	vld [tilespmem:s19+$0x0];
	v19 =	vadd.f32 $-5.132922530e-01, v19;
	v13 =	vadd.f32 $-5.132922530e-01, v13  }
0x3b9: {  	v29 =	vsub.f32 v17, v15;
	v26 =	vmul.f32 v26, v8;
	v8 =	vmovc v23;
	v15 =	vadd.f32 $-5.132922530e-01, v16  }
0x3ba: {  	v16 =	vsub.f32 v22, v20;
	v17 =	vmul.f32 v19, v7;
	v19 =	vmul.f32 v13, v11;
	v7 =	vmovc v14  }
0x3bb: {  	v20 =	vadd.f32 $6.941558120e-01, v26;
	v13 =	vsub.f32 v25, v18;
	v11 =	vmovc v27;
	v15 =	vmul.f32 v15, v21  }
.Ltmp7:
0x3bc: {  	v14 =	vmul.f32 $4.235742380e-06, v8;
	v21 =	vadd.f32 $6.941558120e-01, v17;
	v17 =	vadd.f32 $6.941558120e-01, v19;
	(pc) =	sbr.rel @p0 .LBB2_16-.Ltmp7, $4  }
0x3bd: {  	v22 =	vperm.xlane v28, v0;
	v23 =	vperm.xlane v28, v2;
	v15 =	vadd.f32 $6.941558120e-01, v15  }
0x3be: {  	v19 =	vadd.f32 v20, v24;
	v24 =	vperm.xlane v28, v3;
	v18 =	vperm.xlane v28, v4  }
0x3bf: {  	v20 =	vadd.f32 v21, v29;
	v22 =	vshrl.u32 v22, v1;
	v23 =	vshrl.u32 v23, v1  }
0x3c0: {  	s20 =	sadd.s32 $0x100, s20;
	v21 =	vand.u32 $0x1, v22;
	v22 =	vand.u32 $0x1, v23;
	v23 =	vshrl.u32 v24, v1  }
0x3c1: {  	v21 =	vcvt.s32.f32 v21;
	v22 =	vcvt.s32.f32 v22  }
0x3c2: {  	v23 =	vand.u32 $0x1, v23;
	v16 =	vadd.f32 v17, v16;
	v36 =	vmul.f32 $4.235742380e-06, v7  }
0x3c3: {  	v37 =	vmul.f32 $4.235742380e-06, v11;
	v12 =	vmin.f32 v12, $8.000000000e+00;
	v14 =	vsub.f32 $3.749179090e-05, v14  }
0x3c4: {  	v18 =	vshrl.u32 v18, v1;
	v13 =	vadd.f32 v15, v13;
	v38 =	vmul.f32 $4.235742380e-06, v12  }
0x3c5: {  	v23 =	vcvt.s32.f32 v23;
	v18 =	vand.u32 $0x1, v18;
	v35 =	vmul.f32 v21, v19  }
0x3c6: {  	v20 =	vmul.f32 v22, v20;
	v19 =	vsub.f32 $3.749179090e-05, v36;
	v18 =	vcvt.s32.f32 v18  }
0x3c7: {  	v21 =	vsub.f32 $3.749179090e-05, v37;
	v14 =	vmul.f32 v14, v8;
	v16 =	vmul.f32 v23, v16;
	[tilespmem:s18+$0x16000] =	vst v35  }
0x3c8: {  	v22 =	vsub.f32 $3.749179090e-05, v38;
	v19 =	vmul.f32 v19, v7;
	v13 =	vmul.f32 v18, v13;
	v41 =	vld [tilespmem:s17+$0xC000];
	[tilespmem:s18+$0x16010] =	vst v20  }
0x3c9: {  	v21 =	vmul.f32 v21, v11;
	v14 =	vadd.f32 $1.101661820e-03, v14;
	v42 =	vld [tilespmem:s17+$0xC010];
	[tilespmem:s18+$0x16020] =	vst v16  }
0x3ca: {  	v39 =	vmul.f32 v22, v12;
	v40 =	vadd.f32 $1.101661820e-03, v19;
	[tilespmem:s18+$0x16030] =	vst v13  }
0x3cb: {  	v45 =	vmax.f32 v5, $0.0e+00;
	v21 =	vadd.f32 $1.101661820e-03, v21;
	v14 =	vmul.f32 v14, v8;
	v48 =	vld [tilespmem:s17+$0xC020]  }
0x3cc: {  	v47 =	vmax.f32 v6, $0.0e+00;
	s20 =	sadd.s32 $0x10, s19;
	v15 =	vadd.f32 $1.101661820e-03, v39;
	v50 =	vld [tilespmem:s17+$0xC030];
	v17 =	vmul.f32 v40, v7  }
0x3cd: {  	v49 =	vmax.f32 v9, $0.0e+00;
	v54 =	vld [tilespmem:s20+$0x0];
	v43 =	vmul.f32 v21, v11;
	v14 =	vadd.f32 $-2.154708280e-02, v14  }
0x3ce: {  	v51 =	vmax.f32 v10, $0.0e+00;
	v15 =	vmul.f32 v15, v12;
	v44 =	vadd.f32 $-2.154708280e-02, v17  }
0x3cf: {  	v46 =	vadd.f32 $-2.154708280e-02, v43;
	v14 =	vmul.f32 v14, v8;
	v5 =	vmul.f32 v41, v5  }
0x3d0: {  	v15 =	vadd.f32 $-2.154708280e-02, v15;
	v6 =	vmul.f32 v42, v6;
	v16 =	vmul.f32 v44, v7  }
0x3d1: {  	v13 =	vmul.f32 v46, v11;
	v14 =	vadd.f32 $1.533370610e-01, v14;
	v52 =	vmul.f32 v48, v9  }
0x3d2: {  	v53 =	vmul.f32 v50, v10;
	v5 =	vsub.f32 v45, v5;
	v58 =	vperm.xlane v54, v0  }
0x3d3: {  	v59 =	vperm.xlane v54, v2;
	v60 =	vperm.xlane v54, v3;
	v16 =	vadd.f32 $1.533370610e-01, v16  }
0x3d4: {  	v15 =	vmul.f32 v15, v12;
	v13 =	vadd.f32 $1.533370610e-01, v13;
	v14 =	vmul.f32 v14, v8  }
0x3d5: {  	v6 =	vsub.f32 v47, v6;
	v9 =	vsub.f32 v49, v52;
	v16 =	vmul.f32 v16, v7  }
0x3d6: {  	v15 =	vadd.f32 $1.533370610e-01, v15;
	v13 =	vmul.f32 v13, v11;
	v14 =	vadd.f32 $-5.132922530e-01, v14  }
0x3d7: {  	v61 =	vperm.xlane v54, v4;
	v10 =	vsub.f32 v51, v53;
	v16 =	vadd.f32 $-5.132922530e-01, v16  }
0x3d8: {  	v15 =	vmul.f32 v15, v12;
	v13 =	vadd.f32 $-5.132922530e-01, v13;
	v55 =	vmul.f32 v14, v8  }
0x3d9: {  	v63 =	vshrl.u32 v61, v1;
	v14 =	vshrl.u32 v59, v1;
	v7 =	vmul.f32 v16, v7  }
0x3da: {  	v56 =	vadd.f32 $-5.132922530e-01, v15;
	v57 =	vmul.f32 v13, v11;
	v8 =	vadd.f32 $6.941558120e-01, v55  }
0x3db: {  	v62 =	vand.u32 $0x1, v14;
	v13 =	vshrl.u32 v58, v1;
	v7 =	vadd.f32 $6.941558120e-01, v7  }
0x3dc: {  	v12 =	vmul.f32 v56, v12;
	v11 =	vadd.f32 $6.941558120e-01, v57;
	v5 =	vadd.f32 v8, v5  }
0x3dd: {  	v8 =	vshrl.u32 v60, v1;
	v6 =	vadd.f32 v7, v6;
	v7 =	vand.u32 $0x1, v13  }
0x3de: {  	v8 =	vand.u32 $0x1, v8;
	v13 =	vcvt.s32.f32 v62;
	v7 =	vcvt.s32.f32 v7  }
0x3df: {  	v12 =	vadd.f32 $6.941558120e-01, v12;
	v9 =	vadd.f32 v11, v9;
	v8 =	vcvt.s32.f32 v8  }
0x3e0: {  	v6 =	vmul.f32 v13, v6;
	v5 =	vmul.f32 v7, v5;
	v7 =	vand.u32 $0x1, v63  }
0x3e1: {  	v10 =	vadd.f32 v12, v10;
	v7 =	vcvt.s32.f32 v7  }
0x3e2: {  	v8 =	vmul.f32 v8, v9;
	[tilespmem:s17+$0x16010] =	vst v6  }
0x3e3: {  	[tilespmem:s17+$0x16000] =	vst v5;
	v5 =	vmul.f32 v7, v10  }
0x3e4: {  	[tilespmem:s17+$0x16020] =	vst v8  }
0x3e5: {  	s16 =	sadd.s32 $0x1, s16;
	[tilespmem:s17+$0x16030] =	vst v5  }
0x3e6: {  	[hbm4b:s3+s1] =	stream.linear.scatter [tilespmem:s13], [sflag:$0x4], $0x4000, $0x38;
	[tilespmem:$0x1A000] =	vst v63  }
0x3e7: {  	p0 =	sne.s32 s16, s4;
	_ =	swait.ge [sflag:s14], $0x4000  }
.Ltmp8:
0x3e8: {  	[sflag:s14] =	ssyncset.done $0x0;
	(pc) =	sbr.rel @p0 .LBB2_1-.Ltmp8, $4  }
0x3e9: {  	[sflag:s14] =	ssyncadd.s32 $0xFFFFC000  }
0x3ea: {  	_ =	swait.ge [sflag:s15], $0x4000  }
0x3eb: {  	[sflag:s15] =	ssyncset.done $0x0  }
0x3ec: {  	[sflag:s15] =	ssyncadd.s32 $0xFFFFC000  }
0x3ed: {  	_ =	sfence.sel $0x180000  }
0x3ee: {  	[bflag:$0x0] =	sbarrier.arrive $0xFFFF  }
0x3ef: {  	_ =	strace $0x90000047  }
0x3f0: {  	s0 =	stileid.u32;
	[bflag:$0x2] =	sbarrier.arrive $0xFFFF  }
0x3f1: {  	p0 =	sne.s32 s0, $0x0;
	s0 =	rddreg [dreg:$0x4]  }
0x3f2: {  	s0 =	sadd.s32 @!p0 $0x100000, s0  }
0x3f3: {  	[sflag:s0] =	ssyncadd.tile.s32 @!p0 $0x1;
	_ =	shalt  }
.Lfunc_end2:
_tile_overlayer_lowered:
.L_overlay_start_2:
0x3f4: {  	(tag) =	ssettag $0x2  }
0x3f5: {  	s0 =	rddreg [dreg:$0x0];
	s2 =	stileid.u32  }
0x3f6: {  	s1 =	rddreg [dreg:$0x1];
	p0 =	sne.s32 s2, $0x0  }
0x3f7: {  	s3 =	rddreg [dreg:$0x2];
	[bflag:$0x3] =	sbarrier.arrive $0xFFFF;
	s2 =	simm.s32 @!p0 $0x1C05  }
0x3f8: {  	[timem:s3], [sflag:s2] =	dma.local @!p0 [hbm:s0], s1  }
0x3f9: {  	s0 =	simm.s32 @!p0 $0x5  }
0x3fa: {  	_ =	swait.ge @!p0 [sflag:s0], s1  }
0x3fb: {  	s1 =	ssub.s32 @!p0 $0x0, s1;
	[sflag:s0] =	ssyncset.done @!p0 $0x0  }
0x3fc: {  	[sflag:s0] =	ssyncadd.s32 @!p0 s1  }
0x3fd: {  	[bflag:$0x3] =	sbarrier.arrive $0xFFFF  }
0x3fe: {  	_ =	shalt  }

</sc_bundles>
